<compile_context>
chip_gen: v7x
topology: tpu7x:2x2x1
jax: 0.10.2.dev20260603
libtpu: 0.0.44.dev20260713+nightly
codegen_flags: <defaults>
</compile_context>

<pallas_src>
import functools

import jax
import jax.numpy as jnp
from jax import lax
from jax.experimental import pallas as pl
from jax.experimental.pallas import tpu as pltpu
from jax.experimental.pallas import tpu_sc as plsc

_NC = 2
_NS = 16
_H = 64
_NBUF = 4
_C = 112


def _sc_aggregate_body(e_rows, half, zrows, spt,
                       src2d, dst2d, table, zeros, lin2d, out,
                       idx_src, dst_raw, adj, rows, acc, lin,
                       sem_i, sem_g, sem_s):
    c = lax.axis_index("c")
    sid = lax.axis_index("s")
    base = c * half

    pltpu.sync_copy(zeros, acc.at[pl.ds(sid * zrows, zrows)])
    pltpu.sync_copy(lin2d, lin)
    plsc.subcore_barrier()

    r0 = sid * spt

    def istart(k, bk):
        row = jnp.minimum(r0 + k, e_rows - 1)
        pltpu.async_copy(src2d.at[pl.ds(row, 1)], idx_src.at[pl.ds(bk, 1)], sem_i)
        pltpu.async_copy(dst2d.at[pl.ds(row, 1)], dst_raw.at[pl.ds(bk, 1)], sem_i)

    def iwait(bk):
        pltpu.make_async_copy(src2d.at[pl.ds(0, 1)], idx_src.at[pl.ds(bk, 1)], sem_i).wait()
        pltpu.make_async_copy(dst2d.at[pl.ds(0, 1)], dst_raw.at[pl.ds(bk, 1)], sem_i).wait()

    def adj_compute(bk):
        for gi in range(_C // 16):
            d = dst_raw[bk, pl.ds(gi * 16, 16)]
            loc = d - base
            ok = (loc >= 0) & (loc < half)
            adj[bk, pl.ds(gi * 16, 16)] = jnp.where(ok, loc, half + (d & 15))
            s = idx_src[bk, pl.ds(gi * 16, 16)]
            hot = lin[0, pl.ds(gi * 16, 16)] + sid * 128
            idx_src[bk, pl.ds(gi * 16, 16)] = jnp.where(ok, s, hot)

    def gstart(bk):
        pltpu.async_copy(table.at[idx_src.at[bk]], rows.at[bk], sem_g)

    def gwait(bk):
        pltpu.make_async_copy(table.at[pl.ds(0, _C)], rows.at[bk], sem_g).wait()

    def sstart(bk):
        pltpu.async_copy(rows.at[bk], acc.at[adj.at[bk]], sem_s, add=True)

    def swait():
        pltpu.make_async_copy(table.at[pl.ds(0, _C)], acc.at[pl.ds(0, _C)], sem_s).wait()

    istart(0, 0)
    iwait(0)
    adj_compute(0)
    gstart(0)
    istart(1, 1)

    def outer(g, carry):
        for b in range(_NBUF):
            s = g * _NBUF + b
            b1 = (b + 1) % _NBUF
            b2 = (b + 2) % _NBUF
            bp = (b - 1) % _NBUF
            if b == _NBUF - 1:
                swait()
            else:
                @pl.when(g >= 1)
                def _():
                    swait()
            iwait(b1)
            adj_compute(b1)
            gstart(b1)
            istart(s + 2, b2)
            if b == 0:
                @pl.when(g >= 1)
                def _():
                    gwait(bp)
                    sstart(bp)
            else:
                gwait(bp)
                sstart(bp)
        return carry

    lax.fori_loop(0, spt // _NBUF, outer, 0)

    gwait((spt - 1) % _NBUF)
    sstart((spt - 1) % _NBUF)
    gwait(spt % _NBUF)
    swait()
    swait()
    swait()
    iwait((spt + 1) % _NBUF)
    plsc.subcore_barrier()

    big = (half + _NS - 1) // _NS
    big = ((big + 7) // 8) * 8
    last = half - (_NS - 1) * big

    @pl.when(sid < _NS - 1)
    def _():
        pltpu.sync_copy(acc.at[pl.ds(sid * big, big)],
                        out.at[pl.ds(base + sid * big, big)])

    @pl.when(sid == _NS - 1)
    def _():
        pltpu.sync_copy(acc.at[pl.ds((_NS - 1) * big, last)],
                        out.at[pl.ds(base + (_NS - 1) * big, last)])


def _sc_aggregate(dst_idx, src_idx, table, num_dst):
    e = dst_idx.shape[0]
    assert num_dst % _NC == 0
    half = num_dst // _NC
    acc_rows = half + 24
    assert acc_rows % _NS == 0
    zrows = acc_rows // _NS

    grain = _NS * _C * _NBUF
    e_pad = ((e + grain - 1) // grain) * grain
    pad = e_pad - e
    if pad:
        src_idx = jnp.concatenate([src_idx, jnp.zeros((pad,), jnp.int32)])
        dst_idx = jnp.concatenate(
            [dst_idx, jnp.full((pad,), num_dst, jnp.int32)])
    src2d = src_idx.reshape(-1, _C)
    dst2d = dst_idx.reshape(-1, _C)
    e_rows = e_pad // _C
    spt = e_rows // _NS
    zeros = jnp.zeros((zrows, _H), jnp.float32)
    lin2d = jnp.arange(128, dtype=jnp.int32).reshape(1, 128)

    mesh = plsc.VectorSubcoreMesh(core_axis_name="c", subcore_axis_name="s",
                                  num_cores=_NC, num_subcores=_NS)
    body = functools.partial(_sc_aggregate_body, e_rows, half, zrows, spt)
    fn = pl.kernel(
        body,
        out_type=jax.ShapeDtypeStruct((num_dst, _H), jnp.float32),
        mesh=mesh,
        scratch_types=[
            pltpu.VMEM((_NBUF, _C), jnp.int32),
            pltpu.VMEM((_NBUF, _C), jnp.int32),
            pltpu.VMEM((_NBUF, _C), jnp.int32),
            pltpu.VMEM((_NBUF, _C, _H), jnp.float32),
            pltpu.VMEM_SHARED((acc_rows, _H), jnp.float32),
            pltpu.VMEM((1, 128), jnp.int32),
            pltpu.SemaphoreType.DMA,
            pltpu.SemaphoreType.DMA,
            pltpu.SemaphoreType.DMA,
        ],
        compiler_params=pltpu.CompilerParams(use_tc_tiling_on_sc=False),
    )
    return fn(src2d, dst2d, table, zeros, lin2d)


_BLK = 5000


def _update_block(h_ref, aggr_ref, w1t_ref, b1_ref, w2at_ref, w2bt_ref, b2_ref, out_ref):
    aggr = aggr_ref[...]
    msg = jnp.maximum(
        jnp.dot(aggr, w1t_ref[...], preferred_element_type=jnp.float32) + b1_ref[...],
        0.0,
    )
    out = (
        jnp.dot(h_ref[...], w2at_ref[...], preferred_element_type=jnp.float32)
        + jnp.dot(msg, w2bt_ref[...], preferred_element_type=jnp.float32)
        + b2_ref[...]
    )
    n = jnp.sqrt(jnp.sum(out * out, axis=1, keepdims=True))
    out_ref[...] = out / jnp.maximum(n, 1e-12)


def _dense_update(h, aggr, W1, b1, W2, b2):
    n, hdim = h.shape
    assert n % _BLK == 0
    grid = (n // _BLK,)
    w1t = W1.T
    w2at = W2[:, :hdim].T
    w2bt = W2[:, hdim:].T
    b1r = b1.reshape(1, hdim)
    b2r = b2.reshape(1, hdim)
    row_spec = pl.BlockSpec((_BLK, hdim), lambda i: (i, 0))
    full_spec = pl.BlockSpec((hdim, hdim), lambda i: (0, 0))
    bias_spec = pl.BlockSpec((1, hdim), lambda i: (0, 0))
    return pl.pallas_call(
        _update_block,
        grid=grid,
        in_specs=[row_spec, row_spec, full_spec, bias_spec, full_spec, full_spec, bias_spec],
        out_specs=row_spec,
        out_shape=jax.ShapeDtypeStruct((n, hdim), jnp.float32),
    )(h, aggr, w1t, b1r, w2at, w2bt, b2r)


def kernel(user_song_adj, song_artist_adj, user_emb, song_emb, artist_emb,
           W_as, b_as, W_s, b_s, W_su, b_su, W_u, b_u):
    num_users = user_emb.shape[0]
    num_songs = song_emb.shape[0]
    aggr_artist = _sc_aggregate(song_artist_adj[0], song_artist_adj[1],
                                artist_emb, num_songs)
    h_s_new = _dense_update(song_emb, aggr_artist, W_as, b_as, W_s, b_s)
    aggr_song = _sc_aggregate(user_song_adj[0], user_song_adj[1],
                              h_s_new, num_users)
    h_u_new = _dense_update(user_emb, aggr_song, W_su, b_su, W_u, b_u)
    return (h_u_new, h_s_new)

# --- scband reference (transcript-rebuilt; emitter-appended) ---
"""Pipeline reference for scband-hetero-gnn-9259949490552 (READ-ONLY COPY).

The authoritative reference and input builder live on the scoring server;
editing this copy changes nothing except your own understanding.
"""

import jax, jax.numpy as jnp
import numpy as np

NUM_USERS = 50000
NUM_SONGS = 50000
NUM_ARTISTS = 10000
H = 64
E_US = 800000
E_SA = 800000


def setup_inputs(seed: int = 0) -> dict:
    key = jax.random.key(seed)
    k = jax.random.split(key, 13)
    user_song_adj = jnp.stack([
        jax.random.randint(k[0], (E_US,), 0, NUM_USERS),
        jax.random.randint(k[1], (E_US,), 0, NUM_SONGS),
    ]).astype(jnp.int32)
    song_artist_adj = jnp.stack([
        jax.random.randint(k[2], (E_SA,), 0, NUM_SONGS),
        jax.random.randint(k[3], (E_SA,), 0, NUM_ARTISTS),
    ]).astype(jnp.int32)
    return {
        "user_song_adj": user_song_adj,
        "song_artist_adj": song_artist_adj,
        "user_emb": jax.random.normal(k[4], (NUM_USERS, H), dtype=jnp.float32) * 0.05,
        "song_emb": jax.random.normal(k[5], (NUM_SONGS, H), dtype=jnp.float32) * 0.05,
        "artist_emb": jax.random.normal(k[6], (NUM_ARTISTS, H), dtype=jnp.float32) * 0.05,
        "W_as": jax.random.normal(k[7], (H, H), dtype=jnp.float32) * 0.1,
        "b_as": jnp.zeros((H,), dtype=jnp.float32),
        "W_s": jax.random.normal(k[8], (H, 2 * H), dtype=jnp.float32) * 0.1,
        "b_s": jnp.zeros((H,), dtype=jnp.float32),
        "W_su": jax.random.normal(k[9], (H, H), dtype=jnp.float32) * 0.1,
        "b_su": jnp.zeros((H,), dtype=jnp.float32),
        "W_u": jax.random.normal(k[10], (H, 2 * H), dtype=jnp.float32) * 0.1,
        "b_u": jnp.zeros((H,), dtype=jnp.float32),
    }


def _l2norm(x):
    n = jnp.linalg.norm(x, axis=1, keepdims=True)
    return x / jnp.clip(n, 1e-12, None)


def reference(user_song_adj, song_artist_adj, user_emb, song_emb, artist_emb,
              W_as, b_as, W_s, b_s, W_su, b_su, W_u, b_u):
    h_u = user_emb
    h_s = song_emb
    h_a = artist_emb
    # song <- artist aggregation (scatter-add over edges)
    song_idx = song_artist_adj[0]
    artist_idx = song_artist_adj[1]
    edge_artist_feats = jnp.take(h_a, artist_idx, axis=0)
    aggr_artist = jnp.zeros_like(h_s).at[song_idx].add(edge_artist_feats)
    msg_artist = jax.nn.relu(aggr_artist @ W_as.T + b_as)
    h_s_new = jnp.concatenate([h_s, msg_artist], axis=1) @ W_s.T + b_s
    h_s_new = _l2norm(h_s_new)
    # user <- song aggregation
    user_idx = user_song_adj[0]
    song_idx_us = user_song_adj[1]
    edge_song_feats = jnp.take(h_s_new, song_idx_us, axis=0)
    aggr_song = jnp.zeros_like(h_u).at[user_idx].add(edge_song_feats)
    msg_song = jax.nn.relu(aggr_song @ W_su.T + b_su)
    h_u_new = jnp.concatenate([h_u, msg_song], axis=1) @ W_u.T + b_u
    h_u_new = _l2norm(h_u_new)
    return (h_u_new, h_s_new)

if __name__ == "__main__":
    import jax
    _d = setup_inputs()
    print(jax.jit(kernel)(*tuple(_d.values())))

</pallas_src>

<mosaic_0001>
#map = affine_map<(d0, d1) -> (0, 0)>
module attributes {stable_mosaic.version = 14 : i64} {
  func.func @_sc_aggregate_body(%arg0: i32, %arg1: i32, %arg2: memref<7168x112xi32, #tpu.memory_space<hbm>>, %arg3: memref<7168x112xi32, #tpu.memory_space<hbm>>, %arg4: memref<50000x64xf32, #tpu.memory_space<hbm>>, %arg5: memref<1564x64xf32, #tpu.memory_space<hbm>>, %arg6: memref<1x128xi32, #tpu.memory_space<hbm>>, %arg7: memref<50000x64xf32, #tpu.memory_space<hbm>>, %arg8: memref<4x112xi32, #tpu.memory_space<vmem>>, %arg9: memref<4x112xi32, #tpu.memory_space<vmem>>, %arg10: memref<4x112xi32, #tpu.memory_space<vmem>>, %arg11: memref<4x112x64xf32, #tpu.memory_space<vmem>>, %arg12: memref<25024x64xf32, #tpu.memory_space<vmem_shared>>, %arg13: memref<1x128xi32, #tpu.memory_space<vmem>>, %arg14: memref<!tpu.dma_semaphore, #tpu.memory_space<semaphore_mem>>, %arg15: memref<!tpu.dma_semaphore, #tpu.memory_space<semaphore_mem>>, %arg16: memref<!tpu.dma_semaphore, #tpu.memory_space<semaphore_mem>>) attributes {dimension_semantics = [#tpu.dimension_semantics<core_parallel>, #tpu.dimension_semantics<subcore_parallel>], iteration_bounds = array<i64: 2, 16>, scalar_prefetch = 0 : i64, scratch_operands = 9 : i64, tpu.core_type = #tpu.core_type<sc_vector_subcore>, window_params = [{transform_indices = #map}, {transform_indices = #map}, {transform_indices = #map}, {transform_indices = #map}, {transform_indices = #map}, {transform_indices = #map}]} {
    %mul3A = arith.constant 25000 : i32
    %mul3A_0 = arith.muli %arg0, %mul3A : i32
    %mul3A_1 = arith.constant 1564 : i32
    %mul3A_2 = arith.muli %arg1, %mul3A_1 : i32
    "tpu.region"() ({
      %run_scoped3A = tpu.sem_alloc : memref<!tpu.dma_semaphore, #tpu.memory_space<semaphore_mem>>
      %dma_start3A_511 = arith.constant 0 : i32
      %dma_start3A_512 = tpu.memref_slice %arg12[%mul3A_2, %dma_start3A_511] : memref<25024x64xf32, #tpu.memory_space<vmem_shared>> -> memref<1564x64xf32, #tpu.memory_space<vmem_shared>>
      tpu.enqueue_dma source(%arg5 : memref<1564x64xf32, #tpu.memory_space<hbm>>) target(%dma_start3A_512 : memref<1564x64xf32, #tpu.memory_space<vmem_shared>>) target_semaphore(%run_scoped3A : memref<!tpu.dma_semaphore, #tpu.memory_space<semaphore_mem>>)
      %dma_wait3A_513 = arith.constant 0 : i32
      %dma_wait3A_514 = tpu.memref_slice %arg12[%mul3A_2, %dma_wait3A_513] : memref<25024x64xf32, #tpu.memory_space<vmem_shared>> -> memref<1564x64xf32, #tpu.memory_space<vmem_shared>>
      tpu.wait_dma2 semaphore(%run_scoped3A : memref<!tpu.dma_semaphore, #tpu.memory_space<semaphore_mem>>) src(%arg5 : memref<1564x64xf32, #tpu.memory_space<hbm>>) dst(%dma_wait3A_514 : memref<1564x64xf32, #tpu.memory_space<vmem_shared>>)
      tpu.yield
    }) : () -> ()
    "tpu.region"() ({
      %run_scoped3A = tpu.sem_alloc : memref<!tpu.dma_semaphore, #tpu.memory_space<semaphore_mem>>
      tpu.enqueue_dma source(%arg6 : memref<1x128xi32, #tpu.memory_space<hbm>>) target(%arg13 : memref<1x128xi32, #tpu.memory_space<vmem>>) target_semaphore(%run_scoped3A : memref<!tpu.dma_semaphore, #tpu.memory_space<semaphore_mem>>)
      tpu.wait_dma2 semaphore(%run_scoped3A : memref<!tpu.dma_semaphore, #tpu.memory_space<semaphore_mem>>) src(%arg6 : memref<1x128xi32, #tpu.memory_space<hbm>>) dst(%arg13 : memref<1x128xi32, #tpu.memory_space<vmem>>)
      tpu.yield
    }) : () -> ()
    %barrier3A = arith.constant 0 : index
    tpu.barrier barrier_id(%barrier3A)
    %mul3A_3 = arith.constant 448 : i32
    %mul3A_4 = arith.muli %arg1, %mul3A_3 : i32
    %add3A = arith.constant 0 : i32
    %add3A_5 = arith.addi %mul3A_4, %add3A : i32
    %min3A = arith.constant 7167 : i32
    %min3A_6 = arith.minsi %add3A_5, %min3A : i32
    %dma_start3A = arith.constant 0 : i32
    %dma_start3A_7 = arith.constant 0 : i32
    %dma_start3A_8 = tpu.memref_slice %arg8[%dma_start3A, %dma_start3A_7] : memref<4x112xi32, #tpu.memory_space<vmem>> -> memref<1x112xi32, #tpu.memory_space<vmem>>
    %dma_start3A_9 = arith.constant 0 : i32
    %dma_start3A_10 = tpu.memref_slice %arg2[%min3A_6, %dma_start3A_9] : memref<7168x112xi32, #tpu.memory_space<hbm>> -> memref<1x112xi32, #tpu.memory_space<hbm>>
    %dma_start3A_11 = arith.constant 0 : i32
    %dma_start3A_12 = arith.constant 0 : i32
    %dma_start3A_13 = tpu.memref_slice %arg8[%dma_start3A_11, %dma_start3A_12] : memref<4x112xi32, #tpu.memory_space<vmem>> -> memref<1x112xi32, #tpu.memory_space<vmem>>
    %dma_start3A_14 = arith.constant 0 : i32
    %dma_start3A_15 = tpu.memref_slice %arg2[%min3A_6, %dma_start3A_14] : memref<7168x112xi32, #tpu.memory_space<hbm>> -> memref<1x112xi32, #tpu.memory_space<hbm>>
    tpu.enqueue_dma source(%dma_start3A_15 : memref<1x112xi32, #tpu.memory_space<hbm>>) target(%dma_start3A_13 : memref<1x112xi32, #tpu.memory_space<vmem>>) target_semaphore(%arg14 : memref<!tpu.dma_semaphore, #tpu.memory_space<semaphore_mem>>)
    %dma_start3A_16 = arith.constant 0 : i32
    %dma_start3A_17 = arith.constant 0 : i32
    %dma_start3A_18 = tpu.memref_slice %arg9[%dma_start3A_16, %dma_start3A_17] : memref<4x112xi32, #tpu.memory_space<vmem>> -> memref<1x112xi32, #tpu.memory_space<vmem>>
    %dma_start3A_19 = arith.constant 0 : i32
    %dma_start3A_20 = tpu.memref_slice %arg3[%min3A_6, %dma_start3A_19] : memref<7168x112xi32, #tpu.memory_space<hbm>> -> memref<1x112xi32, #tpu.memory_space<hbm>>
    %dma_start3A_21 = arith.constant 0 : i32
    %dma_start3A_22 = arith.constant 0 : i32
    %dma_start3A_23 = tpu.memref_slice %arg9[%dma_start3A_21, %dma_start3A_22] : memref<4x112xi32, #tpu.memory_space<vmem>> -> memref<1x112xi32, #tpu.memory_space<vmem>>
    %dma_start3A_24 = arith.constant 0 : i32
    %dma_start3A_25 = tpu.memref_slice %arg3[%min3A_6, %dma_start3A_24] : memref<7168x112xi32, #tpu.memory_space<hbm>> -> memref<1x112xi32, #tpu.memory_space<hbm>>
    tpu.enqueue_dma source(%dma_start3A_25 : memref<1x112xi32, #tpu.memory_space<hbm>>) target(%dma_start3A_23 : memref<1x112xi32, #tpu.memory_space<vmem>>) target_semaphore(%arg14 : memref<!tpu.dma_semaphore, #tpu.memory_space<semaphore_mem>>)
    %dma_wait3A = arith.constant 0 : i32
    %dma_wait3A_26 = arith.constant 0 : i32
    %dma_wait3A_27 = tpu.memref_slice %arg8[%dma_wait3A, %dma_wait3A_26] : memref<4x112xi32, #tpu.memory_space<vmem>> -> memref<1x112xi32, #tpu.memory_space<vmem>>
    %dma_wait3A_28 = arith.constant 0 : i32
    %dma_wait3A_29 = arith.constant 0 : i32
    %dma_wait3A_30 = tpu.memref_slice %arg2[%dma_wait3A_28, %dma_wait3A_29] : memref<7168x112xi32, #tpu.memory_space<hbm>> -> memref<1x112xi32, #tpu.memory_space<hbm>>
    %dma_wait3A_31 = arith.constant 0 : i32
    %dma_wait3A_32 = arith.constant 0 : i32
    %dma_wait3A_33 = tpu.memref_slice %arg8[%dma_wait3A_31, %dma_wait3A_32] : memref<4x112xi32, #tpu.memory_space<vmem>> -> memref<1x112xi32, #tpu.memory_space<vmem>>
    %dma_wait3A_34 = arith.constant 0 : i32
    %dma_wait3A_35 = arith.constant 0 : i32
    %dma_wait3A_36 = tpu.memref_slice %arg2[%dma_wait3A_34, %dma_wait3A_35] : memref<7168x112xi32, #tpu.memory_space<hbm>> -> memref<1x112xi32, #tpu.memory_space<hbm>>
    tpu.wait_dma2 semaphore(%arg14 : memref<!tpu.dma_semaphore, #tpu.memory_space<semaphore_mem>>) src(%dma_wait3A_36 : memref<1x112xi32, #tpu.memory_space<hbm>>) dst(%dma_wait3A_33 : memref<1x112xi32, #tpu.memory_space<vmem>>)
    %dma_wait3A_37 = arith.constant 0 : i32
    %dma_wait3A_38 = arith.constant 0 : i32
    %dma_wait3A_39 = tpu.memref_slice %arg9[%dma_wait3A_37, %dma_wait3A_38] : memref<4x112xi32, #tpu.memory_space<vmem>> -> memref<1x112xi32, #tpu.memory_space<vmem>>
    %dma_wait3A_40 = arith.constant 0 : i32
    %dma_wait3A_41 = arith.constant 0 : i32
    %dma_wait3A_42 = tpu.memref_slice %arg3[%dma_wait3A_40, %dma_wait3A_41] : memref<7168x112xi32, #tpu.memory_space<hbm>> -> memref<1x112xi32, #tpu.memory_space<hbm>>
    %dma_wait3A_43 = arith.constant 0 : i32
    %dma_wait3A_44 = arith.constant 0 : i32
    %dma_wait3A_45 = tpu.memref_slice %arg9[%dma_wait3A_43, %dma_wait3A_44] : memref<4x112xi32, #tpu.memory_space<vmem>> -> memref<1x112xi32, #tpu.memory_space<vmem>>
    %dma_wait3A_46 = arith.constant 0 : i32
    %dma_wait3A_47 = arith.constant 0 : i32
    %dma_wait3A_48 = tpu.memref_slice %arg3[%dma_wait3A_46, %dma_wait3A_47] : memref<7168x112xi32, #tpu.memory_space<hbm>> -> memref<1x112xi32, #tpu.memory_space<hbm>>
    tpu.wait_dma2 semaphore(%arg14 : memref<!tpu.dma_semaphore, #tpu.memory_space<semaphore_mem>>) src(%dma_wait3A_48 : memref<1x112xi32, #tpu.memory_space<hbm>>) dst(%dma_wait3A_45 : memref<1x112xi32, #tpu.memory_space<vmem>>)
    %get3A = arith.constant 0 : i32
    %get3A_49 = arith.index_cast %get3A : i32 to index
    %get3A_50 = arith.constant 0 : index
    %get3A_51 = tpu.vector_load %arg9[%get3A_49, %get3A_50] {strides = array<i32>} : memref<4x112xi32, #tpu.memory_space<vmem>>, vector<1x16xi32>,
    %get3A_52 = vector.shape_cast %get3A_51 : vector<1x16xi32> to vector<16xi32>
    %sub3A = vector.broadcast %mul3A_0 : i32 to vector<16xi32>
    %sub3A_53 = arith.subi %get3A_52, %sub3A : vector<16xi32>
    %ge3A = arith.constant 0 : i32
    %ge3A_54 = vector.broadcast %ge3A : i32 to vector<16xi32>
    %ge3A_55 = arith.cmpi sge, %sub3A_53, %ge3A_54 : vector<16xi32>
    %lt3A = arith.constant 25000 : i32
    %lt3A_56 = vector.broadcast %lt3A : i32 to vector<16xi32>
    %lt3A_57 = arith.cmpi slt, %sub3A_53, %lt3A_56 : vector<16xi32>
    %and3A = arith.andi %ge3A_55, %lt3A_57 : vector<16xi1>
    %and3A_58 = arith.constant 15 : i32
    %and3A_59 = vector.broadcast %and3A_58 : i32 to vector<16xi32>
    %and3A_60 = arith.andi %get3A_52, %and3A_59 : vector<16xi32>
    %add3A_61 = arith.constant 25000 : i32
    %add3A_62 = vector.broadcast %add3A_61 : i32 to vector<16xi32>
    %add3A_63 = arith.addi %add3A_62, %and3A_60 : vector<16xi32>
    %select_n3A = arith.select %and3A, %sub3A_53, %add3A_63 : vector<16xi1>, vector<16xi32>
    %swap3A = arith.constant 0 : i32
    %swap3A_64 = arith.index_cast %swap3A : i32 to index
    %swap3A_65 = arith.constant 0 : index
    %swap3A_66 = tpu.vector_load %arg10[%swap3A_64, %swap3A_65] {strides = array<i32>} : memref<4x112xi32, #tpu.memory_space<vmem>>, vector<1x16xi32>,
    %swap3A_67 = vector.shape_cast %swap3A_66 : vector<1x16xi32> to vector<16xi32>
    %swap3A_68 = vector.shape_cast %select_n3A : vector<16xi32> to vector<1x16xi32>
    tpu.vector_store %arg10[%swap3A_64, %swap3A_65], %swap3A_68 {strides = array<i32>} : memref<4x112xi32, #tpu.memory_space<vmem>>, vector<1x16xi32>,
    %get3A_69 = arith.constant 0 : i32
    %get3A_70 = arith.index_cast %get3A_69 : i32 to index
    %get3A_71 = arith.constant 0 : index
    %get3A_72 = tpu.vector_load %arg8[%get3A_70, %get3A_71] {strides = array<i32>} : memref<4x112xi32, #tpu.memory_space<vmem>>, vector<1x16xi32>,
    %get3A_73 = vector.shape_cast %get3A_72 : vector<1x16xi32> to vector<16xi32>
    %get3A_74 = arith.constant 0 : i32
    %get3A_75 = arith.index_cast %get3A_74 : i32 to index
    %get3A_76 = arith.constant 0 : index
    %get3A_77 = tpu.vector_load %arg13[%get3A_75, %get3A_76] {strides = array<i32>} : memref<1x128xi32, #tpu.memory_space<vmem>>, vector<1x16xi32>,
    %get3A_78 = vector.shape_cast %get3A_77 : vector<1x16xi32> to vector<16xi32>
    %mul3A_79 = arith.constant 128 : i32
    %mul3A_80 = arith.muli %arg1, %mul3A_79 : i32
    %add3A_81 = vector.broadcast %mul3A_80 : i32 to vector<16xi32>
    %add3A_82 = arith.addi %get3A_78, %add3A_81 : vector<16xi32>
    %select_n3A_83 = arith.select %and3A, %get3A_73, %add3A_82 : vector<16xi1>, vector<16xi32>
    %swap3A_84 = arith.constant 0 : i32
    %swap3A_85 = arith.index_cast %swap3A_84 : i32 to index
    %swap3A_86 = arith.constant 0 : index
    %swap3A_87 = tpu.vector_load %arg8[%swap3A_85, %swap3A_86] {strides = array<i32>} : memref<4x112xi32, #tpu.memory_space<vmem>>, vector<1x16xi32>,
    %swap3A_88 = vector.shape_cast %swap3A_87 : vector<1x16xi32> to vector<16xi32>
    %swap3A_89 = vector.shape_cast %select_n3A_83 : vector<16xi32> to vector<1x16xi32>
    tpu.vector_store %arg8[%swap3A_85, %swap3A_86], %swap3A_89 {strides = array<i32>} : memref<4x112xi32, #tpu.memory_space<vmem>>, vector<1x16xi32>,
    %get3A_90 = arith.constant 0 : i32
    %get3A_91 = arith.index_cast %get3A_90 : i32 to index
    %get3A_92 = arith.constant 16 : index
    %get3A_93 = tpu.vector_load %arg9[%get3A_91, %get3A_92] {strides = array<i32>} : memref<4x112xi32, #tpu.memory_space<vmem>>, vector<1x16xi32>,
    %get3A_94 = vector.shape_cast %get3A_93 : vector<1x16xi32> to vector<16xi32>
    %sub3A_95 = vector.broadcast %mul3A_0 : i32 to vector<16xi32>
    %sub3A_96 = arith.subi %get3A_94, %sub3A_95 : vector<16xi32>
    %ge3A_97 = arith.constant 0 : i32
    %ge3A_98 = vector.broadcast %ge3A_97 : i32 to vector<16xi32>
    %ge3A_99 = arith.cmpi sge, %sub3A_96, %ge3A_98 : vector<16xi32>
    %lt3A_100 = arith.constant 25000 : i32
    %lt3A_101 = vector.broadcast %lt3A_100 : i32 to vector<16xi32>
    %lt3A_102 = arith.cmpi slt, %sub3A_96, %lt3A_101 : vector<16xi32>
    %and3A_103 = arith.andi %ge3A_99, %lt3A_102 : vector<16xi1>
    %and3A_104 = arith.constant 15 : i32
    %and3A_105 = vector.broadcast %and3A_104 : i32 to vector<16xi32>
    %and3A_106 = arith.andi %get3A_94, %and3A_105 : vector<16xi32>
    %add3A_107 = arith.constant 25000 : i32
    %add3A_108 = vector.broadcast %add3A_107 : i32 to vector<16xi32>
    %add3A_109 = arith.addi %add3A_108, %and3A_106 : vector<16xi32>
    %select_n3A_110 = arith.select %and3A_103, %sub3A_96, %add3A_109 : vector<16xi1>, vector<16xi32>
    %swap3A_111 = arith.constant 0 : i32
    %swap3A_112 = arith.index_cast %swap3A_111 : i32 to index
    %swap3A_113 = arith.constant 16 : index
    %swap3A_114 = tpu.vector_load %arg10[%swap3A_112, %swap3A_113] {strides = array<i32>} : memref<4x112xi32, #tpu.memory_space<vmem>>, vector<1x16xi32>,
    %swap3A_115 = vector.shape_cast %swap3A_114 : vector<1x16xi32> to vector<16xi32>
    %swap3A_116 = vector.shape_cast %select_n3A_110 : vector<16xi32> to vector<1x16xi32>
    tpu.vector_store %arg10[%swap3A_112, %swap3A_113], %swap3A_116 {strides = array<i32>} : memref<4x112xi32, #tpu.memory_space<vmem>>, vector<1x16xi32>,
    %get3A_117 = arith.constant 0 : i32
    %get3A_118 = arith.index_cast %get3A_117 : i32 to index
    %get3A_119 = arith.constant 16 : index
    %get3A_120 = tpu.vector_load %arg8[%get3A_118, %get3A_119] {strides = array<i32>} : memref<4x112xi32, #tpu.memory_space<vmem>>, vector<1x16xi32>,
    %get3A_121 = vector.shape_cast %get3A_120 : vector<1x16xi32> to vector<16xi32>
    %get3A_122 = arith.constant 0 : i32
    %get3A_123 = arith.index_cast %get3A_122 : i32 to index
    %get3A_124 = arith.constant 16 : index
    %get3A_125 = tpu.vector_load %arg13[%get3A_123, %get3A_124] {strides = array<i32>} : memref<1x128xi32, #tpu.memory_space<vmem>>, vector<1x16xi32>,
    %get3A_126 = vector.shape_cast %get3A_125 : vector<1x16xi32> to vector<16xi32>
    %mul3A_127 = arith.constant 128 : i32
    %mul3A_128 = arith.muli %arg1, %mul3A_127 : i32
    %add3A_129 = vector.broadcast %mul3A_128 : i32 to vector<16xi32>
    %add3A_130 = arith.addi %get3A_126, %add3A_129 : vector<16xi32>
    %select_n3A_131 = arith.select %and3A_103, %get3A_121, %add3A_130 : vector<16xi1>, vector<16xi32>
    %swap3A_132 = arith.constant 0 : i32
    %swap3A_133 = arith.index_cast %swap3A_132 : i32 to index
    %swap3A_134 = arith.constant 16 : index
    %swap3A_135 = tpu.vector_load %arg8[%swap3A_133, %swap3A_134] {strides = array<i32>} : memref<4x112xi32, #tpu.memory_space<vmem>>, vector<1x16xi32>,
    %swap3A_136 = vector.shape_cast %swap3A_135 : vector<1x16xi32> to vector<16xi32>
    %swap3A_137 = vector.shape_cast %select_n3A_131 : vector<16xi32> to vector<1x16xi32>
    tpu.vector_store %arg8[%swap3A_133, %swap3A_134], %swap3A_137 {strides = array<i32>} : memref<4x112xi32, #tpu.memory_space<vmem>>, vector<1x16xi32>,
    %get3A_138 = arith.constant 0 : i32
    %get3A_139 = arith.index_cast %get3A_138 : i32 to index
    %get3A_140 = arith.constant 32 : index
    %get3A_141 = tpu.vector_load %arg9[%get3A_139, %get3A_140] {strides = array<i32>} : memref<4x112xi32, #tpu.memory_space<vmem>>, vector<1x16xi32>,
    %get3A_142 = vector.shape_cast %get3A_141 : vector<1x16xi32> to vector<16xi32>
    %sub3A_143 = vector.broadcast %mul3A_0 : i32 to vector<16xi32>
    %sub3A_144 = arith.subi %get3A_142, %sub3A_143 : vector<16xi32>
    %ge3A_145 = arith.constant 0 : i32
    %ge3A_146 = vector.broadcast %ge3A_145 : i32 to vector<16xi32>
    %ge3A_147 = arith.cmpi sge, %sub3A_144, %ge3A_146 : vector<16xi32>
    %lt3A_148 = arith.constant 25000 : i32
    %lt3A_149 = vector.broadcast %lt3A_148 : i32 to vector<16xi32>
    %lt3A_150 = arith.cmpi slt, %sub3A_144, %lt3A_149 : vector<16xi32>
    %and3A_151 = arith.andi %ge3A_147, %lt3A_150 : vector<16xi1>
    %and3A_152 = arith.constant 15 : i32
    %and3A_153 = vector.broadcast %and3A_152 : i32 to vector<16xi32>
    %and3A_154 = arith.andi %get3A_142, %and3A_153 : vector<16xi32>
    %add3A_155 = arith.constant 25000 : i32
    %add3A_156 = vector.broadcast %add3A_155 : i32 to vector<16xi32>
    %add3A_157 = arith.addi %add3A_156, %and3A_154 : vector<16xi32>
    %select_n3A_158 = arith.select %and3A_151, %sub3A_144, %add3A_157 : vector<16xi1>, vector<16xi32>
    %swap3A_159 = arith.constant 0 : i32
    %swap3A_160 = arith.index_cast %swap3A_159 : i32 to index
    %swap3A_161 = arith.constant 32 : index
    %swap3A_162 = tpu.vector_load %arg10[%swap3A_160, %swap3A_161] {strides = array<i32>} : memref<4x112xi32, #tpu.memory_space<vmem>>, vector<1x16xi32>,
    %swap3A_163 = vector.shape_cast %swap3A_162 : vector<1x16xi32> to vector<16xi32>
    %swap3A_164 = vector.shape_cast %select_n3A_158 : vector<16xi32> to vector<1x16xi32>
    tpu.vector_store %arg10[%swap3A_160, %swap3A_161], %swap3A_164 {strides = array<i32>} : memref<4x112xi32, #tpu.memory_space<vmem>>, vector<1x16xi32>,
    %get3A_165 = arith.constant 0 : i32
    %get3A_166 = arith.index_cast %get3A_165 : i32 to index
    %get3A_167 = arith.constant 32 : index
    %get3A_168 = tpu.vector_load %arg8[%get3A_166, %get3A_167] {strides = array<i32>} : memref<4x112xi32, #tpu.memory_space<vmem>>, vector<1x16xi32>,
    %get3A_169 = vector.shape_cast %get3A_168 : vector<1x16xi32> to vector<16xi32>
    %get3A_170 = arith.constant 0 : i32
    %get3A_171 = arith.index_cast %get3A_170 : i32 to index
    %get3A_172 = arith.constant 32 : index
    %get3A_173 = tpu.vector_load %arg13[%get3A_171, %get3A_172] {strides = array<i32>} : memref<1x128xi32, #tpu.memory_space<vmem>>, vector<1x16xi32>,
    %get3A_174 = vector.shape_cast %get3A_173 : vector<1x16xi32> to vector<16xi32>
    %mul3A_175 = arith.constant 128 : i32
    %mul3A_176 = arith.muli %arg1, %mul3A_175 : i32
    %add3A_177 = vector.broadcast %mul3A_176 : i32 to vector<16xi32>
    %add3A_178 = arith.addi %get3A_174, %add3A_177 : vector<16xi32>
    %select_n3A_179 = arith.select %and3A_151, %get3A_169, %add3A_178 : vector<16xi1>, vector<16xi32>
    %swap3A_180 = arith.constant 0 : i32
    %swap3A_181 = arith.index_cast %swap3A_180 : i32 to index
    %swap3A_182 = arith.constant 32 : index
    %swap3A_183 = tpu.vector_load %arg8[%swap3A_181, %swap3A_182] {strides = array<i32>} : memref<4x112xi32, #tpu.memory_space<vmem>>, vector<1x16xi32>,
    %swap3A_184 = vector.shape_cast %swap3A_183 : vector<1x16xi32> to vector<16xi32>
    %swap3A_185 = vector.shape_cast %select_n3A_179 : vector<16xi32> to vector<1x16xi32>
    tpu.vector_store %arg8[%swap3A_181, %swap3A_182], %swap3A_185 {strides = array<i32>} : memref<4x112xi32, #tpu.memory_space<vmem>>, vector<1x16xi32>,
    %get3A_186 = arith.constant 0 : i32
    %get3A_187 = arith.index_cast %get3A_186 : i32 to index
    %get3A_188 = arith.constant 48 : index
    %get3A_189 = tpu.vector_load %arg9[%get3A_187, %get3A_188] {strides = array<i32>} : memref<4x112xi32, #tpu.memory_space<vmem>>, vector<1x16xi32>,
    %get3A_190 = vector.shape_cast %get3A_189 : vector<1x16xi32> to vector<16xi32>
    %sub3A_191 = vector.broadcast %mul3A_0 : i32 to vector<16xi32>
    %sub3A_192 = arith.subi %get3A_190, %sub3A_191 : vector<16xi32>
    %ge3A_193 = arith.constant 0 : i32
    %ge3A_194 = vector.broadcast %ge3A_193 : i32 to vector<16xi32>
    %ge3A_195 = arith.cmpi sge, %sub3A_192, %ge3A_194 : vector<16xi32>
    %lt3A_196 = arith.constant 25000 : i32
    %lt3A_197 = vector.broadcast %lt3A_196 : i32 to vector<16xi32>
    %lt3A_198 = arith.cmpi slt, %sub3A_192, %lt3A_197 : vector<16xi32>
    %and3A_199 = arith.andi %ge3A_195, %lt3A_198 : vector<16xi1>
    %and3A_200 = arith.constant 15 : i32
    %and3A_201 = vector.broadcast %and3A_200 : i32 to vector<16xi32>
    %and3A_202 = arith.andi %get3A_190, %and3A_201 : vector<16xi32>
    %add3A_203 = arith.constant 25000 : i32
    %add3A_204 = vector.broadcast %add3A_203 : i32 to vector<16xi32>
    %add3A_205 = arith.addi %add3A_204, %and3A_202 : vector<16xi32>
    %select_n3A_206 = arith.select %and3A_199, %sub3A_192, %add3A_205 : vector<16xi1>, vector<16xi32>
    %swap3A_207 = arith.constant 0 : i32
    %swap3A_208 = arith.index_cast %swap3A_207 : i32 to index
    %swap3A_209 = arith.constant 48 : index
    %swap3A_210 = tpu.vector_load %arg10[%swap3A_208, %swap3A_209] {strides = array<i32>} : memref<4x112xi32, #tpu.memory_space<vmem>>, vector<1x16xi32>,
    %swap3A_211 = vector.shape_cast %swap3A_210 : vector<1x16xi32> to vector<16xi32>
    %swap3A_212 = vector.shape_cast %select_n3A_206 : vector<16xi32> to vector<1x16xi32>
    tpu.vector_store %arg10[%swap3A_208, %swap3A_209], %swap3A_212 {strides = array<i32>} : memref<4x112xi32, #tpu.memory_space<vmem>>, vector<1x16xi32>,
    %get3A_213 = arith.constant 0 : i32
    %get3A_214 = arith.index_cast %get3A_213 : i32 to index
    %get3A_215 = arith.constant 48 : index
    %get3A_216 = tpu.vector_load %arg8[%get3A_214, %get3A_215] {strides = array<i32>} : memref<4x112xi32, #tpu.memory_space<vmem>>, vector<1x16xi32>,
    %get3A_217 = vector.shape_cast %get3A_216 : vector<1x16xi32> to vector<16xi32>
    %get3A_218 = arith.constant 0 : i32
    %get3A_219 = arith.index_cast %get3A_218 : i32 to index
    %get3A_220 = arith.constant 48 : index
    %get3A_221 = tpu.vector_load %arg13[%get3A_219, %get3A_220] {strides = array<i32>} : memref<1x128xi32, #tpu.memory_space<vmem>>, vector<1x16xi32>,
    %get3A_222 = vector.shape_cast %get3A_221 : vector<1x16xi32> to vector<16xi32>
    %mul3A_223 = arith.constant 128 : i32
    %mul3A_224 = arith.muli %arg1, %mul3A_223 : i32
    %add3A_225 = vector.broadcast %mul3A_224 : i32 to vector<16xi32>
    %add3A_226 = arith.addi %get3A_222, %add3A_225 : vector<16xi32>
    %select_n3A_227 = arith.select %and3A_199, %get3A_217, %add3A_226 : vector<16xi1>, vector<16xi32>
    %swap3A_228 = arith.constant 0 : i32
    %swap3A_229 = arith.index_cast %swap3A_228 : i32 to index
    %swap3A_230 = arith.constant 48 : index
    %swap3A_231 = tpu.vector_load %arg8[%swap3A_229, %swap3A_230] {strides = array<i32>} : memref<4x112xi32, #tpu.memory_space<vmem>>, vector<1x16xi32>,
    %swap3A_232 = vector.shape_cast %swap3A_231 : vector<1x16xi32> to vector<16xi32>
    %swap3A_233 = vector.shape_cast %select_n3A_227 : vector<16xi32> to vector<1x16xi32>
    tpu.vector_store %arg8[%swap3A_229, %swap3A_230], %swap3A_233 {strides = array<i32>} : memref<4x112xi32, #tpu.memory_space<vmem>>, vector<1x16xi32>,
    %get3A_234 = arith.constant 0 : i32
    %get3A_235 = arith.index_cast %get3A_234 : i32 to index
    %get3A_236 = arith.constant 64 : index
    %get3A_237 = tpu.vector_load %arg9[%get3A_235, %get3A_236] {strides = array<i32>} : memref<4x112xi32, #tpu.memory_space<vmem>>, vector<1x16xi32>,
    %get3A_238 = vector.shape_cast %get3A_237 : vector<1x16xi32> to vector<16xi32>
    %sub3A_239 = vector.broadcast %mul3A_0 : i32 to vector<16xi32>
    %sub3A_240 = arith.subi %get3A_238, %sub3A_239 : vector<16xi32>
    %ge3A_241 = arith.constant 0 : i32
    %ge3A_242 = vector.broadcast %ge3A_241 : i32 to vector<16xi32>
    %ge3A_243 = arith.cmpi sge, %sub3A_240, %ge3A_242 : vector<16xi32>
    %lt3A_244 = arith.constant 25000 : i32
    %lt3A_245 = vector.broadcast %lt3A_244 : i32 to vector<16xi32>
    %lt3A_246 = arith.cmpi slt, %sub3A_240, %lt3A_245 : vector<16xi32>
    %and3A_247 = arith.andi %ge3A_243, %lt3A_246 : vector<16xi1>
    %and3A_248 = arith.constant 15 : i32
    %and3A_249 = vector.broadcast %and3A_248 : i32 to vector<16xi32>
    %and3A_250 = arith.andi %get3A_238, %and3A_249 : vector<16xi32>
    %add3A_251 = arith.constant 25000 : i32
    %add3A_252 = vector.broadcast %add3A_251 : i32 to vector<16xi32>
    %add3A_253 = arith.addi %add3A_252, %and3A_250 : vector<16xi32>
    %select_n3A_254 = arith.select %and3A_247, %sub3A_240, %add3A_253 : vector<16xi1>, vector<16xi32>
    %swap3A_255 = arith.constant 0 : i32
    %swap3A_256 = arith.index_cast %swap3A_255 : i32 to index
    %swap3A_257 = arith.constant 64 : index
    %swap3A_258 = tpu.vector_load %arg10[%swap3A_256, %swap3A_257] {strides = array<i32>} : memref<4x112xi32, #tpu.memory_space<vmem>>, vector<1x16xi32>,
    %swap3A_259 = vector.shape_cast %swap3A_258 : vector<1x16xi32> to vector<16xi32>
    %swap3A_260 = vector.shape_cast %select_n3A_254 : vector<16xi32> to vector<1x16xi32>
    tpu.vector_store %arg10[%swap3A_256, %swap3A_257], %swap3A_260 {strides = array<i32>} : memref<4x112xi32, #tpu.memory_space<vmem>>, vector<1x16xi32>,
    %get3A_261 = arith.constant 0 : i32
    %get3A_262 = arith.index_cast %get3A_261 : i32 to index
    %get3A_263 = arith.constant 64 : index
    %get3A_264 = tpu.vector_load %arg8[%get3A_262, %get3A_263] {strides = array<i32>} : memref<4x112xi32, #tpu.memory_space<vmem>>, vector<1x16xi32>,
    %get3A_265 = vector.shape_cast %get3A_264 : vector<1x16xi32> to vector<16xi32>
    %get3A_266 = arith.constant 0 : i32
    %get3A_267 = arith.index_cast %get3A_266 : i32 to index
    %get3A_268 = arith.constant 64 : index
    %get3A_269 = tpu.vector_load %arg13[%get3A_267, %get3A_268] {strides = array<i32>} : memref<1x128xi32, #tpu.memory_space<vmem>>, vector<1x16xi32>,
    %get3A_270 = vector.shape_cast %get3A_269 : vector<1x16xi32> to vector<16xi32>
    %mul3A_271 = arith.constant 128 : i32
    %mul3A_272 = arith.muli %arg1, %mul3A_271 : i32
    %add3A_273 = vector.broadcast %mul3A_272 : i32 to vector<16xi32>
    %add3A_274 = arith.addi %get3A_270, %add3A_273 : vector<16xi32>
    %select_n3A_275 = arith.select %and3A_247, %get3A_265, %add3A_274 : vector<16xi1>, vector<16xi32>
    %swap3A_276 = arith.constant 0 : i32
    %swap3A_277 = arith.index_cast %swap3A_276 : i32 to index
    %swap3A_278 = arith.constant 64 : index
    %swap3A_279 = tpu.vector_load %arg8[%swap3A_277, %swap3A_278] {strides = array<i32>} : memref<4x112xi32, #tpu.memory_space<vmem>>, vector<1x16xi32>,
    %swap3A_280 = vector.shape_cast %swap3A_279 : vector<1x16xi32> to vector<16xi32>
    %swap3A_281 = vector.shape_cast %select_n3A_275 : vector<16xi32> to vector<1x16xi32>
    tpu.vector_store %arg8[%swap3A_277, %swap3A_278], %swap3A_281 {strides = array<i32>} : memref<4x112xi32, #tpu.memory_space<vmem>>, vector<1x16xi32>,
    %get3A_282 = arith.constant 0 : i32
    %get3A_283 = arith.index_cast %get3A_282 : i32 to index
    %get3A_284 = arith.constant 80 : index
    %get3A_285 = tpu.vector_load %arg9[%get3A_283, %get3A_284] {strides = array<i32>} : memref<4x112xi32, #tpu.memory_space<vmem>>, vector<1x16xi32>,
    %get3A_286 = vector.shape_cast %get3A_285 : vector<1x16xi32> to vector<16xi32>
    %sub3A_287 = vector.broadcast %mul3A_0 : i32 to vector<16xi32>
    %sub3A_288 = arith.subi %get3A_286, %sub3A_287 : vector<16xi32>
    %ge3A_289 = arith.constant 0 : i32
    %ge3A_290 = vector.broadcast %ge3A_289 : i32 to vector<16xi32>
    %ge3A_291 = arith.cmpi sge, %sub3A_288, %ge3A_290 : vector<16xi32>
    %lt3A_292 = arith.constant 25000 : i32
    %lt3A_293 = vector.broadcast %lt3A_292 : i32 to vector<16xi32>
    %lt3A_294 = arith.cmpi slt, %sub3A_288, %lt3A_293 : vector<16xi32>
    %and3A_295 = arith.andi %ge3A_291, %lt3A_294 : vector<16xi1>
    %and3A_296 = arith.constant 15 : i32
    %and3A_297 = vector.broadcast %and3A_296 : i32 to vector<16xi32>
    %and3A_298 = arith.andi %get3A_286, %and3A_297 : vector<16xi32>
    %add3A_299 = arith.constant 25000 : i32
    %add3A_300 = vector.broadcast %add3A_299 : i32 to vector<16xi32>
    %add3A_301 = arith.addi %add3A_300, %and3A_298 : vector<16xi32>
    %select_n3A_302 = arith.select %and3A_295, %sub3A_288, %add3A_301 : vector<16xi1>, vector<16xi32>
    %swap3A_303 = arith.constant 0 : i32
    %swap3A_304 = arith.index_cast %swap3A_303 : i32 to index
    %swap3A_305 = arith.constant 80 : index
    %swap3A_306 = tpu.vector_load %arg10[%swap3A_304, %swap3A_305] {strides = array<i32>} : memref<4x112xi32, #tpu.memory_space<vmem>>, vector<1x16xi32>,
    %swap3A_307 = vector.shape_cast %swap3A_306 : vector<1x16xi32> to vector<16xi32>
    %swap3A_308 = vector.shape_cast %select_n3A_302 : vector<16xi32> to vector<1x16xi32>
    tpu.vector_store %arg10[%swap3A_304, %swap3A_305], %swap3A_308 {strides = array<i32>} : memref<4x112xi32, #tpu.memory_space<vmem>>, vector<1x16xi32>,
    %get3A_309 = arith.constant 0 : i32
    %get3A_310 = arith.index_cast %get3A_309 : i32 to index
    %get3A_311 = arith.constant 80 : index
    %get3A_312 = tpu.vector_load %arg8[%get3A_310, %get3A_311] {strides = array<i32>} : memref<4x112xi32, #tpu.memory_space<vmem>>, vector<1x16xi32>,
    %get3A_313 = vector.shape_cast %get3A_312 : vector<1x16xi32> to vector<16xi32>
    %get3A_314 = arith.constant 0 : i32
    %get3A_315 = arith.index_cast %get3A_314 : i32 to index
    %get3A_316 = arith.constant 80 : index
    %get3A_317 = tpu.vector_load %arg13[%get3A_315, %get3A_316] {strides = array<i32>} : memref<1x128xi32, #tpu.memory_space<vmem>>, vector<1x16xi32>,
    %get3A_318 = vector.shape_cast %get3A_317 : vector<1x16xi32> to vector<16xi32>
    %mul3A_319 = arith.constant 128 : i32
    %mul3A_320 = arith.muli %arg1, %mul3A_319 : i32
    %add3A_321 = vector.broadcast %mul3A_320 : i32 to vector<16xi32>
    %add3A_322 = arith.addi %get3A_318, %add3A_321 : vector<16xi32>
    %select_n3A_323 = arith.select %and3A_295, %get3A_313, %add3A_322 : vector<16xi1>, vector<16xi32>
    %swap3A_324 = arith.constant 0 : i32
    %swap3A_325 = arith.index_cast %swap3A_324 : i32 to index
    %swap3A_326 = arith.constant 80 : index
    %swap3A_327 = tpu.vector_load %arg8[%swap3A_325, %swap3A_326] {strides = array<i32>} : memref<4x112xi32, #tpu.memory_space<vmem>>, vector<1x16xi32>,
    %swap3A_328 = vector.shape_cast %swap3A_327 : vector<1x16xi32> to vector<16xi32>
    %swap3A_329 = vector.shape_cast %select_n3A_323 : vector<16xi32> to vector<1x16xi32>
    tpu.vector_store %arg8[%swap3A_325, %swap3A_326], %swap3A_329 {strides = array<i32>} : memref<4x112xi32, #tpu.memory_space<vmem>>, vector<1x16xi32>,
    %get3A_330 = arith.constant 0 : i32
    %get3A_331 = arith.index_cast %get3A_330 : i32 to index
    %get3A_332 = arith.constant 96 : index
    %get3A_333 = tpu.vector_load %arg9[%get3A_331, %get3A_332] {strides = array<i32>} : memref<4x112xi32, #tpu.memory_space<vmem>>, vector<1x16xi32>,
    %get3A_334 = vector.shape_cast %get3A_333 : vector<1x16xi32> to vector<16xi32>
    %sub3A_335 = vector.broadcast %mul3A_0 : i32 to vector<16xi32>
    %sub3A_336 = arith.subi %get3A_334, %sub3A_335 : vector<16xi32>
    %ge3A_337 = arith.constant 0 : i32
    %ge3A_338 = vector.broadcast %ge3A_337 : i32 to vector<16xi32>
    %ge3A_339 = arith.cmpi sge, %sub3A_336, %ge3A_338 : vector<16xi32>
    %lt3A_340 = arith.constant 25000 : i32
    %lt3A_341 = vector.broadcast %lt3A_340 : i32 to vector<16xi32>
    %lt3A_342 = arith.cmpi slt, %sub3A_336, %lt3A_341 : vector<16xi32>
    %and3A_343 = arith.andi %ge3A_339, %lt3A_342 : vector<16xi1>
    %and3A_344 = arith.constant 15 : i32
    %and3A_345 = vector.broadcast %and3A_344 : i32 to vector<16xi32>
    %and3A_346 = arith.andi %get3A_334, %and3A_345 : vector<16xi32>
    %add3A_347 = arith.constant 25000 : i32
    %add3A_348 = vector.broadcast %add3A_347 : i32 to vector<16xi32>
    %add3A_349 = arith.addi %add3A_348, %and3A_346 : vector<16xi32>
    %select_n3A_350 = arith.select %and3A_343, %sub3A_336, %add3A_349 : vector<16xi1>, vector<16xi32>
    %swap3A_351 = arith.constant 0 : i32
    %swap3A_352 = arith.index_cast %swap3A_351 : i32 to index
    %swap3A_353 = arith.constant 96 : index
    %swap3A_354 = tpu.vector_load %arg10[%swap3A_352, %swap3A_353] {strides = array<i32>} : memref<4x112xi32, #tpu.memory_space<vmem>>, vector<1x16xi32>,
    %swap3A_355 = vector.shape_cast %swap3A_354 : vector<1x16xi32> to vector<16xi32>
    %swap3A_356 = vector.shape_cast %select_n3A_350 : vector<16xi32> to vector<1x16xi32>
    tpu.vector_store %arg10[%swap3A_352, %swap3A_353], %swap3A_356 {strides = array<i32>} : memref<4x112xi32, #tpu.memory_space<vmem>>, vector<1x16xi32>,
    %get3A_357 = arith.constant 0 : i32
    %get3A_358 = arith.index_cast %get3A_357 : i32 to index
    %get3A_359 = arith.constant 96 : index
    %get3A_360 = tpu.vector_load %arg8[%get3A_358, %get3A_359] {strides = array<i32>} : memref<4x112xi32, #tpu.memory_space<vmem>>, vector<1x16xi32>,
    %get3A_361 = vector.shape_cast %get3A_360 : vector<1x16xi32> to vector<16xi32>
    %get3A_362 = arith.constant 0 : i32
    %get3A_363 = arith.index_cast %get3A_362 : i32 to index
    %get3A_364 = arith.constant 96 : index
    %get3A_365 = tpu.vector_load %arg13[%get3A_363, %get3A_364] {strides = array<i32>} : memref<1x128xi32, #tpu.memory_space<vmem>>, vector<1x16xi32>,
    %get3A_366 = vector.shape_cast %get3A_365 : vector<1x16xi32> to vector<16xi32>
    %mul3A_367 = arith.constant 128 : i32
    %mul3A_368 = arith.muli %arg1, %mul3A_367 : i32
    %add3A_369 = vector.broadcast %mul3A_368 : i32 to vector<16xi32>
    %add3A_370 = arith.addi %get3A_366, %add3A_369 : vector<16xi32>
    %select_n3A_371 = arith.select %and3A_343, %get3A_361, %add3A_370 : vector<16xi1>, vector<16xi32>
    %swap3A_372 = arith.constant 0 : i32
    %swap3A_373 = arith.index_cast %swap3A_372 : i32 to index
    %swap3A_374 = arith.constant 96 : index
    %swap3A_375 = tpu.vector_load %arg8[%swap3A_373, %swap3A_374] {strides = array<i32>} : memref<4x112xi32, #tpu.memory_space<vmem>>, vector<1x16xi32>,
    %swap3A_376 = vector.shape_cast %swap3A_375 : vector<1x16xi32> to vector<16xi32>
    %swap3A_377 = vector.shape_cast %select_n3A_371 : vector<16xi32> to vector<1x16xi32>
    tpu.vector_store %arg8[%swap3A_373, %swap3A_374], %swap3A_377 {strides = array<i32>} : memref<4x112xi32, #tpu.memory_space<vmem>>, vector<1x16xi32>,
    %dma_start3A_378 = arith.constant 0 : i32
    %dma_start3A_379 = arith.constant 0 : i32
    %dma_start3A_380 = arith.constant 0 : i32
    %dma_start3A_381 = arith.constant 0 : i32
    %dma_start3A_382 = tpu.memref_slice %arg11[%dma_start3A_379, %dma_start3A_380, %dma_start3A_381] : memref<4x112x64xf32, #tpu.memory_space<vmem>> -> memref<1x112x64xf32, #tpu.memory_space<vmem>>
    %dma_start3A_383 = tpu.memref_squeeze %dma_start3A_382 : memref<1x112x64xf32, #tpu.memory_space<vmem>> -> memref<112x64xf32, #tpu.memory_space<vmem>>
    %dma_start3A_384 = arith.constant 0 : i32
    %dma_start3A_385 = tpu.memref_slice %arg8[%dma_start3A_378, %dma_start3A_384] : memref<4x112xi32, #tpu.memory_space<vmem>> -> memref<1x112xi32, #tpu.memory_space<vmem>>
    %dma_start3A_386 = tpu.memref_squeeze %dma_start3A_385 : memref<1x112xi32, #tpu.memory_space<vmem>> -> memref<112xi32, #tpu.memory_space<vmem>>
    %dma_start3A_387 = arith.constant 0 : i32
    %dma_start3A_388 = arith.constant 0 : i32
    %dma_start3A_389 = tpu.memref_slice %arg4[%dma_start3A_387, %dma_start3A_388] : memref<50000x64xf32, #tpu.memory_space<hbm>> -> memref<50000x64xf32, #tpu.memory_space<hbm>>
    tpu.enqueue_indirect_dma source(%dma_start3A_389 : memref<50000x64xf32, #tpu.memory_space<hbm>>) target(%dma_start3A_383 : memref<112x64xf32, #tpu.memory_space<vmem>>) offsets(%dma_start3A_386 : memref<112xi32, #tpu.memory_space<vmem>>) semaphore(%arg15 : memref<!tpu.dma_semaphore, #tpu.memory_space<semaphore_mem>>)
    %add3A_390 = arith.constant 1 : i32
    %add3A_391 = arith.addi %mul3A_4, %add3A_390 : i32
    %min3A_392 = arith.constant 7167 : i32
    %min3A_393 = arith.minsi %add3A_391, %min3A_392 : i32
    %dma_start3A_394 = arith.constant 1 : i32
    %dma_start3A_395 = arith.constant 0 : i32
    %dma_start3A_396 = tpu.memref_slice %arg8[%dma_start3A_394, %dma_start3A_395] : memref<4x112xi32, #tpu.memory_space<vmem>> -> memref<1x112xi32, #tpu.memory_space<vmem>>
    %dma_start3A_397 = arith.constant 0 : i32
    %dma_start3A_398 = tpu.memref_slice %arg2[%min3A_393, %dma_start3A_397] : memref<7168x112xi32, #tpu.memory_space<hbm>> -> memref<1x112xi32, #tpu.memory_space<hbm>>
    %dma_start3A_399 = arith.constant 1 : i32
    %dma_start3A_400 = arith.constant 0 : i32
    %dma_start3A_401 = tpu.memref_slice %arg8[%dma_start3A_399, %dma_start3A_400] : memref<4x112xi32, #tpu.memory_space<vmem>> -> memref<1x112xi32, #tpu.memory_space<vmem>>
    %dma_start3A_402 = arith.constant 0 : i32
    %dma_start3A_403 = tpu.memref_slice %arg2[%min3A_393, %dma_start3A_402] : memref<7168x112xi32, #tpu.memory_space<hbm>> -> memref<1x112xi32, #tpu.memory_space<hbm>>
    tpu.enqueue_dma source(%dma_start3A_403 : memref<1x112xi32, #tpu.memory_space<hbm>>) target(%dma_start3A_401 : memref<1x112xi32, #tpu.memory_space<vmem>>) target_semaphore(%arg14 : memref<!tpu.dma_semaphore, #tpu.memory_space<semaphore_mem>>)
    %dma_start3A_404 = arith.constant 1 : i32
    %dma_start3A_405 = arith.constant 0 : i32
    %dma_start3A_406 = tpu.memref_slice %arg9[%dma_start3A_404, %dma_start3A_405] : memref<4x112xi32, #tpu.memory_space<vmem>> -> memref<1x112xi32, #tpu.memory_space<vmem>>
    %dma_start3A_407 = arith.constant 0 : i32
    %dma_start3A_408 = tpu.memref_slice %arg3[%min3A_393, %dma_start3A_407] : memref<7168x112xi32, #tpu.memory_space<hbm>> -> memref<1x112xi32, #tpu.memory_space<hbm>>
    %dma_start3A_409 = arith.constant 1 : i32
    %dma_start3A_410 = arith.constant 0 : i32
    %dma_start3A_411 = tpu.memref_slice %arg9[%dma_start3A_409, %dma_start3A_410] : memref<4x112xi32, #tpu.memory_space<vmem>> -> memref<1x112xi32, #tpu.memory_space<vmem>>
    %dma_start3A_412 = arith.constant 0 : i32
    %dma_start3A_413 = tpu.memref_slice %arg3[%min3A_393, %dma_start3A_412] : memref<7168x112xi32, #tpu.memory_space<hbm>> -> memref<1x112xi32, #tpu.memory_space<hbm>>
    tpu.enqueue_dma source(%dma_start3A_413 : memref<1x112xi32, #tpu.memory_space<hbm>>) target(%dma_start3A_411 : memref<1x112xi32, #tpu.memory_space<vmem>>) target_semaphore(%arg14 : memref<!tpu.dma_semaphore, #tpu.memory_space<semaphore_mem>>)
    %scan3A = arith.constant 0 : i32
    %scan3A_414 = arith.constant 0 : i32
    %scan3A_415 = arith.constant 112 : i32
    %scan3A_416 = arith.addi %scan3A_414, %scan3A_415 : i32
    %scan3A_417 = arith.constant 1 : i32
    scf.for %scan3A_511 = %scan3A_414 to %scan3A_416 step %scan3A_417  : i32 {
      %mul3A_512 = arith.constant 4 : i32
      %mul3A_513 = arith.muli %scan3A_511, %mul3A_512 : i32
      %add3A_514 = arith.constant 0 : i32
      %add3A_515 = arith.addi %mul3A_513, %add3A_514 : i32
      %ge3A_516 = arith.constant 1 : i32
      %ge3A_517 = arith.cmpi sge, %scan3A_511, %ge3A_516 : i32
      %convert_element_type3A_518 = arith.extui %ge3A_517 : i1 to i32
      %cond3A_519 = arith.constant 0 : i32
      %cond3A_520 = arith.cmpi ne, %convert_element_type3A_518, %cond3A_519 : i32
      scf.if %cond3A_520 {
        %dma_wait3A_2223 = arith.constant 0 : i32
        %dma_wait3A_2224 = arith.constant 0 : i32
        %dma_wait3A_2225 = tpu.memref_slice %arg12[%dma_wait3A_2223, %dma_wait3A_2224] : memref<25024x64xf32, #tpu.memory_space<vmem_shared>> -> memref<112x64xf32, #tpu.memory_space<vmem_shared>>
        %dma_wait3A_2226 = arith.constant 0 : i32
        %dma_wait3A_2227 = arith.constant 0 : i32
        %dma_wait3A_2228 = tpu.memref_slice %arg4[%dma_wait3A_2226, %dma_wait3A_2227] : memref<50000x64xf32, #tpu.memory_space<hbm>> -> memref<112x64xf32, #tpu.memory_space<hbm>>
        tpu.wait_dma2 semaphore(%arg16 : memref<!tpu.dma_semaphore, #tpu.memory_space<semaphore_mem>>) src(%dma_wait3A_2228 : memref<112x64xf32, #tpu.memory_space<hbm>>) dst(%dma_wait3A_2225 : memref<112x64xf32, #tpu.memory_space<vmem_shared>>)
      } else {
      }
      %dma_wait3A_521 = arith.constant 1 : i32
      %dma_wait3A_522 = arith.constant 0 : i32
      %dma_wait3A_523 = tpu.memref_slice %arg8[%dma_wait3A_521, %dma_wait3A_522] : memref<4x112xi32, #tpu.memory_space<vmem>> -> memref<1x112xi32, #tpu.memory_space<vmem>>
      %dma_wait3A_524 = arith.constant 0 : i32
      %dma_wait3A_525 = arith.constant 0 : i32
      %dma_wait3A_526 = tpu.memref_slice %arg2[%dma_wait3A_524, %dma_wait3A_525] : memref<7168x112xi32, #tpu.memory_space<hbm>> -> memref<1x112xi32, #tpu.memory_space<hbm>>
      %dma_wait3A_527 = arith.constant 1 : i32
      %dma_wait3A_528 = arith.constant 0 : i32
      %dma_wait3A_529 = tpu.memref_slice %arg8[%dma_wait3A_527, %dma_wait3A_528] : memref<4x112xi32, #tpu.memory_space<vmem>> -> memref<1x112xi32, #tpu.memory_space<vmem>>
      %dma_wait3A_530 = arith.constant 0 : i32
      %dma_wait3A_531 = arith.constant 0 : i32
      %dma_wait3A_532 = tpu.memref_slice %arg2[%dma_wait3A_530, %dma_wait3A_531] : memref<7168x112xi32, #tpu.memory_space<hbm>> -> memref<1x112xi32, #tpu.memory_space<hbm>>
      tpu.wait_dma2 semaphore(%arg14 : memref<!tpu.dma_semaphore, #tpu.memory_space<semaphore_mem>>) src(%dma_wait3A_532 : memref<1x112xi32, #tpu.memory_space<hbm>>) dst(%dma_wait3A_529 : memref<1x112xi32, #tpu.memory_space<vmem>>)
      %dma_wait3A_533 = arith.constant 1 : i32
      %dma_wait3A_534 = arith.constant 0 : i32
      %dma_wait3A_535 = tpu.memref_slice %arg9[%dma_wait3A_533, %dma_wait3A_534] : memref<4x112xi32, #tpu.memory_space<vmem>> -> memref<1x112xi32, #tpu.memory_space<vmem>>
      %dma_wait3A_536 = arith.constant 0 : i32
      %dma_wait3A_537 = arith.constant 0 : i32
      %dma_wait3A_538 = tpu.memref_slice %arg3[%dma_wait3A_536, %dma_wait3A_537] : memref<7168x112xi32, #tpu.memory_space<hbm>> -> memref<1x112xi32, #tpu.memory_space<hbm>>
      %dma_wait3A_539 = arith.constant 1 : i32
      %dma_wait3A_540 = arith.constant 0 : i32
      %dma_wait3A_541 = tpu.memref_slice %arg9[%dma_wait3A_539, %dma_wait3A_540] : memref<4x112xi32, #tpu.memory_space<vmem>> -> memref<1x112xi32, #tpu.memory_space<vmem>>
      %dma_wait3A_542 = arith.constant 0 : i32
      %dma_wait3A_543 = arith.constant 0 : i32
      %dma_wait3A_544 = tpu.memref_slice %arg3[%dma_wait3A_542, %dma_wait3A_543] : memref<7168x112xi32, #tpu.memory_space<hbm>> -> memref<1x112xi32, #tpu.memory_space<hbm>>
      tpu.wait_dma2 semaphore(%arg14 : memref<!tpu.dma_semaphore, #tpu.memory_space<semaphore_mem>>) src(%dma_wait3A_544 : memref<1x112xi32, #tpu.memory_space<hbm>>) dst(%dma_wait3A_541 : memref<1x112xi32, #tpu.memory_space<vmem>>)
      %get3A_545 = arith.constant 1 : i32
      %get3A_546 = arith.index_cast %get3A_545 : i32 to index
      %get3A_547 = arith.constant 0 : index
      %get3A_548 = tpu.vector_load %arg9[%get3A_546, %get3A_547] {strides = array<i32>} : memref<4x112xi32, #tpu.memory_space<vmem>>, vector<1x16xi32>,
      %get3A_549 = vector.shape_cast %get3A_548 : vector<1x16xi32> to vector<16xi32>
      %sub3A_550 = vector.broadcast %mul3A_0 : i32 to vector<16xi32>
      %sub3A_551 = arith.subi %get3A_549, %sub3A_550 : vector<16xi32>
      %ge3A_552 = arith.constant 0 : i32
      %ge3A_553 = vector.broadcast %ge3A_552 : i32 to vector<16xi32>
      %ge3A_554 = arith.cmpi sge, %sub3A_551, %ge3A_553 : vector<16xi32>
      %lt3A_555 = arith.constant 25000 : i32
      %lt3A_556 = vector.broadcast %lt3A_555 : i32 to vector<16xi32>
      %lt3A_557 = arith.cmpi slt, %sub3A_551, %lt3A_556 : vector<16xi32>
      %and3A_558 = arith.andi %ge3A_554, %lt3A_557 : vector<16xi1>
      %and3A_559 = arith.constant 15 : i32
      %and3A_560 = vector.broadcast %and3A_559 : i32 to vector<16xi32>
      %and3A_561 = arith.andi %get3A_549, %and3A_560 : vector<16xi32>
      %add3A_562 = arith.constant 25000 : i32
      %add3A_563 = vector.broadcast %add3A_562 : i32 to vector<16xi32>
      %add3A_564 = arith.addi %add3A_563, %and3A_561 : vector<16xi32>
      %select_n3A_565 = arith.select %and3A_558, %sub3A_551, %add3A_564 : vector<16xi1>, vector<16xi32>
      %swap3A_566 = arith.constant 1 : i32
      %swap3A_567 = arith.index_cast %swap3A_566 : i32 to index
      %swap3A_568 = arith.constant 0 : index
      %swap3A_569 = tpu.vector_load %arg10[%swap3A_567, %swap3A_568] {strides = array<i32>} : memref<4x112xi32, #tpu.memory_space<vmem>>, vector<1x16xi32>,
      %swap3A_570 = vector.shape_cast %swap3A_569 : vector<1x16xi32> to vector<16xi32>
      %swap3A_571 = vector.shape_cast %select_n3A_565 : vector<16xi32> to vector<1x16xi32>
      tpu.vector_store %arg10[%swap3A_567, %swap3A_568], %swap3A_571 {strides = array<i32>} : memref<4x112xi32, #tpu.memory_space<vmem>>, vector<1x16xi32>,
      %get3A_572 = arith.constant 1 : i32
      %get3A_573 = arith.index_cast %get3A_572 : i32 to index
      %get3A_574 = arith.constant 0 : index
      %get3A_575 = tpu.vector_load %arg8[%get3A_573, %get3A_574] {strides = array<i32>} : memref<4x112xi32, #tpu.memory_space<vmem>>, vector<1x16xi32>,
      %get3A_576 = vector.shape_cast %get3A_575 : vector<1x16xi32> to vector<16xi32>
      %get3A_577 = arith.constant 0 : i32
      %get3A_578 = arith.index_cast %get3A_577 : i32 to index
      %get3A_579 = arith.constant 0 : index
      %get3A_580 = tpu.vector_load %arg13[%get3A_578, %get3A_579] {strides = array<i32>} : memref<1x128xi32, #tpu.memory_space<vmem>>, vector<1x16xi32>,
      %get3A_581 = vector.shape_cast %get3A_580 : vector<1x16xi32> to vector<16xi32>
      %mul3A_582 = arith.constant 128 : i32
      %mul3A_583 = arith.muli %arg1, %mul3A_582 : i32
      %add3A_584 = vector.broadcast %mul3A_583 : i32 to vector<16xi32>
      %add3A_585 = arith.addi %get3A_581, %add3A_584 : vector<16xi32>
      %select_n3A_586 = arith.select %and3A_558, %get3A_576, %add3A_585 : vector<16xi1>, vector<16xi32>
      %swap3A_587 = arith.constant 1 : i32
      %swap3A_588 = arith.index_cast %swap3A_587 : i32 to index
      %swap3A_589 = arith.constant 0 : index
      %swap3A_590 = tpu.vector_load %arg8[%swap3A_588, %swap3A_589] {strides = array<i32>} : memref<4x112xi32, #tpu.memory_space<vmem>>, vector<1x16xi32>,
      %swap3A_591 = vector.shape_cast %swap3A_590 : vector<1x16xi32> to vector<16xi32>
      %swap3A_592 = vector.shape_cast %select_n3A_586 : vector<16xi32> to vector<1x16xi32>
      tpu.vector_store %arg8[%swap3A_588, %swap3A_589], %swap3A_592 {strides = array<i32>} : memref<4x112xi32, #tpu.memory_space<vmem>>, vector<1x16xi32>,
      %get3A_593 = arith.constant 1 : i32
      %get3A_594 = arith.index_cast %get3A_593 : i32 to index
      %get3A_595 = arith.constant 16 : index
      %get3A_596 = tpu.vector_load %arg9[%get3A_594, %get3A_595] {strides = array<i32>} : memref<4x112xi32, #tpu.memory_space<vmem>>, vector<1x16xi32>,
      %get3A_597 = vector.shape_cast %get3A_596 : vector<1x16xi32> to vector<16xi32>
      %sub3A_598 = vector.broadcast %mul3A_0 : i32 to vector<16xi32>
      %sub3A_599 = arith.subi %get3A_597, %sub3A_598 : vector<16xi32>
      %ge3A_600 = arith.constant 0 : i32
      %ge3A_601 = vector.broadcast %ge3A_600 : i32 to vector<16xi32>
      %ge3A_602 = arith.cmpi sge, %sub3A_599, %ge3A_601 : vector<16xi32>
      %lt3A_603 = arith.constant 25000 : i32
      %lt3A_604 = vector.broadcast %lt3A_603 : i32 to vector<16xi32>
      %lt3A_605 = arith.cmpi slt, %sub3A_599, %lt3A_604 : vector<16xi32>
      %and3A_606 = arith.andi %ge3A_602, %lt3A_605 : vector<16xi1>
      %and3A_607 = arith.constant 15 : i32
      %and3A_608 = vector.broadcast %and3A_607 : i32 to vector<16xi32>
      %and3A_609 = arith.andi %get3A_597, %and3A_608 : vector<16xi32>
      %add3A_610 = arith.constant 25000 : i32
      %add3A_611 = vector.broadcast %add3A_610 : i32 to vector<16xi32>
      %add3A_612 = arith.addi %add3A_611, %and3A_609 : vector<16xi32>
      %select_n3A_613 = arith.select %and3A_606, %sub3A_599, %add3A_612 : vector<16xi1>, vector<16xi32>
      %swap3A_614 = arith.constant 1 : i32
      %swap3A_615 = arith.index_cast %swap3A_614 : i32 to index
      %swap3A_616 = arith.constant 16 : index
      %swap3A_617 = tpu.vector_load %arg10[%swap3A_615, %swap3A_616] {strides = array<i32>} : memref<4x112xi32, #tpu.memory_space<vmem>>, vector<1x16xi32>,
      %swap3A_618 = vector.shape_cast %swap3A_617 : vector<1x16xi32> to vector<16xi32>
      %swap3A_619 = vector.shape_cast %select_n3A_613 : vector<16xi32> to vector<1x16xi32>
      tpu.vector_store %arg10[%swap3A_615, %swap3A_616], %swap3A_619 {strides = array<i32>} : memref<4x112xi32, #tpu.memory_space<vmem>>, vector<1x16xi32>,
      %get3A_620 = arith.constant 1 : i32
      %get3A_621 = arith.index_cast %get3A_620 : i32 to index
      %get3A_622 = arith.constant 16 : index
      %get3A_623 = tpu.vector_load %arg8[%get3A_621, %get3A_622] {strides = array<i32>} : memref<4x112xi32, #tpu.memory_space<vmem>>, vector<1x16xi32>,
      %get3A_624 = vector.shape_cast %get3A_623 : vector<1x16xi32> to vector<16xi32>
      %get3A_625 = arith.constant 0 : i32
      %get3A_626 = arith.index_cast %get3A_625 : i32 to index
      %get3A_627 = arith.constant 16 : index
      %get3A_628 = tpu.vector_load %arg13[%get3A_626, %get3A_627] {strides = array<i32>} : memref<1x128xi32, #tpu.memory_space<vmem>>, vector<1x16xi32>,
      %get3A_629 = vector.shape_cast %get3A_628 : vector<1x16xi32> to vector<16xi32>
      %mul3A_630 = arith.constant 128 : i32
      %mul3A_631 = arith.muli %arg1, %mul3A_630 : i32
      %add3A_632 = vector.broadcast %mul3A_631 : i32 to vector<16xi32>
      %add3A_633 = arith.addi %get3A_629, %add3A_632 : vector<16xi32>
      %select_n3A_634 = arith.select %and3A_606, %get3A_624, %add3A_633 : vector<16xi1>, vector<16xi32>
      %swap3A_635 = arith.constant 1 : i32
      %swap3A_636 = arith.index_cast %swap3A_635 : i32 to index
      %swap3A_637 = arith.constant 16 : index
      %swap3A_638 = tpu.vector_load %arg8[%swap3A_636, %swap3A_637] {strides = array<i32>} : memref<4x112xi32, #tpu.memory_space<vmem>>, vector<1x16xi32>,
      %swap3A_639 = vector.shape_cast %swap3A_638 : vector<1x16xi32> to vector<16xi32>
      %swap3A_640 = vector.shape_cast %select_n3A_634 : vector<16xi32> to vector<1x16xi32>
      tpu.vector_store %arg8[%swap3A_636, %swap3A_637], %swap3A_640 {strides = array<i32>} : memref<4x112xi32, #tpu.memory_space<vmem>>, vector<1x16xi32>,
      %get3A_641 = arith.constant 1 : i32
      %get3A_642 = arith.index_cast %get3A_641 : i32 to index
      %get3A_643 = arith.constant 32 : index
      %get3A_644 = tpu.vector_load %arg9[%get3A_642, %get3A_643] {strides = array<i32>} : memref<4x112xi32, #tpu.memory_space<vmem>>, vector<1x16xi32>,
      %get3A_645 = vector.shape_cast %get3A_644 : vector<1x16xi32> to vector<16xi32>
      %sub3A_646 = vector.broadcast %mul3A_0 : i32 to vector<16xi32>
      %sub3A_647 = arith.subi %get3A_645, %sub3A_646 : vector<16xi32>
      %ge3A_648 = arith.constant 0 : i32
      %ge3A_649 = vector.broadcast %ge3A_648 : i32 to vector<16xi32>
      %ge3A_650 = arith.cmpi sge, %sub3A_647, %ge3A_649 : vector<16xi32>
      %lt3A_651 = arith.constant 25000 : i32
      %lt3A_652 = vector.broadcast %lt3A_651 : i32 to vector<16xi32>
      %lt3A_653 = arith.cmpi slt, %sub3A_647, %lt3A_652 : vector<16xi32>
      %and3A_654 = arith.andi %ge3A_650, %lt3A_653 : vector<16xi1>
      %and3A_655 = arith.constant 15 : i32
      %and3A_656 = vector.broadcast %and3A_655 : i32 to vector<16xi32>
      %and3A_657 = arith.andi %get3A_645, %and3A_656 : vector<16xi32>
      %add3A_658 = arith.constant 25000 : i32
      %add3A_659 = vector.broadcast %add3A_658 : i32 to vector<16xi32>
      %add3A_660 = arith.addi %add3A_659, %and3A_657 : vector<16xi32>
      %select_n3A_661 = arith.select %and3A_654, %sub3A_647, %add3A_660 : vector<16xi1>, vector<16xi32>
      %swap3A_662 = arith.constant 1 : i32
      %swap3A_663 = arith.index_cast %swap3A_662 : i32 to index
      %swap3A_664 = arith.constant 32 : index
      %swap3A_665 = tpu.vector_load %arg10[%swap3A_663, %swap3A_664] {strides = array<i32>} : memref<4x112xi32, #tpu.memory_space<vmem>>, vector<1x16xi32>,
      %swap3A_666 = vector.shape_cast %swap3A_665 : vector<1x16xi32> to vector<16xi32>
      %swap3A_667 = vector.shape_cast %select_n3A_661 : vector<16xi32> to vector<1x16xi32>
      tpu.vector_store %arg10[%swap3A_663, %swap3A_664], %swap3A_667 {strides = array<i32>} : memref<4x112xi32, #tpu.memory_space<vmem>>, vector<1x16xi32>,
      %get3A_668 = arith.constant 1 : i32
      %get3A_669 = arith.index_cast %get3A_668 : i32 to index
      %get3A_670 = arith.constant 32 : index
      %get3A_671 = tpu.vector_load %arg8[%get3A_669, %get3A_670] {strides = array<i32>} : memref<4x112xi32, #tpu.memory_space<vmem>>, vector<1x16xi32>,
      %get3A_672 = vector.shape_cast %get3A_671 : vector<1x16xi32> to vector<16xi32>
      %get3A_673 = arith.constant 0 : i32
      %get3A_674 = arith.index_cast %get3A_673 : i32 to index
      %get3A_675 = arith.constant 32 : index
      %get3A_676 = tpu.vector_load %arg13[%get3A_674, %get3A_675] {strides = array<i32>} : memref<1x128xi32, #tpu.memory_space<vmem>>, vector<1x16xi32>,
      %get3A_677 = vector.shape_cast %get3A_676 : vector<1x16xi32> to vector<16xi32>
      %mul3A_678 = arith.constant 128 : i32
      %mul3A_679 = arith.muli %arg1, %mul3A_678 : i32
      %add3A_680 = vector.broadcast %mul3A_679 : i32 to vector<16xi32>
      %add3A_681 = arith.addi %get3A_677, %add3A_680 : vector<16xi32>
      %select_n3A_682 = arith.select %and3A_654, %get3A_672, %add3A_681 : vector<16xi1>, vector<16xi32>
      %swap3A_683 = arith.constant 1 : i32
      %swap3A_684 = arith.index_cast %swap3A_683 : i32 to index
      %swap3A_685 = arith.constant 32 : index
      %swap3A_686 = tpu.vector_load %arg8[%swap3A_684, %swap3A_685] {strides = array<i32>} : memref<4x112xi32, #tpu.memory_space<vmem>>, vector<1x16xi32>,
      %swap3A_687 = vector.shape_cast %swap3A_686 : vector<1x16xi32> to vector<16xi32>
      %swap3A_688 = vector.shape_cast %select_n3A_682 : vector<16xi32> to vector<1x16xi32>
      tpu.vector_store %arg8[%swap3A_684, %swap3A_685], %swap3A_688 {strides = array<i32>} : memref<4x112xi32, #tpu.memory_space<vmem>>, vector<1x16xi32>,
      %get3A_689 = arith.constant 1 : i32
      %get3A_690 = arith.index_cast %get3A_689 : i32 to index
      %get3A_691 = arith.constant 48 : index
      %get3A_692 = tpu.vector_load %arg9[%get3A_690, %get3A_691] {strides = array<i32>} : memref<4x112xi32, #tpu.memory_space<vmem>>, vector<1x16xi32>,
      %get3A_693 = vector.shape_cast %get3A_692 : vector<1x16xi32> to vector<16xi32>
      %sub3A_694 = vector.broadcast %mul3A_0 : i32 to vector<16xi32>
      %sub3A_695 = arith.subi %get3A_693, %sub3A_694 : vector<16xi32>
      %ge3A_696 = arith.constant 0 : i32
      %ge3A_697 = vector.broadcast %ge3A_696 : i32 to vector<16xi32>
      %ge3A_698 = arith.cmpi sge, %sub3A_695, %ge3A_697 : vector<16xi32>
      %lt3A_699 = arith.constant 25000 : i32
      %lt3A_700 = vector.broadcast %lt3A_699 : i32 to vector<16xi32>
      %lt3A_701 = arith.cmpi slt, %sub3A_695, %lt3A_700 : vector<16xi32>
      %and3A_702 = arith.andi %ge3A_698, %lt3A_701 : vector<16xi1>
      %and3A_703 = arith.constant 15 : i32
      %and3A_704 = vector.broadcast %and3A_703 : i32 to vector<16xi32>
      %and3A_705 = arith.andi %get3A_693, %and3A_704 : vector<16xi32>
      %add3A_706 = arith.constant 25000 : i32
      %add3A_707 = vector.broadcast %add3A_706 : i32 to vector<16xi32>
      %add3A_708 = arith.addi %add3A_707, %and3A_705 : vector<16xi32>
      %select_n3A_709 = arith.select %and3A_702, %sub3A_695, %add3A_708 : vector<16xi1>, vector<16xi32>
      %swap3A_710 = arith.constant 1 : i32
      %swap3A_711 = arith.index_cast %swap3A_710 : i32 to index
      %swap3A_712 = arith.constant 48 : index
      %swap3A_713 = tpu.vector_load %arg10[%swap3A_711, %swap3A_712] {strides = array<i32>} : memref<4x112xi32, #tpu.memory_space<vmem>>, vector<1x16xi32>,
      %swap3A_714 = vector.shape_cast %swap3A_713 : vector<1x16xi32> to vector<16xi32>
      %swap3A_715 = vector.shape_cast %select_n3A_709 : vector<16xi32> to vector<1x16xi32>
      tpu.vector_store %arg10[%swap3A_711, %swap3A_712], %swap3A_715 {strides = array<i32>} : memref<4x112xi32, #tpu.memory_space<vmem>>, vector<1x16xi32>,
      %get3A_716 = arith.constant 1 : i32
      %get3A_717 = arith.index_cast %get3A_716 : i32 to index
      %get3A_718 = arith.constant 48 : index
      %get3A_719 = tpu.vector_load %arg8[%get3A_717, %get3A_718] {strides = array<i32>} : memref<4x112xi32, #tpu.memory_space<vmem>>, vector<1x16xi32>,
      %get3A_720 = vector.shape_cast %get3A_719 : vector<1x16xi32> to vector<16xi32>
      %get3A_721 = arith.constant 0 : i32
      %get3A_722 = arith.index_cast %get3A_721 : i32 to index
      %get3A_723 = arith.constant 48 : index
      %get3A_724 = tpu.vector_load %arg13[%get3A_722, %get3A_723] {strides = array<i32>} : memref<1x128xi32, #tpu.memory_space<vmem>>, vector<1x16xi32>,
      %get3A_725 = vector.shape_cast %get3A_724 : vector<1x16xi32> to vector<16xi32>
      %mul3A_726 = arith.constant 128 : i32
      %mul3A_727 = arith.muli %arg1, %mul3A_726 : i32
      %add3A_728 = vector.broadcast %mul3A_727 : i32 to vector<16xi32>
      %add3A_729 = arith.addi %get3A_725, %add3A_728 : vector<16xi32>
      %select_n3A_730 = arith.select %and3A_702, %get3A_720, %add3A_729 : vector<16xi1>, vector<16xi32>
      %swap3A_731 = arith.constant 1 : i32
      %swap3A_732 = arith.index_cast %swap3A_731 : i32 to index
      %swap3A_733 = arith.constant 48 : index
      %swap3A_734 = tpu.vector_load %arg8[%swap3A_732, %swap3A_733] {strides = array<i32>} : memref<4x112xi32, #tpu.memory_space<vmem>>, vector<1x16xi32>,
      %swap3A_735 = vector.shape_cast %swap3A_734 : vector<1x16xi32> to vector<16xi32>
      %swap3A_736 = vector.shape_cast %select_n3A_730 : vector<16xi32> to vector<1x16xi32>
      tpu.vector_store %arg8[%swap3A_732, %swap3A_733], %swap3A_736 {strides = array<i32>} : memref<4x112xi32, #tpu.memory_space<vmem>>, vector<1x16xi32>,
      %get3A_737 = arith.constant 1 : i32
      %get3A_738 = arith.index_cast %get3A_737 : i32 to index
      %get3A_739 = arith.constant 64 : index
      %get3A_740 = tpu.vector_load %arg9[%get3A_738, %get3A_739] {strides = array<i32>} : memref<4x112xi32, #tpu.memory_space<vmem>>, vector<1x16xi32>,
      %get3A_741 = vector.shape_cast %get3A_740 : vector<1x16xi32> to vector<16xi32>
      %sub3A_742 = vector.broadcast %mul3A_0 : i32 to vector<16xi32>
      %sub3A_743 = arith.subi %get3A_741, %sub3A_742 : vector<16xi32>
      %ge3A_744 = arith.constant 0 : i32
      %ge3A_745 = vector.broadcast %ge3A_744 : i32 to vector<16xi32>
      %ge3A_746 = arith.cmpi sge, %sub3A_743, %ge3A_745 : vector<16xi32>
      %lt3A_747 = arith.constant 25000 : i32
      %lt3A_748 = vector.broadcast %lt3A_747 : i32 to vector<16xi32>
      %lt3A_749 = arith.cmpi slt, %sub3A_743, %lt3A_748 : vector<16xi32>
      %and3A_750 = arith.andi %ge3A_746, %lt3A_749 : vector<16xi1>
      %and3A_751 = arith.constant 15 : i32
      %and3A_752 = vector.broadcast %and3A_751 : i32 to vector<16xi32>
      %and3A_753 = arith.andi %get3A_741, %and3A_752 : vector<16xi32>
      %add3A_754 = arith.constant 25000 : i32
      %add3A_755 = vector.broadcast %add3A_754 : i32 to vector<16xi32>
      %add3A_756 = arith.addi %add3A_755, %and3A_753 : vector<16xi32>
      %select_n3A_757 = arith.select %and3A_750, %sub3A_743, %add3A_756 : vector<16xi1>, vector<16xi32>
      %swap3A_758 = arith.constant 1 : i32
      %swap3A_759 = arith.index_cast %swap3A_758 : i32 to index
      %swap3A_760 = arith.constant 64 : index
      %swap3A_761 = tpu.vector_load %arg10[%swap3A_759, %swap3A_760] {strides = array<i32>} : memref<4x112xi32, #tpu.memory_space<vmem>>, vector<1x16xi32>,
      %swap3A_762 = vector.shape_cast %swap3A_761 : vector<1x16xi32> to vector<16xi32>
      %swap3A_763 = vector.shape_cast %select_n3A_757 : vector<16xi32> to vector<1x16xi32>
      tpu.vector_store %arg10[%swap3A_759, %swap3A_760], %swap3A_763 {strides = array<i32>} : memref<4x112xi32, #tpu.memory_space<vmem>>, vector<1x16xi32>,
      %get3A_764 = arith.constant 1 : i32
      %get3A_765 = arith.index_cast %get3A_764 : i32 to index
      %get3A_766 = arith.constant 64 : index
      %get3A_767 = tpu.vector_load %arg8[%get3A_765, %get3A_766] {strides = array<i32>} : memref<4x112xi32, #tpu.memory_space<vmem>>, vector<1x16xi32>,
      %get3A_768 = vector.shape_cast %get3A_767 : vector<1x16xi32> to vector<16xi32>
      %get3A_769 = arith.constant 0 : i32
      %get3A_770 = arith.index_cast %get3A_769 : i32 to index
      %get3A_771 = arith.constant 64 : index
      %get3A_772 = tpu.vector_load %arg13[%get3A_770, %get3A_771] {strides = array<i32>} : memref<1x128xi32, #tpu.memory_space<vmem>>, vector<1x16xi32>,
      %get3A_773 = vector.shape_cast %get3A_772 : vector<1x16xi32> to vector<16xi32>
      %mul3A_774 = arith.constant 128 : i32
      %mul3A_775 = arith.muli %arg1, %mul3A_774 : i32
      %add3A_776 = vector.broadcast %mul3A_775 : i32 to vector<16xi32>
      %add3A_777 = arith.addi %get3A_773, %add3A_776 : vector<16xi32>
      %select_n3A_778 = arith.select %and3A_750, %get3A_768, %add3A_777 : vector<16xi1>, vector<16xi32>
      %swap3A_779 = arith.constant 1 : i32
      %swap3A_780 = arith.index_cast %swap3A_779 : i32 to index
      %swap3A_781 = arith.constant 64 : index
      %swap3A_782 = tpu.vector_load %arg8[%swap3A_780, %swap3A_781] {strides = array<i32>} : memref<4x112xi32, #tpu.memory_space<vmem>>, vector<1x16xi32>,
      %swap3A_783 = vector.shape_cast %swap3A_782 : vector<1x16xi32> to vector<16xi32>
      %swap3A_784 = vector.shape_cast %select_n3A_778 : vector<16xi32> to vector<1x16xi32>
      tpu.vector_store %arg8[%swap3A_780, %swap3A_781], %swap3A_784 {strides = array<i32>} : memref<4x112xi32, #tpu.memory_space<vmem>>, vector<1x16xi32>,
      %get3A_785 = arith.constant 1 : i32
      %get3A_786 = arith.index_cast %get3A_785 : i32 to index
      %get3A_787 = arith.constant 80 : index
      %get3A_788 = tpu.vector_load %arg9[%get3A_786, %get3A_787] {strides = array<i32>} : memref<4x112xi32, #tpu.memory_space<vmem>>, vector<1x16xi32>,
      %get3A_789 = vector.shape_cast %get3A_788 : vector<1x16xi32> to vector<16xi32>
      %sub3A_790 = vector.broadcast %mul3A_0 : i32 to vector<16xi32>
      %sub3A_791 = arith.subi %get3A_789, %sub3A_790 : vector<16xi32>
      %ge3A_792 = arith.constant 0 : i32
      %ge3A_793 = vector.broadcast %ge3A_792 : i32 to vector<16xi32>
      %ge3A_794 = arith.cmpi sge, %sub3A_791, %ge3A_793 : vector<16xi32>
      %lt3A_795 = arith.constant 25000 : i32
      %lt3A_796 = vector.broadcast %lt3A_795 : i32 to vector<16xi32>
      %lt3A_797 = arith.cmpi slt, %sub3A_791, %lt3A_796 : vector<16xi32>
      %and3A_798 = arith.andi %ge3A_794, %lt3A_797 : vector<16xi1>
      %and3A_799 = arith.constant 15 : i32
      %and3A_800 = vector.broadcast %and3A_799 : i32 to vector<16xi32>
      %and3A_801 = arith.andi %get3A_789, %and3A_800 : vector<16xi32>
      %add3A_802 = arith.constant 25000 : i32
      %add3A_803 = vector.broadcast %add3A_802 : i32 to vector<16xi32>
      %add3A_804 = arith.addi %add3A_803, %and3A_801 : vector<16xi32>
      %select_n3A_805 = arith.select %and3A_798, %sub3A_791, %add3A_804 : vector<16xi1>, vector<16xi32>
      %swap3A_806 = arith.constant 1 : i32
      %swap3A_807 = arith.index_cast %swap3A_806 : i32 to index
      %swap3A_808 = arith.constant 80 : index
      %swap3A_809 = tpu.vector_load %arg10[%swap3A_807, %swap3A_808] {strides = array<i32>} : memref<4x112xi32, #tpu.memory_space<vmem>>, vector<1x16xi32>,
      %swap3A_810 = vector.shape_cast %swap3A_809 : vector<1x16xi32> to vector<16xi32>
      %swap3A_811 = vector.shape_cast %select_n3A_805 : vector<16xi32> to vector<1x16xi32>
      tpu.vector_store %arg10[%swap3A_807, %swap3A_808], %swap3A_811 {strides = array<i32>} : memref<4x112xi32, #tpu.memory_space<vmem>>, vector<1x16xi32>,
      %get3A_812 = arith.constant 1 : i32
      %get3A_813 = arith.index_cast %get3A_812 : i32 to index
      %get3A_814 = arith.constant 80 : index
      %get3A_815 = tpu.vector_load %arg8[%get3A_813, %get3A_814] {strides = array<i32>} : memref<4x112xi32, #tpu.memory_space<vmem>>, vector<1x16xi32>,
      %get3A_816 = vector.shape_cast %get3A_815 : vector<1x16xi32> to vector<16xi32>
      %get3A_817 = arith.constant 0 : i32
      %get3A_818 = arith.index_cast %get3A_817 : i32 to index
      %get3A_819 = arith.constant 80 : index
      %get3A_820 = tpu.vector_load %arg13[%get3A_818, %get3A_819] {strides = array<i32>} : memref<1x128xi32, #tpu.memory_space<vmem>>, vector<1x16xi32>,
      %get3A_821 = vector.shape_cast %get3A_820 : vector<1x16xi32> to vector<16xi32>
      %mul3A_822 = arith.constant 128 : i32
      %mul3A_823 = arith.muli %arg1, %mul3A_822 : i32
      %add3A_824 = vector.broadcast %mul3A_823 : i32 to vector<16xi32>
      %add3A_825 = arith.addi %get3A_821, %add3A_824 : vector<16xi32>
      %select_n3A_826 = arith.select %and3A_798, %get3A_816, %add3A_825 : vector<16xi1>, vector<16xi32>
      %swap3A_827 = arith.constant 1 : i32
      %swap3A_828 = arith.index_cast %swap3A_827 : i32 to index
      %swap3A_829 = arith.constant 80 : index
      %swap3A_830 = tpu.vector_load %arg8[%swap3A_828, %swap3A_829] {strides = array<i32>} : memref<4x112xi32, #tpu.memory_space<vmem>>, vector<1x16xi32>,
      %swap3A_831 = vector.shape_cast %swap3A_830 : vector<1x16xi32> to vector<16xi32>
      %swap3A_832 = vector.shape_cast %select_n3A_826 : vector<16xi32> to vector<1x16xi32>
      tpu.vector_store %arg8[%swap3A_828, %swap3A_829], %swap3A_832 {strides = array<i32>} : memref<4x112xi32, #tpu.memory_space<vmem>>, vector<1x16xi32>,
      %get3A_833 = arith.constant 1 : i32
      %get3A_834 = arith.index_cast %get3A_833 : i32 to index
      %get3A_835 = arith.constant 96 : index
      %get3A_836 = tpu.vector_load %arg9[%get3A_834, %get3A_835] {strides = array<i32>} : memref<4x112xi32, #tpu.memory_space<vmem>>, vector<1x16xi32>,
      %get3A_837 = vector.shape_cast %get3A_836 : vector<1x16xi32> to vector<16xi32>
      %sub3A_838 = vector.broadcast %mul3A_0 : i32 to vector<16xi32>
      %sub3A_839 = arith.subi %get3A_837, %sub3A_838 : vector<16xi32>
      %ge3A_840 = arith.constant 0 : i32
      %ge3A_841 = vector.broadcast %ge3A_840 : i32 to vector<16xi32>
      %ge3A_842 = arith.cmpi sge, %sub3A_839, %ge3A_841 : vector<16xi32>
      %lt3A_843 = arith.constant 25000 : i32
      %lt3A_844 = vector.broadcast %lt3A_843 : i32 to vector<16xi32>
      %lt3A_845 = arith.cmpi slt, %sub3A_839, %lt3A_844 : vector<16xi32>
      %and3A_846 = arith.andi %ge3A_842, %lt3A_845 : vector<16xi1>
      %and3A_847 = arith.constant 15 : i32
      %and3A_848 = vector.broadcast %and3A_847 : i32 to vector<16xi32>
      %and3A_849 = arith.andi %get3A_837, %and3A_848 : vector<16xi32>
      %add3A_850 = arith.constant 25000 : i32
      %add3A_851 = vector.broadcast %add3A_850 : i32 to vector<16xi32>
      %add3A_852 = arith.addi %add3A_851, %and3A_849 : vector<16xi32>
      %select_n3A_853 = arith.select %and3A_846, %sub3A_839, %add3A_852 : vector<16xi1>, vector<16xi32>
      %swap3A_854 = arith.constant 1 : i32
      %swap3A_855 = arith.index_cast %swap3A_854 : i32 to index
      %swap3A_856 = arith.constant 96 : index
      %swap3A_857 = tpu.vector_load %arg10[%swap3A_855, %swap3A_856] {strides = array<i32>} : memref<4x112xi32, #tpu.memory_space<vmem>>, vector<1x16xi32>,
      %swap3A_858 = vector.shape_cast %swap3A_857 : vector<1x16xi32> to vector<16xi32>
      %swap3A_859 = vector.shape_cast %select_n3A_853 : vector<16xi32> to vector<1x16xi32>
      tpu.vector_store %arg10[%swap3A_855, %swap3A_856], %swap3A_859 {strides = array<i32>} : memref<4x112xi32, #tpu.memory_space<vmem>>, vector<1x16xi32>,
      %get3A_860 = arith.constant 1 : i32
      %get3A_861 = arith.index_cast %get3A_860 : i32 to index
      %get3A_862 = arith.constant 96 : index
      %get3A_863 = tpu.vector_load %arg8[%get3A_861, %get3A_862] {strides = array<i32>} : memref<4x112xi32, #tpu.memory_space<vmem>>, vector<1x16xi32>,
      %get3A_864 = vector.shape_cast %get3A_863 : vector<1x16xi32> to vector<16xi32>
      %get3A_865 = arith.constant 0 : i32
      %get3A_866 = arith.index_cast %get3A_865 : i32 to index
      %get3A_867 = arith.constant 96 : index
      %get3A_868 = tpu.vector_load %arg13[%get3A_866, %get3A_867] {strides = array<i32>} : memref<1x128xi32, #tpu.memory_space<vmem>>, vector<1x16xi32>,
      %get3A_869 = vector.shape_cast %get3A_868 : vector<1x16xi32> to vector<16xi32>
      %mul3A_870 = arith.constant 128 : i32
      %mul3A_871 = arith.muli %arg1, %mul3A_870 : i32
      %add3A_872 = vector.broadcast %mul3A_871 : i32 to vector<16xi32>
      %add3A_873 = arith.addi %get3A_869, %add3A_872 : vector<16xi32>
      %select_n3A_874 = arith.select %and3A_846, %get3A_864, %add3A_873 : vector<16xi1>, vector<16xi32>
      %swap3A_875 = arith.constant 1 : i32
      %swap3A_876 = arith.index_cast %swap3A_875 : i32 to index
      %swap3A_877 = arith.constant 96 : index
      %swap3A_878 = tpu.vector_load %arg8[%swap3A_876, %swap3A_877] {strides = array<i32>} : memref<4x112xi32, #tpu.memory_space<vmem>>, vector<1x16xi32>,
      %swap3A_879 = vector.shape_cast %swap3A_878 : vector<1x16xi32> to vector<16xi32>
      %swap3A_880 = vector.shape_cast %select_n3A_874 : vector<16xi32> to vector<1x16xi32>
      tpu.vector_store %arg8[%swap3A_876, %swap3A_877], %swap3A_880 {strides = array<i32>} : memref<4x112xi32, #tpu.memory_space<vmem>>, vector<1x16xi32>,
      %dma_start3A_881 = arith.constant 1 : i32
      %dma_start3A_882 = arith.constant 1 : i32
      %dma_start3A_883 = arith.constant 0 : i32
      %dma_start3A_884 = arith.constant 0 : i32
      %dma_start3A_885 = tpu.memref_slice %arg11[%dma_start3A_882, %dma_start3A_883, %dma_start3A_884] : memref<4x112x64xf32, #tpu.memory_space<vmem>> -> memref<1x112x64xf32, #tpu.memory_space<vmem>>
      %dma_start3A_886 = tpu.memref_squeeze %dma_start3A_885 : memref<1x112x64xf32, #tpu.memory_space<vmem>> -> memref<112x64xf32, #tpu.memory_space<vmem>>
      %dma_start3A_887 = arith.constant 0 : i32
      %dma_start3A_888 = tpu.memref_slice %arg8[%dma_start3A_881, %dma_start3A_887] : memref<4x112xi32, #tpu.memory_space<vmem>> -> memref<1x112xi32, #tpu.memory_space<vmem>>
      %dma_start3A_889 = tpu.memref_squeeze %dma_start3A_888 : memref<1x112xi32, #tpu.memory_space<vmem>> -> memref<112xi32, #tpu.memory_space<vmem>>
      %dma_start3A_890 = arith.constant 0 : i32
      %dma_start3A_891 = arith.constant 0 : i32
      %dma_start3A_892 = tpu.memref_slice %arg4[%dma_start3A_890, %dma_start3A_891] : memref<50000x64xf32, #tpu.memory_space<hbm>> -> memref<50000x64xf32, #tpu.memory_space<hbm>>
      tpu.enqueue_indirect_dma source(%dma_start3A_892 : memref<50000x64xf32, #tpu.memory_space<hbm>>) target(%dma_start3A_886 : memref<112x64xf32, #tpu.memory_space<vmem>>) offsets(%dma_start3A_889 : memref<112xi32, #tpu.memory_space<vmem>>) semaphore(%arg15 : memref<!tpu.dma_semaphore, #tpu.memory_space<semaphore_mem>>)
      %add3A_893 = arith.constant 2 : i32
      %add3A_894 = arith.addi %add3A_515, %add3A_893 : i32
      %add3A_895 = arith.addi %mul3A_4, %add3A_894 : i32
      %min3A_896 = arith.constant 7167 : i32
      %min3A_897 = arith.minsi %add3A_895, %min3A_896 : i32
      %dma_start3A_898 = arith.constant 2 : i32
      %dma_start3A_899 = arith.constant 0 : i32
      %dma_start3A_900 = tpu.memref_slice %arg8[%dma_start3A_898, %dma_start3A_899] : memref<4x112xi32, #tpu.memory_space<vmem>> -> memref<1x112xi32, #tpu.memory_space<vmem>>
      %dma_start3A_901 = arith.constant 0 : i32
      %dma_start3A_902 = tpu.memref_slice %arg2[%min3A_897, %dma_start3A_901] : memref<7168x112xi32, #tpu.memory_space<hbm>> -> memref<1x112xi32, #tpu.memory_space<hbm>>
      %dma_start3A_903 = arith.constant 2 : i32
      %dma_start3A_904 = arith.constant 0 : i32
      %dma_start3A_905 = tpu.memref_slice %arg8[%dma_start3A_903, %dma_start3A_904] : memref<4x112xi32, #tpu.memory_space<vmem>> -> memref<1x112xi32, #tpu.memory_space<vmem>>
      %dma_start3A_906 = arith.constant 0 : i32
      %dma_start3A_907 = tpu.memref_slice %arg2[%min3A_897, %dma_start3A_906] : memref<7168x112xi32, #tpu.memory_space<hbm>> -> memref<1x112xi32, #tpu.memory_space<hbm>>
      tpu.enqueue_dma source(%dma_start3A_907 : memref<1x112xi32, #tpu.memory_space<hbm>>) target(%dma_start3A_905 : memref<1x112xi32, #tpu.memory_space<vmem>>) target_semaphore(%arg14 : memref<!tpu.dma_semaphore, #tpu.memory_space<semaphore_mem>>)
      %dma_start3A_908 = arith.constant 2 : i32
      %dma_start3A_909 = arith.constant 0 : i32
      %dma_start3A_910 = tpu.memref_slice %arg9[%dma_start3A_908, %dma_start3A_909] : memref<4x112xi32, #tpu.memory_space<vmem>> -> memref<1x112xi32, #tpu.memory_space<vmem>>
      %dma_start3A_911 = arith.constant 0 : i32
      %dma_start3A_912 = tpu.memref_slice %arg3[%min3A_897, %dma_start3A_911] : memref<7168x112xi32, #tpu.memory_space<hbm>> -> memref<1x112xi32, #tpu.memory_space<hbm>>
      %dma_start3A_913 = arith.constant 2 : i32
      %dma_start3A_914 = arith.constant 0 : i32
      %dma_start3A_915 = tpu.memref_slice %arg9[%dma_start3A_913, %dma_start3A_914] : memref<4x112xi32, #tpu.memory_space<vmem>> -> memref<1x112xi32, #tpu.memory_space<vmem>>
      %dma_start3A_916 = arith.constant 0 : i32
      %dma_start3A_917 = tpu.memref_slice %arg3[%min3A_897, %dma_start3A_916] : memref<7168x112xi32, #tpu.memory_space<hbm>> -> memref<1x112xi32, #tpu.memory_space<hbm>>
      tpu.enqueue_dma source(%dma_start3A_917 : memref<1x112xi32, #tpu.memory_space<hbm>>) target(%dma_start3A_915 : memref<1x112xi32, #tpu.memory_space<vmem>>) target_semaphore(%arg14 : memref<!tpu.dma_semaphore, #tpu.memory_space<semaphore_mem>>)
      %ge3A_918 = arith.constant 1 : i32
      %ge3A_919 = arith.cmpi sge, %scan3A_511, %ge3A_918 : i32
      %convert_element_type3A_920 = arith.extui %ge3A_919 : i1 to i32
      %cond3A_921 = arith.constant 0 : i32
      %cond3A_922 = arith.cmpi ne, %convert_element_type3A_920, %cond3A_921 : i32
      scf.if %cond3A_922 {
        %dma_wait3A_2223 = arith.constant 3 : i32
        %dma_wait3A_2224 = arith.constant 0 : i32
        %dma_wait3A_2225 = arith.constant 0 : i32
        %dma_wait3A_2226 = tpu.memref_slice %arg11[%dma_wait3A_2223, %dma_wait3A_2224, %dma_wait3A_2225] : memref<4x112x64xf32, #tpu.memory_space<vmem>> -> memref<1x112x64xf32, #tpu.memory_space<vmem>>
        %dma_wait3A_2227 = tpu.memref_squeeze %dma_wait3A_2226 : memref<1x112x64xf32, #tpu.memory_space<vmem>> -> memref<112x64xf32, #tpu.memory_space<vmem>>
        %dma_wait3A_2228 = arith.constant 0 : i32
        %dma_wait3A_2229 = arith.constant 0 : i32
        %dma_wait3A_2230 = tpu.memref_slice %arg4[%dma_wait3A_2228, %dma_wait3A_2229] : memref<50000x64xf32, #tpu.memory_space<hbm>> -> memref<112x64xf32, #tpu.memory_space<hbm>>
        %dma_wait3A_2231 = arith.constant 0 : i32
        %dma_wait3A_2232 = arith.constant 0 : i32
        %dma_wait3A_2233 = tpu.memref_slice %arg11[%dma_wait3A_2223, %dma_wait3A_2231, %dma_wait3A_2232] : memref<4x112x64xf32, #tpu.memory_space<vmem>> -> memref<1x112x64xf32, #tpu.memory_space<vmem>>
        %dma_wait3A_2234 = tpu.memref_squeeze %dma_wait3A_2233 : memref<1x112x64xf32, #tpu.memory_space<vmem>> -> memref<112x64xf32, #tpu.memory_space<vmem>>
        %dma_wait3A_2235 = arith.constant 0 : i32
        %dma_wait3A_2236 = arith.constant 0 : i32
        %dma_wait3A_2237 = tpu.memref_slice %arg4[%dma_wait3A_2235, %dma_wait3A_2236] : memref<50000x64xf32, #tpu.memory_space<hbm>> -> memref<112x64xf32, #tpu.memory_space<hbm>>
        tpu.wait_dma2 semaphore(%arg15 : memref<!tpu.dma_semaphore, #tpu.memory_space<semaphore_mem>>) src(%dma_wait3A_2237 : memref<112x64xf32, #tpu.memory_space<hbm>>) dst(%dma_wait3A_2234 : memref<112x64xf32, #tpu.memory_space<vmem>>)
        %dma_start3A_2238 = arith.constant 3 : i32
        %dma_start3A_2239 = arith.constant 3 : i32
        %dma_start3A_2240 = arith.constant 0 : i32
        %dma_start3A_2241 = arith.constant 0 : i32
        %dma_start3A_2242 = tpu.memref_slice %arg11[%dma_start3A_2238, %dma_start3A_2240, %dma_start3A_2241] : memref<4x112x64xf32, #tpu.memory_space<vmem>> -> memref<1x112x64xf32, #tpu.memory_space<vmem>>
        %dma_start3A_2243 = tpu.memref_squeeze %dma_start3A_2242 : memref<1x112x64xf32, #tpu.memory_space<vmem>> -> memref<112x64xf32, #tpu.memory_space<vmem>>
        %dma_start3A_2244 = arith.constant 0 : i32
        %dma_start3A_2245 = tpu.memref_slice %arg10[%dma_start3A_2239, %dma_start3A_2244] : memref<4x112xi32, #tpu.memory_space<vmem>> -> memref<1x112xi32, #tpu.memory_space<vmem>>
        %dma_start3A_2246 = tpu.memref_squeeze %dma_start3A_2245 : memref<1x112xi32, #tpu.memory_space<vmem>> -> memref<112xi32, #tpu.memory_space<vmem>>
        %dma_start3A_2247 = arith.constant 0 : i32
        %dma_start3A_2248 = arith.constant 0 : i32
        %dma_start3A_2249 = tpu.memref_slice %arg12[%dma_start3A_2247, %dma_start3A_2248] : memref<25024x64xf32, #tpu.memory_space<vmem_shared>> -> memref<25024x64xf32, #tpu.memory_space<vmem_shared>>
        tpu.enqueue_indirect_dma source(%dma_start3A_2243 : memref<112x64xf32, #tpu.memory_space<vmem>>) target(%dma_start3A_2249 : memref<25024x64xf32, #tpu.memory_space<vmem_shared>>) offsets(%dma_start3A_2246 : memref<112xi32, #tpu.memory_space<vmem>>) semaphore(%arg16 : memref<!tpu.dma_semaphore, #tpu.memory_space<semaphore_mem>>) {add = true}
      } else {
      }
      %mul3A_923 = arith.constant 4 : i32
      %mul3A_924 = arith.muli %scan3A_511, %mul3A_923 : i32
      %add3A_925 = arith.constant 1 : i32
      %add3A_926 = arith.addi %mul3A_924, %add3A_925 : i32
      %ge3A_927 = arith.constant 1 : i32
      %ge3A_928 = arith.cmpi sge, %scan3A_511, %ge3A_927 : i32
      %convert_element_type3A_929 = arith.extui %ge3A_928 : i1 to i32
      %cond3A_930 = arith.constant 0 : i32
      %cond3A_931 = arith.cmpi ne, %convert_element_type3A_929, %cond3A_930 : i32
      scf.if %cond3A_931 {
        %dma_wait3A_2223 = arith.constant 0 : i32
        %dma_wait3A_2224 = arith.constant 0 : i32
        %dma_wait3A_2225 = tpu.memref_slice %arg12[%dma_wait3A_2223, %dma_wait3A_2224] : memref<25024x64xf32, #tpu.memory_space<vmem_shared>> -> memref<112x64xf32, #tpu.memory_space<vmem_shared>>
        %dma_wait3A_2226 = arith.constant 0 : i32
        %dma_wait3A_2227 = arith.constant 0 : i32
        %dma_wait3A_2228 = tpu.memref_slice %arg4[%dma_wait3A_2226, %dma_wait3A_2227] : memref<50000x64xf32, #tpu.memory_space<hbm>> -> memref<112x64xf32, #tpu.memory_space<hbm>>
        tpu.wait_dma2 semaphore(%arg16 : memref<!tpu.dma_semaphore, #tpu.memory_space<semaphore_mem>>) src(%dma_wait3A_2228 : memref<112x64xf32, #tpu.memory_space<hbm>>) dst(%dma_wait3A_2225 : memref<112x64xf32, #tpu.memory_space<vmem_shared>>)
      } else {
      }
      %dma_wait3A_932 = arith.constant 2 : i32
      %dma_wait3A_933 = arith.constant 0 : i32
      %dma_wait3A_934 = tpu.memref_slice %arg8[%dma_wait3A_932, %dma_wait3A_933] : memref<4x112xi32, #tpu.memory_space<vmem>> -> memref<1x112xi32, #tpu.memory_space<vmem>>
      %dma_wait3A_935 = arith.constant 0 : i32
      %dma_wait3A_936 = arith.constant 0 : i32
      %dma_wait3A_937 = tpu.memref_slice %arg2[%dma_wait3A_935, %dma_wait3A_936] : memref<7168x112xi32, #tpu.memory_space<hbm>> -> memref<1x112xi32, #tpu.memory_space<hbm>>
      %dma_wait3A_938 = arith.constant 2 : i32
      %dma_wait3A_939 = arith.constant 0 : i32
      %dma_wait3A_940 = tpu.memref_slice %arg8[%dma_wait3A_938, %dma_wait3A_939] : memref<4x112xi32, #tpu.memory_space<vmem>> -> memref<1x112xi32, #tpu.memory_space<vmem>>
      %dma_wait3A_941 = arith.constant 0 : i32
      %dma_wait3A_942 = arith.constant 0 : i32
      %dma_wait3A_943 = tpu.memref_slice %arg2[%dma_wait3A_941, %dma_wait3A_942] : memref<7168x112xi32, #tpu.memory_space<hbm>> -> memref<1x112xi32, #tpu.memory_space<hbm>>
      tpu.wait_dma2 semaphore(%arg14 : memref<!tpu.dma_semaphore, #tpu.memory_space<semaphore_mem>>) src(%dma_wait3A_943 : memref<1x112xi32, #tpu.memory_space<hbm>>) dst(%dma_wait3A_940 : memref<1x112xi32, #tpu.memory_space<vmem>>)
      %dma_wait3A_944 = arith.constant 2 : i32
      %dma_wait3A_945 = arith.constant 0 : i32
      %dma_wait3A_946 = tpu.memref_slice %arg9[%dma_wait3A_944, %dma_wait3A_945] : memref<4x112xi32, #tpu.memory_space<vmem>> -> memref<1x112xi32, #tpu.memory_space<vmem>>
      %dma_wait3A_947 = arith.constant 0 : i32
      %dma_wait3A_948 = arith.constant 0 : i32
      %dma_wait3A_949 = tpu.memref_slice %arg3[%dma_wait3A_947, %dma_wait3A_948] : memref<7168x112xi32, #tpu.memory_space<hbm>> -> memref<1x112xi32, #tpu.memory_space<hbm>>
      %dma_wait3A_950 = arith.constant 2 : i32
      %dma_wait3A_951 = arith.constant 0 : i32
      %dma_wait3A_952 = tpu.memref_slice %arg9[%dma_wait3A_950, %dma_wait3A_951] : memref<4x112xi32, #tpu.memory_space<vmem>> -> memref<1x112xi32, #tpu.memory_space<vmem>>
      %dma_wait3A_953 = arith.constant 0 : i32
      %dma_wait3A_954 = arith.constant 0 : i32
      %dma_wait3A_955 = tpu.memref_slice %arg3[%dma_wait3A_953, %dma_wait3A_954] : memref<7168x112xi32, #tpu.memory_space<hbm>> -> memref<1x112xi32, #tpu.memory_space<hbm>>
      tpu.wait_dma2 semaphore(%arg14 : memref<!tpu.dma_semaphore, #tpu.memory_space<semaphore_mem>>) src(%dma_wait3A_955 : memref<1x112xi32, #tpu.memory_space<hbm>>) dst(%dma_wait3A_952 : memref<1x112xi32, #tpu.memory_space<vmem>>)
      %get3A_956 = arith.constant 2 : i32
      %get3A_957 = arith.index_cast %get3A_956 : i32 to index
      %get3A_958 = arith.constant 0 : index
      %get3A_959 = tpu.vector_load %arg9[%get3A_957, %get3A_958] {strides = array<i32>} : memref<4x112xi32, #tpu.memory_space<vmem>>, vector<1x16xi32>,
      %get3A_960 = vector.shape_cast %get3A_959 : vector<1x16xi32> to vector<16xi32>
      %sub3A_961 = vector.broadcast %mul3A_0 : i32 to vector<16xi32>
      %sub3A_962 = arith.subi %get3A_960, %sub3A_961 : vector<16xi32>
      %ge3A_963 = arith.constant 0 : i32
      %ge3A_964 = vector.broadcast %ge3A_963 : i32 to vector<16xi32>
      %ge3A_965 = arith.cmpi sge, %sub3A_962, %ge3A_964 : vector<16xi32>
      %lt3A_966 = arith.constant 25000 : i32
      %lt3A_967 = vector.broadcast %lt3A_966 : i32 to vector<16xi32>
      %lt3A_968 = arith.cmpi slt, %sub3A_962, %lt3A_967 : vector<16xi32>
      %and3A_969 = arith.andi %ge3A_965, %lt3A_968 : vector<16xi1>
      %and3A_970 = arith.constant 15 : i32
      %and3A_971 = vector.broadcast %and3A_970 : i32 to vector<16xi32>
      %and3A_972 = arith.andi %get3A_960, %and3A_971 : vector<16xi32>
      %add3A_973 = arith.constant 25000 : i32
      %add3A_974 = vector.broadcast %add3A_973 : i32 to vector<16xi32>
      %add3A_975 = arith.addi %add3A_974, %and3A_972 : vector<16xi32>
      %select_n3A_976 = arith.select %and3A_969, %sub3A_962, %add3A_975 : vector<16xi1>, vector<16xi32>
      %swap3A_977 = arith.constant 2 : i32
      %swap3A_978 = arith.index_cast %swap3A_977 : i32 to index
      %swap3A_979 = arith.constant 0 : index
      %swap3A_980 = tpu.vector_load %arg10[%swap3A_978, %swap3A_979] {strides = array<i32>} : memref<4x112xi32, #tpu.memory_space<vmem>>, vector<1x16xi32>,
      %swap3A_981 = vector.shape_cast %swap3A_980 : vector<1x16xi32> to vector<16xi32>
      %swap3A_982 = vector.shape_cast %select_n3A_976 : vector<16xi32> to vector<1x16xi32>
      tpu.vector_store %arg10[%swap3A_978, %swap3A_979], %swap3A_982 {strides = array<i32>} : memref<4x112xi32, #tpu.memory_space<vmem>>, vector<1x16xi32>,
      %get3A_983 = arith.constant 2 : i32
      %get3A_984 = arith.index_cast %get3A_983 : i32 to index
      %get3A_985 = arith.constant 0 : index
      %get3A_986 = tpu.vector_load %arg8[%get3A_984, %get3A_985] {strides = array<i32>} : memref<4x112xi32, #tpu.memory_space<vmem>>, vector<1x16xi32>,
      %get3A_987 = vector.shape_cast %get3A_986 : vector<1x16xi32> to vector<16xi32>
      %get3A_988 = arith.constant 0 : i32
      %get3A_989 = arith.index_cast %get3A_988 : i32 to index
      %get3A_990 = arith.constant 0 : index
      %get3A_991 = tpu.vector_load %arg13[%get3A_989, %get3A_990] {strides = array<i32>} : memref<1x128xi32, #tpu.memory_space<vmem>>, vector<1x16xi32>,
      %get3A_992 = vector.shape_cast %get3A_991 : vector<1x16xi32> to vector<16xi32>
      %mul3A_993 = arith.constant 128 : i32
      %mul3A_994 = arith.muli %arg1, %mul3A_993 : i32
      %add3A_995 = vector.broadcast %mul3A_994 : i32 to vector<16xi32>
      %add3A_996 = arith.addi %get3A_992, %add3A_995 : vector<16xi32>
      %select_n3A_997 = arith.select %and3A_969, %get3A_987, %add3A_996 : vector<16xi1>, vector<16xi32>
      %swap3A_998 = arith.constant 2 : i32
      %swap3A_999 = arith.index_cast %swap3A_998 : i32 to index
      %swap3A_1000 = arith.constant 0 : index
      %swap3A_1001 = tpu.vector_load %arg8[%swap3A_999, %swap3A_1000] {strides = array<i32>} : memref<4x112xi32, #tpu.memory_space<vmem>>, vector<1x16xi32>,
      %swap3A_1002 = vector.shape_cast %swap3A_1001 : vector<1x16xi32> to vector<16xi32>
      %swap3A_1003 = vector.shape_cast %select_n3A_997 : vector<16xi32> to vector<1x16xi32>
      tpu.vector_store %arg8[%swap3A_999, %swap3A_1000], %swap3A_1003 {strides = array<i32>} : memref<4x112xi32, #tpu.memory_space<vmem>>, vector<1x16xi32>,
      %get3A_1004 = arith.constant 2 : i32
      %get3A_1005 = arith.index_cast %get3A_1004 : i32 to index
      %get3A_1006 = arith.constant 16 : index
      %get3A_1007 = tpu.vector_load %arg9[%get3A_1005, %get3A_1006] {strides = array<i32>} : memref<4x112xi32, #tpu.memory_space<vmem>>, vector<1x16xi32>,
      %get3A_1008 = vector.shape_cast %get3A_1007 : vector<1x16xi32> to vector<16xi32>
      %sub3A_1009 = vector.broadcast %mul3A_0 : i32 to vector<16xi32>
      %sub3A_1010 = arith.subi %get3A_1008, %sub3A_1009 : vector<16xi32>
      %ge3A_1011 = arith.constant 0 : i32
      %ge3A_1012 = vector.broadcast %ge3A_1011 : i32 to vector<16xi32>
      %ge3A_1013 = arith.cmpi sge, %sub3A_1010, %ge3A_1012 : vector<16xi32>
      %lt3A_1014 = arith.constant 25000 : i32
      %lt3A_1015 = vector.broadcast %lt3A_1014 : i32 to vector<16xi32>
      %lt3A_1016 = arith.cmpi slt, %sub3A_1010, %lt3A_1015 : vector<16xi32>
      %and3A_1017 = arith.andi %ge3A_1013, %lt3A_1016 : vector<16xi1>
      %and3A_1018 = arith.constant 15 : i32
      %and3A_1019 = vector.broadcast %and3A_1018 : i32 to vector<16xi32>
      %and3A_1020 = arith.andi %get3A_1008, %and3A_1019 : vector<16xi32>
      %add3A_1021 = arith.constant 25000 : i32
      %add3A_1022 = vector.broadcast %add3A_1021 : i32 to vector<16xi32>
      %add3A_1023 = arith.addi %add3A_1022, %and3A_1020 : vector<16xi32>
      %select_n3A_1024 = arith.select %and3A_1017, %sub3A_1010, %add3A_1023 : vector<16xi1>, vector<16xi32>
      %swap3A_1025 = arith.constant 2 : i32
      %swap3A_1026 = arith.index_cast %swap3A_1025 : i32 to index
      %swap3A_1027 = arith.constant 16 : index
      %swap3A_1028 = tpu.vector_load %arg10[%swap3A_1026, %swap3A_1027] {strides = array<i32>} : memref<4x112xi32, #tpu.memory_space<vmem>>, vector<1x16xi32>,
      %swap3A_1029 = vector.shape_cast %swap3A_1028 : vector<1x16xi32> to vector<16xi32>
      %swap3A_1030 = vector.shape_cast %select_n3A_1024 : vector<16xi32> to vector<1x16xi32>
      tpu.vector_store %arg10[%swap3A_1026, %swap3A_1027], %swap3A_1030 {strides = array<i32>} : memref<4x112xi32, #tpu.memory_space<vmem>>, vector<1x16xi32>,
      %get3A_1031 = arith.constant 2 : i32
      %get3A_1032 = arith.index_cast %get3A_1031 : i32 to index
      %get3A_1033 = arith.constant 16 : index
      %get3A_1034 = tpu.vector_load %arg8[%get3A_1032, %get3A_1033] {strides = array<i32>} : memref<4x112xi32, #tpu.memory_space<vmem>>, vector<1x16xi32>,
      %get3A_1035 = vector.shape_cast %get3A_1034 : vector<1x16xi32> to vector<16xi32>
      %get3A_1036 = arith.constant 0 : i32
      %get3A_1037 = arith.index_cast %get3A_1036 : i32 to index
      %get3A_1038 = arith.constant 16 : index
      %get3A_1039 = tpu.vector_load %arg13[%get3A_1037, %get3A_1038] {strides = array<i32>} : memref<1x128xi32, #tpu.memory_space<vmem>>, vector<1x16xi32>,
      %get3A_1040 = vector.shape_cast %get3A_1039 : vector<1x16xi32> to vector<16xi32>
      %mul3A_1041 = arith.constant 128 : i32
      %mul3A_1042 = arith.muli %arg1, %mul3A_1041 : i32
      %add3A_1043 = vector.broadcast %mul3A_1042 : i32 to vector<16xi32>
      %add3A_1044 = arith.addi %get3A_1040, %add3A_1043 : vector<16xi32>
      %select_n3A_1045 = arith.select %and3A_1017, %get3A_1035, %add3A_1044 : vector<16xi1>, vector<16xi32>
      %swap3A_1046 = arith.constant 2 : i32
      %swap3A_1047 = arith.index_cast %swap3A_1046 : i32 to index
      %swap3A_1048 = arith.constant 16 : index
      %swap3A_1049 = tpu.vector_load %arg8[%swap3A_1047, %swap3A_1048] {strides = array<i32>} : memref<4x112xi32, #tpu.memory_space<vmem>>, vector<1x16xi32>,
      %swap3A_1050 = vector.shape_cast %swap3A_1049 : vector<1x16xi32> to vector<16xi32>
      %swap3A_1051 = vector.shape_cast %select_n3A_1045 : vector<16xi32> to vector<1x16xi32>
      tpu.vector_store %arg8[%swap3A_1047, %swap3A_1048], %swap3A_1051 {strides = array<i32>} : memref<4x112xi32, #tpu.memory_space<vmem>>, vector<1x16xi32>,
      %get3A_1052 = arith.constant 2 : i32
      %get3A_1053 = arith.index_cast %get3A_1052 : i32 to index
      %get3A_1054 = arith.constant 32 : index
      %get3A_1055 = tpu.vector_load %arg9[%get3A_1053, %get3A_1054] {strides = array<i32>} : memref<4x112xi32, #tpu.memory_space<vmem>>, vector<1x16xi32>,
      %get3A_1056 = vector.shape_cast %get3A_1055 : vector<1x16xi32> to vector<16xi32>
      %sub3A_1057 = vector.broadcast %mul3A_0 : i32 to vector<16xi32>
      %sub3A_1058 = arith.subi %get3A_1056, %sub3A_1057 : vector<16xi32>
      %ge3A_1059 = arith.constant 0 : i32
      %ge3A_1060 = vector.broadcast %ge3A_1059 : i32 to vector<16xi32>
      %ge3A_1061 = arith.cmpi sge, %sub3A_1058, %ge3A_1060 : vector<16xi32>
      %lt3A_1062 = arith.constant 25000 : i32
      %lt3A_1063 = vector.broadcast %lt3A_1062 : i32 to vector<16xi32>
      %lt3A_1064 = arith.cmpi slt, %sub3A_1058, %lt3A_1063 : vector<16xi32>
      %and3A_1065 = arith.andi %ge3A_1061, %lt3A_1064 : vector<16xi1>
      %and3A_1066 = arith.constant 15 : i32
      %and3A_1067 = vector.broadcast %and3A_1066 : i32 to vector<16xi32>
      %and3A_1068 = arith.andi %get3A_1056, %and3A_1067 : vector<16xi32>
      %add3A_1069 = arith.constant 25000 : i32
      %add3A_1070 = vector.broadcast %add3A_1069 : i32 to vector<16xi32>
      %add3A_1071 = arith.addi %add3A_1070, %and3A_1068 : vector<16xi32>
      %select_n3A_1072 = arith.select %and3A_1065, %sub3A_1058, %add3A_1071 : vector<16xi1>, vector<16xi32>
      %swap3A_1073 = arith.constant 2 : i32
      %swap3A_1074 = arith.index_cast %swap3A_1073 : i32 to index
      %swap3A_1075 = arith.constant 32 : index
      %swap3A_1076 = tpu.vector_load %arg10[%swap3A_1074, %swap3A_1075] {strides = array<i32>} : memref<4x112xi32, #tpu.memory_space<vmem>>, vector<1x16xi32>,
      %swap3A_1077 = vector.shape_cast %swap3A_1076 : vector<1x16xi32> to vector<16xi32>
      %swap3A_1078 = vector.shape_cast %select_n3A_1072 : vector<16xi32> to vector<1x16xi32>
      tpu.vector_store %arg10[%swap3A_1074, %swap3A_1075], %swap3A_1078 {strides = array<i32>} : memref<4x112xi32, #tpu.memory_space<vmem>>, vector<1x16xi32>,
      %get3A_1079 = arith.constant 2 : i32
      %get3A_1080 = arith.index_cast %get3A_1079 : i32 to index
      %get3A_1081 = arith.constant 32 : index
      %get3A_1082 = tpu.vector_load %arg8[%get3A_1080, %get3A_1081] {strides = array<i32>} : memref<4x112xi32, #tpu.memory_space<vmem>>, vector<1x16xi32>,
      %get3A_1083 = vector.shape_cast %get3A_1082 : vector<1x16xi32> to vector<16xi32>
      %get3A_1084 = arith.constant 0 : i32
      %get3A_1085 = arith.index_cast %get3A_1084 : i32 to index
      %get3A_1086 = arith.constant 32 : index
      %get3A_1087 = tpu.vector_load %arg13[%get3A_1085, %get3A_1086] {strides = array<i32>} : memref<1x128xi32, #tpu.memory_space<vmem>>, vector<1x16xi32>,
      %get3A_1088 = vector.shape_cast %get3A_1087 : vector<1x16xi32> to vector<16xi32>
      %mul3A_1089 = arith.constant 128 : i32
      %mul3A_1090 = arith.muli %arg1, %mul3A_1089 : i32
      %add3A_1091 = vector.broadcast %mul3A_1090 : i32 to vector<16xi32>
      %add3A_1092 = arith.addi %get3A_1088, %add3A_1091 : vector<16xi32>
      %select_n3A_1093 = arith.select %and3A_1065, %get3A_1083, %add3A_1092 : vector<16xi1>, vector<16xi32>
      %swap3A_1094 = arith.constant 2 : i32
      %swap3A_1095 = arith.index_cast %swap3A_1094 : i32 to index
      %swap3A_1096 = arith.constant 32 : index
      %swap3A_1097 = tpu.vector_load %arg8[%swap3A_1095, %swap3A_1096] {strides = array<i32>} : memref<4x112xi32, #tpu.memory_space<vmem>>, vector<1x16xi32>,
      %swap3A_1098 = vector.shape_cast %swap3A_1097 : vector<1x16xi32> to vector<16xi32>
      %swap3A_1099 = vector.shape_cast %select_n3A_1093 : vector<16xi32> to vector<1x16xi32>
      tpu.vector_store %arg8[%swap3A_1095, %swap3A_1096], %swap3A_1099 {strides = array<i32>} : memref<4x112xi32, #tpu.memory_space<vmem>>, vector<1x16xi32>,
      %get3A_1100 = arith.constant 2 : i32
      %get3A_1101 = arith.index_cast %get3A_1100 : i32 to index
      %get3A_1102 = arith.constant 48 : index
      %get3A_1103 = tpu.vector_load %arg9[%get3A_1101, %get3A_1102] {strides = array<i32>} : memref<4x112xi32, #tpu.memory_space<vmem>>, vector<1x16xi32>,
      %get3A_1104 = vector.shape_cast %get3A_1103 : vector<1x16xi32> to vector<16xi32>
      %sub3A_1105 = vector.broadcast %mul3A_0 : i32 to vector<16xi32>
      %sub3A_1106 = arith.subi %get3A_1104, %sub3A_1105 : vector<16xi32>
      %ge3A_1107 = arith.constant 0 : i32
      %ge3A_1108 = vector.broadcast %ge3A_1107 : i32 to vector<16xi32>
      %ge3A_1109 = arith.cmpi sge, %sub3A_1106, %ge3A_1108 : vector<16xi32>
      %lt3A_1110 = arith.constant 25000 : i32
      %lt3A_1111 = vector.broadcast %lt3A_1110 : i32 to vector<16xi32>
      %lt3A_1112 = arith.cmpi slt, %sub3A_1106, %lt3A_1111 : vector<16xi32>
      %and3A_1113 = arith.andi %ge3A_1109, %lt3A_1112 : vector<16xi1>
      %and3A_1114 = arith.constant 15 : i32
      %and3A_1115 = vector.broadcast %and3A_1114 : i32 to vector<16xi32>
      %and3A_1116 = arith.andi %get3A_1104, %and3A_1115 : vector<16xi32>
      %add3A_1117 = arith.constant 25000 : i32
      %add3A_1118 = vector.broadcast %add3A_1117 : i32 to vector<16xi32>
      %add3A_1119 = arith.addi %add3A_1118, %and3A_1116 : vector<16xi32>
      %select_n3A_1120 = arith.select %and3A_1113, %sub3A_1106, %add3A_1119 : vector<16xi1>, vector<16xi32>
      %swap3A_1121 = arith.constant 2 : i32
      %swap3A_1122 = arith.index_cast %swap3A_1121 : i32 to index
      %swap3A_1123 = arith.constant 48 : index
      %swap3A_1124 = tpu.vector_load %arg10[%swap3A_1122, %swap3A_1123] {strides = array<i32>} : memref<4x112xi32, #tpu.memory_space<vmem>>, vector<1x16xi32>,
      %swap3A_1125 = vector.shape_cast %swap3A_1124 : vector<1x16xi32> to vector<16xi32>
      %swap3A_1126 = vector.shape_cast %select_n3A_1120 : vector<16xi32> to vector<1x16xi32>
      tpu.vector_store %arg10[%swap3A_1122, %swap3A_1123], %swap3A_1126 {strides = array<i32>} : memref<4x112xi32, #tpu.memory_space<vmem>>, vector<1x16xi32>,
      %get3A_1127 = arith.constant 2 : i32
      %get3A_1128 = arith.index_cast %get3A_1127 : i32 to index
      %get3A_1129 = arith.constant 48 : index
      %get3A_1130 = tpu.vector_load %arg8[%get3A_1128, %get3A_1129] {strides = array<i32>} : memref<4x112xi32, #tpu.memory_space<vmem>>, vector<1x16xi32>,
      %get3A_1131 = vector.shape_cast %get3A_1130 : vector<1x16xi32> to vector<16xi32>
      %get3A_1132 = arith.constant 0 : i32
      %get3A_1133 = arith.index_cast %get3A_1132 : i32 to index
      %get3A_1134 = arith.constant 48 : index
      %get3A_1135 = tpu.vector_load %arg13[%get3A_1133, %get3A_1134] {strides = array<i32>} : memref<1x128xi32, #tpu.memory_space<vmem>>, vector<1x16xi32>,
      %get3A_1136 = vector.shape_cast %get3A_1135 : vector<1x16xi32> to vector<16xi32>
      %mul3A_1137 = arith.constant 128 : i32
      %mul3A_1138 = arith.muli %arg1, %mul3A_1137 : i32
      %add3A_1139 = vector.broadcast %mul3A_1138 : i32 to vector<16xi32>
      %add3A_1140 = arith.addi %get3A_1136, %add3A_1139 : vector<16xi32>
      %select_n3A_1141 = arith.select %and3A_1113, %get3A_1131, %add3A_1140 : vector<16xi1>, vector<16xi32>
      %swap3A_1142 = arith.constant 2 : i32
      %swap3A_1143 = arith.index_cast %swap3A_1142 : i32 to index
      %swap3A_1144 = arith.constant 48 : index
      %swap3A_1145 = tpu.vector_load %arg8[%swap3A_1143, %swap3A_1144] {strides = array<i32>} : memref<4x112xi32, #tpu.memory_space<vmem>>, vector<1x16xi32>,
      %swap3A_1146 = vector.shape_cast %swap3A_1145 : vector<1x16xi32> to vector<16xi32>
      %swap3A_1147 = vector.shape_cast %select_n3A_1141 : vector<16xi32> to vector<1x16xi32>
      tpu.vector_store %arg8[%swap3A_1143, %swap3A_1144], %swap3A_1147 {strides = array<i32>} : memref<4x112xi32, #tpu.memory_space<vmem>>, vector<1x16xi32>,
      %get3A_1148 = arith.constant 2 : i32
      %get3A_1149 = arith.index_cast %get3A_1148 : i32 to index
      %get3A_1150 = arith.constant 64 : index
      %get3A_1151 = tpu.vector_load %arg9[%get3A_1149, %get3A_1150] {strides = array<i32>} : memref<4x112xi32, #tpu.memory_space<vmem>>, vector<1x16xi32>,
      %get3A_1152 = vector.shape_cast %get3A_1151 : vector<1x16xi32> to vector<16xi32>
      %sub3A_1153 = vector.broadcast %mul3A_0 : i32 to vector<16xi32>
      %sub3A_1154 = arith.subi %get3A_1152, %sub3A_1153 : vector<16xi32>
      %ge3A_1155 = arith.constant 0 : i32
      %ge3A_1156 = vector.broadcast %ge3A_1155 : i32 to vector<16xi32>
      %ge3A_1157 = arith.cmpi sge, %sub3A_1154, %ge3A_1156 : vector<16xi32>
      %lt3A_1158 = arith.constant 25000 : i32
      %lt3A_1159 = vector.broadcast %lt3A_1158 : i32 to vector<16xi32>
      %lt3A_1160 = arith.cmpi slt, %sub3A_1154, %lt3A_1159 : vector<16xi32>
      %and3A_1161 = arith.andi %ge3A_1157, %lt3A_1160 : vector<16xi1>
      %and3A_1162 = arith.constant 15 : i32
      %and3A_1163 = vector.broadcast %and3A_1162 : i32 to vector<16xi32>
      %and3A_1164 = arith.andi %get3A_1152, %and3A_1163 : vector<16xi32>
      %add3A_1165 = arith.constant 25000 : i32
      %add3A_1166 = vector.broadcast %add3A_1165 : i32 to vector<16xi32>
      %add3A_1167 = arith.addi %add3A_1166, %and3A_1164 : vector<16xi32>
      %select_n3A_1168 = arith.select %and3A_1161, %sub3A_1154, %add3A_1167 : vector<16xi1>, vector<16xi32>
      %swap3A_1169 = arith.constant 2 : i32
      %swap3A_1170 = arith.index_cast %swap3A_1169 : i32 to index
      %swap3A_1171 = arith.constant 64 : index
      %swap3A_1172 = tpu.vector_load %arg10[%swap3A_1170, %swap3A_1171] {strides = array<i32>} : memref<4x112xi32, #tpu.memory_space<vmem>>, vector<1x16xi32>,
      %swap3A_1173 = vector.shape_cast %swap3A_1172 : vector<1x16xi32> to vector<16xi32>
      %swap3A_1174 = vector.shape_cast %select_n3A_1168 : vector<16xi32> to vector<1x16xi32>
      tpu.vector_store %arg10[%swap3A_1170, %swap3A_1171], %swap3A_1174 {strides = array<i32>} : memref<4x112xi32, #tpu.memory_space<vmem>>, vector<1x16xi32>,
      %get3A_1175 = arith.constant 2 : i32
      %get3A_1176 = arith.index_cast %get3A_1175 : i32 to index
      %get3A_1177 = arith.constant 64 : index
      %get3A_1178 = tpu.vector_load %arg8[%get3A_1176, %get3A_1177] {strides = array<i32>} : memref<4x112xi32, #tpu.memory_space<vmem>>, vector<1x16xi32>,
      %get3A_1179 = vector.shape_cast %get3A_1178 : vector<1x16xi32> to vector<16xi32>
      %get3A_1180 = arith.constant 0 : i32
      %get3A_1181 = arith.index_cast %get3A_1180 : i32 to index
      %get3A_1182 = arith.constant 64 : index
      %get3A_1183 = tpu.vector_load %arg13[%get3A_1181, %get3A_1182] {strides = array<i32>} : memref<1x128xi32, #tpu.memory_space<vmem>>, vector<1x16xi32>,
      %get3A_1184 = vector.shape_cast %get3A_1183 : vector<1x16xi32> to vector<16xi32>
      %mul3A_1185 = arith.constant 128 : i32
      %mul3A_1186 = arith.muli %arg1, %mul3A_1185 : i32
      %add3A_1187 = vector.broadcast %mul3A_1186 : i32 to vector<16xi32>
      %add3A_1188 = arith.addi %get3A_1184, %add3A_1187 : vector<16xi32>
      %select_n3A_1189 = arith.select %and3A_1161, %get3A_1179, %add3A_1188 : vector<16xi1>, vector<16xi32>
      %swap3A_1190 = arith.constant 2 : i32
      %swap3A_1191 = arith.index_cast %swap3A_1190 : i32 to index
      %swap3A_1192 = arith.constant 64 : index
      %swap3A_1193 = tpu.vector_load %arg8[%swap3A_1191, %swap3A_1192] {strides = array<i32>} : memref<4x112xi32, #tpu.memory_space<vmem>>, vector<1x16xi32>,
      %swap3A_1194 = vector.shape_cast %swap3A_1193 : vector<1x16xi32> to vector<16xi32>
      %swap3A_1195 = vector.shape_cast %select_n3A_1189 : vector<16xi32> to vector<1x16xi32>
      tpu.vector_store %arg8[%swap3A_1191, %swap3A_1192], %swap3A_1195 {strides = array<i32>} : memref<4x112xi32, #tpu.memory_space<vmem>>, vector<1x16xi32>,
      %get3A_1196 = arith.constant 2 : i32
      %get3A_1197 = arith.index_cast %get3A_1196 : i32 to index
      %get3A_1198 = arith.constant 80 : index
      %get3A_1199 = tpu.vector_load %arg9[%get3A_1197, %get3A_1198] {strides = array<i32>} : memref<4x112xi32, #tpu.memory_space<vmem>>, vector<1x16xi32>,
      %get3A_1200 = vector.shape_cast %get3A_1199 : vector<1x16xi32> to vector<16xi32>
      %sub3A_1201 = vector.broadcast %mul3A_0 : i32 to vector<16xi32>
      %sub3A_1202 = arith.subi %get3A_1200, %sub3A_1201 : vector<16xi32>
      %ge3A_1203 = arith.constant 0 : i32
      %ge3A_1204 = vector.broadcast %ge3A_1203 : i32 to vector<16xi32>
      %ge3A_1205 = arith.cmpi sge, %sub3A_1202, %ge3A_1204 : vector<16xi32>
      %lt3A_1206 = arith.constant 25000 : i32
      %lt3A_1207 = vector.broadcast %lt3A_1206 : i32 to vector<16xi32>
      %lt3A_1208 = arith.cmpi slt, %sub3A_1202, %lt3A_1207 : vector<16xi32>
      %and3A_1209 = arith.andi %ge3A_1205, %lt3A_1208 : vector<16xi1>
      %and3A_1210 = arith.constant 15 : i32
      %and3A_1211 = vector.broadcast %and3A_1210 : i32 to vector<16xi32>
      %and3A_1212 = arith.andi %get3A_1200, %and3A_1211 : vector<16xi32>
      %add3A_1213 = arith.constant 25000 : i32
      %add3A_1214 = vector.broadcast %add3A_1213 : i32 to vector<16xi32>
      %add3A_1215 = arith.addi %add3A_1214, %and3A_1212 : vector<16xi32>
      %select_n3A_1216 = arith.select %and3A_1209, %sub3A_1202, %add3A_1215 : vector<16xi1>, vector<16xi32>
      %swap3A_1217 = arith.constant 2 : i32
      %swap3A_1218 = arith.index_cast %swap3A_1217 : i32 to index
      %swap3A_1219 = arith.constant 80 : index
      %swap3A_1220 = tpu.vector_load %arg10[%swap3A_1218, %swap3A_1219] {strides = array<i32>} : memref<4x112xi32, #tpu.memory_space<vmem>>, vector<1x16xi32>,
      %swap3A_1221 = vector.shape_cast %swap3A_1220 : vector<1x16xi32> to vector<16xi32>
      %swap3A_1222 = vector.shape_cast %select_n3A_1216 : vector<16xi32> to vector<1x16xi32>
      tpu.vector_store %arg10[%swap3A_1218, %swap3A_1219], %swap3A_1222 {strides = array<i32>} : memref<4x112xi32, #tpu.memory_space<vmem>>, vector<1x16xi32>,
      %get3A_1223 = arith.constant 2 : i32
      %get3A_1224 = arith.index_cast %get3A_1223 : i32 to index
      %get3A_1225 = arith.constant 80 : index
      %get3A_1226 = tpu.vector_load %arg8[%get3A_1224, %get3A_1225] {strides = array<i32>} : memref<4x112xi32, #tpu.memory_space<vmem>>, vector<1x16xi32>,
      %get3A_1227 = vector.shape_cast %get3A_1226 : vector<1x16xi32> to vector<16xi32>
      %get3A_1228 = arith.constant 0 : i32
      %get3A_1229 = arith.index_cast %get3A_1228 : i32 to index
      %get3A_1230 = arith.constant 80 : index
      %get3A_1231 = tpu.vector_load %arg13[%get3A_1229, %get3A_1230] {strides = array<i32>} : memref<1x128xi32, #tpu.memory_space<vmem>>, vector<1x16xi32>,
      %get3A_1232 = vector.shape_cast %get3A_1231 : vector<1x16xi32> to vector<16xi32>
      %mul3A_1233 = arith.constant 128 : i32
      %mul3A_1234 = arith.muli %arg1, %mul3A_1233 : i32
      %add3A_1235 = vector.broadcast %mul3A_1234 : i32 to vector<16xi32>
      %add3A_1236 = arith.addi %get3A_1232, %add3A_1235 : vector<16xi32>
      %select_n3A_1237 = arith.select %and3A_1209, %get3A_1227, %add3A_1236 : vector<16xi1>, vector<16xi32>
      %swap3A_1238 = arith.constant 2 : i32
      %swap3A_1239 = arith.index_cast %swap3A_1238 : i32 to index
      %swap3A_1240 = arith.constant 80 : index
      %swap3A_1241 = tpu.vector_load %arg8[%swap3A_1239, %swap3A_1240] {strides = array<i32>} : memref<4x112xi32, #tpu.memory_space<vmem>>, vector<1x16xi32>,
      %swap3A_1242 = vector.shape_cast %swap3A_1241 : vector<1x16xi32> to vector<16xi32>
      %swap3A_1243 = vector.shape_cast %select_n3A_1237 : vector<16xi32> to vector<1x16xi32>
      tpu.vector_store %arg8[%swap3A_1239, %swap3A_1240], %swap3A_1243 {strides = array<i32>} : memref<4x112xi32, #tpu.memory_space<vmem>>, vector<1x16xi32>,
      %get3A_1244 = arith.constant 2 : i32
      %get3A_1245 = arith.index_cast %get3A_1244 : i32 to index
      %get3A_1246 = arith.constant 96 : index
      %get3A_1247 = tpu.vector_load %arg9[%get3A_1245, %get3A_1246] {strides = array<i32>} : memref<4x112xi32, #tpu.memory_space<vmem>>, vector<1x16xi32>,
      %get3A_1248 = vector.shape_cast %get3A_1247 : vector<1x16xi32> to vector<16xi32>
      %sub3A_1249 = vector.broadcast %mul3A_0 : i32 to vector<16xi32>
      %sub3A_1250 = arith.subi %get3A_1248, %sub3A_1249 : vector<16xi32>
      %ge3A_1251 = arith.constant 0 : i32
      %ge3A_1252 = vector.broadcast %ge3A_1251 : i32 to vector<16xi32>
      %ge3A_1253 = arith.cmpi sge, %sub3A_1250, %ge3A_1252 : vector<16xi32>
      %lt3A_1254 = arith.constant 25000 : i32
      %lt3A_1255 = vector.broadcast %lt3A_1254 : i32 to vector<16xi32>
      %lt3A_1256 = arith.cmpi slt, %sub3A_1250, %lt3A_1255 : vector<16xi32>
      %and3A_1257 = arith.andi %ge3A_1253, %lt3A_1256 : vector<16xi1>
      %and3A_1258 = arith.constant 15 : i32
      %and3A_1259 = vector.broadcast %and3A_1258 : i32 to vector<16xi32>
      %and3A_1260 = arith.andi %get3A_1248, %and3A_1259 : vector<16xi32>
      %add3A_1261 = arith.constant 25000 : i32
      %add3A_1262 = vector.broadcast %add3A_1261 : i32 to vector<16xi32>
      %add3A_1263 = arith.addi %add3A_1262, %and3A_1260 : vector<16xi32>
      %select_n3A_1264 = arith.select %and3A_1257, %sub3A_1250, %add3A_1263 : vector<16xi1>, vector<16xi32>
      %swap3A_1265 = arith.constant 2 : i32
      %swap3A_1266 = arith.index_cast %swap3A_1265 : i32 to index
      %swap3A_1267 = arith.constant 96 : index
      %swap3A_1268 = tpu.vector_load %arg10[%swap3A_1266, %swap3A_1267] {strides = array<i32>} : memref<4x112xi32, #tpu.memory_space<vmem>>, vector<1x16xi32>,
      %swap3A_1269 = vector.shape_cast %swap3A_1268 : vector<1x16xi32> to vector<16xi32>
      %swap3A_1270 = vector.shape_cast %select_n3A_1264 : vector<16xi32> to vector<1x16xi32>
      tpu.vector_store %arg10[%swap3A_1266, %swap3A_1267], %swap3A_1270 {strides = array<i32>} : memref<4x112xi32, #tpu.memory_space<vmem>>, vector<1x16xi32>,
      %get3A_1271 = arith.constant 2 : i32
      %get3A_1272 = arith.index_cast %get3A_1271 : i32 to index
      %get3A_1273 = arith.constant 96 : index
      %get3A_1274 = tpu.vector_load %arg8[%get3A_1272, %get3A_1273] {strides = array<i32>} : memref<4x112xi32, #tpu.memory_space<vmem>>, vector<1x16xi32>,
      %get3A_1275 = vector.shape_cast %get3A_1274 : vector<1x16xi32> to vector<16xi32>
      %get3A_1276 = arith.constant 0 : i32
      %get3A_1277 = arith.index_cast %get3A_1276 : i32 to index
      %get3A_1278 = arith.constant 96 : index
      %get3A_1279 = tpu.vector_load %arg13[%get3A_1277, %get3A_1278] {strides = array<i32>} : memref<1x128xi32, #tpu.memory_space<vmem>>, vector<1x16xi32>,
      %get3A_1280 = vector.shape_cast %get3A_1279 : vector<1x16xi32> to vector<16xi32>
      %mul3A_1281 = arith.constant 128 : i32
      %mul3A_1282 = arith.muli %arg1, %mul3A_1281 : i32
      %add3A_1283 = vector.broadcast %mul3A_1282 : i32 to vector<16xi32>
      %add3A_1284 = arith.addi %get3A_1280, %add3A_1283 : vector<16xi32>
      %select_n3A_1285 = arith.select %and3A_1257, %get3A_1275, %add3A_1284 : vector<16xi1>, vector<16xi32>
      %swap3A_1286 = arith.constant 2 : i32
      %swap3A_1287 = arith.index_cast %swap3A_1286 : i32 to index
      %swap3A_1288 = arith.constant 96 : index
      %swap3A_1289 = tpu.vector_load %arg8[%swap3A_1287, %swap3A_1288] {strides = array<i32>} : memref<4x112xi32, #tpu.memory_space<vmem>>, vector<1x16xi32>,
      %swap3A_1290 = vector.shape_cast %swap3A_1289 : vector<1x16xi32> to vector<16xi32>
      %swap3A_1291 = vector.shape_cast %select_n3A_1285 : vector<16xi32> to vector<1x16xi32>
      tpu.vector_store %arg8[%swap3A_1287, %swap3A_1288], %swap3A_1291 {strides = array<i32>} : memref<4x112xi32, #tpu.memory_space<vmem>>, vector<1x16xi32>,
      %dma_start3A_1292 = arith.constant 2 : i32
      %dma_start3A_1293 = arith.constant 2 : i32
      %dma_start3A_1294 = arith.constant 0 : i32
      %dma_start3A_1295 = arith.constant 0 : i32
      %dma_start3A_1296 = tpu.memref_slice %arg11[%dma_start3A_1293, %dma_start3A_1294, %dma_start3A_1295] : memref<4x112x64xf32, #tpu.memory_space<vmem>> -> memref<1x112x64xf32, #tpu.memory_space<vmem>>
      %dma_start3A_1297 = tpu.memref_squeeze %dma_start3A_1296 : memref<1x112x64xf32, #tpu.memory_space<vmem>> -> memref<112x64xf32, #tpu.memory_space<vmem>>
      %dma_start3A_1298 = arith.constant 0 : i32
      %dma_start3A_1299 = tpu.memref_slice %arg8[%dma_start3A_1292, %dma_start3A_1298] : memref<4x112xi32, #tpu.memory_space<vmem>> -> memref<1x112xi32, #tpu.memory_space<vmem>>
      %dma_start3A_1300 = tpu.memref_squeeze %dma_start3A_1299 : memref<1x112xi32, #tpu.memory_space<vmem>> -> memref<112xi32, #tpu.memory_space<vmem>>
      %dma_start3A_1301 = arith.constant 0 : i32
      %dma_start3A_1302 = arith.constant 0 : i32
      %dma_start3A_1303 = tpu.memref_slice %arg4[%dma_start3A_1301, %dma_start3A_1302] : memref<50000x64xf32, #tpu.memory_space<hbm>> -> memref<50000x64xf32, #tpu.memory_space<hbm>>
      tpu.enqueue_indirect_dma source(%dma_start3A_1303 : memref<50000x64xf32, #tpu.memory_space<hbm>>) target(%dma_start3A_1297 : memref<112x64xf32, #tpu.memory_space<vmem>>) offsets(%dma_start3A_1300 : memref<112xi32, #tpu.memory_space<vmem>>) semaphore(%arg15 : memref<!tpu.dma_semaphore, #tpu.memory_space<semaphore_mem>>)
      %add3A_1304 = arith.constant 2 : i32
      %add3A_1305 = arith.addi %add3A_926, %add3A_1304 : i32
      %add3A_1306 = arith.addi %mul3A_4, %add3A_1305 : i32
      %min3A_1307 = arith.constant 7167 : i32
      %min3A_1308 = arith.minsi %add3A_1306, %min3A_1307 : i32
      %dma_start3A_1309 = arith.constant 3 : i32
      %dma_start3A_1310 = arith.constant 0 : i32
      %dma_start3A_1311 = tpu.memref_slice %arg8[%dma_start3A_1309, %dma_start3A_1310] : memref<4x112xi32, #tpu.memory_space<vmem>> -> memref<1x112xi32, #tpu.memory_space<vmem>>
      %dma_start3A_1312 = arith.constant 0 : i32
      %dma_start3A_1313 = tpu.memref_slice %arg2[%min3A_1308, %dma_start3A_1312] : memref<7168x112xi32, #tpu.memory_space<hbm>> -> memref<1x112xi32, #tpu.memory_space<hbm>>
      %dma_start3A_1314 = arith.constant 3 : i32
      %dma_start3A_1315 = arith.constant 0 : i32
      %dma_start3A_1316 = tpu.memref_slice %arg8[%dma_start3A_1314, %dma_start3A_1315] : memref<4x112xi32, #tpu.memory_space<vmem>> -> memref<1x112xi32, #tpu.memory_space<vmem>>
      %dma_start3A_1317 = arith.constant 0 : i32
      %dma_start3A_1318 = tpu.memref_slice %arg2[%min3A_1308, %dma_start3A_1317] : memref<7168x112xi32, #tpu.memory_space<hbm>> -> memref<1x112xi32, #tpu.memory_space<hbm>>
      tpu.enqueue_dma source(%dma_start3A_1318 : memref<1x112xi32, #tpu.memory_space<hbm>>) target(%dma_start3A_1316 : memref<1x112xi32, #tpu.memory_space<vmem>>) target_semaphore(%arg14 : memref<!tpu.dma_semaphore, #tpu.memory_space<semaphore_mem>>)
      %dma_start3A_1319 = arith.constant 3 : i32
      %dma_start3A_1320 = arith.constant 0 : i32
      %dma_start3A_1321 = tpu.memref_slice %arg9[%dma_start3A_1319, %dma_start3A_1320] : memref<4x112xi32, #tpu.memory_space<vmem>> -> memref<1x112xi32, #tpu.memory_space<vmem>>
      %dma_start3A_1322 = arith.constant 0 : i32
      %dma_start3A_1323 = tpu.memref_slice %arg3[%min3A_1308, %dma_start3A_1322] : memref<7168x112xi32, #tpu.memory_space<hbm>> -> memref<1x112xi32, #tpu.memory_space<hbm>>
      %dma_start3A_1324 = arith.constant 3 : i32
      %dma_start3A_1325 = arith.constant 0 : i32
      %dma_start3A_1326 = tpu.memref_slice %arg9[%dma_start3A_1324, %dma_start3A_1325] : memref<4x112xi32, #tpu.memory_space<vmem>> -> memref<1x112xi32, #tpu.memory_space<vmem>>
      %dma_start3A_1327 = arith.constant 0 : i32
      %dma_start3A_1328 = tpu.memref_slice %arg3[%min3A_1308, %dma_start3A_1327] : memref<7168x112xi32, #tpu.memory_space<hbm>> -> memref<1x112xi32, #tpu.memory_space<hbm>>
      tpu.enqueue_dma source(%dma_start3A_1328 : memref<1x112xi32, #tpu.memory_space<hbm>>) target(%dma_start3A_1326 : memref<1x112xi32, #tpu.memory_space<vmem>>) target_semaphore(%arg14 : memref<!tpu.dma_semaphore, #tpu.memory_space<semaphore_mem>>)
      %dma_wait3A_1329 = arith.constant 0 : i32
      %dma_wait3A_1330 = arith.constant 0 : i32
      %dma_wait3A_1331 = arith.constant 0 : i32
      %dma_wait3A_1332 = tpu.memref_slice %arg11[%dma_wait3A_1329, %dma_wait3A_1330, %dma_wait3A_1331] : memref<4x112x64xf32, #tpu.memory_space<vmem>> -> memref<1x112x64xf32, #tpu.memory_space<vmem>>
      %dma_wait3A_1333 = tpu.memref_squeeze %dma_wait3A_1332 : memref<1x112x64xf32, #tpu.memory_space<vmem>> -> memref<112x64xf32, #tpu.memory_space<vmem>>
      %dma_wait3A_1334 = arith.constant 0 : i32
      %dma_wait3A_1335 = arith.constant 0 : i32
      %dma_wait3A_1336 = tpu.memref_slice %arg4[%dma_wait3A_1334, %dma_wait3A_1335] : memref<50000x64xf32, #tpu.memory_space<hbm>> -> memref<112x64xf32, #tpu.memory_space<hbm>>
      %dma_wait3A_1337 = arith.constant 0 : i32
      %dma_wait3A_1338 = arith.constant 0 : i32
      %dma_wait3A_1339 = tpu.memref_slice %arg11[%dma_wait3A_1329, %dma_wait3A_1337, %dma_wait3A_1338] : memref<4x112x64xf32, #tpu.memory_space<vmem>> -> memref<1x112x64xf32, #tpu.memory_space<vmem>>
      %dma_wait3A_1340 = tpu.memref_squeeze %dma_wait3A_1339 : memref<1x112x64xf32, #tpu.memory_space<vmem>> -> memref<112x64xf32, #tpu.memory_space<vmem>>
      %dma_wait3A_1341 = arith.constant 0 : i32
      %dma_wait3A_1342 = arith.constant 0 : i32
      %dma_wait3A_1343 = tpu.memref_slice %arg4[%dma_wait3A_1341, %dma_wait3A_1342] : memref<50000x64xf32, #tpu.memory_space<hbm>> -> memref<112x64xf32, #tpu.memory_space<hbm>>
      tpu.wait_dma2 semaphore(%arg15 : memref<!tpu.dma_semaphore, #tpu.memory_space<semaphore_mem>>) src(%dma_wait3A_1343 : memref<112x64xf32, #tpu.memory_space<hbm>>) dst(%dma_wait3A_1340 : memref<112x64xf32, #tpu.memory_space<vmem>>)
      %dma_start3A_1344 = arith.constant 0 : i32
      %dma_start3A_1345 = arith.constant 0 : i32
      %dma_start3A_1346 = arith.constant 0 : i32
      %dma_start3A_1347 = arith.constant 0 : i32
      %dma_start3A_1348 = tpu.memref_slice %arg11[%dma_start3A_1344, %dma_start3A_1346, %dma_start3A_1347] : memref<4x112x64xf32, #tpu.memory_space<vmem>> -> memref<1x112x64xf32, #tpu.memory_space<vmem>>
      %dma_start3A_1349 = tpu.memref_squeeze %dma_start3A_1348 : memref<1x112x64xf32, #tpu.memory_space<vmem>> -> memref<112x64xf32, #tpu.memory_space<vmem>>
      %dma_start3A_1350 = arith.constant 0 : i32
      %dma_start3A_1351 = tpu.memref_slice %arg10[%dma_start3A_1345, %dma_start3A_1350] : memref<4x112xi32, #tpu.memory_space<vmem>> -> memref<1x112xi32, #tpu.memory_space<vmem>>
      %dma_start3A_1352 = tpu.memref_squeeze %dma_start3A_1351 : memref<1x112xi32, #tpu.memory_space<vmem>> -> memref<112xi32, #tpu.memory_space<vmem>>
      %dma_start3A_1353 = arith.constant 0 : i32
      %dma_start3A_1354 = arith.constant 0 : i32
      %dma_start3A_1355 = tpu.memref_slice %arg12[%dma_start3A_1353, %dma_start3A_1354] : memref<25024x64xf32, #tpu.memory_space<vmem_shared>> -> memref<25024x64xf32, #tpu.memory_space<vmem_shared>>
      tpu.enqueue_indirect_dma source(%dma_start3A_1349 : memref<112x64xf32, #tpu.memory_space<vmem>>) target(%dma_start3A_1355 : memref<25024x64xf32, #tpu.memory_space<vmem_shared>>) offsets(%dma_start3A_1352 : memref<112xi32, #tpu.memory_space<vmem>>) semaphore(%arg16 : memref<!tpu.dma_semaphore, #tpu.memory_space<semaphore_mem>>) {add = true}
      %mul3A_1356 = arith.constant 4 : i32
      %mul3A_1357 = arith.muli %scan3A_511, %mul3A_1356 : i32
      %add3A_1358 = arith.constant 2 : i32
      %add3A_1359 = arith.addi %mul3A_1357, %add3A_1358 : i32
      %ge3A_1360 = arith.constant 1 : i32
      %ge3A_1361 = arith.cmpi sge, %scan3A_511, %ge3A_1360 : i32
      %convert_element_type3A_1362 = arith.extui %ge3A_1361 : i1 to i32
      %cond3A_1363 = arith.constant 0 : i32
      %cond3A_1364 = arith.cmpi ne, %convert_element_type3A_1362, %cond3A_1363 : i32
      scf.if %cond3A_1364 {
        %dma_wait3A_2223 = arith.constant 0 : i32
        %dma_wait3A_2224 = arith.constant 0 : i32
        %dma_wait3A_2225 = tpu.memref_slice %arg12[%dma_wait3A_2223, %dma_wait3A_2224] : memref<25024x64xf32, #tpu.memory_space<vmem_shared>> -> memref<112x64xf32, #tpu.memory_space<vmem_shared>>
        %dma_wait3A_2226 = arith.constant 0 : i32
        %dma_wait3A_2227 = arith.constant 0 : i32
        %dma_wait3A_2228 = tpu.memref_slice %arg4[%dma_wait3A_2226, %dma_wait3A_2227] : memref<50000x64xf32, #tpu.memory_space<hbm>> -> memref<112x64xf32, #tpu.memory_space<hbm>>
        tpu.wait_dma2 semaphore(%arg16 : memref<!tpu.dma_semaphore, #tpu.memory_space<semaphore_mem>>) src(%dma_wait3A_2228 : memref<112x64xf32, #tpu.memory_space<hbm>>) dst(%dma_wait3A_2225 : memref<112x64xf32, #tpu.memory_space<vmem_shared>>)
      } else {
      }
      %dma_wait3A_1365 = arith.constant 3 : i32
      %dma_wait3A_1366 = arith.constant 0 : i32
      %dma_wait3A_1367 = tpu.memref_slice %arg8[%dma_wait3A_1365, %dma_wait3A_1366] : memref<4x112xi32, #tpu.memory_space<vmem>> -> memref<1x112xi32, #tpu.memory_space<vmem>>
      %dma_wait3A_1368 = arith.constant 0 : i32
      %dma_wait3A_1369 = arith.constant 0 : i32
      %dma_wait3A_1370 = tpu.memref_slice %arg2[%dma_wait3A_1368, %dma_wait3A_1369] : memref<7168x112xi32, #tpu.memory_space<hbm>> -> memref<1x112xi32, #tpu.memory_space<hbm>>
      %dma_wait3A_1371 = arith.constant 3 : i32
      %dma_wait3A_1372 = arith.constant 0 : i32
      %dma_wait3A_1373 = tpu.memref_slice %arg8[%dma_wait3A_1371, %dma_wait3A_1372] : memref<4x112xi32, #tpu.memory_space<vmem>> -> memref<1x112xi32, #tpu.memory_space<vmem>>
      %dma_wait3A_1374 = arith.constant 0 : i32
      %dma_wait3A_1375 = arith.constant 0 : i32
      %dma_wait3A_1376 = tpu.memref_slice %arg2[%dma_wait3A_1374, %dma_wait3A_1375] : memref<7168x112xi32, #tpu.memory_space<hbm>> -> memref<1x112xi32, #tpu.memory_space<hbm>>
      tpu.wait_dma2 semaphore(%arg14 : memref<!tpu.dma_semaphore, #tpu.memory_space<semaphore_mem>>) src(%dma_wait3A_1376 : memref<1x112xi32, #tpu.memory_space<hbm>>) dst(%dma_wait3A_1373 : memref<1x112xi32, #tpu.memory_space<vmem>>)
      %dma_wait3A_1377 = arith.constant 3 : i32
      %dma_wait3A_1378 = arith.constant 0 : i32
      %dma_wait3A_1379 = tpu.memref_slice %arg9[%dma_wait3A_1377, %dma_wait3A_1378] : memref<4x112xi32, #tpu.memory_space<vmem>> -> memref<1x112xi32, #tpu.memory_space<vmem>>
      %dma_wait3A_1380 = arith.constant 0 : i32
      %dma_wait3A_1381 = arith.constant 0 : i32
      %dma_wait3A_1382 = tpu.memref_slice %arg3[%dma_wait3A_1380, %dma_wait3A_1381] : memref<7168x112xi32, #tpu.memory_space<hbm>> -> memref<1x112xi32, #tpu.memory_space<hbm>>
      %dma_wait3A_1383 = arith.constant 3 : i32
      %dma_wait3A_1384 = arith.constant 0 : i32
      %dma_wait3A_1385 = tpu.memref_slice %arg9[%dma_wait3A_1383, %dma_wait3A_1384] : memref<4x112xi32, #tpu.memory_space<vmem>> -> memref<1x112xi32, #tpu.memory_space<vmem>>
      %dma_wait3A_1386 = arith.constant 0 : i32
      %dma_wait3A_1387 = arith.constant 0 : i32
      %dma_wait3A_1388 = tpu.memref_slice %arg3[%dma_wait3A_1386, %dma_wait3A_1387] : memref<7168x112xi32, #tpu.memory_space<hbm>> -> memref<1x112xi32, #tpu.memory_space<hbm>>
      tpu.wait_dma2 semaphore(%arg14 : memref<!tpu.dma_semaphore, #tpu.memory_space<semaphore_mem>>) src(%dma_wait3A_1388 : memref<1x112xi32, #tpu.memory_space<hbm>>) dst(%dma_wait3A_1385 : memref<1x112xi32, #tpu.memory_space<vmem>>)
      %get3A_1389 = arith.constant 3 : i32
      %get3A_1390 = arith.index_cast %get3A_1389 : i32 to index
      %get3A_1391 = arith.constant 0 : index
      %get3A_1392 = tpu.vector_load %arg9[%get3A_1390, %get3A_1391] {strides = array<i32>} : memref<4x112xi32, #tpu.memory_space<vmem>>, vector<1x16xi32>,
      %get3A_1393 = vector.shape_cast %get3A_1392 : vector<1x16xi32> to vector<16xi32>
      %sub3A_1394 = vector.broadcast %mul3A_0 : i32 to vector<16xi32>
      %sub3A_1395 = arith.subi %get3A_1393, %sub3A_1394 : vector<16xi32>
      %ge3A_1396 = arith.constant 0 : i32
      %ge3A_1397 = vector.broadcast %ge3A_1396 : i32 to vector<16xi32>
      %ge3A_1398 = arith.cmpi sge, %sub3A_1395, %ge3A_1397 : vector<16xi32>
      %lt3A_1399 = arith.constant 25000 : i32
      %lt3A_1400 = vector.broadcast %lt3A_1399 : i32 to vector<16xi32>
      %lt3A_1401 = arith.cmpi slt, %sub3A_1395, %lt3A_1400 : vector<16xi32>
      %and3A_1402 = arith.andi %ge3A_1398, %lt3A_1401 : vector<16xi1>
      %and3A_1403 = arith.constant 15 : i32
      %and3A_1404 = vector.broadcast %and3A_1403 : i32 to vector<16xi32>
      %and3A_1405 = arith.andi %get3A_1393, %and3A_1404 : vector<16xi32>
      %add3A_1406 = arith.constant 25000 : i32
      %add3A_1407 = vector.broadcast %add3A_1406 : i32 to vector<16xi32>
      %add3A_1408 = arith.addi %add3A_1407, %and3A_1405 : vector<16xi32>
      %select_n3A_1409 = arith.select %and3A_1402, %sub3A_1395, %add3A_1408 : vector<16xi1>, vector<16xi32>
      %swap3A_1410 = arith.constant 3 : i32
      %swap3A_1411 = arith.index_cast %swap3A_1410 : i32 to index
      %swap3A_1412 = arith.constant 0 : index
      %swap3A_1413 = tpu.vector_load %arg10[%swap3A_1411, %swap3A_1412] {strides = array<i32>} : memref<4x112xi32, #tpu.memory_space<vmem>>, vector<1x16xi32>,
      %swap3A_1414 = vector.shape_cast %swap3A_1413 : vector<1x16xi32> to vector<16xi32>
      %swap3A_1415 = vector.shape_cast %select_n3A_1409 : vector<16xi32> to vector<1x16xi32>
      tpu.vector_store %arg10[%swap3A_1411, %swap3A_1412], %swap3A_1415 {strides = array<i32>} : memref<4x112xi32, #tpu.memory_space<vmem>>, vector<1x16xi32>,
      %get3A_1416 = arith.constant 3 : i32
      %get3A_1417 = arith.index_cast %get3A_1416 : i32 to index
      %get3A_1418 = arith.constant 0 : index
      %get3A_1419 = tpu.vector_load %arg8[%get3A_1417, %get3A_1418] {strides = array<i32>} : memref<4x112xi32, #tpu.memory_space<vmem>>, vector<1x16xi32>,
      %get3A_1420 = vector.shape_cast %get3A_1419 : vector<1x16xi32> to vector<16xi32>
      %get3A_1421 = arith.constant 0 : i32
      %get3A_1422 = arith.index_cast %get3A_1421 : i32 to index
      %get3A_1423 = arith.constant 0 : index
      %get3A_1424 = tpu.vector_load %arg13[%get3A_1422, %get3A_1423] {strides = array<i32>} : memref<1x128xi32, #tpu.memory_space<vmem>>, vector<1x16xi32>,
      %get3A_1425 = vector.shape_cast %get3A_1424 : vector<1x16xi32> to vector<16xi32>
      %mul3A_1426 = arith.constant 128 : i32
      %mul3A_1427 = arith.muli %arg1, %mul3A_1426 : i32
      %add3A_1428 = vector.broadcast %mul3A_1427 : i32 to vector<16xi32>
      %add3A_1429 = arith.addi %get3A_1425, %add3A_1428 : vector<16xi32>
      %select_n3A_1430 = arith.select %and3A_1402, %get3A_1420, %add3A_1429 : vector<16xi1>, vector<16xi32>
      %swap3A_1431 = arith.constant 3 : i32
      %swap3A_1432 = arith.index_cast %swap3A_1431 : i32 to index
      %swap3A_1433 = arith.constant 0 : index
      %swap3A_1434 = tpu.vector_load %arg8[%swap3A_1432, %swap3A_1433] {strides = array<i32>} : memref<4x112xi32, #tpu.memory_space<vmem>>, vector<1x16xi32>,
      %swap3A_1435 = vector.shape_cast %swap3A_1434 : vector<1x16xi32> to vector<16xi32>
      %swap3A_1436 = vector.shape_cast %select_n3A_1430 : vector<16xi32> to vector<1x16xi32>
      tpu.vector_store %arg8[%swap3A_1432, %swap3A_1433], %swap3A_1436 {strides = array<i32>} : memref<4x112xi32, #tpu.memory_space<vmem>>, vector<1x16xi32>,
      %get3A_1437 = arith.constant 3 : i32
      %get3A_1438 = arith.index_cast %get3A_1437 : i32 to index
      %get3A_1439 = arith.constant 16 : index
      %get3A_1440 = tpu.vector_load %arg9[%get3A_1438, %get3A_1439] {strides = array<i32>} : memref<4x112xi32, #tpu.memory_space<vmem>>, vector<1x16xi32>,
      %get3A_1441 = vector.shape_cast %get3A_1440 : vector<1x16xi32> to vector<16xi32>
      %sub3A_1442 = vector.broadcast %mul3A_0 : i32 to vector<16xi32>
      %sub3A_1443 = arith.subi %get3A_1441, %sub3A_1442 : vector<16xi32>
      %ge3A_1444 = arith.constant 0 : i32
      %ge3A_1445 = vector.broadcast %ge3A_1444 : i32 to vector<16xi32>
      %ge3A_1446 = arith.cmpi sge, %sub3A_1443, %ge3A_1445 : vector<16xi32>
      %lt3A_1447 = arith.constant 25000 : i32
      %lt3A_1448 = vector.broadcast %lt3A_1447 : i32 to vector<16xi32>
      %lt3A_1449 = arith.cmpi slt, %sub3A_1443, %lt3A_1448 : vector<16xi32>
      %and3A_1450 = arith.andi %ge3A_1446, %lt3A_1449 : vector<16xi1>
      %and3A_1451 = arith.constant 15 : i32
      %and3A_1452 = vector.broadcast %and3A_1451 : i32 to vector<16xi32>
      %and3A_1453 = arith.andi %get3A_1441, %and3A_1452 : vector<16xi32>
      %add3A_1454 = arith.constant 25000 : i32
      %add3A_1455 = vector.broadcast %add3A_1454 : i32 to vector<16xi32>
      %add3A_1456 = arith.addi %add3A_1455, %and3A_1453 : vector<16xi32>
      %select_n3A_1457 = arith.select %and3A_1450, %sub3A_1443, %add3A_1456 : vector<16xi1>, vector<16xi32>
      %swap3A_1458 = arith.constant 3 : i32
      %swap3A_1459 = arith.index_cast %swap3A_1458 : i32 to index
      %swap3A_1460 = arith.constant 16 : index
      %swap3A_1461 = tpu.vector_load %arg10[%swap3A_1459, %swap3A_1460] {strides = array<i32>} : memref<4x112xi32, #tpu.memory_space<vmem>>, vector<1x16xi32>,
      %swap3A_1462 = vector.shape_cast %swap3A_1461 : vector<1x16xi32> to vector<16xi32>
      %swap3A_1463 = vector.shape_cast %select_n3A_1457 : vector<16xi32> to vector<1x16xi32>
      tpu.vector_store %arg10[%swap3A_1459, %swap3A_1460], %swap3A_1463 {strides = array<i32>} : memref<4x112xi32, #tpu.memory_space<vmem>>, vector<1x16xi32>,
      %get3A_1464 = arith.constant 3 : i32
      %get3A_1465 = arith.index_cast %get3A_1464 : i32 to index
      %get3A_1466 = arith.constant 16 : index
      %get3A_1467 = tpu.vector_load %arg8[%get3A_1465, %get3A_1466] {strides = array<i32>} : memref<4x112xi32, #tpu.memory_space<vmem>>, vector<1x16xi32>,
      %get3A_1468 = vector.shape_cast %get3A_1467 : vector<1x16xi32> to vector<16xi32>
      %get3A_1469 = arith.constant 0 : i32
      %get3A_1470 = arith.index_cast %get3A_1469 : i32 to index
      %get3A_1471 = arith.constant 16 : index
      %get3A_1472 = tpu.vector_load %arg13[%get3A_1470, %get3A_1471] {strides = array<i32>} : memref<1x128xi32, #tpu.memory_space<vmem>>, vector<1x16xi32>,
      %get3A_1473 = vector.shape_cast %get3A_1472 : vector<1x16xi32> to vector<16xi32>
      %mul3A_1474 = arith.constant 128 : i32
      %mul3A_1475 = arith.muli %arg1, %mul3A_1474 : i32
      %add3A_1476 = vector.broadcast %mul3A_1475 : i32 to vector<16xi32>
      %add3A_1477 = arith.addi %get3A_1473, %add3A_1476 : vector<16xi32>
      %select_n3A_1478 = arith.select %and3A_1450, %get3A_1468, %add3A_1477 : vector<16xi1>, vector<16xi32>
      %swap3A_1479 = arith.constant 3 : i32
      %swap3A_1480 = arith.index_cast %swap3A_1479 : i32 to index
      %swap3A_1481 = arith.constant 16 : index
      %swap3A_1482 = tpu.vector_load %arg8[%swap3A_1480, %swap3A_1481] {strides = array<i32>} : memref<4x112xi32, #tpu.memory_space<vmem>>, vector<1x16xi32>,
      %swap3A_1483 = vector.shape_cast %swap3A_1482 : vector<1x16xi32> to vector<16xi32>
      %swap3A_1484 = vector.shape_cast %select_n3A_1478 : vector<16xi32> to vector<1x16xi32>
      tpu.vector_store %arg8[%swap3A_1480, %swap3A_1481], %swap3A_1484 {strides = array<i32>} : memref<4x112xi32, #tpu.memory_space<vmem>>, vector<1x16xi32>,
      %get3A_1485 = arith.constant 3 : i32
      %get3A_1486 = arith.index_cast %get3A_1485 : i32 to index
      %get3A_1487 = arith.constant 32 : index
      %get3A_1488 = tpu.vector_load %arg9[%get3A_1486, %get3A_1487] {strides = array<i32>} : memref<4x112xi32, #tpu.memory_space<vmem>>, vector<1x16xi32>,
      %get3A_1489 = vector.shape_cast %get3A_1488 : vector<1x16xi32> to vector<16xi32>
      %sub3A_1490 = vector.broadcast %mul3A_0 : i32 to vector<16xi32>
      %sub3A_1491 = arith.subi %get3A_1489, %sub3A_1490 : vector<16xi32>
      %ge3A_1492 = arith.constant 0 : i32
      %ge3A_1493 = vector.broadcast %ge3A_1492 : i32 to vector<16xi32>
      %ge3A_1494 = arith.cmpi sge, %sub3A_1491, %ge3A_1493 : vector<16xi32>
      %lt3A_1495 = arith.constant 25000 : i32
      %lt3A_1496 = vector.broadcast %lt3A_1495 : i32 to vector<16xi32>
      %lt3A_1497 = arith.cmpi slt, %sub3A_1491, %lt3A_1496 : vector<16xi32>
      %and3A_1498 = arith.andi %ge3A_1494, %lt3A_1497 : vector<16xi1>
      %and3A_1499 = arith.constant 15 : i32
      %and3A_1500 = vector.broadcast %and3A_1499 : i32 to vector<16xi32>
      %and3A_1501 = arith.andi %get3A_1489, %and3A_1500 : vector<16xi32>
      %add3A_1502 = arith.constant 25000 : i32
      %add3A_1503 = vector.broadcast %add3A_1502 : i32 to vector<16xi32>
      %add3A_1504 = arith.addi %add3A_1503, %and3A_1501 : vector<16xi32>
      %select_n3A_1505 = arith.select %and3A_1498, %sub3A_1491, %add3A_1504 : vector<16xi1>, vector<16xi32>
      %swap3A_1506 = arith.constant 3 : i32
      %swap3A_1507 = arith.index_cast %swap3A_1506 : i32 to index
      %swap3A_1508 = arith.constant 32 : index
      %swap3A_1509 = tpu.vector_load %arg10[%swap3A_1507, %swap3A_1508] {strides = array<i32>} : memref<4x112xi32, #tpu.memory_space<vmem>>, vector<1x16xi32>,
      %swap3A_1510 = vector.shape_cast %swap3A_1509 : vector<1x16xi32> to vector<16xi32>
      %swap3A_1511 = vector.shape_cast %select_n3A_1505 : vector<16xi32> to vector<1x16xi32>
      tpu.vector_store %arg10[%swap3A_1507, %swap3A_1508], %swap3A_1511 {strides = array<i32>} : memref<4x112xi32, #tpu.memory_space<vmem>>, vector<1x16xi32>,
      %get3A_1512 = arith.constant 3 : i32
      %get3A_1513 = arith.index_cast %get3A_1512 : i32 to index
      %get3A_1514 = arith.constant 32 : index
      %get3A_1515 = tpu.vector_load %arg8[%get3A_1513, %get3A_1514] {strides = array<i32>} : memref<4x112xi32, #tpu.memory_space<vmem>>, vector<1x16xi32>,
      %get3A_1516 = vector.shape_cast %get3A_1515 : vector<1x16xi32> to vector<16xi32>
      %get3A_1517 = arith.constant 0 : i32
      %get3A_1518 = arith.index_cast %get3A_1517 : i32 to index
      %get3A_1519 = arith.constant 32 : index
      %get3A_1520 = tpu.vector_load %arg13[%get3A_1518, %get3A_1519] {strides = array<i32>} : memref<1x128xi32, #tpu.memory_space<vmem>>, vector<1x16xi32>,
      %get3A_1521 = vector.shape_cast %get3A_1520 : vector<1x16xi32> to vector<16xi32>
      %mul3A_1522 = arith.constant 128 : i32
      %mul3A_1523 = arith.muli %arg1, %mul3A_1522 : i32
      %add3A_1524 = vector.broadcast %mul3A_1523 : i32 to vector<16xi32>
      %add3A_1525 = arith.addi %get3A_1521, %add3A_1524 : vector<16xi32>
      %select_n3A_1526 = arith.select %and3A_1498, %get3A_1516, %add3A_1525 : vector<16xi1>, vector<16xi32>
      %swap3A_1527 = arith.constant 3 : i32
      %swap3A_1528 = arith.index_cast %swap3A_1527 : i32 to index
      %swap3A_1529 = arith.constant 32 : index
      %swap3A_1530 = tpu.vector_load %arg8[%swap3A_1528, %swap3A_1529] {strides = array<i32>} : memref<4x112xi32, #tpu.memory_space<vmem>>, vector<1x16xi32>,
      %swap3A_1531 = vector.shape_cast %swap3A_1530 : vector<1x16xi32> to vector<16xi32>
      %swap3A_1532 = vector.shape_cast %select_n3A_1526 : vector<16xi32> to vector<1x16xi32>
      tpu.vector_store %arg8[%swap3A_1528, %swap3A_1529], %swap3A_1532 {strides = array<i32>} : memref<4x112xi32, #tpu.memory_space<vmem>>, vector<1x16xi32>,
      %get3A_1533 = arith.constant 3 : i32
      %get3A_1534 = arith.index_cast %get3A_1533 : i32 to index
      %get3A_1535 = arith.constant 48 : index
      %get3A_1536 = tpu.vector_load %arg9[%get3A_1534, %get3A_1535] {strides = array<i32>} : memref<4x112xi32, #tpu.memory_space<vmem>>, vector<1x16xi32>,
      %get3A_1537 = vector.shape_cast %get3A_1536 : vector<1x16xi32> to vector<16xi32>
      %sub3A_1538 = vector.broadcast %mul3A_0 : i32 to vector<16xi32>
      %sub3A_1539 = arith.subi %get3A_1537, %sub3A_1538 : vector<16xi32>
      %ge3A_1540 = arith.constant 0 : i32
      %ge3A_1541 = vector.broadcast %ge3A_1540 : i32 to vector<16xi32>
      %ge3A_1542 = arith.cmpi sge, %sub3A_1539, %ge3A_1541 : vector<16xi32>
      %lt3A_1543 = arith.constant 25000 : i32
      %lt3A_1544 = vector.broadcast %lt3A_1543 : i32 to vector<16xi32>
      %lt3A_1545 = arith.cmpi slt, %sub3A_1539, %lt3A_1544 : vector<16xi32>
      %and3A_1546 = arith.andi %ge3A_1542, %lt3A_1545 : vector<16xi1>
      %and3A_1547 = arith.constant 15 : i32
      %and3A_1548 = vector.broadcast %and3A_1547 : i32 to vector<16xi32>
      %and3A_1549 = arith.andi %get3A_1537, %and3A_1548 : vector<16xi32>
      %add3A_1550 = arith.constant 25000 : i32
      %add3A_1551 = vector.broadcast %add3A_1550 : i32 to vector<16xi32>
      %add3A_1552 = arith.addi %add3A_1551, %and3A_1549 : vector<16xi32>
      %select_n3A_1553 = arith.select %and3A_1546, %sub3A_1539, %add3A_1552 : vector<16xi1>, vector<16xi32>
      %swap3A_1554 = arith.constant 3 : i32
      %swap3A_1555 = arith.index_cast %swap3A_1554 : i32 to index
      %swap3A_1556 = arith.constant 48 : index
      %swap3A_1557 = tpu.vector_load %arg10[%swap3A_1555, %swap3A_1556] {strides = array<i32>} : memref<4x112xi32, #tpu.memory_space<vmem>>, vector<1x16xi32>,
      %swap3A_1558 = vector.shape_cast %swap3A_1557 : vector<1x16xi32> to vector<16xi32>
      %swap3A_1559 = vector.shape_cast %select_n3A_1553 : vector<16xi32> to vector<1x16xi32>
      tpu.vector_store %arg10[%swap3A_1555, %swap3A_1556], %swap3A_1559 {strides = array<i32>} : memref<4x112xi32, #tpu.memory_space<vmem>>, vector<1x16xi32>,
      %get3A_1560 = arith.constant 3 : i32
      %get3A_1561 = arith.index_cast %get3A_1560 : i32 to index
      %get3A_1562 = arith.constant 48 : index
      %get3A_1563 = tpu.vector_load %arg8[%get3A_1561, %get3A_1562] {strides = array<i32>} : memref<4x112xi32, #tpu.memory_space<vmem>>, vector<1x16xi32>,
      %get3A_1564 = vector.shape_cast %get3A_1563 : vector<1x16xi32> to vector<16xi32>
      %get3A_1565 = arith.constant 0 : i32
      %get3A_1566 = arith.index_cast %get3A_1565 : i32 to index
      %get3A_1567 = arith.constant 48 : index
      %get3A_1568 = tpu.vector_load %arg13[%get3A_1566, %get3A_1567] {strides = array<i32>} : memref<1x128xi32, #tpu.memory_space<vmem>>, vector<1x16xi32>,
      %get3A_1569 = vector.shape_cast %get3A_1568 : vector<1x16xi32> to vector<16xi32>
      %mul3A_1570 = arith.constant 128 : i32
      %mul3A_1571 = arith.muli %arg1, %mul3A_1570 : i32
      %add3A_1572 = vector.broadcast %mul3A_1571 : i32 to vector<16xi32>
      %add3A_1573 = arith.addi %get3A_1569, %add3A_1572 : vector<16xi32>
      %select_n3A_1574 = arith.select %and3A_1546, %get3A_1564, %add3A_1573 : vector<16xi1>, vector<16xi32>
      %swap3A_1575 = arith.constant 3 : i32
      %swap3A_1576 = arith.index_cast %swap3A_1575 : i32 to index
      %swap3A_1577 = arith.constant 48 : index
      %swap3A_1578 = tpu.vector_load %arg8[%swap3A_1576, %swap3A_1577] {strides = array<i32>} : memref<4x112xi32, #tpu.memory_space<vmem>>, vector<1x16xi32>,
      %swap3A_1579 = vector.shape_cast %swap3A_1578 : vector<1x16xi32> to vector<16xi32>
      %swap3A_1580 = vector.shape_cast %select_n3A_1574 : vector<16xi32> to vector<1x16xi32>
      tpu.vector_store %arg8[%swap3A_1576, %swap3A_1577], %swap3A_1580 {strides = array<i32>} : memref<4x112xi32, #tpu.memory_space<vmem>>, vector<1x16xi32>,
      %get3A_1581 = arith.constant 3 : i32
      %get3A_1582 = arith.index_cast %get3A_1581 : i32 to index
      %get3A_1583 = arith.constant 64 : index
      %get3A_1584 = tpu.vector_load %arg9[%get3A_1582, %get3A_1583] {strides = array<i32>} : memref<4x112xi32, #tpu.memory_space<vmem>>, vector<1x16xi32>,
      %get3A_1585 = vector.shape_cast %get3A_1584 : vector<1x16xi32> to vector<16xi32>
      %sub3A_1586 = vector.broadcast %mul3A_0 : i32 to vector<16xi32>
      %sub3A_1587 = arith.subi %get3A_1585, %sub3A_1586 : vector<16xi32>
      %ge3A_1588 = arith.constant 0 : i32
      %ge3A_1589 = vector.broadcast %ge3A_1588 : i32 to vector<16xi32>
      %ge3A_1590 = arith.cmpi sge, %sub3A_1587, %ge3A_1589 : vector<16xi32>
      %lt3A_1591 = arith.constant 25000 : i32
      %lt3A_1592 = vector.broadcast %lt3A_1591 : i32 to vector<16xi32>
      %lt3A_1593 = arith.cmpi slt, %sub3A_1587, %lt3A_1592 : vector<16xi32>
      %and3A_1594 = arith.andi %ge3A_1590, %lt3A_1593 : vector<16xi1>
      %and3A_1595 = arith.constant 15 : i32
      %and3A_1596 = vector.broadcast %and3A_1595 : i32 to vector<16xi32>
      %and3A_1597 = arith.andi %get3A_1585, %and3A_1596 : vector<16xi32>
      %add3A_1598 = arith.constant 25000 : i32
      %add3A_1599 = vector.broadcast %add3A_1598 : i32 to vector<16xi32>
      %add3A_1600 = arith.addi %add3A_1599, %and3A_1597 : vector<16xi32>
      %select_n3A_1601 = arith.select %and3A_1594, %sub3A_1587, %add3A_1600 : vector<16xi1>, vector<16xi32>
      %swap3A_1602 = arith.constant 3 : i32
      %swap3A_1603 = arith.index_cast %swap3A_1602 : i32 to index
      %swap3A_1604 = arith.constant 64 : index
      %swap3A_1605 = tpu.vector_load %arg10[%swap3A_1603, %swap3A_1604] {strides = array<i32>} : memref<4x112xi32, #tpu.memory_space<vmem>>, vector<1x16xi32>,
      %swap3A_1606 = vector.shape_cast %swap3A_1605 : vector<1x16xi32> to vector<16xi32>
      %swap3A_1607 = vector.shape_cast %select_n3A_1601 : vector<16xi32> to vector<1x16xi32>
      tpu.vector_store %arg10[%swap3A_1603, %swap3A_1604], %swap3A_1607 {strides = array<i32>} : memref<4x112xi32, #tpu.memory_space<vmem>>, vector<1x16xi32>,
      %get3A_1608 = arith.constant 3 : i32
      %get3A_1609 = arith.index_cast %get3A_1608 : i32 to index
      %get3A_1610 = arith.constant 64 : index
      %get3A_1611 = tpu.vector_load %arg8[%get3A_1609, %get3A_1610] {strides = array<i32>} : memref<4x112xi32, #tpu.memory_space<vmem>>, vector<1x16xi32>,
      %get3A_1612 = vector.shape_cast %get3A_1611 : vector<1x16xi32> to vector<16xi32>
      %get3A_1613 = arith.constant 0 : i32
      %get3A_1614 = arith.index_cast %get3A_1613 : i32 to index
      %get3A_1615 = arith.constant 64 : index
      %get3A_1616 = tpu.vector_load %arg13[%get3A_1614, %get3A_1615] {strides = array<i32>} : memref<1x128xi32, #tpu.memory_space<vmem>>, vector<1x16xi32>,
      %get3A_1617 = vector.shape_cast %get3A_1616 : vector<1x16xi32> to vector<16xi32>
      %mul3A_1618 = arith.constant 128 : i32
      %mul3A_1619 = arith.muli %arg1, %mul3A_1618 : i32
      %add3A_1620 = vector.broadcast %mul3A_1619 : i32 to vector<16xi32>
      %add3A_1621 = arith.addi %get3A_1617, %add3A_1620 : vector<16xi32>
      %select_n3A_1622 = arith.select %and3A_1594, %get3A_1612, %add3A_1621 : vector<16xi1>, vector<16xi32>
      %swap3A_1623 = arith.constant 3 : i32
      %swap3A_1624 = arith.index_cast %swap3A_1623 : i32 to index
      %swap3A_1625 = arith.constant 64 : index
      %swap3A_1626 = tpu.vector_load %arg8[%swap3A_1624, %swap3A_1625] {strides = array<i32>} : memref<4x112xi32, #tpu.memory_space<vmem>>, vector<1x16xi32>,
      %swap3A_1627 = vector.shape_cast %swap3A_1626 : vector<1x16xi32> to vector<16xi32>
      %swap3A_1628 = vector.shape_cast %select_n3A_1622 : vector<16xi32> to vector<1x16xi32>
      tpu.vector_store %arg8[%swap3A_1624, %swap3A_1625], %swap3A_1628 {strides = array<i32>} : memref<4x112xi32, #tpu.memory_space<vmem>>, vector<1x16xi32>,
      %get3A_1629 = arith.constant 3 : i32
      %get3A_1630 = arith.index_cast %get3A_1629 : i32 to index
      %get3A_1631 = arith.constant 80 : index
      %get3A_1632 = tpu.vector_load %arg9[%get3A_1630, %get3A_1631] {strides = array<i32>} : memref<4x112xi32, #tpu.memory_space<vmem>>, vector<1x16xi32>,
      %get3A_1633 = vector.shape_cast %get3A_1632 : vector<1x16xi32> to vector<16xi32>
      %sub3A_1634 = vector.broadcast %mul3A_0 : i32 to vector<16xi32>
      %sub3A_1635 = arith.subi %get3A_1633, %sub3A_1634 : vector<16xi32>
      %ge3A_1636 = arith.constant 0 : i32
      %ge3A_1637 = vector.broadcast %ge3A_1636 : i32 to vector<16xi32>
      %ge3A_1638 = arith.cmpi sge, %sub3A_1635, %ge3A_1637 : vector<16xi32>
      %lt3A_1639 = arith.constant 25000 : i32
      %lt3A_1640 = vector.broadcast %lt3A_1639 : i32 to vector<16xi32>
      %lt3A_1641 = arith.cmpi slt, %sub3A_1635, %lt3A_1640 : vector<16xi32>
      %and3A_1642 = arith.andi %ge3A_1638, %lt3A_1641 : vector<16xi1>
      %and3A_1643 = arith.constant 15 : i32
      %and3A_1644 = vector.broadcast %and3A_1643 : i32 to vector<16xi32>
      %and3A_1645 = arith.andi %get3A_1633, %and3A_1644 : vector<16xi32>
      %add3A_1646 = arith.constant 25000 : i32
      %add3A_1647 = vector.broadcast %add3A_1646 : i32 to vector<16xi32>
      %add3A_1648 = arith.addi %add3A_1647, %and3A_1645 : vector<16xi32>
      %select_n3A_1649 = arith.select %and3A_1642, %sub3A_1635, %add3A_1648 : vector<16xi1>, vector<16xi32>
      %swap3A_1650 = arith.constant 3 : i32
      %swap3A_1651 = arith.index_cast %swap3A_1650 : i32 to index
      %swap3A_1652 = arith.constant 80 : index
      %swap3A_1653 = tpu.vector_load %arg10[%swap3A_1651, %swap3A_1652] {strides = array<i32>} : memref<4x112xi32, #tpu.memory_space<vmem>>, vector<1x16xi32>,
      %swap3A_1654 = vector.shape_cast %swap3A_1653 : vector<1x16xi32> to vector<16xi32>
      %swap3A_1655 = vector.shape_cast %select_n3A_1649 : vector<16xi32> to vector<1x16xi32>
      tpu.vector_store %arg10[%swap3A_1651, %swap3A_1652], %swap3A_1655 {strides = array<i32>} : memref<4x112xi32, #tpu.memory_space<vmem>>, vector<1x16xi32>,
      %get3A_1656 = arith.constant 3 : i32
      %get3A_1657 = arith.index_cast %get3A_1656 : i32 to index
      %get3A_1658 = arith.constant 80 : index
      %get3A_1659 = tpu.vector_load %arg8[%get3A_1657, %get3A_1658] {strides = array<i32>} : memref<4x112xi32, #tpu.memory_space<vmem>>, vector<1x16xi32>,
      %get3A_1660 = vector.shape_cast %get3A_1659 : vector<1x16xi32> to vector<16xi32>
      %get3A_1661 = arith.constant 0 : i32
      %get3A_1662 = arith.index_cast %get3A_1661 : i32 to index
      %get3A_1663 = arith.constant 80 : index
      %get3A_1664 = tpu.vector_load %arg13[%get3A_1662, %get3A_1663] {strides = array<i32>} : memref<1x128xi32, #tpu.memory_space<vmem>>, vector<1x16xi32>,
      %get3A_1665 = vector.shape_cast %get3A_1664 : vector<1x16xi32> to vector<16xi32>
      %mul3A_1666 = arith.constant 128 : i32
      %mul3A_1667 = arith.muli %arg1, %mul3A_1666 : i32
      %add3A_1668 = vector.broadcast %mul3A_1667 : i32 to vector<16xi32>
      %add3A_1669 = arith.addi %get3A_1665, %add3A_1668 : vector<16xi32>
      %select_n3A_1670 = arith.select %and3A_1642, %get3A_1660, %add3A_1669 : vector<16xi1>, vector<16xi32>
      %swap3A_1671 = arith.constant 3 : i32
      %swap3A_1672 = arith.index_cast %swap3A_1671 : i32 to index
      %swap3A_1673 = arith.constant 80 : index
      %swap3A_1674 = tpu.vector_load %arg8[%swap3A_1672, %swap3A_1673] {strides = array<i32>} : memref<4x112xi32, #tpu.memory_space<vmem>>, vector<1x16xi32>,
      %swap3A_1675 = vector.shape_cast %swap3A_1674 : vector<1x16xi32> to vector<16xi32>
      %swap3A_1676 = vector.shape_cast %select_n3A_1670 : vector<16xi32> to vector<1x16xi32>
      tpu.vector_store %arg8[%swap3A_1672, %swap3A_1673], %swap3A_1676 {strides = array<i32>} : memref<4x112xi32, #tpu.memory_space<vmem>>, vector<1x16xi32>,
      %get3A_1677 = arith.constant 3 : i32
      %get3A_1678 = arith.index_cast %get3A_1677 : i32 to index
      %get3A_1679 = arith.constant 96 : index
      %get3A_1680 = tpu.vector_load %arg9[%get3A_1678, %get3A_1679] {strides = array<i32>} : memref<4x112xi32, #tpu.memory_space<vmem>>, vector<1x16xi32>,
      %get3A_1681 = vector.shape_cast %get3A_1680 : vector<1x16xi32> to vector<16xi32>
      %sub3A_1682 = vector.broadcast %mul3A_0 : i32 to vector<16xi32>
      %sub3A_1683 = arith.subi %get3A_1681, %sub3A_1682 : vector<16xi32>
      %ge3A_1684 = arith.constant 0 : i32
      %ge3A_1685 = vector.broadcast %ge3A_1684 : i32 to vector<16xi32>
      %ge3A_1686 = arith.cmpi sge, %sub3A_1683, %ge3A_1685 : vector<16xi32>
      %lt3A_1687 = arith.constant 25000 : i32
      %lt3A_1688 = vector.broadcast %lt3A_1687 : i32 to vector<16xi32>
      %lt3A_1689 = arith.cmpi slt, %sub3A_1683, %lt3A_1688 : vector<16xi32>
      %and3A_1690 = arith.andi %ge3A_1686, %lt3A_1689 : vector<16xi1>
      %and3A_1691 = arith.constant 15 : i32
      %and3A_1692 = vector.broadcast %and3A_1691 : i32 to vector<16xi32>
      %and3A_1693 = arith.andi %get3A_1681, %and3A_1692 : vector<16xi32>
      %add3A_1694 = arith.constant 25000 : i32
      %add3A_1695 = vector.broadcast %add3A_1694 : i32 to vector<16xi32>
      %add3A_1696 = arith.addi %add3A_1695, %and3A_1693 : vector<16xi32>
      %select_n3A_1697 = arith.select %and3A_1690, %sub3A_1683, %add3A_1696 : vector<16xi1>, vector<16xi32>
      %swap3A_1698 = arith.constant 3 : i32
      %swap3A_1699 = arith.index_cast %swap3A_1698 : i32 to index
      %swap3A_1700 = arith.constant 96 : index
      %swap3A_1701 = tpu.vector_load %arg10[%swap3A_1699, %swap3A_1700] {strides = array<i32>} : memref<4x112xi32, #tpu.memory_space<vmem>>, vector<1x16xi32>,
      %swap3A_1702 = vector.shape_cast %swap3A_1701 : vector<1x16xi32> to vector<16xi32>
      %swap3A_1703 = vector.shape_cast %select_n3A_1697 : vector<16xi32> to vector<1x16xi32>
      tpu.vector_store %arg10[%swap3A_1699, %swap3A_1700], %swap3A_1703 {strides = array<i32>} : memref<4x112xi32, #tpu.memory_space<vmem>>, vector<1x16xi32>,
      %get3A_1704 = arith.constant 3 : i32
      %get3A_1705 = arith.index_cast %get3A_1704 : i32 to index
      %get3A_1706 = arith.constant 96 : index
      %get3A_1707 = tpu.vector_load %arg8[%get3A_1705, %get3A_1706] {strides = array<i32>} : memref<4x112xi32, #tpu.memory_space<vmem>>, vector<1x16xi32>,
      %get3A_1708 = vector.shape_cast %get3A_1707 : vector<1x16xi32> to vector<16xi32>
      %get3A_1709 = arith.constant 0 : i32
      %get3A_1710 = arith.index_cast %get3A_1709 : i32 to index
      %get3A_1711 = arith.constant 96 : index
      %get3A_1712 = tpu.vector_load %arg13[%get3A_1710, %get3A_1711] {strides = array<i32>} : memref<1x128xi32, #tpu.memory_space<vmem>>, vector<1x16xi32>,
      %get3A_1713 = vector.shape_cast %get3A_1712 : vector<1x16xi32> to vector<16xi32>
      %mul3A_1714 = arith.constant 128 : i32
      %mul3A_1715 = arith.muli %arg1, %mul3A_1714 : i32
      %add3A_1716 = vector.broadcast %mul3A_1715 : i32 to vector<16xi32>
      %add3A_1717 = arith.addi %get3A_1713, %add3A_1716 : vector<16xi32>
      %select_n3A_1718 = arith.select %and3A_1690, %get3A_1708, %add3A_1717 : vector<16xi1>, vector<16xi32>
      %swap3A_1719 = arith.constant 3 : i32
      %swap3A_1720 = arith.index_cast %swap3A_1719 : i32 to index
      %swap3A_1721 = arith.constant 96 : index
      %swap3A_1722 = tpu.vector_load %arg8[%swap3A_1720, %swap3A_1721] {strides = array<i32>} : memref<4x112xi32, #tpu.memory_space<vmem>>, vector<1x16xi32>,
      %swap3A_1723 = vector.shape_cast %swap3A_1722 : vector<1x16xi32> to vector<16xi32>
      %swap3A_1724 = vector.shape_cast %select_n3A_1718 : vector<16xi32> to vector<1x16xi32>
      tpu.vector_store %arg8[%swap3A_1720, %swap3A_1721], %swap3A_1724 {strides = array<i32>} : memref<4x112xi32, #tpu.memory_space<vmem>>, vector<1x16xi32>,
      %dma_start3A_1725 = arith.constant 3 : i32
      %dma_start3A_1726 = arith.constant 3 : i32
      %dma_start3A_1727 = arith.constant 0 : i32
      %dma_start3A_1728 = arith.constant 0 : i32
      %dma_start3A_1729 = tpu.memref_slice %arg11[%dma_start3A_1726, %dma_start3A_1727, %dma_start3A_1728] : memref<4x112x64xf32, #tpu.memory_space<vmem>> -> memref<1x112x64xf32, #tpu.memory_space<vmem>>
      %dma_start3A_1730 = tpu.memref_squeeze %dma_start3A_1729 : memref<1x112x64xf32, #tpu.memory_space<vmem>> -> memref<112x64xf32, #tpu.memory_space<vmem>>
      %dma_start3A_1731 = arith.constant 0 : i32
      %dma_start3A_1732 = tpu.memref_slice %arg8[%dma_start3A_1725, %dma_start3A_1731] : memref<4x112xi32, #tpu.memory_space<vmem>> -> memref<1x112xi32, #tpu.memory_space<vmem>>
      %dma_start3A_1733 = tpu.memref_squeeze %dma_start3A_1732 : memref<1x112xi32, #tpu.memory_space<vmem>> -> memref<112xi32, #tpu.memory_space<vmem>>
      %dma_start3A_1734 = arith.constant 0 : i32
      %dma_start3A_1735 = arith.constant 0 : i32
      %dma_start3A_1736 = tpu.memref_slice %arg4[%dma_start3A_1734, %dma_start3A_1735] : memref<50000x64xf32, #tpu.memory_space<hbm>> -> memref<50000x64xf32, #tpu.memory_space<hbm>>
      tpu.enqueue_indirect_dma source(%dma_start3A_1736 : memref<50000x64xf32, #tpu.memory_space<hbm>>) target(%dma_start3A_1730 : memref<112x64xf32, #tpu.memory_space<vmem>>) offsets(%dma_start3A_1733 : memref<112xi32, #tpu.memory_space<vmem>>) semaphore(%arg15 : memref<!tpu.dma_semaphore, #tpu.memory_space<semaphore_mem>>)
      %add3A_1737 = arith.constant 2 : i32
      %add3A_1738 = arith.addi %add3A_1359, %add3A_1737 : i32
      %add3A_1739 = arith.addi %mul3A_4, %add3A_1738 : i32
      %min3A_1740 = arith.constant 7167 : i32
      %min3A_1741 = arith.minsi %add3A_1739, %min3A_1740 : i32
      %dma_start3A_1742 = arith.constant 0 : i32
      %dma_start3A_1743 = arith.constant 0 : i32
      %dma_start3A_1744 = tpu.memref_slice %arg8[%dma_start3A_1742, %dma_start3A_1743] : memref<4x112xi32, #tpu.memory_space<vmem>> -> memref<1x112xi32, #tpu.memory_space<vmem>>
      %dma_start3A_1745 = arith.constant 0 : i32
      %dma_start3A_1746 = tpu.memref_slice %arg2[%min3A_1741, %dma_start3A_1745] : memref<7168x112xi32, #tpu.memory_space<hbm>> -> memref<1x112xi32, #tpu.memory_space<hbm>>
      %dma_start3A_1747 = arith.constant 0 : i32
      %dma_start3A_1748 = arith.constant 0 : i32
      %dma_start3A_1749 = tpu.memref_slice %arg8[%dma_start3A_1747, %dma_start3A_1748] : memref<4x112xi32, #tpu.memory_space<vmem>> -> memref<1x112xi32, #tpu.memory_space<vmem>>
      %dma_start3A_1750 = arith.constant 0 : i32
      %dma_start3A_1751 = tpu.memref_slice %arg2[%min3A_1741, %dma_start3A_1750] : memref<7168x112xi32, #tpu.memory_space<hbm>> -> memref<1x112xi32, #tpu.memory_space<hbm>>
      tpu.enqueue_dma source(%dma_start3A_1751 : memref<1x112xi32, #tpu.memory_space<hbm>>) target(%dma_start3A_1749 : memref<1x112xi32, #tpu.memory_space<vmem>>) target_semaphore(%arg14 : memref<!tpu.dma_semaphore, #tpu.memory_space<semaphore_mem>>)
      %dma_start3A_1752 = arith.constant 0 : i32
      %dma_start3A_1753 = arith.constant 0 : i32
      %dma_start3A_1754 = tpu.memref_slice %arg9[%dma_start3A_1752, %dma_start3A_1753] : memref<4x112xi32, #tpu.memory_space<vmem>> -> memref<1x112xi32, #tpu.memory_space<vmem>>
      %dma_start3A_1755 = arith.constant 0 : i32
      %dma_start3A_1756 = tpu.memref_slice %arg3[%min3A_1741, %dma_start3A_1755] : memref<7168x112xi32, #tpu.memory_space<hbm>> -> memref<1x112xi32, #tpu.memory_space<hbm>>
      %dma_start3A_1757 = arith.constant 0 : i32
      %dma_start3A_1758 = arith.constant 0 : i32
      %dma_start3A_1759 = tpu.memref_slice %arg9[%dma_start3A_1757, %dma_start3A_1758] : memref<4x112xi32, #tpu.memory_space<vmem>> -> memref<1x112xi32, #tpu.memory_space<vmem>>
      %dma_start3A_1760 = arith.constant 0 : i32
      %dma_start3A_1761 = tpu.memref_slice %arg3[%min3A_1741, %dma_start3A_1760] : memref<7168x112xi32, #tpu.memory_space<hbm>> -> memref<1x112xi32, #tpu.memory_space<hbm>>
      tpu.enqueue_dma source(%dma_start3A_1761 : memref<1x112xi32, #tpu.memory_space<hbm>>) target(%dma_start3A_1759 : memref<1x112xi32, #tpu.memory_space<vmem>>) target_semaphore(%arg14 : memref<!tpu.dma_semaphore, #tpu.memory_space<semaphore_mem>>)
      %dma_wait3A_1762 = arith.constant 1 : i32
      %dma_wait3A_1763 = arith.constant 0 : i32
      %dma_wait3A_1764 = arith.constant 0 : i32
      %dma_wait3A_1765 = tpu.memref_slice %arg11[%dma_wait3A_1762, %dma_wait3A_1763, %dma_wait3A_1764] : memref<4x112x64xf32, #tpu.memory_space<vmem>> -> memref<1x112x64xf32, #tpu.memory_space<vmem>>
      %dma_wait3A_1766 = tpu.memref_squeeze %dma_wait3A_1765 : memref<1x112x64xf32, #tpu.memory_space<vmem>> -> memref<112x64xf32, #tpu.memory_space<vmem>>
      %dma_wait3A_1767 = arith.constant 0 : i32
      %dma_wait3A_1768 = arith.constant 0 : i32
      %dma_wait3A_1769 = tpu.memref_slice %arg4[%dma_wait3A_1767, %dma_wait3A_1768] : memref<50000x64xf32, #tpu.memory_space<hbm>> -> memref<112x64xf32, #tpu.memory_space<hbm>>
      %dma_wait3A_1770 = arith.constant 0 : i32
      %dma_wait3A_1771 = arith.constant 0 : i32
      %dma_wait3A_1772 = tpu.memref_slice %arg11[%dma_wait3A_1762, %dma_wait3A_1770, %dma_wait3A_1771] : memref<4x112x64xf32, #tpu.memory_space<vmem>> -> memref<1x112x64xf32, #tpu.memory_space<vmem>>
      %dma_wait3A_1773 = tpu.memref_squeeze %dma_wait3A_1772 : memref<1x112x64xf32, #tpu.memory_space<vmem>> -> memref<112x64xf32, #tpu.memory_space<vmem>>
      %dma_wait3A_1774 = arith.constant 0 : i32
      %dma_wait3A_1775 = arith.constant 0 : i32
      %dma_wait3A_1776 = tpu.memref_slice %arg4[%dma_wait3A_1774, %dma_wait3A_1775] : memref<50000x64xf32, #tpu.memory_space<hbm>> -> memref<112x64xf32, #tpu.memory_space<hbm>>
      tpu.wait_dma2 semaphore(%arg15 : memref<!tpu.dma_semaphore, #tpu.memory_space<semaphore_mem>>) src(%dma_wait3A_1776 : memref<112x64xf32, #tpu.memory_space<hbm>>) dst(%dma_wait3A_1773 : memref<112x64xf32, #tpu.memory_space<vmem>>)
      %dma_start3A_1777 = arith.constant 1 : i32
      %dma_start3A_1778 = arith.constant 1 : i32
      %dma_start3A_1779 = arith.constant 0 : i32
      %dma_start3A_1780 = arith.constant 0 : i32
      %dma_start3A_1781 = tpu.memref_slice %arg11[%dma_start3A_1777, %dma_start3A_1779, %dma_start3A_1780] : memref<4x112x64xf32, #tpu.memory_space<vmem>> -> memref<1x112x64xf32, #tpu.memory_space<vmem>>
      %dma_start3A_1782 = tpu.memref_squeeze %dma_start3A_1781 : memref<1x112x64xf32, #tpu.memory_space<vmem>> -> memref<112x64xf32, #tpu.memory_space<vmem>>
      %dma_start3A_1783 = arith.constant 0 : i32
      %dma_start3A_1784 = tpu.memref_slice %arg10[%dma_start3A_1778, %dma_start3A_1783] : memref<4x112xi32, #tpu.memory_space<vmem>> -> memref<1x112xi32, #tpu.memory_space<vmem>>
      %dma_start3A_1785 = tpu.memref_squeeze %dma_start3A_1784 : memref<1x112xi32, #tpu.memory_space<vmem>> -> memref<112xi32, #tpu.memory_space<vmem>>
      %dma_start3A_1786 = arith.constant 0 : i32
      %dma_start3A_1787 = arith.constant 0 : i32
      %dma_start3A_1788 = tpu.memref_slice %arg12[%dma_start3A_1786, %dma_start3A_1787] : memref<25024x64xf32, #tpu.memory_space<vmem_shared>> -> memref<25024x64xf32, #tpu.memory_space<vmem_shared>>
      tpu.enqueue_indirect_dma source(%dma_start3A_1782 : memref<112x64xf32, #tpu.memory_space<vmem>>) target(%dma_start3A_1788 : memref<25024x64xf32, #tpu.memory_space<vmem_shared>>) offsets(%dma_start3A_1785 : memref<112xi32, #tpu.memory_space<vmem>>) semaphore(%arg16 : memref<!tpu.dma_semaphore, #tpu.memory_space<semaphore_mem>>) {add = true}
      %mul3A_1789 = arith.constant 4 : i32
      %mul3A_1790 = arith.muli %scan3A_511, %mul3A_1789 : i32
      %add3A_1791 = arith.constant 3 : i32
      %add3A_1792 = arith.addi %mul3A_1790, %add3A_1791 : i32
      %dma_wait3A_1793 = arith.constant 0 : i32
      %dma_wait3A_1794 = arith.constant 0 : i32
      %dma_wait3A_1795 = tpu.memref_slice %arg12[%dma_wait3A_1793, %dma_wait3A_1794] : memref<25024x64xf32, #tpu.memory_space<vmem_shared>> -> memref<112x64xf32, #tpu.memory_space<vmem_shared>>
      %dma_wait3A_1796 = arith.constant 0 : i32
      %dma_wait3A_1797 = arith.constant 0 : i32
      %dma_wait3A_1798 = tpu.memref_slice %arg4[%dma_wait3A_1796, %dma_wait3A_1797] : memref<50000x64xf32, #tpu.memory_space<hbm>> -> memref<112x64xf32, #tpu.memory_space<hbm>>
      tpu.wait_dma2 semaphore(%arg16 : memref<!tpu.dma_semaphore, #tpu.memory_space<semaphore_mem>>) src(%dma_wait3A_1798 : memref<112x64xf32, #tpu.memory_space<hbm>>) dst(%dma_wait3A_1795 : memref<112x64xf32, #tpu.memory_space<vmem_shared>>)
      %dma_wait3A_1799 = arith.constant 0 : i32
      %dma_wait3A_1800 = arith.constant 0 : i32
      %dma_wait3A_1801 = tpu.memref_slice %arg8[%dma_wait3A_1799, %dma_wait3A_1800] : memref<4x112xi32, #tpu.memory_space<vmem>> -> memref<1x112xi32, #tpu.memory_space<vmem>>
      %dma_wait3A_1802 = arith.constant 0 : i32
      %dma_wait3A_1803 = arith.constant 0 : i32
      %dma_wait3A_1804 = tpu.memref_slice %arg2[%dma_wait3A_1802, %dma_wait3A_1803] : memref<7168x112xi32, #tpu.memory_space<hbm>> -> memref<1x112xi32, #tpu.memory_space<hbm>>
      %dma_wait3A_1805 = arith.constant 0 : i32
      %dma_wait3A_1806 = arith.constant 0 : i32
      %dma_wait3A_1807 = tpu.memref_slice %arg8[%dma_wait3A_1805, %dma_wait3A_1806] : memref<4x112xi32, #tpu.memory_space<vmem>> -> memref<1x112xi32, #tpu.memory_space<vmem>>
      %dma_wait3A_1808 = arith.constant 0 : i32
      %dma_wait3A_1809 = arith.constant 0 : i32
      %dma_wait3A_1810 = tpu.memref_slice %arg2[%dma_wait3A_1808, %dma_wait3A_1809] : memref<7168x112xi32, #tpu.memory_space<hbm>> -> memref<1x112xi32, #tpu.memory_space<hbm>>
      tpu.wait_dma2 semaphore(%arg14 : memref<!tpu.dma_semaphore, #tpu.memory_space<semaphore_mem>>) src(%dma_wait3A_1810 : memref<1x112xi32, #tpu.memory_space<hbm>>) dst(%dma_wait3A_1807 : memref<1x112xi32, #tpu.memory_space<vmem>>)
      %dma_wait3A_1811 = arith.constant 0 : i32
      %dma_wait3A_1812 = arith.constant 0 : i32
      %dma_wait3A_1813 = tpu.memref_slice %arg9[%dma_wait3A_1811, %dma_wait3A_1812] : memref<4x112xi32, #tpu.memory_space<vmem>> -> memref<1x112xi32, #tpu.memory_space<vmem>>
      %dma_wait3A_1814 = arith.constant 0 : i32
      %dma_wait3A_1815 = arith.constant 0 : i32
      %dma_wait3A_1816 = tpu.memref_slice %arg3[%dma_wait3A_1814, %dma_wait3A_1815] : memref<7168x112xi32, #tpu.memory_space<hbm>> -> memref<1x112xi32, #tpu.memory_space<hbm>>
      %dma_wait3A_1817 = arith.constant 0 : i32
      %dma_wait3A_1818 = arith.constant 0 : i32
      %dma_wait3A_1819 = tpu.memref_slice %arg9[%dma_wait3A_1817, %dma_wait3A_1818] : memref<4x112xi32, #tpu.memory_space<vmem>> -> memref<1x112xi32, #tpu.memory_space<vmem>>
      %dma_wait3A_1820 = arith.constant 0 : i32
      %dma_wait3A_1821 = arith.constant 0 : i32
      %dma_wait3A_1822 = tpu.memref_slice %arg3[%dma_wait3A_1820, %dma_wait3A_1821] : memref<7168x112xi32, #tpu.memory_space<hbm>> -> memref<1x112xi32, #tpu.memory_space<hbm>>
      tpu.wait_dma2 semaphore(%arg14 : memref<!tpu.dma_semaphore, #tpu.memory_space<semaphore_mem>>) src(%dma_wait3A_1822 : memref<1x112xi32, #tpu.memory_space<hbm>>) dst(%dma_wait3A_1819 : memref<1x112xi32, #tpu.memory_space<vmem>>)
      %get3A_1823 = arith.constant 0 : i32
      %get3A_1824 = arith.index_cast %get3A_1823 : i32 to index
      %get3A_1825 = arith.constant 0 : index
      %get3A_1826 = tpu.vector_load %arg9[%get3A_1824, %get3A_1825] {strides = array<i32>} : memref<4x112xi32, #tpu.memory_space<vmem>>, vector<1x16xi32>,
      %get3A_1827 = vector.shape_cast %get3A_1826 : vector<1x16xi32> to vector<16xi32>
      %sub3A_1828 = vector.broadcast %mul3A_0 : i32 to vector<16xi32>
      %sub3A_1829 = arith.subi %get3A_1827, %sub3A_1828 : vector<16xi32>
      %ge3A_1830 = arith.constant 0 : i32
      %ge3A_1831 = vector.broadcast %ge3A_1830 : i32 to vector<16xi32>
      %ge3A_1832 = arith.cmpi sge, %sub3A_1829, %ge3A_1831 : vector<16xi32>
      %lt3A_1833 = arith.constant 25000 : i32
      %lt3A_1834 = vector.broadcast %lt3A_1833 : i32 to vector<16xi32>
      %lt3A_1835 = arith.cmpi slt, %sub3A_1829, %lt3A_1834 : vector<16xi32>
      %and3A_1836 = arith.andi %ge3A_1832, %lt3A_1835 : vector<16xi1>
      %and3A_1837 = arith.constant 15 : i32
      %and3A_1838 = vector.broadcast %and3A_1837 : i32 to vector<16xi32>
      %and3A_1839 = arith.andi %get3A_1827, %and3A_1838 : vector<16xi32>
      %add3A_1840 = arith.constant 25000 : i32
      %add3A_1841 = vector.broadcast %add3A_1840 : i32 to vector<16xi32>
      %add3A_1842 = arith.addi %add3A_1841, %and3A_1839 : vector<16xi32>
      %select_n3A_1843 = arith.select %and3A_1836, %sub3A_1829, %add3A_1842 : vector<16xi1>, vector<16xi32>
      %swap3A_1844 = arith.constant 0 : i32
      %swap3A_1845 = arith.index_cast %swap3A_1844 : i32 to index
      %swap3A_1846 = arith.constant 0 : index
      %swap3A_1847 = tpu.vector_load %arg10[%swap3A_1845, %swap3A_1846] {strides = array<i32>} : memref<4x112xi32, #tpu.memory_space<vmem>>, vector<1x16xi32>,
      %swap3A_1848 = vector.shape_cast %swap3A_1847 : vector<1x16xi32> to vector<16xi32>
      %swap3A_1849 = vector.shape_cast %select_n3A_1843 : vector<16xi32> to vector<1x16xi32>
      tpu.vector_store %arg10[%swap3A_1845, %swap3A_1846], %swap3A_1849 {strides = array<i32>} : memref<4x112xi32, #tpu.memory_space<vmem>>, vector<1x16xi32>,
      %get3A_1850 = arith.constant 0 : i32
      %get3A_1851 = arith.index_cast %get3A_1850 : i32 to index
      %get3A_1852 = arith.constant 0 : index
      %get3A_1853 = tpu.vector_load %arg8[%get3A_1851, %get3A_1852] {strides = array<i32>} : memref<4x112xi32, #tpu.memory_space<vmem>>, vector<1x16xi32>,
      %get3A_1854 = vector.shape_cast %get3A_1853 : vector<1x16xi32> to vector<16xi32>
      %get3A_1855 = arith.constant 0 : i32
      %get3A_1856 = arith.index_cast %get3A_1855 : i32 to index
      %get3A_1857 = arith.constant 0 : index
      %get3A_1858 = tpu.vector_load %arg13[%get3A_1856, %get3A_1857] {strides = array<i32>} : memref<1x128xi32, #tpu.memory_space<vmem>>, vector<1x16xi32>,
      %get3A_1859 = vector.shape_cast %get3A_1858 : vector<1x16xi32> to vector<16xi32>
      %mul3A_1860 = arith.constant 128 : i32
      %mul3A_1861 = arith.muli %arg1, %mul3A_1860 : i32
      %add3A_1862 = vector.broadcast %mul3A_1861 : i32 to vector<16xi32>
      %add3A_1863 = arith.addi %get3A_1859, %add3A_1862 : vector<16xi32>
      %select_n3A_1864 = arith.select %and3A_1836, %get3A_1854, %add3A_1863 : vector<16xi1>, vector<16xi32>
      %swap3A_1865 = arith.constant 0 : i32
      %swap3A_1866 = arith.index_cast %swap3A_1865 : i32 to index
      %swap3A_1867 = arith.constant 0 : index
      %swap3A_1868 = tpu.vector_load %arg8[%swap3A_1866, %swap3A_1867] {strides = array<i32>} : memref<4x112xi32, #tpu.memory_space<vmem>>, vector<1x16xi32>,
      %swap3A_1869 = vector.shape_cast %swap3A_1868 : vector<1x16xi32> to vector<16xi32>
      %swap3A_1870 = vector.shape_cast %select_n3A_1864 : vector<16xi32> to vector<1x16xi32>
      tpu.vector_store %arg8[%swap3A_1866, %swap3A_1867], %swap3A_1870 {strides = array<i32>} : memref<4x112xi32, #tpu.memory_space<vmem>>, vector<1x16xi32>,
      %get3A_1871 = arith.constant 0 : i32
      %get3A_1872 = arith.index_cast %get3A_1871 : i32 to index
      %get3A_1873 = arith.constant 16 : index
      %get3A_1874 = tpu.vector_load %arg9[%get3A_1872, %get3A_1873] {strides = array<i32>} : memref<4x112xi32, #tpu.memory_space<vmem>>, vector<1x16xi32>,
      %get3A_1875 = vector.shape_cast %get3A_1874 : vector<1x16xi32> to vector<16xi32>
      %sub3A_1876 = vector.broadcast %mul3A_0 : i32 to vector<16xi32>
      %sub3A_1877 = arith.subi %get3A_1875, %sub3A_1876 : vector<16xi32>
      %ge3A_1878 = arith.constant 0 : i32
      %ge3A_1879 = vector.broadcast %ge3A_1878 : i32 to vector<16xi32>
      %ge3A_1880 = arith.cmpi sge, %sub3A_1877, %ge3A_1879 : vector<16xi32>
      %lt3A_1881 = arith.constant 25000 : i32
      %lt3A_1882 = vector.broadcast %lt3A_1881 : i32 to vector<16xi32>
      %lt3A_1883 = arith.cmpi slt, %sub3A_1877, %lt3A_1882 : vector<16xi32>
      %and3A_1884 = arith.andi %ge3A_1880, %lt3A_1883 : vector<16xi1>
      %and3A_1885 = arith.constant 15 : i32
      %and3A_1886 = vector.broadcast %and3A_1885 : i32 to vector<16xi32>
      %and3A_1887 = arith.andi %get3A_1875, %and3A_1886 : vector<16xi32>
      %add3A_1888 = arith.constant 25000 : i32
      %add3A_1889 = vector.broadcast %add3A_1888 : i32 to vector<16xi32>
      %add3A_1890 = arith.addi %add3A_1889, %and3A_1887 : vector<16xi32>
      %select_n3A_1891 = arith.select %and3A_1884, %sub3A_1877, %add3A_1890 : vector<16xi1>, vector<16xi32>
      %swap3A_1892 = arith.constant 0 : i32
      %swap3A_1893 = arith.index_cast %swap3A_1892 : i32 to index
      %swap3A_1894 = arith.constant 16 : index
      %swap3A_1895 = tpu.vector_load %arg10[%swap3A_1893, %swap3A_1894] {strides = array<i32>} : memref<4x112xi32, #tpu.memory_space<vmem>>, vector<1x16xi32>,
      %swap3A_1896 = vector.shape_cast %swap3A_1895 : vector<1x16xi32> to vector<16xi32>
      %swap3A_1897 = vector.shape_cast %select_n3A_1891 : vector<16xi32> to vector<1x16xi32>
      tpu.vector_store %arg10[%swap3A_1893, %swap3A_1894], %swap3A_1897 {strides = array<i32>} : memref<4x112xi32, #tpu.memory_space<vmem>>, vector<1x16xi32>,
      %get3A_1898 = arith.constant 0 : i32
      %get3A_1899 = arith.index_cast %get3A_1898 : i32 to index
      %get3A_1900 = arith.constant 16 : index
      %get3A_1901 = tpu.vector_load %arg8[%get3A_1899, %get3A_1900] {strides = array<i32>} : memref<4x112xi32, #tpu.memory_space<vmem>>, vector<1x16xi32>,
      %get3A_1902 = vector.shape_cast %get3A_1901 : vector<1x16xi32> to vector<16xi32>
      %get3A_1903 = arith.constant 0 : i32
      %get3A_1904 = arith.index_cast %get3A_1903 : i32 to index
      %get3A_1905 = arith.constant 16 : index
      %get3A_1906 = tpu.vector_load %arg13[%get3A_1904, %get3A_1905] {strides = array<i32>} : memref<1x128xi32, #tpu.memory_space<vmem>>, vector<1x16xi32>,
      %get3A_1907 = vector.shape_cast %get3A_1906 : vector<1x16xi32> to vector<16xi32>
      %mul3A_1908 = arith.constant 128 : i32
      %mul3A_1909 = arith.muli %arg1, %mul3A_1908 : i32
      %add3A_1910 = vector.broadcast %mul3A_1909 : i32 to vector<16xi32>
      %add3A_1911 = arith.addi %get3A_1907, %add3A_1910 : vector<16xi32>
      %select_n3A_1912 = arith.select %and3A_1884, %get3A_1902, %add3A_1911 : vector<16xi1>, vector<16xi32>
      %swap3A_1913 = arith.constant 0 : i32
      %swap3A_1914 = arith.index_cast %swap3A_1913 : i32 to index
      %swap3A_1915 = arith.constant 16 : index
      %swap3A_1916 = tpu.vector_load %arg8[%swap3A_1914, %swap3A_1915] {strides = array<i32>} : memref<4x112xi32, #tpu.memory_space<vmem>>, vector<1x16xi32>,
      %swap3A_1917 = vector.shape_cast %swap3A_1916 : vector<1x16xi32> to vector<16xi32>
      %swap3A_1918 = vector.shape_cast %select_n3A_1912 : vector<16xi32> to vector<1x16xi32>
      tpu.vector_store %arg8[%swap3A_1914, %swap3A_1915], %swap3A_1918 {strides = array<i32>} : memref<4x112xi32, #tpu.memory_space<vmem>>, vector<1x16xi32>,
      %get3A_1919 = arith.constant 0 : i32
      %get3A_1920 = arith.index_cast %get3A_1919 : i32 to index
      %get3A_1921 = arith.constant 32 : index
      %get3A_1922 = tpu.vector_load %arg9[%get3A_1920, %get3A_1921] {strides = array<i32>} : memref<4x112xi32, #tpu.memory_space<vmem>>, vector<1x16xi32>,
      %get3A_1923 = vector.shape_cast %get3A_1922 : vector<1x16xi32> to vector<16xi32>
      %sub3A_1924 = vector.broadcast %mul3A_0 : i32 to vector<16xi32>
      %sub3A_1925 = arith.subi %get3A_1923, %sub3A_1924 : vector<16xi32>
      %ge3A_1926 = arith.constant 0 : i32
      %ge3A_1927 = vector.broadcast %ge3A_1926 : i32 to vector<16xi32>
      %ge3A_1928 = arith.cmpi sge, %sub3A_1925, %ge3A_1927 : vector<16xi32>
      %lt3A_1929 = arith.constant 25000 : i32
      %lt3A_1930 = vector.broadcast %lt3A_1929 : i32 to vector<16xi32>
      %lt3A_1931 = arith.cmpi slt, %sub3A_1925, %lt3A_1930 : vector<16xi32>
      %and3A_1932 = arith.andi %ge3A_1928, %lt3A_1931 : vector<16xi1>
      %and3A_1933 = arith.constant 15 : i32
      %and3A_1934 = vector.broadcast %and3A_1933 : i32 to vector<16xi32>
      %and3A_1935 = arith.andi %get3A_1923, %and3A_1934 : vector<16xi32>
      %add3A_1936 = arith.constant 25000 : i32
      %add3A_1937 = vector.broadcast %add3A_1936 : i32 to vector<16xi32>
      %add3A_1938 = arith.addi %add3A_1937, %and3A_1935 : vector<16xi32>
      %select_n3A_1939 = arith.select %and3A_1932, %sub3A_1925, %add3A_1938 : vector<16xi1>, vector<16xi32>
      %swap3A_1940 = arith.constant 0 : i32
      %swap3A_1941 = arith.index_cast %swap3A_1940 : i32 to index
      %swap3A_1942 = arith.constant 32 : index
      %swap3A_1943 = tpu.vector_load %arg10[%swap3A_1941, %swap3A_1942] {strides = array<i32>} : memref<4x112xi32, #tpu.memory_space<vmem>>, vector<1x16xi32>,
      %swap3A_1944 = vector.shape_cast %swap3A_1943 : vector<1x16xi32> to vector<16xi32>
      %swap3A_1945 = vector.shape_cast %select_n3A_1939 : vector<16xi32> to vector<1x16xi32>
      tpu.vector_store %arg10[%swap3A_1941, %swap3A_1942], %swap3A_1945 {strides = array<i32>} : memref<4x112xi32, #tpu.memory_space<vmem>>, vector<1x16xi32>,
      %get3A_1946 = arith.constant 0 : i32
      %get3A_1947 = arith.index_cast %get3A_1946 : i32 to index
      %get3A_1948 = arith.constant 32 : index
      %get3A_1949 = tpu.vector_load %arg8[%get3A_1947, %get3A_1948] {strides = array<i32>} : memref<4x112xi32, #tpu.memory_space<vmem>>, vector<1x16xi32>,
      %get3A_1950 = vector.shape_cast %get3A_1949 : vector<1x16xi32> to vector<16xi32>
      %get3A_1951 = arith.constant 0 : i32
      %get3A_1952 = arith.index_cast %get3A_1951 : i32 to index
      %get3A_1953 = arith.constant 32 : index
      %get3A_1954 = tpu.vector_load %arg13[%get3A_1952, %get3A_1953] {strides = array<i32>} : memref<1x128xi32, #tpu.memory_space<vmem>>, vector<1x16xi32>,
      %get3A_1955 = vector.shape_cast %get3A_1954 : vector<1x16xi32> to vector<16xi32>
      %mul3A_1956 = arith.constant 128 : i32
      %mul3A_1957 = arith.muli %arg1, %mul3A_1956 : i32
      %add3A_1958 = vector.broadcast %mul3A_1957 : i32 to vector<16xi32>
      %add3A_1959 = arith.addi %get3A_1955, %add3A_1958 : vector<16xi32>
      %select_n3A_1960 = arith.select %and3A_1932, %get3A_1950, %add3A_1959 : vector<16xi1>, vector<16xi32>
      %swap3A_1961 = arith.constant 0 : i32
      %swap3A_1962 = arith.index_cast %swap3A_1961 : i32 to index
      %swap3A_1963 = arith.constant 32 : index
      %swap3A_1964 = tpu.vector_load %arg8[%swap3A_1962, %swap3A_1963] {strides = array<i32>} : memref<4x112xi32, #tpu.memory_space<vmem>>, vector<1x16xi32>,
      %swap3A_1965 = vector.shape_cast %swap3A_1964 : vector<1x16xi32> to vector<16xi32>
      %swap3A_1966 = vector.shape_cast %select_n3A_1960 : vector<16xi32> to vector<1x16xi32>
      tpu.vector_store %arg8[%swap3A_1962, %swap3A_1963], %swap3A_1966 {strides = array<i32>} : memref<4x112xi32, #tpu.memory_space<vmem>>, vector<1x16xi32>,
      %get3A_1967 = arith.constant 0 : i32
      %get3A_1968 = arith.index_cast %get3A_1967 : i32 to index
      %get3A_1969 = arith.constant 48 : index
      %get3A_1970 = tpu.vector_load %arg9[%get3A_1968, %get3A_1969] {strides = array<i32>} : memref<4x112xi32, #tpu.memory_space<vmem>>, vector<1x16xi32>,
      %get3A_1971 = vector.shape_cast %get3A_1970 : vector<1x16xi32> to vector<16xi32>
      %sub3A_1972 = vector.broadcast %mul3A_0 : i32 to vector<16xi32>
      %sub3A_1973 = arith.subi %get3A_1971, %sub3A_1972 : vector<16xi32>
      %ge3A_1974 = arith.constant 0 : i32
      %ge3A_1975 = vector.broadcast %ge3A_1974 : i32 to vector<16xi32>
      %ge3A_1976 = arith.cmpi sge, %sub3A_1973, %ge3A_1975 : vector<16xi32>
      %lt3A_1977 = arith.constant 25000 : i32
      %lt3A_1978 = vector.broadcast %lt3A_1977 : i32 to vector<16xi32>
      %lt3A_1979 = arith.cmpi slt, %sub3A_1973, %lt3A_1978 : vector<16xi32>
      %and3A_1980 = arith.andi %ge3A_1976, %lt3A_1979 : vector<16xi1>
      %and3A_1981 = arith.constant 15 : i32
      %and3A_1982 = vector.broadcast %and3A_1981 : i32 to vector<16xi32>
      %and3A_1983 = arith.andi %get3A_1971, %and3A_1982 : vector<16xi32>
      %add3A_1984 = arith.constant 25000 : i32
      %add3A_1985 = vector.broadcast %add3A_1984 : i32 to vector<16xi32>
      %add3A_1986 = arith.addi %add3A_1985, %and3A_1983 : vector<16xi32>
      %select_n3A_1987 = arith.select %and3A_1980, %sub3A_1973, %add3A_1986 : vector<16xi1>, vector<16xi32>
      %swap3A_1988 = arith.constant 0 : i32
      %swap3A_1989 = arith.index_cast %swap3A_1988 : i32 to index
      %swap3A_1990 = arith.constant 48 : index
      %swap3A_1991 = tpu.vector_load %arg10[%swap3A_1989, %swap3A_1990] {strides = array<i32>} : memref<4x112xi32, #tpu.memory_space<vmem>>, vector<1x16xi32>,
      %swap3A_1992 = vector.shape_cast %swap3A_1991 : vector<1x16xi32> to vector<16xi32>
      %swap3A_1993 = vector.shape_cast %select_n3A_1987 : vector<16xi32> to vector<1x16xi32>
      tpu.vector_store %arg10[%swap3A_1989, %swap3A_1990], %swap3A_1993 {strides = array<i32>} : memref<4x112xi32, #tpu.memory_space<vmem>>, vector<1x16xi32>,
      %get3A_1994 = arith.constant 0 : i32
      %get3A_1995 = arith.index_cast %get3A_1994 : i32 to index
      %get3A_1996 = arith.constant 48 : index
      %get3A_1997 = tpu.vector_load %arg8[%get3A_1995, %get3A_1996] {strides = array<i32>} : memref<4x112xi32, #tpu.memory_space<vmem>>, vector<1x16xi32>,
      %get3A_1998 = vector.shape_cast %get3A_1997 : vector<1x16xi32> to vector<16xi32>
      %get3A_1999 = arith.constant 0 : i32
      %get3A_2000 = arith.index_cast %get3A_1999 : i32 to index
      %get3A_2001 = arith.constant 48 : index
      %get3A_2002 = tpu.vector_load %arg13[%get3A_2000, %get3A_2001] {strides = array<i32>} : memref<1x128xi32, #tpu.memory_space<vmem>>, vector<1x16xi32>,
      %get3A_2003 = vector.shape_cast %get3A_2002 : vector<1x16xi32> to vector<16xi32>
      %mul3A_2004 = arith.constant 128 : i32
      %mul3A_2005 = arith.muli %arg1, %mul3A_2004 : i32
      %add3A_2006 = vector.broadcast %mul3A_2005 : i32 to vector<16xi32>
      %add3A_2007 = arith.addi %get3A_2003, %add3A_2006 : vector<16xi32>
      %select_n3A_2008 = arith.select %and3A_1980, %get3A_1998, %add3A_2007 : vector<16xi1>, vector<16xi32>
      %swap3A_2009 = arith.constant 0 : i32
      %swap3A_2010 = arith.index_cast %swap3A_2009 : i32 to index
      %swap3A_2011 = arith.constant 48 : index
      %swap3A_2012 = tpu.vector_load %arg8[%swap3A_2010, %swap3A_2011] {strides = array<i32>} : memref<4x112xi32, #tpu.memory_space<vmem>>, vector<1x16xi32>,
      %swap3A_2013 = vector.shape_cast %swap3A_2012 : vector<1x16xi32> to vector<16xi32>
      %swap3A_2014 = vector.shape_cast %select_n3A_2008 : vector<16xi32> to vector<1x16xi32>
      tpu.vector_store %arg8[%swap3A_2010, %swap3A_2011], %swap3A_2014 {strides = array<i32>} : memref<4x112xi32, #tpu.memory_space<vmem>>, vector<1x16xi32>,
      %get3A_2015 = arith.constant 0 : i32
      %get3A_2016 = arith.index_cast %get3A_2015 : i32 to index
      %get3A_2017 = arith.constant 64 : index
      %get3A_2018 = tpu.vector_load %arg9[%get3A_2016, %get3A_2017] {strides = array<i32>} : memref<4x112xi32, #tpu.memory_space<vmem>>, vector<1x16xi32>,
      %get3A_2019 = vector.shape_cast %get3A_2018 : vector<1x16xi32> to vector<16xi32>
      %sub3A_2020 = vector.broadcast %mul3A_0 : i32 to vector<16xi32>
      %sub3A_2021 = arith.subi %get3A_2019, %sub3A_2020 : vector<16xi32>
      %ge3A_2022 = arith.constant 0 : i32
      %ge3A_2023 = vector.broadcast %ge3A_2022 : i32 to vector<16xi32>
      %ge3A_2024 = arith.cmpi sge, %sub3A_2021, %ge3A_2023 : vector<16xi32>
      %lt3A_2025 = arith.constant 25000 : i32
      %lt3A_2026 = vector.broadcast %lt3A_2025 : i32 to vector<16xi32>
      %lt3A_2027 = arith.cmpi slt, %sub3A_2021, %lt3A_2026 : vector<16xi32>
      %and3A_2028 = arith.andi %ge3A_2024, %lt3A_2027 : vector<16xi1>
      %and3A_2029 = arith.constant 15 : i32
      %and3A_2030 = vector.broadcast %and3A_2029 : i32 to vector<16xi32>
      %and3A_2031 = arith.andi %get3A_2019, %and3A_2030 : vector<16xi32>
      %add3A_2032 = arith.constant 25000 : i32
      %add3A_2033 = vector.broadcast %add3A_2032 : i32 to vector<16xi32>
      %add3A_2034 = arith.addi %add3A_2033, %and3A_2031 : vector<16xi32>
      %select_n3A_2035 = arith.select %and3A_2028, %sub3A_2021, %add3A_2034 : vector<16xi1>, vector<16xi32>
      %swap3A_2036 = arith.constant 0 : i32
      %swap3A_2037 = arith.index_cast %swap3A_2036 : i32 to index
      %swap3A_2038 = arith.constant 64 : index
      %swap3A_2039 = tpu.vector_load %arg10[%swap3A_2037, %swap3A_2038] {strides = array<i32>} : memref<4x112xi32, #tpu.memory_space<vmem>>, vector<1x16xi32>,
      %swap3A_2040 = vector.shape_cast %swap3A_2039 : vector<1x16xi32> to vector<16xi32>
      %swap3A_2041 = vector.shape_cast %select_n3A_2035 : vector<16xi32> to vector<1x16xi32>
      tpu.vector_store %arg10[%swap3A_2037, %swap3A_2038], %swap3A_2041 {strides = array<i32>} : memref<4x112xi32, #tpu.memory_space<vmem>>, vector<1x16xi32>,
      %get3A_2042 = arith.constant 0 : i32
      %get3A_2043 = arith.index_cast %get3A_2042 : i32 to index
      %get3A_2044 = arith.constant 64 : index
      %get3A_2045 = tpu.vector_load %arg8[%get3A_2043, %get3A_2044] {strides = array<i32>} : memref<4x112xi32, #tpu.memory_space<vmem>>, vector<1x16xi32>,
      %get3A_2046 = vector.shape_cast %get3A_2045 : vector<1x16xi32> to vector<16xi32>
      %get3A_2047 = arith.constant 0 : i32
      %get3A_2048 = arith.index_cast %get3A_2047 : i32 to index
      %get3A_2049 = arith.constant 64 : index
      %get3A_2050 = tpu.vector_load %arg13[%get3A_2048, %get3A_2049] {strides = array<i32>} : memref<1x128xi32, #tpu.memory_space<vmem>>, vector<1x16xi32>,
      %get3A_2051 = vector.shape_cast %get3A_2050 : vector<1x16xi32> to vector<16xi32>
      %mul3A_2052 = arith.constant 128 : i32
      %mul3A_2053 = arith.muli %arg1, %mul3A_2052 : i32
      %add3A_2054 = vector.broadcast %mul3A_2053 : i32 to vector<16xi32>
      %add3A_2055 = arith.addi %get3A_2051, %add3A_2054 : vector<16xi32>
      %select_n3A_2056 = arith.select %and3A_2028, %get3A_2046, %add3A_2055 : vector<16xi1>, vector<16xi32>
      %swap3A_2057 = arith.constant 0 : i32
      %swap3A_2058 = arith.index_cast %swap3A_2057 : i32 to index
      %swap3A_2059 = arith.constant 64 : index
      %swap3A_2060 = tpu.vector_load %arg8[%swap3A_2058, %swap3A_2059] {strides = array<i32>} : memref<4x112xi32, #tpu.memory_space<vmem>>, vector<1x16xi32>,
      %swap3A_2061 = vector.shape_cast %swap3A_2060 : vector<1x16xi32> to vector<16xi32>
      %swap3A_2062 = vector.shape_cast %select_n3A_2056 : vector<16xi32> to vector<1x16xi32>
      tpu.vector_store %arg8[%swap3A_2058, %swap3A_2059], %swap3A_2062 {strides = array<i32>} : memref<4x112xi32, #tpu.memory_space<vmem>>, vector<1x16xi32>,
      %get3A_2063 = arith.constant 0 : i32
      %get3A_2064 = arith.index_cast %get3A_2063 : i32 to index
      %get3A_2065 = arith.constant 80 : index
      %get3A_2066 = tpu.vector_load %arg9[%get3A_2064, %get3A_2065] {strides = array<i32>} : memref<4x112xi32, #tpu.memory_space<vmem>>, vector<1x16xi32>,
      %get3A_2067 = vector.shape_cast %get3A_2066 : vector<1x16xi32> to vector<16xi32>
      %sub3A_2068 = vector.broadcast %mul3A_0 : i32 to vector<16xi32>
      %sub3A_2069 = arith.subi %get3A_2067, %sub3A_2068 : vector<16xi32>
      %ge3A_2070 = arith.constant 0 : i32
      %ge3A_2071 = vector.broadcast %ge3A_2070 : i32 to vector<16xi32>
      %ge3A_2072 = arith.cmpi sge, %sub3A_2069, %ge3A_2071 : vector<16xi32>
      %lt3A_2073 = arith.constant 25000 : i32
      %lt3A_2074 = vector.broadcast %lt3A_2073 : i32 to vector<16xi32>
      %lt3A_2075 = arith.cmpi slt, %sub3A_2069, %lt3A_2074 : vector<16xi32>
      %and3A_2076 = arith.andi %ge3A_2072, %lt3A_2075 : vector<16xi1>
      %and3A_2077 = arith.constant 15 : i32
      %and3A_2078 = vector.broadcast %and3A_2077 : i32 to vector<16xi32>
      %and3A_2079 = arith.andi %get3A_2067, %and3A_2078 : vector<16xi32>
      %add3A_2080 = arith.constant 25000 : i32
      %add3A_2081 = vector.broadcast %add3A_2080 : i32 to vector<16xi32>
      %add3A_2082 = arith.addi %add3A_2081, %and3A_2079 : vector<16xi32>
      %select_n3A_2083 = arith.select %and3A_2076, %sub3A_2069, %add3A_2082 : vector<16xi1>, vector<16xi32>
      %swap3A_2084 = arith.constant 0 : i32
      %swap3A_2085 = arith.index_cast %swap3A_2084 : i32 to index
      %swap3A_2086 = arith.constant 80 : index
      %swap3A_2087 = tpu.vector_load %arg10[%swap3A_2085, %swap3A_2086] {strides = array<i32>} : memref<4x112xi32, #tpu.memory_space<vmem>>, vector<1x16xi32>,
      %swap3A_2088 = vector.shape_cast %swap3A_2087 : vector<1x16xi32> to vector<16xi32>
      %swap3A_2089 = vector.shape_cast %select_n3A_2083 : vector<16xi32> to vector<1x16xi32>
      tpu.vector_store %arg10[%swap3A_2085, %swap3A_2086], %swap3A_2089 {strides = array<i32>} : memref<4x112xi32, #tpu.memory_space<vmem>>, vector<1x16xi32>,
      %get3A_2090 = arith.constant 0 : i32
      %get3A_2091 = arith.index_cast %get3A_2090 : i32 to index
      %get3A_2092 = arith.constant 80 : index
      %get3A_2093 = tpu.vector_load %arg8[%get3A_2091, %get3A_2092] {strides = array<i32>} : memref<4x112xi32, #tpu.memory_space<vmem>>, vector<1x16xi32>,
      %get3A_2094 = vector.shape_cast %get3A_2093 : vector<1x16xi32> to vector<16xi32>
      %get3A_2095 = arith.constant 0 : i32
      %get3A_2096 = arith.index_cast %get3A_2095 : i32 to index
      %get3A_2097 = arith.constant 80 : index
      %get3A_2098 = tpu.vector_load %arg13[%get3A_2096, %get3A_2097] {strides = array<i32>} : memref<1x128xi32, #tpu.memory_space<vmem>>, vector<1x16xi32>,
      %get3A_2099 = vector.shape_cast %get3A_2098 : vector<1x16xi32> to vector<16xi32>
      %mul3A_2100 = arith.constant 128 : i32
      %mul3A_2101 = arith.muli %arg1, %mul3A_2100 : i32
      %add3A_2102 = vector.broadcast %mul3A_2101 : i32 to vector<16xi32>
      %add3A_2103 = arith.addi %get3A_2099, %add3A_2102 : vector<16xi32>
      %select_n3A_2104 = arith.select %and3A_2076, %get3A_2094, %add3A_2103 : vector<16xi1>, vector<16xi32>
      %swap3A_2105 = arith.constant 0 : i32
      %swap3A_2106 = arith.index_cast %swap3A_2105 : i32 to index
      %swap3A_2107 = arith.constant 80 : index
      %swap3A_2108 = tpu.vector_load %arg8[%swap3A_2106, %swap3A_2107] {strides = array<i32>} : memref<4x112xi32, #tpu.memory_space<vmem>>, vector<1x16xi32>,
      %swap3A_2109 = vector.shape_cast %swap3A_2108 : vector<1x16xi32> to vector<16xi32>
      %swap3A_2110 = vector.shape_cast %select_n3A_2104 : vector<16xi32> to vector<1x16xi32>
      tpu.vector_store %arg8[%swap3A_2106, %swap3A_2107], %swap3A_2110 {strides = array<i32>} : memref<4x112xi32, #tpu.memory_space<vmem>>, vector<1x16xi32>,
      %get3A_2111 = arith.constant 0 : i32
      %get3A_2112 = arith.index_cast %get3A_2111 : i32 to index
      %get3A_2113 = arith.constant 96 : index
      %get3A_2114 = tpu.vector_load %arg9[%get3A_2112, %get3A_2113] {strides = array<i32>} : memref<4x112xi32, #tpu.memory_space<vmem>>, vector<1x16xi32>,
      %get3A_2115 = vector.shape_cast %get3A_2114 : vector<1x16xi32> to vector<16xi32>
      %sub3A_2116 = vector.broadcast %mul3A_0 : i32 to vector<16xi32>
      %sub3A_2117 = arith.subi %get3A_2115, %sub3A_2116 : vector<16xi32>
      %ge3A_2118 = arith.constant 0 : i32
      %ge3A_2119 = vector.broadcast %ge3A_2118 : i32 to vector<16xi32>
      %ge3A_2120 = arith.cmpi sge, %sub3A_2117, %ge3A_2119 : vector<16xi32>
      %lt3A_2121 = arith.constant 25000 : i32
      %lt3A_2122 = vector.broadcast %lt3A_2121 : i32 to vector<16xi32>
      %lt3A_2123 = arith.cmpi slt, %sub3A_2117, %lt3A_2122 : vector<16xi32>
      %and3A_2124 = arith.andi %ge3A_2120, %lt3A_2123 : vector<16xi1>
      %and3A_2125 = arith.constant 15 : i32
      %and3A_2126 = vector.broadcast %and3A_2125 : i32 to vector<16xi32>
      %and3A_2127 = arith.andi %get3A_2115, %and3A_2126 : vector<16xi32>
      %add3A_2128 = arith.constant 25000 : i32
      %add3A_2129 = vector.broadcast %add3A_2128 : i32 to vector<16xi32>
      %add3A_2130 = arith.addi %add3A_2129, %and3A_2127 : vector<16xi32>
      %select_n3A_2131 = arith.select %and3A_2124, %sub3A_2117, %add3A_2130 : vector<16xi1>, vector<16xi32>
      %swap3A_2132 = arith.constant 0 : i32
      %swap3A_2133 = arith.index_cast %swap3A_2132 : i32 to index
      %swap3A_2134 = arith.constant 96 : index
      %swap3A_2135 = tpu.vector_load %arg10[%swap3A_2133, %swap3A_2134] {strides = array<i32>} : memref<4x112xi32, #tpu.memory_space<vmem>>, vector<1x16xi32>,
      %swap3A_2136 = vector.shape_cast %swap3A_2135 : vector<1x16xi32> to vector<16xi32>
      %swap3A_2137 = vector.shape_cast %select_n3A_2131 : vector<16xi32> to vector<1x16xi32>
      tpu.vector_store %arg10[%swap3A_2133, %swap3A_2134], %swap3A_2137 {strides = array<i32>} : memref<4x112xi32, #tpu.memory_space<vmem>>, vector<1x16xi32>,
      %get3A_2138 = arith.constant 0 : i32
      %get3A_2139 = arith.index_cast %get3A_2138 : i32 to index
      %get3A_2140 = arith.constant 96 : index
      %get3A_2141 = tpu.vector_load %arg8[%get3A_2139, %get3A_2140] {strides = array<i32>} : memref<4x112xi32, #tpu.memory_space<vmem>>, vector<1x16xi32>,
      %get3A_2142 = vector.shape_cast %get3A_2141 : vector<1x16xi32> to vector<16xi32>
      %get3A_2143 = arith.constant 0 : i32
      %get3A_2144 = arith.index_cast %get3A_2143 : i32 to index
      %get3A_2145 = arith.constant 96 : index
      %get3A_2146 = tpu.vector_load %arg13[%get3A_2144, %get3A_2145] {strides = array<i32>} : memref<1x128xi32, #tpu.memory_space<vmem>>, vector<1x16xi32>,
      %get3A_2147 = vector.shape_cast %get3A_2146 : vector<1x16xi32> to vector<16xi32>
      %mul3A_2148 = arith.constant 128 : i32
      %mul3A_2149 = arith.muli %arg1, %mul3A_2148 : i32
      %add3A_2150 = vector.broadcast %mul3A_2149 : i32 to vector<16xi32>
      %add3A_2151 = arith.addi %get3A_2147, %add3A_2150 : vector<16xi32>
      %select_n3A_2152 = arith.select %and3A_2124, %get3A_2142, %add3A_2151 : vector<16xi1>, vector<16xi32>
      %swap3A_2153 = arith.constant 0 : i32
      %swap3A_2154 = arith.index_cast %swap3A_2153 : i32 to index
      %swap3A_2155 = arith.constant 96 : index
      %swap3A_2156 = tpu.vector_load %arg8[%swap3A_2154, %swap3A_2155] {strides = array<i32>} : memref<4x112xi32, #tpu.memory_space<vmem>>, vector<1x16xi32>,
      %swap3A_2157 = vector.shape_cast %swap3A_2156 : vector<1x16xi32> to vector<16xi32>
      %swap3A_2158 = vector.shape_cast %select_n3A_2152 : vector<16xi32> to vector<1x16xi32>
      tpu.vector_store %arg8[%swap3A_2154, %swap3A_2155], %swap3A_2158 {strides = array<i32>} : memref<4x112xi32, #tpu.memory_space<vmem>>, vector<1x16xi32>,
      %dma_start3A_2159 = arith.constant 0 : i32
      %dma_start3A_2160 = arith.constant 0 : i32
      %dma_start3A_2161 = arith.constant 0 : i32
      %dma_start3A_2162 = arith.constant 0 : i32
      %dma_start3A_2163 = tpu.memref_slice %arg11[%dma_start3A_2160, %dma_start3A_2161, %dma_start3A_2162] : memref<4x112x64xf32, #tpu.memory_space<vmem>> -> memref<1x112x64xf32, #tpu.memory_space<vmem>>
      %dma_start3A_2164 = tpu.memref_squeeze %dma_start3A_2163 : memref<1x112x64xf32, #tpu.memory_space<vmem>> -> memref<112x64xf32, #tpu.memory_space<vmem>>
      %dma_start3A_2165 = arith.constant 0 : i32
      %dma_start3A_2166 = tpu.memref_slice %arg8[%dma_start3A_2159, %dma_start3A_2165] : memref<4x112xi32, #tpu.memory_space<vmem>> -> memref<1x112xi32, #tpu.memory_space<vmem>>
      %dma_start3A_2167 = tpu.memref_squeeze %dma_start3A_2166 : memref<1x112xi32, #tpu.memory_space<vmem>> -> memref<112xi32, #tpu.memory_space<vmem>>
      %dma_start3A_2168 = arith.constant 0 : i32
      %dma_start3A_2169 = arith.constant 0 : i32
      %dma_start3A_2170 = tpu.memref_slice %arg4[%dma_start3A_2168, %dma_start3A_2169] : memref<50000x64xf32, #tpu.memory_space<hbm>> -> memref<50000x64xf32, #tpu.memory_space<hbm>>
      tpu.enqueue_indirect_dma source(%dma_start3A_2170 : memref<50000x64xf32, #tpu.memory_space<hbm>>) target(%dma_start3A_2164 : memref<112x64xf32, #tpu.memory_space<vmem>>) offsets(%dma_start3A_2167 : memref<112xi32, #tpu.memory_space<vmem>>) semaphore(%arg15 : memref<!tpu.dma_semaphore, #tpu.memory_space<semaphore_mem>>)
      %add3A_2171 = arith.constant 2 : i32
      %add3A_2172 = arith.addi %add3A_1792, %add3A_2171 : i32
      %add3A_2173 = arith.addi %mul3A_4, %add3A_2172 : i32
      %min3A_2174 = arith.constant 7167 : i32
      %min3A_2175 = arith.minsi %add3A_2173, %min3A_2174 : i32
      %dma_start3A_2176 = arith.constant 1 : i32
      %dma_start3A_2177 = arith.constant 0 : i32
      %dma_start3A_2178 = tpu.memref_slice %arg8[%dma_start3A_2176, %dma_start3A_2177] : memref<4x112xi32, #tpu.memory_space<vmem>> -> memref<1x112xi32, #tpu.memory_space<vmem>>
      %dma_start3A_2179 = arith.constant 0 : i32
      %dma_start3A_2180 = tpu.memref_slice %arg2[%min3A_2175, %dma_start3A_2179] : memref<7168x112xi32, #tpu.memory_space<hbm>> -> memref<1x112xi32, #tpu.memory_space<hbm>>
      %dma_start3A_2181 = arith.constant 1 : i32
      %dma_start3A_2182 = arith.constant 0 : i32
      %dma_start3A_2183 = tpu.memref_slice %arg8[%dma_start3A_2181, %dma_start3A_2182] : memref<4x112xi32, #tpu.memory_space<vmem>> -> memref<1x112xi32, #tpu.memory_space<vmem>>
      %dma_start3A_2184 = arith.constant 0 : i32
      %dma_start3A_2185 = tpu.memref_slice %arg2[%min3A_2175, %dma_start3A_2184] : memref<7168x112xi32, #tpu.memory_space<hbm>> -> memref<1x112xi32, #tpu.memory_space<hbm>>
      tpu.enqueue_dma source(%dma_start3A_2185 : memref<1x112xi32, #tpu.memory_space<hbm>>) target(%dma_start3A_2183 : memref<1x112xi32, #tpu.memory_space<vmem>>) target_semaphore(%arg14 : memref<!tpu.dma_semaphore, #tpu.memory_space<semaphore_mem>>)
      %dma_start3A_2186 = arith.constant 1 : i32
      %dma_start3A_2187 = arith.constant 0 : i32
      %dma_start3A_2188 = tpu.memref_slice %arg9[%dma_start3A_2186, %dma_start3A_2187] : memref<4x112xi32, #tpu.memory_space<vmem>> -> memref<1x112xi32, #tpu.memory_space<vmem>>
      %dma_start3A_2189 = arith.constant 0 : i32
      %dma_start3A_2190 = tpu.memref_slice %arg3[%min3A_2175, %dma_start3A_2189] : memref<7168x112xi32, #tpu.memory_space<hbm>> -> memref<1x112xi32, #tpu.memory_space<hbm>>
      %dma_start3A_2191 = arith.constant 1 : i32
      %dma_start3A_2192 = arith.constant 0 : i32
      %dma_start3A_2193 = tpu.memref_slice %arg9[%dma_start3A_2191, %dma_start3A_2192] : memref<4x112xi32, #tpu.memory_space<vmem>> -> memref<1x112xi32, #tpu.memory_space<vmem>>
      %dma_start3A_2194 = arith.constant 0 : i32
      %dma_start3A_2195 = tpu.memref_slice %arg3[%min3A_2175, %dma_start3A_2194] : memref<7168x112xi32, #tpu.memory_space<hbm>> -> memref<1x112xi32, #tpu.memory_space<hbm>>
      tpu.enqueue_dma source(%dma_start3A_2195 : memref<1x112xi32, #tpu.memory_space<hbm>>) target(%dma_start3A_2193 : memref<1x112xi32, #tpu.memory_space<vmem>>) target_semaphore(%arg14 : memref<!tpu.dma_semaphore, #tpu.memory_space<semaphore_mem>>)
      %dma_wait3A_2196 = arith.constant 2 : i32
      %dma_wait3A_2197 = arith.constant 0 : i32
      %dma_wait3A_2198 = arith.constant 0 : i32
      %dma_wait3A_2199 = tpu.memref_slice %arg11[%dma_wait3A_2196, %dma_wait3A_2197, %dma_wait3A_2198] : memref<4x112x64xf32, #tpu.memory_space<vmem>> -> memref<1x112x64xf32, #tpu.memory_space<vmem>>
      %dma_wait3A_2200 = tpu.memref_squeeze %dma_wait3A_2199 : memref<1x112x64xf32, #tpu.memory_space<vmem>> -> memref<112x64xf32, #tpu.memory_space<vmem>>
      %dma_wait3A_2201 = arith.constant 0 : i32
      %dma_wait3A_2202 = arith.constant 0 : i32
      %dma_wait3A_2203 = tpu.memref_slice %arg4[%dma_wait3A_2201, %dma_wait3A_2202] : memref<50000x64xf32, #tpu.memory_space<hbm>> -> memref<112x64xf32, #tpu.memory_space<hbm>>
      %dma_wait3A_2204 = arith.constant 0 : i32
      %dma_wait3A_2205 = arith.constant 0 : i32
      %dma_wait3A_2206 = tpu.memref_slice %arg11[%dma_wait3A_2196, %dma_wait3A_2204, %dma_wait3A_2205] : memref<4x112x64xf32, #tpu.memory_space<vmem>> -> memref<1x112x64xf32, #tpu.memory_space<vmem>>
      %dma_wait3A_2207 = tpu.memref_squeeze %dma_wait3A_2206 : memref<1x112x64xf32, #tpu.memory_space<vmem>> -> memref<112x64xf32, #tpu.memory_space<vmem>>
      %dma_wait3A_2208 = arith.constant 0 : i32
      %dma_wait3A_2209 = arith.constant 0 : i32
      %dma_wait3A_2210 = tpu.memref_slice %arg4[%dma_wait3A_2208, %dma_wait3A_2209] : memref<50000x64xf32, #tpu.memory_space<hbm>> -> memref<112x64xf32, #tpu.memory_space<hbm>>
      tpu.wait_dma2 semaphore(%arg15 : memref<!tpu.dma_semaphore, #tpu.memory_space<semaphore_mem>>) src(%dma_wait3A_2210 : memref<112x64xf32, #tpu.memory_space<hbm>>) dst(%dma_wait3A_2207 : memref<112x64xf32, #tpu.memory_space<vmem>>)
      %dma_start3A_2211 = arith.constant 2 : i32
      %dma_start3A_2212 = arith.constant 2 : i32
      %dma_start3A_2213 = arith.constant 0 : i32
      %dma_start3A_2214 = arith.constant 0 : i32
      %dma_start3A_2215 = tpu.memref_slice %arg11[%dma_start3A_2211, %dma_start3A_2213, %dma_start3A_2214] : memref<4x112x64xf32, #tpu.memory_space<vmem>> -> memref<1x112x64xf32, #tpu.memory_space<vmem>>
      %dma_start3A_2216 = tpu.memref_squeeze %dma_start3A_2215 : memref<1x112x64xf32, #tpu.memory_space<vmem>> -> memref<112x64xf32, #tpu.memory_space<vmem>>
      %dma_start3A_2217 = arith.constant 0 : i32
      %dma_start3A_2218 = tpu.memref_slice %arg10[%dma_start3A_2212, %dma_start3A_2217] : memref<4x112xi32, #tpu.memory_space<vmem>> -> memref<1x112xi32, #tpu.memory_space<vmem>>
      %dma_start3A_2219 = tpu.memref_squeeze %dma_start3A_2218 : memref<1x112xi32, #tpu.memory_space<vmem>> -> memref<112xi32, #tpu.memory_space<vmem>>
      %dma_start3A_2220 = arith.constant 0 : i32
      %dma_start3A_2221 = arith.constant 0 : i32
      %dma_start3A_2222 = tpu.memref_slice %arg12[%dma_start3A_2220, %dma_start3A_2221] : memref<25024x64xf32, #tpu.memory_space<vmem_shared>> -> memref<25024x64xf32, #tpu.memory_space<vmem_shared>>
      tpu.enqueue_indirect_dma source(%dma_start3A_2216 : memref<112x64xf32, #tpu.memory_space<vmem>>) target(%dma_start3A_2222 : memref<25024x64xf32, #tpu.memory_space<vmem_shared>>) offsets(%dma_start3A_2219 : memref<112xi32, #tpu.memory_space<vmem>>) semaphore(%arg16 : memref<!tpu.dma_semaphore, #tpu.memory_space<semaphore_mem>>) {add = true}
    }
    %scan3A_418 = arith.constant 112 : i32
    %dma_wait3A_419 = arith.constant 3 : i32
    %dma_wait3A_420 = arith.constant 0 : i32
    %dma_wait3A_421 = arith.constant 0 : i32
    %dma_wait3A_422 = tpu.memref_slice %arg11[%dma_wait3A_419, %dma_wait3A_420, %dma_wait3A_421] : memref<4x112x64xf32, #tpu.memory_space<vmem>> -> memref<1x112x64xf32, #tpu.memory_space<vmem>>
    %dma_wait3A_423 = tpu.memref_squeeze %dma_wait3A_422 : memref<1x112x64xf32, #tpu.memory_space<vmem>> -> memref<112x64xf32, #tpu.memory_space<vmem>>
    %dma_wait3A_424 = arith.constant 0 : i32
    %dma_wait3A_425 = arith.constant 0 : i32
    %dma_wait3A_426 = tpu.memref_slice %arg4[%dma_wait3A_424, %dma_wait3A_425] : memref<50000x64xf32, #tpu.memory_space<hbm>> -> memref<112x64xf32, #tpu.memory_space<hbm>>
    %dma_wait3A_427 = arith.constant 0 : i32
    %dma_wait3A_428 = arith.constant 0 : i32
    %dma_wait3A_429 = tpu.memref_slice %arg11[%dma_wait3A_419, %dma_wait3A_427, %dma_wait3A_428] : memref<4x112x64xf32, #tpu.memory_space<vmem>> -> memref<1x112x64xf32, #tpu.memory_space<vmem>>
    %dma_wait3A_430 = tpu.memref_squeeze %dma_wait3A_429 : memref<1x112x64xf32, #tpu.memory_space<vmem>> -> memref<112x64xf32, #tpu.memory_space<vmem>>
    %dma_wait3A_431 = arith.constant 0 : i32
    %dma_wait3A_432 = arith.constant 0 : i32
    %dma_wait3A_433 = tpu.memref_slice %arg4[%dma_wait3A_431, %dma_wait3A_432] : memref<50000x64xf32, #tpu.memory_space<hbm>> -> memref<112x64xf32, #tpu.memory_space<hbm>>
    tpu.wait_dma2 semaphore(%arg15 : memref<!tpu.dma_semaphore, #tpu.memory_space<semaphore_mem>>) src(%dma_wait3A_433 : memref<112x64xf32, #tpu.memory_space<hbm>>) dst(%dma_wait3A_430 : memref<112x64xf32, #tpu.memory_space<vmem>>)
    %dma_start3A_434 = arith.constant 3 : i32
    %dma_start3A_435 = arith.constant 3 : i32
    %dma_start3A_436 = arith.constant 0 : i32
    %dma_start3A_437 = arith.constant 0 : i32
    %dma_start3A_438 = tpu.memref_slice %arg11[%dma_start3A_434, %dma_start3A_436, %dma_start3A_437] : memref<4x112x64xf32, #tpu.memory_space<vmem>> -> memref<1x112x64xf32, #tpu.memory_space<vmem>>
    %dma_start3A_439 = tpu.memref_squeeze %dma_start3A_438 : memref<1x112x64xf32, #tpu.memory_space<vmem>> -> memref<112x64xf32, #tpu.memory_space<vmem>>
    %dma_start3A_440 = arith.constant 0 : i32
    %dma_start3A_441 = tpu.memref_slice %arg10[%dma_start3A_435, %dma_start3A_440] : memref<4x112xi32, #tpu.memory_space<vmem>> -> memref<1x112xi32, #tpu.memory_space<vmem>>
    %dma_start3A_442 = tpu.memref_squeeze %dma_start3A_441 : memref<1x112xi32, #tpu.memory_space<vmem>> -> memref<112xi32, #tpu.memory_space<vmem>>
    %dma_start3A_443 = arith.constant 0 : i32
    %dma_start3A_444 = arith.constant 0 : i32
    %dma_start3A_445 = tpu.memref_slice %arg12[%dma_start3A_443, %dma_start3A_444] : memref<25024x64xf32, #tpu.memory_space<vmem_shared>> -> memref<25024x64xf32, #tpu.memory_space<vmem_shared>>
    tpu.enqueue_indirect_dma source(%dma_start3A_439 : memref<112x64xf32, #tpu.memory_space<vmem>>) target(%dma_start3A_445 : memref<25024x64xf32, #tpu.memory_space<vmem_shared>>) offsets(%dma_start3A_442 : memref<112xi32, #tpu.memory_space<vmem>>) semaphore(%arg16 : memref<!tpu.dma_semaphore, #tpu.memory_space<semaphore_mem>>) {add = true}
    %dma_wait3A_446 = arith.constant 0 : i32
    %dma_wait3A_447 = arith.constant 0 : i32
    %dma_wait3A_448 = arith.constant 0 : i32
    %dma_wait3A_449 = tpu.memref_slice %arg11[%dma_wait3A_446, %dma_wait3A_447, %dma_wait3A_448] : memref<4x112x64xf32, #tpu.memory_space<vmem>> -> memref<1x112x64xf32, #tpu.memory_space<vmem>>
    %dma_wait3A_450 = tpu.memref_squeeze %dma_wait3A_449 : memref<1x112x64xf32, #tpu.memory_space<vmem>> -> memref<112x64xf32, #tpu.memory_space<vmem>>
    %dma_wait3A_451 = arith.constant 0 : i32
    %dma_wait3A_452 = arith.constant 0 : i32
    %dma_wait3A_453 = tpu.memref_slice %arg4[%dma_wait3A_451, %dma_wait3A_452] : memref<50000x64xf32, #tpu.memory_space<hbm>> -> memref<112x64xf32, #tpu.memory_space<hbm>>
    %dma_wait3A_454 = arith.constant 0 : i32
    %dma_wait3A_455 = arith.constant 0 : i32
    %dma_wait3A_456 = tpu.memref_slice %arg11[%dma_wait3A_446, %dma_wait3A_454, %dma_wait3A_455] : memref<4x112x64xf32, #tpu.memory_space<vmem>> -> memref<1x112x64xf32, #tpu.memory_space<vmem>>
    %dma_wait3A_457 = tpu.memref_squeeze %dma_wait3A_456 : memref<1x112x64xf32, #tpu.memory_space<vmem>> -> memref<112x64xf32, #tpu.memory_space<vmem>>
    %dma_wait3A_458 = arith.constant 0 : i32
    %dma_wait3A_459 = arith.constant 0 : i32
    %dma_wait3A_460 = tpu.memref_slice %arg4[%dma_wait3A_458, %dma_wait3A_459] : memref<50000x64xf32, #tpu.memory_space<hbm>> -> memref<112x64xf32, #tpu.memory_space<hbm>>
    tpu.wait_dma2 semaphore(%arg15 : memref<!tpu.dma_semaphore, #tpu.memory_space<semaphore_mem>>) src(%dma_wait3A_460 : memref<112x64xf32, #tpu.memory_space<hbm>>) dst(%dma_wait3A_457 : memref<112x64xf32, #tpu.memory_space<vmem>>)
    %dma_wait3A_461 = arith.constant 0 : i32
    %dma_wait3A_462 = arith.constant 0 : i32
    %dma_wait3A_463 = tpu.memref_slice %arg12[%dma_wait3A_461, %dma_wait3A_462] : memref<25024x64xf32, #tpu.memory_space<vmem_shared>> -> memref<112x64xf32, #tpu.memory_space<vmem_shared>>
    %dma_wait3A_464 = arith.constant 0 : i32
    %dma_wait3A_465 = arith.constant 0 : i32
    %dma_wait3A_466 = tpu.memref_slice %arg4[%dma_wait3A_464, %dma_wait3A_465] : memref<50000x64xf32, #tpu.memory_space<hbm>> -> memref<112x64xf32, #tpu.memory_space<hbm>>
    tpu.wait_dma2 semaphore(%arg16 : memref<!tpu.dma_semaphore, #tpu.memory_space<semaphore_mem>>) src(%dma_wait3A_466 : memref<112x64xf32, #tpu.memory_space<hbm>>) dst(%dma_wait3A_463 : memref<112x64xf32, #tpu.memory_space<vmem_shared>>)
    %dma_wait3A_467 = arith.constant 0 : i32
    %dma_wait3A_468 = arith.constant 0 : i32
    %dma_wait3A_469 = tpu.memref_slice %arg12[%dma_wait3A_467, %dma_wait3A_468] : memref<25024x64xf32, #tpu.memory_space<vmem_shared>> -> memref<112x64xf32, #tpu.memory_space<vmem_shared>>
    %dma_wait3A_470 = arith.constant 0 : i32
    %dma_wait3A_471 = arith.constant 0 : i32
    %dma_wait3A_472 = tpu.memref_slice %arg4[%dma_wait3A_470, %dma_wait3A_471] : memref<50000x64xf32, #tpu.memory_space<hbm>> -> memref<112x64xf32, #tpu.memory_space<hbm>>
    tpu.wait_dma2 semaphore(%arg16 : memref<!tpu.dma_semaphore, #tpu.memory_space<semaphore_mem>>) src(%dma_wait3A_472 : memref<112x64xf32, #tpu.memory_space<hbm>>) dst(%dma_wait3A_469 : memref<112x64xf32, #tpu.memory_space<vmem_shared>>)
    %dma_wait3A_473 = arith.constant 0 : i32
    %dma_wait3A_474 = arith.constant 0 : i32
    %dma_wait3A_475 = tpu.memref_slice %arg12[%dma_wait3A_473, %dma_wait3A_474] : memref<25024x64xf32, #tpu.memory_space<vmem_shared>> -> memref<112x64xf32, #tpu.memory_space<vmem_shared>>
    %dma_wait3A_476 = arith.constant 0 : i32
    %dma_wait3A_477 = arith.constant 0 : i32
    %dma_wait3A_478 = tpu.memref_slice %arg4[%dma_wait3A_476, %dma_wait3A_477] : memref<50000x64xf32, #tpu.memory_space<hbm>> -> memref<112x64xf32, #tpu.memory_space<hbm>>
    tpu.wait_dma2 semaphore(%arg16 : memref<!tpu.dma_semaphore, #tpu.memory_space<semaphore_mem>>) src(%dma_wait3A_478 : memref<112x64xf32, #tpu.memory_space<hbm>>) dst(%dma_wait3A_475 : memref<112x64xf32, #tpu.memory_space<vmem_shared>>)
    %dma_wait3A_479 = arith.constant 1 : i32
    %dma_wait3A_480 = arith.constant 0 : i32
    %dma_wait3A_481 = tpu.memref_slice %arg8[%dma_wait3A_479, %dma_wait3A_480] : memref<4x112xi32, #tpu.memory_space<vmem>> -> memref<1x112xi32, #tpu.memory_space<vmem>>
    %dma_wait3A_482 = arith.constant 0 : i32
    %dma_wait3A_483 = arith.constant 0 : i32
    %dma_wait3A_484 = tpu.memref_slice %arg2[%dma_wait3A_482, %dma_wait3A_483] : memref<7168x112xi32, #tpu.memory_space<hbm>> -> memref<1x112xi32, #tpu.memory_space<hbm>>
    %dma_wait3A_485 = arith.constant 1 : i32
    %dma_wait3A_486 = arith.constant 0 : i32
    %dma_wait3A_487 = tpu.memref_slice %arg8[%dma_wait3A_485, %dma_wait3A_486] : memref<4x112xi32, #tpu.memory_space<vmem>> -> memref<1x112xi32, #tpu.memory_space<vmem>>
    %dma_wait3A_488 = arith.constant 0 : i32
    %dma_wait3A_489 = arith.constant 0 : i32
    %dma_wait3A_490 = tpu.memref_slice %arg2[%dma_wait3A_488, %dma_wait3A_489] : memref<7168x112xi32, #tpu.memory_space<hbm>> -> memref<1x112xi32, #tpu.memory_space<hbm>>
    tpu.wait_dma2 semaphore(%arg14 : memref<!tpu.dma_semaphore, #tpu.memory_space<semaphore_mem>>) src(%dma_wait3A_490 : memref<1x112xi32, #tpu.memory_space<hbm>>) dst(%dma_wait3A_487 : memref<1x112xi32, #tpu.memory_space<vmem>>)
    %dma_wait3A_491 = arith.constant 1 : i32
    %dma_wait3A_492 = arith.constant 0 : i32
    %dma_wait3A_493 = tpu.memref_slice %arg9[%dma_wait3A_491, %dma_wait3A_492] : memref<4x112xi32, #tpu.memory_space<vmem>> -> memref<1x112xi32, #tpu.memory_space<vmem>>
    %dma_wait3A_494 = arith.constant 0 : i32
    %dma_wait3A_495 = arith.constant 0 : i32
    %dma_wait3A_496 = tpu.memref_slice %arg3[%dma_wait3A_494, %dma_wait3A_495] : memref<7168x112xi32, #tpu.memory_space<hbm>> -> memref<1x112xi32, #tpu.memory_space<hbm>>
    %dma_wait3A_497 = arith.constant 1 : i32
    %dma_wait3A_498 = arith.constant 0 : i32
    %dma_wait3A_499 = tpu.memref_slice %arg9[%dma_wait3A_497, %dma_wait3A_498] : memref<4x112xi32, #tpu.memory_space<vmem>> -> memref<1x112xi32, #tpu.memory_space<vmem>>
    %dma_wait3A_500 = arith.constant 0 : i32
    %dma_wait3A_501 = arith.constant 0 : i32
    %dma_wait3A_502 = tpu.memref_slice %arg3[%dma_wait3A_500, %dma_wait3A_501] : memref<7168x112xi32, #tpu.memory_space<hbm>> -> memref<1x112xi32, #tpu.memory_space<hbm>>
    tpu.wait_dma2 semaphore(%arg14 : memref<!tpu.dma_semaphore, #tpu.memory_space<semaphore_mem>>) src(%dma_wait3A_502 : memref<1x112xi32, #tpu.memory_space<hbm>>) dst(%dma_wait3A_499 : memref<1x112xi32, #tpu.memory_space<vmem>>)
    %barrier3A_503 = arith.constant 0 : index
    tpu.barrier barrier_id(%barrier3A_503)
    %lt3A_504 = arith.constant 15 : i32
    %lt3A_505 = arith.cmpi slt, %arg1, %lt3A_504 : i32
    %convert_element_type3A = arith.extui %lt3A_505 : i1 to i32
    %cond3A = arith.constant 0 : i32
    %cond3A_506 = arith.cmpi ne, %convert_element_type3A, %cond3A : i32
    scf.if %cond3A_506 {
      %mul3A_511 = arith.constant 1568 : i32
      %mul3A_512 = arith.muli %arg1, %mul3A_511 : i32
      %mul3A_513 = arith.constant 1568 : i32
      %mul3A_514 = arith.muli %arg1, %mul3A_513 : i32
      %add3A_515 = arith.addi %mul3A_0, %mul3A_514 : i32
      "tpu.region"() ({
        %run_scoped3A = tpu.sem_alloc : memref<!tpu.dma_semaphore, #tpu.memory_space<semaphore_mem>>
        %dma_start3A_516 = arith.constant 0 : i32
        %dma_start3A_517 = tpu.memref_slice %arg7[%add3A_515, %dma_start3A_516] : memref<50000x64xf32, #tpu.memory_space<hbm>> -> memref<1568x64xf32, #tpu.memory_space<hbm>>
        %dma_start3A_518 = arith.constant 0 : i32
        %dma_start3A_519 = tpu.memref_slice %arg12[%mul3A_512, %dma_start3A_518] : memref<25024x64xf32, #tpu.memory_space<vmem_shared>> -> memref<1568x64xf32, #tpu.memory_space<vmem_shared>>
        tpu.enqueue_dma source(%dma_start3A_519 : memref<1568x64xf32, #tpu.memory_space<vmem_shared>>) target(%dma_start3A_517 : memref<1568x64xf32, #tpu.memory_space<hbm>>) target_semaphore(%run_scoped3A : memref<!tpu.dma_semaphore, #tpu.memory_space<semaphore_mem>>)
        %dma_wait3A_520 = arith.constant 0 : i32
        %dma_wait3A_521 = tpu.memref_slice %arg7[%add3A_515, %dma_wait3A_520] : memref<50000x64xf32, #tpu.memory_space<hbm>> -> memref<1568x64xf32, #tpu.memory_space<hbm>>
        %dma_wait3A_522 = arith.constant 0 : i32
        %dma_wait3A_523 = tpu.memref_slice %arg12[%mul3A_512, %dma_wait3A_522] : memref<25024x64xf32, #tpu.memory_space<vmem_shared>> -> memref<1568x64xf32, #tpu.memory_space<vmem_shared>>
        tpu.wait_dma2 semaphore(%run_scoped3A : memref<!tpu.dma_semaphore, #tpu.memory_space<semaphore_mem>>) src(%dma_wait3A_523 : memref<1568x64xf32, #tpu.memory_space<vmem_shared>>) dst(%dma_wait3A_521 : memref<1568x64xf32, #tpu.memory_space<hbm>>)
        tpu.yield
      }) : () -> ()
    } else {
    }
    %eq3A = arith.constant 15 : i32
    %eq3A_507 = arith.cmpi eq, %arg1, %eq3A : i32
    %convert_element_type3A_508 = arith.extui %eq3A_507 : i1 to i32
    %cond3A_509 = arith.constant 0 : i32
    %cond3A_510 = arith.cmpi ne, %convert_element_type3A_508, %cond3A_509 : i32
    scf.if %cond3A_510 {
      %add3A_511 = arith.constant 23520 : i32
      %add3A_512 = arith.addi %mul3A_0, %add3A_511 : i32
      "tpu.region"() ({
        %run_scoped3A = tpu.sem_alloc : memref<!tpu.dma_semaphore, #tpu.memory_space<semaphore_mem>>
        %dma_start3A_513 = arith.constant 0 : i32
        %dma_start3A_514 = tpu.memref_slice %arg7[%add3A_512, %dma_start3A_513] : memref<50000x64xf32, #tpu.memory_space<hbm>> -> memref<1480x64xf32, #tpu.memory_space<hbm>>
        %dma_start3A_515 = arith.constant 23520 : i32
        %dma_start3A_516 = arith.constant 0 : i32
        %dma_start3A_517 = tpu.memref_slice %arg12[%dma_start3A_515, %dma_start3A_516] : memref<25024x64xf32, #tpu.memory_space<vmem_shared>> -> memref<1480x64xf32, #tpu.memory_space<vmem_shared>>
        tpu.enqueue_dma source(%dma_start3A_517 : memref<1480x64xf32, #tpu.memory_space<vmem_shared>>) target(%dma_start3A_514 : memref<1480x64xf32, #tpu.memory_space<hbm>>) target_semaphore(%run_scoped3A : memref<!tpu.dma_semaphore, #tpu.memory_space<semaphore_mem>>)
        %dma_wait3A_518 = arith.constant 0 : i32
        %dma_wait3A_519 = tpu.memref_slice %arg7[%add3A_512, %dma_wait3A_518] : memref<50000x64xf32, #tpu.memory_space<hbm>> -> memref<1480x64xf32, #tpu.memory_space<hbm>>
        %dma_wait3A_520 = arith.constant 23520 : i32
        %dma_wait3A_521 = arith.constant 0 : i32
        %dma_wait3A_522 = tpu.memref_slice %arg12[%dma_wait3A_520, %dma_wait3A_521] : memref<25024x64xf32, #tpu.memory_space<vmem_shared>> -> memref<1480x64xf32, #tpu.memory_space<vmem_shared>>
        tpu.wait_dma2 semaphore(%run_scoped3A : memref<!tpu.dma_semaphore, #tpu.memory_space<semaphore_mem>>) src(%dma_wait3A_522 : memref<1480x64xf32, #tpu.memory_space<vmem_shared>>) dst(%dma_wait3A_519 : memref<1480x64xf32, #tpu.memory_space<hbm>>)
        tpu.yield
      }) : () -> ()
    } else {
    }
    return
  }
}

#map = affine_map<(d0, d1) -> (0, 0)>
module attributes {stable_mosaic.version = 14 : i64} {
  func.func @_sc_aggregate_body(%arg0: i32, %arg1: i32, %arg2: memref<7168x112xi32, #tpu.memory_space<hbm>>, %arg3: memref<7168x112xi32, #tpu.memory_space<hbm>>, %arg4: memref<10000x64xf32, #tpu.memory_space<hbm>>, %arg5: memref<1564x64xf32, #tpu.memory_space<hbm>>, %arg6: memref<1x128xi32, #tpu.memory_space<hbm>>, %arg7: memref<50000x64xf32, #tpu.memory_space<hbm>>, %arg8: memref<4x112xi32, #tpu.memory_space<vmem>>, %arg9: memref<4x112xi32, #tpu.memory_space<vmem>>, %arg10: memref<4x112xi32, #tpu.memory_space<vmem>>, %arg11: memref<4x112x64xf32, #tpu.memory_space<vmem>>, %arg12: memref<25024x64xf32, #tpu.memory_space<vmem_shared>>, %arg13: memref<1x128xi32, #tpu.memory_space<vmem>>, %arg14: memref<!tpu.dma_semaphore, #tpu.memory_space<semaphore_mem>>, %arg15: memref<!tpu.dma_semaphore, #tpu.memory_space<semaphore_mem>>, %arg16: memref<!tpu.dma_semaphore, #tpu.memory_space<semaphore_mem>>) attributes {dimension_semantics = [#tpu.dimension_semantics<core_parallel>, #tpu.dimension_semantics<subcore_parallel>], iteration_bounds = array<i64: 2, 16>, scalar_prefetch = 0 : i64, scratch_operands = 9 : i64, tpu.core_type = #tpu.core_type<sc_vector_subcore>, window_params = [{transform_indices = #map}, {transform_indices = #map}, {transform_indices = #map}, {transform_indices = #map}, {transform_indices = #map}, {transform_indices = #map}]} {
    %mul3A = arith.constant 25000 : i32
    %mul3A_0 = arith.muli %arg0, %mul3A : i32
    %mul3A_1 = arith.constant 1564 : i32
    %mul3A_2 = arith.muli %arg1, %mul3A_1 : i32
    "tpu.region"() ({
      %run_scoped3A = tpu.sem_alloc : memref<!tpu.dma_semaphore, #tpu.memory_space<semaphore_mem>>
      %dma_start3A_511 = arith.constant 0 : i32
      %dma_start3A_512 = tpu.memref_slice %arg12[%mul3A_2, %dma_start3A_511] : memref<25024x64xf32, #tpu.memory_space<vmem_shared>> -> memref<1564x64xf32, #tpu.memory_space<vmem_shared>>
      tpu.enqueue_dma source(%arg5 : memref<1564x64xf32, #tpu.memory_space<hbm>>) target(%dma_start3A_512 : memref<1564x64xf32, #tpu.memory_space<vmem_shared>>) target_semaphore(%run_scoped3A : memref<!tpu.dma_semaphore, #tpu.memory_space<semaphore_mem>>)
      %dma_wait3A_513 = arith.constant 0 : i32
      %dma_wait3A_514 = tpu.memref_slice %arg12[%mul3A_2, %dma_wait3A_513] : memref<25024x64xf32, #tpu.memory_space<vmem_shared>> -> memref<1564x64xf32, #tpu.memory_space<vmem_shared>>
      tpu.wait_dma2 semaphore(%run_scoped3A : memref<!tpu.dma_semaphore, #tpu.memory_space<semaphore_mem>>) src(%arg5 : memref<1564x64xf32, #tpu.memory_space<hbm>>) dst(%dma_wait3A_514 : memref<1564x64xf32, #tpu.memory_space<vmem_shared>>)
      tpu.yield
    }) : () -> ()
    "tpu.region"() ({
      %run_scoped3A = tpu.sem_alloc : memref<!tpu.dma_semaphore, #tpu.memory_space<semaphore_mem>>
      tpu.enqueue_dma source(%arg6 : memref<1x128xi32, #tpu.memory_space<hbm>>) target(%arg13 : memref<1x128xi32, #tpu.memory_space<vmem>>) target_semaphore(%run_scoped3A : memref<!tpu.dma_semaphore, #tpu.memory_space<semaphore_mem>>)
      tpu.wait_dma2 semaphore(%run_scoped3A : memref<!tpu.dma_semaphore, #tpu.memory_space<semaphore_mem>>) src(%arg6 : memref<1x128xi32, #tpu.memory_space<hbm>>) dst(%arg13 : memref<1x128xi32, #tpu.memory_space<vmem>>)
      tpu.yield
    }) : () -> ()
    %barrier3A = arith.constant 0 : index
    tpu.barrier barrier_id(%barrier3A)
    %mul3A_3 = arith.constant 448 : i32
    %mul3A_4 = arith.muli %arg1, %mul3A_3 : i32
    %add3A = arith.constant 0 : i32
    %add3A_5 = arith.addi %mul3A_4, %add3A : i32
    %min3A = arith.constant 7167 : i32
    %min3A_6 = arith.minsi %add3A_5, %min3A : i32
    %dma_start3A = arith.constant 0 : i32
    %dma_start3A_7 = arith.constant 0 : i32
    %dma_start3A_8 = tpu.memref_slice %arg8[%dma_start3A, %dma_start3A_7] : memref<4x112xi32, #tpu.memory_space<vmem>> -> memref<1x112xi32, #tpu.memory_space<vmem>>
    %dma_start3A_9 = arith.constant 0 : i32
    %dma_start3A_10 = tpu.memref_slice %arg2[%min3A_6, %dma_start3A_9] : memref<7168x112xi32, #tpu.memory_space<hbm>> -> memref<1x112xi32, #tpu.memory_space<hbm>>
    %dma_start3A_11 = arith.constant 0 : i32
    %dma_start3A_12 = arith.constant 0 : i32
    %dma_start3A_13 = tpu.memref_slice %arg8[%dma_start3A_11, %dma_start3A_12] : memref<4x112xi32, #tpu.memory_space<vmem>> -> memref<1x112xi32, #tpu.memory_space<vmem>>
    %dma_start3A_14 = arith.constant 0 : i32
    %dma_start3A_15 = tpu.memref_slice %arg2[%min3A_6, %dma_start3A_14] : memref<7168x112xi32, #tpu.memory_space<hbm>> -> memref<1x112xi32, #tpu.memory_space<hbm>>
    tpu.enqueue_dma source(%dma_start3A_15 : memref<1x112xi32, #tpu.memory_space<hbm>>) target(%dma_start3A_13 : memref<1x112xi32, #tpu.memory_space<vmem>>) target_semaphore(%arg14 : memref<!tpu.dma_semaphore, #tpu.memory_space<semaphore_mem>>)
    %dma_start3A_16 = arith.constant 0 : i32
    %dma_start3A_17 = arith.constant 0 : i32
    %dma_start3A_18 = tpu.memref_slice %arg9[%dma_start3A_16, %dma_start3A_17] : memref<4x112xi32, #tpu.memory_space<vmem>> -> memref<1x112xi32, #tpu.memory_space<vmem>>
    %dma_start3A_19 = arith.constant 0 : i32
    %dma_start3A_20 = tpu.memref_slice %arg3[%min3A_6, %dma_start3A_19] : memref<7168x112xi32, #tpu.memory_space<hbm>> -> memref<1x112xi32, #tpu.memory_space<hbm>>
    %dma_start3A_21 = arith.constant 0 : i32
    %dma_start3A_22 = arith.constant 0 : i32
    %dma_start3A_23 = tpu.memref_slice %arg9[%dma_start3A_21, %dma_start3A_22] : memref<4x112xi32, #tpu.memory_space<vmem>> -> memref<1x112xi32, #tpu.memory_space<vmem>>
    %dma_start3A_24 = arith.constant 0 : i32
    %dma_start3A_25 = tpu.memref_slice %arg3[%min3A_6, %dma_start3A_24] : memref<7168x112xi32, #tpu.memory_space<hbm>> -> memref<1x112xi32, #tpu.memory_space<hbm>>
    tpu.enqueue_dma source(%dma_start3A_25 : memref<1x112xi32, #tpu.memory_space<hbm>>) target(%dma_start3A_23 : memref<1x112xi32, #tpu.memory_space<vmem>>) target_semaphore(%arg14 : memref<!tpu.dma_semaphore, #tpu.memory_space<semaphore_mem>>)
    %dma_wait3A = arith.constant 0 : i32
    %dma_wait3A_26 = arith.constant 0 : i32
    %dma_wait3A_27 = tpu.memref_slice %arg8[%dma_wait3A, %dma_wait3A_26] : memref<4x112xi32, #tpu.memory_space<vmem>> -> memref<1x112xi32, #tpu.memory_space<vmem>>
    %dma_wait3A_28 = arith.constant 0 : i32
    %dma_wait3A_29 = arith.constant 0 : i32
    %dma_wait3A_30 = tpu.memref_slice %arg2[%dma_wait3A_28, %dma_wait3A_29] : memref<7168x112xi32, #tpu.memory_space<hbm>> -> memref<1x112xi32, #tpu.memory_space<hbm>>
    %dma_wait3A_31 = arith.constant 0 : i32
    %dma_wait3A_32 = arith.constant 0 : i32
    %dma_wait3A_33 = tpu.memref_slice %arg8[%dma_wait3A_31, %dma_wait3A_32] : memref<4x112xi32, #tpu.memory_space<vmem>> -> memref<1x112xi32, #tpu.memory_space<vmem>>
    %dma_wait3A_34 = arith.constant 0 : i32
    %dma_wait3A_35 = arith.constant 0 : i32
    %dma_wait3A_36 = tpu.memref_slice %arg2[%dma_wait3A_34, %dma_wait3A_35] : memref<7168x112xi32, #tpu.memory_space<hbm>> -> memref<1x112xi32, #tpu.memory_space<hbm>>
    tpu.wait_dma2 semaphore(%arg14 : memref<!tpu.dma_semaphore, #tpu.memory_space<semaphore_mem>>) src(%dma_wait3A_36 : memref<1x112xi32, #tpu.memory_space<hbm>>) dst(%dma_wait3A_33 : memref<1x112xi32, #tpu.memory_space<vmem>>)
    %dma_wait3A_37 = arith.constant 0 : i32
    %dma_wait3A_38 = arith.constant 0 : i32
    %dma_wait3A_39 = tpu.memref_slice %arg9[%dma_wait3A_37, %dma_wait3A_38] : memref<4x112xi32, #tpu.memory_space<vmem>> -> memref<1x112xi32, #tpu.memory_space<vmem>>
    %dma_wait3A_40 = arith.constant 0 : i32
    %dma_wait3A_41 = arith.constant 0 : i32
    %dma_wait3A_42 = tpu.memref_slice %arg3[%dma_wait3A_40, %dma_wait3A_41] : memref<7168x112xi32, #tpu.memory_space<hbm>> -> memref<1x112xi32, #tpu.memory_space<hbm>>
    %dma_wait3A_43 = arith.constant 0 : i32
    %dma_wait3A_44 = arith.constant 0 : i32
    %dma_wait3A_45 = tpu.memref_slice %arg9[%dma_wait3A_43, %dma_wait3A_44] : memref<4x112xi32, #tpu.memory_space<vmem>> -> memref<1x112xi32, #tpu.memory_space<vmem>>
    %dma_wait3A_46 = arith.constant 0 : i32
    %dma_wait3A_47 = arith.constant 0 : i32
    %dma_wait3A_48 = tpu.memref_slice %arg3[%dma_wait3A_46, %dma_wait3A_47] : memref<7168x112xi32, #tpu.memory_space<hbm>> -> memref<1x112xi32, #tpu.memory_space<hbm>>
    tpu.wait_dma2 semaphore(%arg14 : memref<!tpu.dma_semaphore, #tpu.memory_space<semaphore_mem>>) src(%dma_wait3A_48 : memref<1x112xi32, #tpu.memory_space<hbm>>) dst(%dma_wait3A_45 : memref<1x112xi32, #tpu.memory_space<vmem>>)
    %get3A = arith.constant 0 : i32
    %get3A_49 = arith.index_cast %get3A : i32 to index
    %get3A_50 = arith.constant 0 : index
    %get3A_51 = tpu.vector_load %arg9[%get3A_49, %get3A_50] {strides = array<i32>} : memref<4x112xi32, #tpu.memory_space<vmem>>, vector<1x16xi32>,
    %get3A_52 = vector.shape_cast %get3A_51 : vector<1x16xi32> to vector<16xi32>
    %sub3A = vector.broadcast %mul3A_0 : i32 to vector<16xi32>
    %sub3A_53 = arith.subi %get3A_52, %sub3A : vector<16xi32>
    %ge3A = arith.constant 0 : i32
    %ge3A_54 = vector.broadcast %ge3A : i32 to vector<16xi32>
    %ge3A_55 = arith.cmpi sge, %sub3A_53, %ge3A_54 : vector<16xi32>
    %lt3A = arith.constant 25000 : i32
    %lt3A_56 = vector.broadcast %lt3A : i32 to vector<16xi32>
    %lt3A_57 = arith.cmpi slt, %sub3A_53, %lt3A_56 : vector<16xi32>
    %and3A = arith.andi %ge3A_55, %lt3A_57 : vector<16xi1>
    %and3A_58 = arith.constant 15 : i32
    %and3A_59 = vector.broadcast %and3A_58 : i32 to vector<16xi32>
    %and3A_60 = arith.andi %get3A_52, %and3A_59 : vector<16xi32>
    %add3A_61 = arith.constant 25000 : i32
    %add3A_62 = vector.broadcast %add3A_61 : i32 to vector<16xi32>
    %add3A_63 = arith.addi %add3A_62, %and3A_60 : vector<16xi32>
    %select_n3A = arith.select %and3A, %sub3A_53, %add3A_63 : vector<16xi1>, vector<16xi32>
    %swap3A = arith.constant 0 : i32
    %swap3A_64 = arith.index_cast %swap3A : i32 to index
    %swap3A_65 = arith.constant 0 : index
    %swap3A_66 = tpu.vector_load %arg10[%swap3A_64, %swap3A_65] {strides = array<i32>} : memref<4x112xi32, #tpu.memory_space<vmem>>, vector<1x16xi32>,
    %swap3A_67 = vector.shape_cast %swap3A_66 : vector<1x16xi32> to vector<16xi32>
    %swap3A_68 = vector.shape_cast %select_n3A : vector<16xi32> to vector<1x16xi32>
    tpu.vector_store %arg10[%swap3A_64, %swap3A_65], %swap3A_68 {strides = array<i32>} : memref<4x112xi32, #tpu.memory_space<vmem>>, vector<1x16xi32>,
    %get3A_69 = arith.constant 0 : i32
    %get3A_70 = arith.index_cast %get3A_69 : i32 to index
    %get3A_71 = arith.constant 0 : index
    %get3A_72 = tpu.vector_load %arg8[%get3A_70, %get3A_71] {strides = array<i32>} : memref<4x112xi32, #tpu.memory_space<vmem>>, vector<1x16xi32>,
    %get3A_73 = vector.shape_cast %get3A_72 : vector<1x16xi32> to vector<16xi32>
    %get3A_74 = arith.constant 0 : i32
    %get3A_75 = arith.index_cast %get3A_74 : i32 to index
    %get3A_76 = arith.constant 0 : index
    %get3A_77 = tpu.vector_load %arg13[%get3A_75, %get3A_76] {strides = array<i32>} : memref<1x128xi32, #tpu.memory_space<vmem>>, vector<1x16xi32>,
    %get3A_78 = vector.shape_cast %get3A_77 : vector<1x16xi32> to vector<16xi32>
    %mul3A_79 = arith.constant 128 : i32
    %mul3A_80 = arith.muli %arg1, %mul3A_79 : i32
    %add3A_81 = vector.broadcast %mul3A_80 : i32 to vector<16xi32>
    %add3A_82 = arith.addi %get3A_78, %add3A_81 : vector<16xi32>
    %select_n3A_83 = arith.select %and3A, %get3A_73, %add3A_82 : vector<16xi1>, vector<16xi32>
    %swap3A_84 = arith.constant 0 : i32
    %swap3A_85 = arith.index_cast %swap3A_84 : i32 to index
    %swap3A_86 = arith.constant 0 : index
    %swap3A_87 = tpu.vector_load %arg8[%swap3A_85, %swap3A_86] {strides = array<i32>} : memref<4x112xi32, #tpu.memory_space<vmem>>, vector<1x16xi32>,
    %swap3A_88 = vector.shape_cast %swap3A_87 : vector<1x16xi32> to vector<16xi32>
    %swap3A_89 = vector.shape_cast %select_n3A_83 : vector<16xi32> to vector<1x16xi32>
    tpu.vector_store %arg8[%swap3A_85, %swap3A_86], %swap3A_89 {strides = array<i32>} : memref<4x112xi32, #tpu.memory_space<vmem>>, vector<1x16xi32>,
    %get3A_90 = arith.constant 0 : i32
    %get3A_91 = arith.index_cast %get3A_90 : i32 to index
    %get3A_92 = arith.constant 16 : index
    %get3A_93 = tpu.vector_load %arg9[%get3A_91, %get3A_92] {strides = array<i32>} : memref<4x112xi32, #tpu.memory_space<vmem>>, vector<1x16xi32>,
    %get3A_94 = vector.shape_cast %get3A_93 : vector<1x16xi32> to vector<16xi32>
    %sub3A_95 = vector.broadcast %mul3A_0 : i32 to vector<16xi32>
    %sub3A_96 = arith.subi %get3A_94, %sub3A_95 : vector<16xi32>
    %ge3A_97 = arith.constant 0 : i32
    %ge3A_98 = vector.broadcast %ge3A_97 : i32 to vector<16xi32>
    %ge3A_99 = arith.cmpi sge, %sub3A_96, %ge3A_98 : vector<16xi32>
    %lt3A_100 = arith.constant 25000 : i32
    %lt3A_101 = vector.broadcast %lt3A_100 : i32 to vector<16xi32>
    %lt3A_102 = arith.cmpi slt, %sub3A_96, %lt3A_101 : vector<16xi32>
    %and3A_103 = arith.andi %ge3A_99, %lt3A_102 : vector<16xi1>
    %and3A_104 = arith.constant 15 : i32
    %and3A_105 = vector.broadcast %and3A_104 : i32 to vector<16xi32>
    %and3A_106 = arith.andi %get3A_94, %and3A_105 : vector<16xi32>
    %add3A_107 = arith.constant 25000 : i32
    %add3A_108 = vector.broadcast %add3A_107 : i32 to vector<16xi32>
    %add3A_109 = arith.addi %add3A_108, %and3A_106 : vector<16xi32>
    %select_n3A_110 = arith.select %and3A_103, %sub3A_96, %add3A_109 : vector<16xi1>, vector<16xi32>
    %swap3A_111 = arith.constant 0 : i32
    %swap3A_112 = arith.index_cast %swap3A_111 : i32 to index
    %swap3A_113 = arith.constant 16 : index
    %swap3A_114 = tpu.vector_load %arg10[%swap3A_112, %swap3A_113] {strides = array<i32>} : memref<4x112xi32, #tpu.memory_space<vmem>>, vector<1x16xi32>,
    %swap3A_115 = vector.shape_cast %swap3A_114 : vector<1x16xi32> to vector<16xi32>
    %swap3A_116 = vector.shape_cast %select_n3A_110 : vector<16xi32> to vector<1x16xi32>
    tpu.vector_store %arg10[%swap3A_112, %swap3A_113], %swap3A_116 {strides = array<i32>} : memref<4x112xi32, #tpu.memory_space<vmem>>, vector<1x16xi32>,
    %get3A_117 = arith.constant 0 : i32
    %get3A_118 = arith.index_cast %get3A_117 : i32 to index
    %get3A_119 = arith.constant 16 : index
    %get3A_120 = tpu.vector_load %arg8[%get3A_118, %get3A_119] {strides = array<i32>} : memref<4x112xi32, #tpu.memory_space<vmem>>, vector<1x16xi32>,
    %get3A_121 = vector.shape_cast %get3A_120 : vector<1x16xi32> to vector<16xi32>
    %get3A_122 = arith.constant 0 : i32
    %get3A_123 = arith.index_cast %get3A_122 : i32 to index
    %get3A_124 = arith.constant 16 : index
    %get3A_125 = tpu.vector_load %arg13[%get3A_123, %get3A_124] {strides = array<i32>} : memref<1x128xi32, #tpu.memory_space<vmem>>, vector<1x16xi32>,
    %get3A_126 = vector.shape_cast %get3A_125 : vector<1x16xi32> to vector<16xi32>
    %mul3A_127 = arith.constant 128 : i32
    %mul3A_128 = arith.muli %arg1, %mul3A_127 : i32
    %add3A_129 = vector.broadcast %mul3A_128 : i32 to vector<16xi32>
    %add3A_130 = arith.addi %get3A_126, %add3A_129 : vector<16xi32>
    %select_n3A_131 = arith.select %and3A_103, %get3A_121, %add3A_130 : vector<16xi1>, vector<16xi32>
    %swap3A_132 = arith.constant 0 : i32
    %swap3A_133 = arith.index_cast %swap3A_132 : i32 to index
    %swap3A_134 = arith.constant 16 : index
    %swap3A_135 = tpu.vector_load %arg8[%swap3A_133, %swap3A_134] {strides = array<i32>} : memref<4x112xi32, #tpu.memory_space<vmem>>, vector<1x16xi32>,
    %swap3A_136 = vector.shape_cast %swap3A_135 : vector<1x16xi32> to vector<16xi32>
    %swap3A_137 = vector.shape_cast %select_n3A_131 : vector<16xi32> to vector<1x16xi32>
    tpu.vector_store %arg8[%swap3A_133, %swap3A_134], %swap3A_137 {strides = array<i32>} : memref<4x112xi32, #tpu.memory_space<vmem>>, vector<1x16xi32>,
    %get3A_138 = arith.constant 0 : i32
    %get3A_139 = arith.index_cast %get3A_138 : i32 to index
    %get3A_140 = arith.constant 32 : index
    %get3A_141 = tpu.vector_load %arg9[%get3A_139, %get3A_140] {strides = array<i32>} : memref<4x112xi32, #tpu.memory_space<vmem>>, vector<1x16xi32>,
    %get3A_142 = vector.shape_cast %get3A_141 : vector<1x16xi32> to vector<16xi32>
    %sub3A_143 = vector.broadcast %mul3A_0 : i32 to vector<16xi32>
    %sub3A_144 = arith.subi %get3A_142, %sub3A_143 : vector<16xi32>
    %ge3A_145 = arith.constant 0 : i32
    %ge3A_146 = vector.broadcast %ge3A_145 : i32 to vector<16xi32>
    %ge3A_147 = arith.cmpi sge, %sub3A_144, %ge3A_146 : vector<16xi32>
    %lt3A_148 = arith.constant 25000 : i32
    %lt3A_149 = vector.broadcast %lt3A_148 : i32 to vector<16xi32>
    %lt3A_150 = arith.cmpi slt, %sub3A_144, %lt3A_149 : vector<16xi32>
    %and3A_151 = arith.andi %ge3A_147, %lt3A_150 : vector<16xi1>
    %and3A_152 = arith.constant 15 : i32
    %and3A_153 = vector.broadcast %and3A_152 : i32 to vector<16xi32>
    %and3A_154 = arith.andi %get3A_142, %and3A_153 : vector<16xi32>
    %add3A_155 = arith.constant 25000 : i32
    %add3A_156 = vector.broadcast %add3A_155 : i32 to vector<16xi32>
    %add3A_157 = arith.addi %add3A_156, %and3A_154 : vector<16xi32>
    %select_n3A_158 = arith.select %and3A_151, %sub3A_144, %add3A_157 : vector<16xi1>, vector<16xi32>
    %swap3A_159 = arith.constant 0 : i32
    %swap3A_160 = arith.index_cast %swap3A_159 : i32 to index
    %swap3A_161 = arith.constant 32 : index
    %swap3A_162 = tpu.vector_load %arg10[%swap3A_160, %swap3A_161] {strides = array<i32>} : memref<4x112xi32, #tpu.memory_space<vmem>>, vector<1x16xi32>,
    %swap3A_163 = vector.shape_cast %swap3A_162 : vector<1x16xi32> to vector<16xi32>
    %swap3A_164 = vector.shape_cast %select_n3A_158 : vector<16xi32> to vector<1x16xi32>
    tpu.vector_store %arg10[%swap3A_160, %swap3A_161], %swap3A_164 {strides = array<i32>} : memref<4x112xi32, #tpu.memory_space<vmem>>, vector<1x16xi32>,
    %get3A_165 = arith.constant 0 : i32
    %get3A_166 = arith.index_cast %get3A_165 : i32 to index
    %get3A_167 = arith.constant 32 : index
    %get3A_168 = tpu.vector_load %arg8[%get3A_166, %get3A_167] {strides = array<i32>} : memref<4x112xi32, #tpu.memory_space<vmem>>, vector<1x16xi32>,
    %get3A_169 = vector.shape_cast %get3A_168 : vector<1x16xi32> to vector<16xi32>
    %get3A_170 = arith.constant 0 : i32
    %get3A_171 = arith.index_cast %get3A_170 : i32 to index
    %get3A_172 = arith.constant 32 : index
    %get3A_173 = tpu.vector_load %arg13[%get3A_171, %get3A_172] {strides = array<i32>} : memref<1x128xi32, #tpu.memory_space<vmem>>, vector<1x16xi32>,
    %get3A_174 = vector.shape_cast %get3A_173 : vector<1x16xi32> to vector<16xi32>
    %mul3A_175 = arith.constant 128 : i32
    %mul3A_176 = arith.muli %arg1, %mul3A_175 : i32
    %add3A_177 = vector.broadcast %mul3A_176 : i32 to vector<16xi32>
    %add3A_178 = arith.addi %get3A_174, %add3A_177 : vector<16xi32>
    %select_n3A_179 = arith.select %and3A_151, %get3A_169, %add3A_178 : vector<16xi1>, vector<16xi32>
    %swap3A_180 = arith.constant 0 : i32
    %swap3A_181 = arith.index_cast %swap3A_180 : i32 to index
    %swap3A_182 = arith.constant 32 : index
    %swap3A_183 = tpu.vector_load %arg8[%swap3A_181, %swap3A_182] {strides = array<i32>} : memref<4x112xi32, #tpu.memory_space<vmem>>, vector<1x16xi32>,
    %swap3A_184 = vector.shape_cast %swap3A_183 : vector<1x16xi32> to vector<16xi32>
    %swap3A_185 = vector.shape_cast %select_n3A_179 : vector<16xi32> to vector<1x16xi32>
    tpu.vector_store %arg8[%swap3A_181, %swap3A_182], %swap3A_185 {strides = array<i32>} : memref<4x112xi32, #tpu.memory_space<vmem>>, vector<1x16xi32>,
    %get3A_186 = arith.constant 0 : i32
    %get3A_187 = arith.index_cast %get3A_186 : i32 to index
    %get3A_188 = arith.constant 48 : index
    %get3A_189 = tpu.vector_load %arg9[%get3A_187, %get3A_188] {strides = array<i32>} : memref<4x112xi32, #tpu.memory_space<vmem>>, vector<1x16xi32>,
    %get3A_190 = vector.shape_cast %get3A_189 : vector<1x16xi32> to vector<16xi32>
    %sub3A_191 = vector.broadcast %mul3A_0 : i32 to vector<16xi32>
    %sub3A_192 = arith.subi %get3A_190, %sub3A_191 : vector<16xi32>
    %ge3A_193 = arith.constant 0 : i32
    %ge3A_194 = vector.broadcast %ge3A_193 : i32 to vector<16xi32>
    %ge3A_195 = arith.cmpi sge, %sub3A_192, %ge3A_194 : vector<16xi32>
    %lt3A_196 = arith.constant 25000 : i32
    %lt3A_197 = vector.broadcast %lt3A_196 : i32 to vector<16xi32>
    %lt3A_198 = arith.cmpi slt, %sub3A_192, %lt3A_197 : vector<16xi32>
    %and3A_199 = arith.andi %ge3A_195, %lt3A_198 : vector<16xi1>
    %and3A_200 = arith.constant 15 : i32
    %and3A_201 = vector.broadcast %and3A_200 : i32 to vector<16xi32>
    %and3A_202 = arith.andi %get3A_190, %and3A_201 : vector<16xi32>
    %add3A_203 = arith.constant 25000 : i32
    %add3A_204 = vector.broadcast %add3A_203 : i32 to vector<16xi32>
    %add3A_205 = arith.addi %add3A_204, %and3A_202 : vector<16xi32>
    %select_n3A_206 = arith.select %and3A_199, %sub3A_192, %add3A_205 : vector<16xi1>, vector<16xi32>
    %swap3A_207 = arith.constant 0 : i32
    %swap3A_208 = arith.index_cast %swap3A_207 : i32 to index
    %swap3A_209 = arith.constant 48 : index
    %swap3A_210 = tpu.vector_load %arg10[%swap3A_208, %swap3A_209] {strides = array<i32>} : memref<4x112xi32, #tpu.memory_space<vmem>>, vector<1x16xi32>,
    %swap3A_211 = vector.shape_cast %swap3A_210 : vector<1x16xi32> to vector<16xi32>
    %swap3A_212 = vector.shape_cast %select_n3A_206 : vector<16xi32> to vector<1x16xi32>
    tpu.vector_store %arg10[%swap3A_208, %swap3A_209], %swap3A_212 {strides = array<i32>} : memref<4x112xi32, #tpu.memory_space<vmem>>, vector<1x16xi32>,
    %get3A_213 = arith.constant 0 : i32
    %get3A_214 = arith.index_cast %get3A_213 : i32 to index
    %get3A_215 = arith.constant 48 : index
    %get3A_216 = tpu.vector_load %arg8[%get3A_214, %get3A_215] {strides = array<i32>} : memref<4x112xi32, #tpu.memory_space<vmem>>, vector<1x16xi32>,
    %get3A_217 = vector.shape_cast %get3A_216 : vector<1x16xi32> to vector<16xi32>
    %get3A_218 = arith.constant 0 : i32
    %get3A_219 = arith.index_cast %get3A_218 : i32 to index
    %get3A_220 = arith.constant 48 : index
    %get3A_221 = tpu.vector_load %arg13[%get3A_219, %get3A_220] {strides = array<i32>} : memref<1x128xi32, #tpu.memory_space<vmem>>, vector<1x16xi32>,
    %get3A_222 = vector.shape_cast %get3A_221 : vector<1x16xi32> to vector<16xi32>
    %mul3A_223 = arith.constant 128 : i32
    %mul3A_224 = arith.muli %arg1, %mul3A_223 : i32
    %add3A_225 = vector.broadcast %mul3A_224 : i32 to vector<16xi32>
    %add3A_226 = arith.addi %get3A_222, %add3A_225 : vector<16xi32>
    %select_n3A_227 = arith.select %and3A_199, %get3A_217, %add3A_226 : vector<16xi1>, vector<16xi32>
    %swap3A_228 = arith.constant 0 : i32
    %swap3A_229 = arith.index_cast %swap3A_228 : i32 to index
    %swap3A_230 = arith.constant 48 : index
    %swap3A_231 = tpu.vector_load %arg8[%swap3A_229, %swap3A_230] {strides = array<i32>} : memref<4x112xi32, #tpu.memory_space<vmem>>, vector<1x16xi32>,
    %swap3A_232 = vector.shape_cast %swap3A_231 : vector<1x16xi32> to vector<16xi32>
    %swap3A_233 = vector.shape_cast %select_n3A_227 : vector<16xi32> to vector<1x16xi32>
    tpu.vector_store %arg8[%swap3A_229, %swap3A_230], %swap3A_233 {strides = array<i32>} : memref<4x112xi32, #tpu.memory_space<vmem>>, vector<1x16xi32>,
    %get3A_234 = arith.constant 0 : i32
    %get3A_235 = arith.index_cast %get3A_234 : i32 to index
    %get3A_236 = arith.constant 64 : index
    %get3A_237 = tpu.vector_load %arg9[%get3A_235, %get3A_236] {strides = array<i32>} : memref<4x112xi32, #tpu.memory_space<vmem>>, vector<1x16xi32>,
    %get3A_238 = vector.shape_cast %get3A_237 : vector<1x16xi32> to vector<16xi32>
    %sub3A_239 = vector.broadcast %mul3A_0 : i32 to vector<16xi32>
    %sub3A_240 = arith.subi %get3A_238, %sub3A_239 : vector<16xi32>
    %ge3A_241 = arith.constant 0 : i32
    %ge3A_242 = vector.broadcast %ge3A_241 : i32 to vector<16xi32>
    %ge3A_243 = arith.cmpi sge, %sub3A_240, %ge3A_242 : vector<16xi32>
    %lt3A_244 = arith.constant 25000 : i32
    %lt3A_245 = vector.broadcast %lt3A_244 : i32 to vector<16xi32>
    %lt3A_246 = arith.cmpi slt, %sub3A_240, %lt3A_245 : vector<16xi32>
    %and3A_247 = arith.andi %ge3A_243, %lt3A_246 : vector<16xi1>
    %and3A_248 = arith.constant 15 : i32
    %and3A_249 = vector.broadcast %and3A_248 : i32 to vector<16xi32>
    %and3A_250 = arith.andi %get3A_238, %and3A_249 : vector<16xi32>
    %add3A_251 = arith.constant 25000 : i32
    %add3A_252 = vector.broadcast %add3A_251 : i32 to vector<16xi32>
    %add3A_253 = arith.addi %add3A_252, %and3A_250 : vector<16xi32>
    %select_n3A_254 = arith.select %and3A_247, %sub3A_240, %add3A_253 : vector<16xi1>, vector<16xi32>
    %swap3A_255 = arith.constant 0 : i32
    %swap3A_256 = arith.index_cast %swap3A_255 : i32 to index
    %swap3A_257 = arith.constant 64 : index
    %swap3A_258 = tpu.vector_load %arg10[%swap3A_256, %swap3A_257] {strides = array<i32>} : memref<4x112xi32, #tpu.memory_space<vmem>>, vector<1x16xi32>,
    %swap3A_259 = vector.shape_cast %swap3A_258 : vector<1x16xi32> to vector<16xi32>
    %swap3A_260 = vector.shape_cast %select_n3A_254 : vector<16xi32> to vector<1x16xi32>
    tpu.vector_store %arg10[%swap3A_256, %swap3A_257], %swap3A_260 {strides = array<i32>} : memref<4x112xi32, #tpu.memory_space<vmem>>, vector<1x16xi32>,
    %get3A_261 = arith.constant 0 : i32
    %get3A_262 = arith.index_cast %get3A_261 : i32 to index
    %get3A_263 = arith.constant 64 : index
    %get3A_264 = tpu.vector_load %arg8[%get3A_262, %get3A_263] {strides = array<i32>} : memref<4x112xi32, #tpu.memory_space<vmem>>, vector<1x16xi32>,
    %get3A_265 = vector.shape_cast %get3A_264 : vector<1x16xi32> to vector<16xi32>
    %get3A_266 = arith.constant 0 : i32
    %get3A_267 = arith.index_cast %get3A_266 : i32 to index
    %get3A_268 = arith.constant 64 : index
    %get3A_269 = tpu.vector_load %arg13[%get3A_267, %get3A_268] {strides = array<i32>} : memref<1x128xi32, #tpu.memory_space<vmem>>, vector<1x16xi32>,
    %get3A_270 = vector.shape_cast %get3A_269 : vector<1x16xi32> to vector<16xi32>
    %mul3A_271 = arith.constant 128 : i32
    %mul3A_272 = arith.muli %arg1, %mul3A_271 : i32
    %add3A_273 = vector.broadcast %mul3A_272 : i32 to vector<16xi32>
    %add3A_274 = arith.addi %get3A_270, %add3A_273 : vector<16xi32>
    %select_n3A_275 = arith.select %and3A_247, %get3A_265, %add3A_274 : vector<16xi1>, vector<16xi32>
    %swap3A_276 = arith.constant 0 : i32
    %swap3A_277 = arith.index_cast %swap3A_276 : i32 to index
    %swap3A_278 = arith.constant 64 : index
    %swap3A_279 = tpu.vector_load %arg8[%swap3A_277, %swap3A_278] {strides = array<i32>} : memref<4x112xi32, #tpu.memory_space<vmem>>, vector<1x16xi32>,
    %swap3A_280 = vector.shape_cast %swap3A_279 : vector<1x16xi32> to vector<16xi32>
    %swap3A_281 = vector.shape_cast %select_n3A_275 : vector<16xi32> to vector<1x16xi32>
    tpu.vector_store %arg8[%swap3A_277, %swap3A_278], %swap3A_281 {strides = array<i32>} : memref<4x112xi32, #tpu.memory_space<vmem>>, vector<1x16xi32>,
    %get3A_282 = arith.constant 0 : i32
    %get3A_283 = arith.index_cast %get3A_282 : i32 to index
    %get3A_284 = arith.constant 80 : index
    %get3A_285 = tpu.vector_load %arg9[%get3A_283, %get3A_284] {strides = array<i32>} : memref<4x112xi32, #tpu.memory_space<vmem>>, vector<1x16xi32>,
    %get3A_286 = vector.shape_cast %get3A_285 : vector<1x16xi32> to vector<16xi32>
    %sub3A_287 = vector.broadcast %mul3A_0 : i32 to vector<16xi32>
    %sub3A_288 = arith.subi %get3A_286, %sub3A_287 : vector<16xi32>
    %ge3A_289 = arith.constant 0 : i32
    %ge3A_290 = vector.broadcast %ge3A_289 : i32 to vector<16xi32>
    %ge3A_291 = arith.cmpi sge, %sub3A_288, %ge3A_290 : vector<16xi32>
    %lt3A_292 = arith.constant 25000 : i32
    %lt3A_293 = vector.broadcast %lt3A_292 : i32 to vector<16xi32>
    %lt3A_294 = arith.cmpi slt, %sub3A_288, %lt3A_293 : vector<16xi32>
    %and3A_295 = arith.andi %ge3A_291, %lt3A_294 : vector<16xi1>
    %and3A_296 = arith.constant 15 : i32
    %and3A_297 = vector.broadcast %and3A_296 : i32 to vector<16xi32>
    %and3A_298 = arith.andi %get3A_286, %and3A_297 : vector<16xi32>
    %add3A_299 = arith.constant 25000 : i32
    %add3A_300 = vector.broadcast %add3A_299 : i32 to vector<16xi32>
    %add3A_301 = arith.addi %add3A_300, %and3A_298 : vector<16xi32>
    %select_n3A_302 = arith.select %and3A_295, %sub3A_288, %add3A_301 : vector<16xi1>, vector<16xi32>
    %swap3A_303 = arith.constant 0 : i32
    %swap3A_304 = arith.index_cast %swap3A_303 : i32 to index
    %swap3A_305 = arith.constant 80 : index
    %swap3A_306 = tpu.vector_load %arg10[%swap3A_304, %swap3A_305] {strides = array<i32>} : memref<4x112xi32, #tpu.memory_space<vmem>>, vector<1x16xi32>,
    %swap3A_307 = vector.shape_cast %swap3A_306 : vector<1x16xi32> to vector<16xi32>
    %swap3A_308 = vector.shape_cast %select_n3A_302 : vector<16xi32> to vector<1x16xi32>
    tpu.vector_store %arg10[%swap3A_304, %swap3A_305], %swap3A_308 {strides = array<i32>} : memref<4x112xi32, #tpu.memory_space<vmem>>, vector<1x16xi32>,
    %get3A_309 = arith.constant 0 : i32
    %get3A_310 = arith.index_cast %get3A_309 : i32 to index
    %get3A_311 = arith.constant 80 : index
    %get3A_312 = tpu.vector_load %arg8[%get3A_310, %get3A_311] {strides = array<i32>} : memref<4x112xi32, #tpu.memory_space<vmem>>, vector<1x16xi32>,
    %get3A_313 = vector.shape_cast %get3A_312 : vector<1x16xi32> to vector<16xi32>
    %get3A_314 = arith.constant 0 : i32
    %get3A_315 = arith.index_cast %get3A_314 : i32 to index
    %get3A_316 = arith.constant 80 : index
    %get3A_317 = tpu.vector_load %arg13[%get3A_315, %get3A_316] {strides = array<i32>} : memref<1x128xi32, #tpu.memory_space<vmem>>, vector<1x16xi32>,
    %get3A_318 = vector.shape_cast %get3A_317 : vector<1x16xi32> to vector<16xi32>
    %mul3A_319 = arith.constant 128 : i32
    %mul3A_320 = arith.muli %arg1, %mul3A_319 : i32
    %add3A_321 = vector.broadcast %mul3A_320 : i32 to vector<16xi32>
    %add3A_322 = arith.addi %get3A_318, %add3A_321 : vector<16xi32>
    %select_n3A_323 = arith.select %and3A_295, %get3A_313, %add3A_322 : vector<16xi1>, vector<16xi32>
    %swap3A_324 = arith.constant 0 : i32
    %swap3A_325 = arith.index_cast %swap3A_324 : i32 to index
    %swap3A_326 = arith.constant 80 : index
    %swap3A_327 = tpu.vector_load %arg8[%swap3A_325, %swap3A_326] {strides = array<i32>} : memref<4x112xi32, #tpu.memory_space<vmem>>, vector<1x16xi32>,
    %swap3A_328 = vector.shape_cast %swap3A_327 : vector<1x16xi32> to vector<16xi32>
    %swap3A_329 = vector.shape_cast %select_n3A_323 : vector<16xi32> to vector<1x16xi32>
    tpu.vector_store %arg8[%swap3A_325, %swap3A_326], %swap3A_329 {strides = array<i32>} : memref<4x112xi32, #tpu.memory_space<vmem>>, vector<1x16xi32>,
    %get3A_330 = arith.constant 0 : i32
    %get3A_331 = arith.index_cast %get3A_330 : i32 to index
    %get3A_332 = arith.constant 96 : index
    %get3A_333 = tpu.vector_load %arg9[%get3A_331, %get3A_332] {strides = array<i32>} : memref<4x112xi32, #tpu.memory_space<vmem>>, vector<1x16xi32>,
    %get3A_334 = vector.shape_cast %get3A_333 : vector<1x16xi32> to vector<16xi32>
    %sub3A_335 = vector.broadcast %mul3A_0 : i32 to vector<16xi32>
    %sub3A_336 = arith.subi %get3A_334, %sub3A_335 : vector<16xi32>
    %ge3A_337 = arith.constant 0 : i32
    %ge3A_338 = vector.broadcast %ge3A_337 : i32 to vector<16xi32>
    %ge3A_339 = arith.cmpi sge, %sub3A_336, %ge3A_338 : vector<16xi32>
    %lt3A_340 = arith.constant 25000 : i32
    %lt3A_341 = vector.broadcast %lt3A_340 : i32 to vector<16xi32>
    %lt3A_342 = arith.cmpi slt, %sub3A_336, %lt3A_341 : vector<16xi32>
    %and3A_343 = arith.andi %ge3A_339, %lt3A_342 : vector<16xi1>
    %and3A_344 = arith.constant 15 : i32
    %and3A_345 = vector.broadcast %and3A_344 : i32 to vector<16xi32>
    %and3A_346 = arith.andi %get3A_334, %and3A_345 : vector<16xi32>
    %add3A_347 = arith.constant 25000 : i32
    %add3A_348 = vector.broadcast %add3A_347 : i32 to vector<16xi32>
    %add3A_349 = arith.addi %add3A_348, %and3A_346 : vector<16xi32>
    %select_n3A_350 = arith.select %and3A_343, %sub3A_336, %add3A_349 : vector<16xi1>, vector<16xi32>
    %swap3A_351 = arith.constant 0 : i32
    %swap3A_352 = arith.index_cast %swap3A_351 : i32 to index
    %swap3A_353 = arith.constant 96 : index
    %swap3A_354 = tpu.vector_load %arg10[%swap3A_352, %swap3A_353] {strides = array<i32>} : memref<4x112xi32, #tpu.memory_space<vmem>>, vector<1x16xi32>,
    %swap3A_355 = vector.shape_cast %swap3A_354 : vector<1x16xi32> to vector<16xi32>
    %swap3A_356 = vector.shape_cast %select_n3A_350 : vector<16xi32> to vector<1x16xi32>
    tpu.vector_store %arg10[%swap3A_352, %swap3A_353], %swap3A_356 {strides = array<i32>} : memref<4x112xi32, #tpu.memory_space<vmem>>, vector<1x16xi32>,
    %get3A_357 = arith.constant 0 : i32
    %get3A_358 = arith.index_cast %get3A_357 : i32 to index
    %get3A_359 = arith.constant 96 : index
    %get3A_360 = tpu.vector_load %arg8[%get3A_358, %get3A_359] {strides = array<i32>} : memref<4x112xi32, #tpu.memory_space<vmem>>, vector<1x16xi32>,
    %get3A_361 = vector.shape_cast %get3A_360 : vector<1x16xi32> to vector<16xi32>
    %get3A_362 = arith.constant 0 : i32
    %get3A_363 = arith.index_cast %get3A_362 : i32 to index
    %get3A_364 = arith.constant 96 : index
    %get3A_365 = tpu.vector_load %arg13[%get3A_363, %get3A_364] {strides = array<i32>} : memref<1x128xi32, #tpu.memory_space<vmem>>, vector<1x16xi32>,
    %get3A_366 = vector.shape_cast %get3A_365 : vector<1x16xi32> to vector<16xi32>
    %mul3A_367 = arith.constant 128 : i32
    %mul3A_368 = arith.muli %arg1, %mul3A_367 : i32
    %add3A_369 = vector.broadcast %mul3A_368 : i32 to vector<16xi32>
    %add3A_370 = arith.addi %get3A_366, %add3A_369 : vector<16xi32>
    %select_n3A_371 = arith.select %and3A_343, %get3A_361, %add3A_370 : vector<16xi1>, vector<16xi32>
    %swap3A_372 = arith.constant 0 : i32
    %swap3A_373 = arith.index_cast %swap3A_372 : i32 to index
    %swap3A_374 = arith.constant 96 : index
    %swap3A_375 = tpu.vector_load %arg8[%swap3A_373, %swap3A_374] {strides = array<i32>} : memref<4x112xi32, #tpu.memory_space<vmem>>, vector<1x16xi32>,
    %swap3A_376 = vector.shape_cast %swap3A_375 : vector<1x16xi32> to vector<16xi32>
    %swap3A_377 = vector.shape_cast %select_n3A_371 : vector<16xi32> to vector<1x16xi32>
    tpu.vector_store %arg8[%swap3A_373, %swap3A_374], %swap3A_377 {strides = array<i32>} : memref<4x112xi32, #tpu.memory_space<vmem>>, vector<1x16xi32>,
    %dma_start3A_378 = arith.constant 0 : i32
    %dma_start3A_379 = arith.constant 0 : i32
    %dma_start3A_380 = arith.constant 0 : i32
    %dma_start3A_381 = arith.constant 0 : i32
    %dma_start3A_382 = tpu.memref_slice %arg11[%dma_start3A_379, %dma_start3A_380, %dma_start3A_381] : memref<4x112x64xf32, #tpu.memory_space<vmem>> -> memref<1x112x64xf32, #tpu.memory_space<vmem>>
    %dma_start3A_383 = tpu.memref_squeeze %dma_start3A_382 : memref<1x112x64xf32, #tpu.memory_space<vmem>> -> memref<112x64xf32, #tpu.memory_space<vmem>>
    %dma_start3A_384 = arith.constant 0 : i32
    %dma_start3A_385 = tpu.memref_slice %arg8[%dma_start3A_378, %dma_start3A_384] : memref<4x112xi32, #tpu.memory_space<vmem>> -> memref<1x112xi32, #tpu.memory_space<vmem>>
    %dma_start3A_386 = tpu.memref_squeeze %dma_start3A_385 : memref<1x112xi32, #tpu.memory_space<vmem>> -> memref<112xi32, #tpu.memory_space<vmem>>
    %dma_start3A_387 = arith.constant 0 : i32
    %dma_start3A_388 = arith.constant 0 : i32
    %dma_start3A_389 = tpu.memref_slice %arg4[%dma_start3A_387, %dma_start3A_388] : memref<10000x64xf32, #tpu.memory_space<hbm>> -> memref<10000x64xf32, #tpu.memory_space<hbm>>
    tpu.enqueue_indirect_dma source(%dma_start3A_389 : memref<10000x64xf32, #tpu.memory_space<hbm>>) target(%dma_start3A_383 : memref<112x64xf32, #tpu.memory_space<vmem>>) offsets(%dma_start3A_386 : memref<112xi32, #tpu.memory_space<vmem>>) semaphore(%arg15 : memref<!tpu.dma_semaphore, #tpu.memory_space<semaphore_mem>>)
    %add3A_390 = arith.constant 1 : i32
    %add3A_391 = arith.addi %mul3A_4, %add3A_390 : i32
    %min3A_392 = arith.constant 7167 : i32
    %min3A_393 = arith.minsi %add3A_391, %min3A_392 : i32
    %dma_start3A_394 = arith.constant 1 : i32
    %dma_start3A_395 = arith.constant 0 : i32
    %dma_start3A_396 = tpu.memref_slice %arg8[%dma_start3A_394, %dma_start3A_395] : memref<4x112xi32, #tpu.memory_space<vmem>> -> memref<1x112xi32, #tpu.memory_space<vmem>>
    %dma_start3A_397 = arith.constant 0 : i32
    %dma_start3A_398 = tpu.memref_slice %arg2[%min3A_393, %dma_start3A_397] : memref<7168x112xi32, #tpu.memory_space<hbm>> -> memref<1x112xi32, #tpu.memory_space<hbm>>
    %dma_start3A_399 = arith.constant 1 : i32
    %dma_start3A_400 = arith.constant 0 : i32
    %dma_start3A_401 = tpu.memref_slice %arg8[%dma_start3A_399, %dma_start3A_400] : memref<4x112xi32, #tpu.memory_space<vmem>> -> memref<1x112xi32, #tpu.memory_space<vmem>>
    %dma_start3A_402 = arith.constant 0 : i32
    %dma_start3A_403 = tpu.memref_slice %arg2[%min3A_393, %dma_start3A_402] : memref<7168x112xi32, #tpu.memory_space<hbm>> -> memref<1x112xi32, #tpu.memory_space<hbm>>
    tpu.enqueue_dma source(%dma_start3A_403 : memref<1x112xi32, #tpu.memory_space<hbm>>) target(%dma_start3A_401 : memref<1x112xi32, #tpu.memory_space<vmem>>) target_semaphore(%arg14 : memref<!tpu.dma_semaphore, #tpu.memory_space<semaphore_mem>>)
    %dma_start3A_404 = arith.constant 1 : i32
    %dma_start3A_405 = arith.constant 0 : i32
    %dma_start3A_406 = tpu.memref_slice %arg9[%dma_start3A_404, %dma_start3A_405] : memref<4x112xi32, #tpu.memory_space<vmem>> -> memref<1x112xi32, #tpu.memory_space<vmem>>
    %dma_start3A_407 = arith.constant 0 : i32
    %dma_start3A_408 = tpu.memref_slice %arg3[%min3A_393, %dma_start3A_407] : memref<7168x112xi32, #tpu.memory_space<hbm>> -> memref<1x112xi32, #tpu.memory_space<hbm>>
    %dma_start3A_409 = arith.constant 1 : i32
    %dma_start3A_410 = arith.constant 0 : i32
    %dma_start3A_411 = tpu.memref_slice %arg9[%dma_start3A_409, %dma_start3A_410] : memref<4x112xi32, #tpu.memory_space<vmem>> -> memref<1x112xi32, #tpu.memory_space<vmem>>
    %dma_start3A_412 = arith.constant 0 : i32
    %dma_start3A_413 = tpu.memref_slice %arg3[%min3A_393, %dma_start3A_412] : memref<7168x112xi32, #tpu.memory_space<hbm>> -> memref<1x112xi32, #tpu.memory_space<hbm>>
    tpu.enqueue_dma source(%dma_start3A_413 : memref<1x112xi32, #tpu.memory_space<hbm>>) target(%dma_start3A_411 : memref<1x112xi32, #tpu.memory_space<vmem>>) target_semaphore(%arg14 : memref<!tpu.dma_semaphore, #tpu.memory_space<semaphore_mem>>)
    %scan3A = arith.constant 0 : i32
    %scan3A_414 = arith.constant 0 : i32
    %scan3A_415 = arith.constant 112 : i32
    %scan3A_416 = arith.addi %scan3A_414, %scan3A_415 : i32
    %scan3A_417 = arith.constant 1 : i32
    scf.for %scan3A_511 = %scan3A_414 to %scan3A_416 step %scan3A_417  : i32 {
      %mul3A_512 = arith.constant 4 : i32
      %mul3A_513 = arith.muli %scan3A_511, %mul3A_512 : i32
      %add3A_514 = arith.constant 0 : i32
      %add3A_515 = arith.addi %mul3A_513, %add3A_514 : i32
      %ge3A_516 = arith.constant 1 : i32
      %ge3A_517 = arith.cmpi sge, %scan3A_511, %ge3A_516 : i32
      %convert_element_type3A_518 = arith.extui %ge3A_517 : i1 to i32
      %cond3A_519 = arith.constant 0 : i32
      %cond3A_520 = arith.cmpi ne, %convert_element_type3A_518, %cond3A_519 : i32
      scf.if %cond3A_520 {
        %dma_wait3A_2223 = arith.constant 0 : i32
        %dma_wait3A_2224 = arith.constant 0 : i32
        %dma_wait3A_2225 = tpu.memref_slice %arg12[%dma_wait3A_2223, %dma_wait3A_2224] : memref<25024x64xf32, #tpu.memory_space<vmem_shared>> -> memref<112x64xf32, #tpu.memory_space<vmem_shared>>
        %dma_wait3A_2226 = arith.constant 0 : i32
        %dma_wait3A_2227 = arith.constant 0 : i32
        %dma_wait3A_2228 = tpu.memref_slice %arg4[%dma_wait3A_2226, %dma_wait3A_2227] : memref<10000x64xf32, #tpu.memory_space<hbm>> -> memref<112x64xf32, #tpu.memory_space<hbm>>
        tpu.wait_dma2 semaphore(%arg16 : memref<!tpu.dma_semaphore, #tpu.memory_space<semaphore_mem>>) src(%dma_wait3A_2228 : memref<112x64xf32, #tpu.memory_space<hbm>>) dst(%dma_wait3A_2225 : memref<112x64xf32, #tpu.memory_space<vmem_shared>>)
      } else {
      }
      %dma_wait3A_521 = arith.constant 1 : i32
      %dma_wait3A_522 = arith.constant 0 : i32
      %dma_wait3A_523 = tpu.memref_slice %arg8[%dma_wait3A_521, %dma_wait3A_522] : memref<4x112xi32, #tpu.memory_space<vmem>> -> memref<1x112xi32, #tpu.memory_space<vmem>>
      %dma_wait3A_524 = arith.constant 0 : i32
      %dma_wait3A_525 = arith.constant 0 : i32
      %dma_wait3A_526 = tpu.memref_slice %arg2[%dma_wait3A_524, %dma_wait3A_525] : memref<7168x112xi32, #tpu.memory_space<hbm>> -> memref<1x112xi32, #tpu.memory_space<hbm>>
      %dma_wait3A_527 = arith.constant 1 : i32
      %dma_wait3A_528 = arith.constant 0 : i32
      %dma_wait3A_529 = tpu.memref_slice %arg8[%dma_wait3A_527, %dma_wait3A_528] : memref<4x112xi32, #tpu.memory_space<vmem>> -> memref<1x112xi32, #tpu.memory_space<vmem>>
      %dma_wait3A_530 = arith.constant 0 : i32
      %dma_wait3A_531 = arith.constant 0 : i32
      %dma_wait3A_532 = tpu.memref_slice %arg2[%dma_wait3A_530, %dma_wait3A_531] : memref<7168x112xi32, #tpu.memory_space<hbm>> -> memref<1x112xi32, #tpu.memory_space<hbm>>
      tpu.wait_dma2 semaphore(%arg14 : memref<!tpu.dma_semaphore, #tpu.memory_space<semaphore_mem>>) src(%dma_wait3A_532 : memref<1x112xi32, #tpu.memory_space<hbm>>) dst(%dma_wait3A_529 : memref<1x112xi32, #tpu.memory_space<vmem>>)
      %dma_wait3A_533 = arith.constant 1 : i32
      %dma_wait3A_534 = arith.constant 0 : i32
      %dma_wait3A_535 = tpu.memref_slice %arg9[%dma_wait3A_533, %dma_wait3A_534] : memref<4x112xi32, #tpu.memory_space<vmem>> -> memref<1x112xi32, #tpu.memory_space<vmem>>
      %dma_wait3A_536 = arith.constant 0 : i32
      %dma_wait3A_537 = arith.constant 0 : i32
      %dma_wait3A_538 = tpu.memref_slice %arg3[%dma_wait3A_536, %dma_wait3A_537] : memref<7168x112xi32, #tpu.memory_space<hbm>> -> memref<1x112xi32, #tpu.memory_space<hbm>>
      %dma_wait3A_539 = arith.constant 1 : i32
      %dma_wait3A_540 = arith.constant 0 : i32
      %dma_wait3A_541 = tpu.memref_slice %arg9[%dma_wait3A_539, %dma_wait3A_540] : memref<4x112xi32, #tpu.memory_space<vmem>> -> memref<1x112xi32, #tpu.memory_space<vmem>>
      %dma_wait3A_542 = arith.constant 0 : i32
      %dma_wait3A_543 = arith.constant 0 : i32
      %dma_wait3A_544 = tpu.memref_slice %arg3[%dma_wait3A_542, %dma_wait3A_543] : memref<7168x112xi32, #tpu.memory_space<hbm>> -> memref<1x112xi32, #tpu.memory_space<hbm>>
      tpu.wait_dma2 semaphore(%arg14 : memref<!tpu.dma_semaphore, #tpu.memory_space<semaphore_mem>>) src(%dma_wait3A_544 : memref<1x112xi32, #tpu.memory_space<hbm>>) dst(%dma_wait3A_541 : memref<1x112xi32, #tpu.memory_space<vmem>>)
      %get3A_545 = arith.constant 1 : i32
      %get3A_546 = arith.index_cast %get3A_545 : i32 to index
      %get3A_547 = arith.constant 0 : index
      %get3A_548 = tpu.vector_load %arg9[%get3A_546, %get3A_547] {strides = array<i32>} : memref<4x112xi32, #tpu.memory_space<vmem>>, vector<1x16xi32>,
      %get3A_549 = vector.shape_cast %get3A_548 : vector<1x16xi32> to vector<16xi32>
      %sub3A_550 = vector.broadcast %mul3A_0 : i32 to vector<16xi32>
      %sub3A_551 = arith.subi %get3A_549, %sub3A_550 : vector<16xi32>
      %ge3A_552 = arith.constant 0 : i32
      %ge3A_553 = vector.broadcast %ge3A_552 : i32 to vector<16xi32>
      %ge3A_554 = arith.cmpi sge, %sub3A_551, %ge3A_553 : vector<16xi32>
      %lt3A_555 = arith.constant 25000 : i32
      %lt3A_556 = vector.broadcast %lt3A_555 : i32 to vector<16xi32>
      %lt3A_557 = arith.cmpi slt, %sub3A_551, %lt3A_556 : vector<16xi32>
      %and3A_558 = arith.andi %ge3A_554, %lt3A_557 : vector<16xi1>
      %and3A_559 = arith.constant 15 : i32
      %and3A_560 = vector.broadcast %and3A_559 : i32 to vector<16xi32>
      %and3A_561 = arith.andi %get3A_549, %and3A_560 : vector<16xi32>
      %add3A_562 = arith.constant 25000 : i32
      %add3A_563 = vector.broadcast %add3A_562 : i32 to vector<16xi32>
      %add3A_564 = arith.addi %add3A_563, %and3A_561 : vector<16xi32>
      %select_n3A_565 = arith.select %and3A_558, %sub3A_551, %add3A_564 : vector<16xi1>, vector<16xi32>
      %swap3A_566 = arith.constant 1 : i32
      %swap3A_567 = arith.index_cast %swap3A_566 : i32 to index
      %swap3A_568 = arith.constant 0 : index
      %swap3A_569 = tpu.vector_load %arg10[%swap3A_567, %swap3A_568] {strides = array<i32>} : memref<4x112xi32, #tpu.memory_space<vmem>>, vector<1x16xi32>,
      %swap3A_570 = vector.shape_cast %swap3A_569 : vector<1x16xi32> to vector<16xi32>
      %swap3A_571 = vector.shape_cast %select_n3A_565 : vector<16xi32> to vector<1x16xi32>
      tpu.vector_store %arg10[%swap3A_567, %swap3A_568], %swap3A_571 {strides = array<i32>} : memref<4x112xi32, #tpu.memory_space<vmem>>, vector<1x16xi32>,
      %get3A_572 = arith.constant 1 : i32
      %get3A_573 = arith.index_cast %get3A_572 : i32 to index
      %get3A_574 = arith.constant 0 : index
      %get3A_575 = tpu.vector_load %arg8[%get3A_573, %get3A_574] {strides = array<i32>} : memref<4x112xi32, #tpu.memory_space<vmem>>, vector<1x16xi32>,
      %get3A_576 = vector.shape_cast %get3A_575 : vector<1x16xi32> to vector<16xi32>
      %get3A_577 = arith.constant 0 : i32
      %get3A_578 = arith.index_cast %get3A_577 : i32 to index
      %get3A_579 = arith.constant 0 : index
      %get3A_580 = tpu.vector_load %arg13[%get3A_578, %get3A_579] {strides = array<i32>} : memref<1x128xi32, #tpu.memory_space<vmem>>, vector<1x16xi32>,
      %get3A_581 = vector.shape_cast %get3A_580 : vector<1x16xi32> to vector<16xi32>
      %mul3A_582 = arith.constant 128 : i32
      %mul3A_583 = arith.muli %arg1, %mul3A_582 : i32
      %add3A_584 = vector.broadcast %mul3A_583 : i32 to vector<16xi32>
      %add3A_585 = arith.addi %get3A_581, %add3A_584 : vector<16xi32>
      %select_n3A_586 = arith.select %and3A_558, %get3A_576, %add3A_585 : vector<16xi1>, vector<16xi32>
      %swap3A_587 = arith.constant 1 : i32
      %swap3A_588 = arith.index_cast %swap3A_587 : i32 to index
      %swap3A_589 = arith.constant 0 : index
      %swap3A_590 = tpu.vector_load %arg8[%swap3A_588, %swap3A_589] {strides = array<i32>} : memref<4x112xi32, #tpu.memory_space<vmem>>, vector<1x16xi32>,
      %swap3A_591 = vector.shape_cast %swap3A_590 : vector<1x16xi32> to vector<16xi32>
      %swap3A_592 = vector.shape_cast %select_n3A_586 : vector<16xi32> to vector<1x16xi32>
      tpu.vector_store %arg8[%swap3A_588, %swap3A_589], %swap3A_592 {strides = array<i32>} : memref<4x112xi32, #tpu.memory_space<vmem>>, vector<1x16xi32>,
      %get3A_593 = arith.constant 1 : i32
      %get3A_594 = arith.index_cast %get3A_593 : i32 to index
      %get3A_595 = arith.constant 16 : index
      %get3A_596 = tpu.vector_load %arg9[%get3A_594, %get3A_595] {strides = array<i32>} : memref<4x112xi32, #tpu.memory_space<vmem>>, vector<1x16xi32>,
      %get3A_597 = vector.shape_cast %get3A_596 : vector<1x16xi32> to vector<16xi32>
      %sub3A_598 = vector.broadcast %mul3A_0 : i32 to vector<16xi32>
      %sub3A_599 = arith.subi %get3A_597, %sub3A_598 : vector<16xi32>
      %ge3A_600 = arith.constant 0 : i32
      %ge3A_601 = vector.broadcast %ge3A_600 : i32 to vector<16xi32>
      %ge3A_602 = arith.cmpi sge, %sub3A_599, %ge3A_601 : vector<16xi32>
      %lt3A_603 = arith.constant 25000 : i32
      %lt3A_604 = vector.broadcast %lt3A_603 : i32 to vector<16xi32>
      %lt3A_605 = arith.cmpi slt, %sub3A_599, %lt3A_604 : vector<16xi32>
      %and3A_606 = arith.andi %ge3A_602, %lt3A_605 : vector<16xi1>
      %and3A_607 = arith.constant 15 : i32
      %and3A_608 = vector.broadcast %and3A_607 : i32 to vector<16xi32>
      %and3A_609 = arith.andi %get3A_597, %and3A_608 : vector<16xi32>
      %add3A_610 = arith.constant 25000 : i32
      %add3A_611 = vector.broadcast %add3A_610 : i32 to vector<16xi32>
      %add3A_612 = arith.addi %add3A_611, %and3A_609 : vector<16xi32>
      %select_n3A_613 = arith.select %and3A_606, %sub3A_599, %add3A_612 : vector<16xi1>, vector<16xi32>
      %swap3A_614 = arith.constant 1 : i32
      %swap3A_615 = arith.index_cast %swap3A_614 : i32 to index
      %swap3A_616 = arith.constant 16 : index
      %swap3A_617 = tpu.vector_load %arg10[%swap3A_615, %swap3A_616] {strides = array<i32>} : memref<4x112xi32, #tpu.memory_space<vmem>>, vector<1x16xi32>,
      %swap3A_618 = vector.shape_cast %swap3A_617 : vector<1x16xi32> to vector<16xi32>
      %swap3A_619 = vector.shape_cast %select_n3A_613 : vector<16xi32> to vector<1x16xi32>
      tpu.vector_store %arg10[%swap3A_615, %swap3A_616], %swap3A_619 {strides = array<i32>} : memref<4x112xi32, #tpu.memory_space<vmem>>, vector<1x16xi32>,
      %get3A_620 = arith.constant 1 : i32
      %get3A_621 = arith.index_cast %get3A_620 : i32 to index
      %get3A_622 = arith.constant 16 : index
      %get3A_623 = tpu.vector_load %arg8[%get3A_621, %get3A_622] {strides = array<i32>} : memref<4x112xi32, #tpu.memory_space<vmem>>, vector<1x16xi32>,
      %get3A_624 = vector.shape_cast %get3A_623 : vector<1x16xi32> to vector<16xi32>
      %get3A_625 = arith.constant 0 : i32
      %get3A_626 = arith.index_cast %get3A_625 : i32 to index
      %get3A_627 = arith.constant 16 : index
      %get3A_628 = tpu.vector_load %arg13[%get3A_626, %get3A_627] {strides = array<i32>} : memref<1x128xi32, #tpu.memory_space<vmem>>, vector<1x16xi32>,
      %get3A_629 = vector.shape_cast %get3A_628 : vector<1x16xi32> to vector<16xi32>
      %mul3A_630 = arith.constant 128 : i32
      %mul3A_631 = arith.muli %arg1, %mul3A_630 : i32
      %add3A_632 = vector.broadcast %mul3A_631 : i32 to vector<16xi32>
      %add3A_633 = arith.addi %get3A_629, %add3A_632 : vector<16xi32>
      %select_n3A_634 = arith.select %and3A_606, %get3A_624, %add3A_633 : vector<16xi1>, vector<16xi32>
      %swap3A_635 = arith.constant 1 : i32
      %swap3A_636 = arith.index_cast %swap3A_635 : i32 to index
      %swap3A_637 = arith.constant 16 : index
      %swap3A_638 = tpu.vector_load %arg8[%swap3A_636, %swap3A_637] {strides = array<i32>} : memref<4x112xi32, #tpu.memory_space<vmem>>, vector<1x16xi32>,
      %swap3A_639 = vector.shape_cast %swap3A_638 : vector<1x16xi32> to vector<16xi32>
      %swap3A_640 = vector.shape_cast %select_n3A_634 : vector<16xi32> to vector<1x16xi32>
      tpu.vector_store %arg8[%swap3A_636, %swap3A_637], %swap3A_640 {strides = array<i32>} : memref<4x112xi32, #tpu.memory_space<vmem>>, vector<1x16xi32>,
      %get3A_641 = arith.constant 1 : i32
      %get3A_642 = arith.index_cast %get3A_641 : i32 to index
      %get3A_643 = arith.constant 32 : index
      %get3A_644 = tpu.vector_load %arg9[%get3A_642, %get3A_643] {strides = array<i32>} : memref<4x112xi32, #tpu.memory_space<vmem>>, vector<1x16xi32>,
      %get3A_645 = vector.shape_cast %get3A_644 : vector<1x16xi32> to vector<16xi32>
      %sub3A_646 = vector.broadcast %mul3A_0 : i32 to vector<16xi32>
      %sub3A_647 = arith.subi %get3A_645, %sub3A_646 : vector<16xi32>
      %ge3A_648 = arith.constant 0 : i32
      %ge3A_649 = vector.broadcast %ge3A_648 : i32 to vector<16xi32>
      %ge3A_650 = arith.cmpi sge, %sub3A_647, %ge3A_649 : vector<16xi32>
      %lt3A_651 = arith.constant 25000 : i32
      %lt3A_652 = vector.broadcast %lt3A_651 : i32 to vector<16xi32>
      %lt3A_653 = arith.cmpi slt, %sub3A_647, %lt3A_652 : vector<16xi32>
      %and3A_654 = arith.andi %ge3A_650, %lt3A_653 : vector<16xi1>
      %and3A_655 = arith.constant 15 : i32
      %and3A_656 = vector.broadcast %and3A_655 : i32 to vector<16xi32>
      %and3A_657 = arith.andi %get3A_645, %and3A_656 : vector<16xi32>
      %add3A_658 = arith.constant 25000 : i32
      %add3A_659 = vector.broadcast %add3A_658 : i32 to vector<16xi32>
      %add3A_660 = arith.addi %add3A_659, %and3A_657 : vector<16xi32>
      %select_n3A_661 = arith.select %and3A_654, %sub3A_647, %add3A_660 : vector<16xi1>, vector<16xi32>
      %swap3A_662 = arith.constant 1 : i32
      %swap3A_663 = arith.index_cast %swap3A_662 : i32 to index
      %swap3A_664 = arith.constant 32 : index
      %swap3A_665 = tpu.vector_load %arg10[%swap3A_663, %swap3A_664] {strides = array<i32>} : memref<4x112xi32, #tpu.memory_space<vmem>>, vector<1x16xi32>,
      %swap3A_666 = vector.shape_cast %swap3A_665 : vector<1x16xi32> to vector<16xi32>
      %swap3A_667 = vector.shape_cast %select_n3A_661 : vector<16xi32> to vector<1x16xi32>
      tpu.vector_store %arg10[%swap3A_663, %swap3A_664], %swap3A_667 {strides = array<i32>} : memref<4x112xi32, #tpu.memory_space<vmem>>, vector<1x16xi32>,
      %get3A_668 = arith.constant 1 : i32
      %get3A_669 = arith.index_cast %get3A_668 : i32 to index
      %get3A_670 = arith.constant 32 : index
      %get3A_671 = tpu.vector_load %arg8[%get3A_669, %get3A_670] {strides = array<i32>} : memref<4x112xi32, #tpu.memory_space<vmem>>, vector<1x16xi32>,
      %get3A_672 = vector.shape_cast %get3A_671 : vector<1x16xi32> to vector<16xi32>
      %get3A_673 = arith.constant 0 : i32
      %get3A_674 = arith.index_cast %get3A_673 : i32 to index
      %get3A_675 = arith.constant 32 : index
      %get3A_676 = tpu.vector_load %arg13[%get3A_674, %get3A_675] {strides = array<i32>} : memref<1x128xi32, #tpu.memory_space<vmem>>, vector<1x16xi32>,
      %get3A_677 = vector.shape_cast %get3A_676 : vector<1x16xi32> to vector<16xi32>
      %mul3A_678 = arith.constant 128 : i32
      %mul3A_679 = arith.muli %arg1, %mul3A_678 : i32
      %add3A_680 = vector.broadcast %mul3A_679 : i32 to vector<16xi32>
      %add3A_681 = arith.addi %get3A_677, %add3A_680 : vector<16xi32>
      %select_n3A_682 = arith.select %and3A_654, %get3A_672, %add3A_681 : vector<16xi1>, vector<16xi32>
      %swap3A_683 = arith.constant 1 : i32
      %swap3A_684 = arith.index_cast %swap3A_683 : i32 to index
      %swap3A_685 = arith.constant 32 : index
      %swap3A_686 = tpu.vector_load %arg8[%swap3A_684, %swap3A_685] {strides = array<i32>} : memref<4x112xi32, #tpu.memory_space<vmem>>, vector<1x16xi32>,
      %swap3A_687 = vector.shape_cast %swap3A_686 : vector<1x16xi32> to vector<16xi32>
      %swap3A_688 = vector.shape_cast %select_n3A_682 : vector<16xi32> to vector<1x16xi32>
      tpu.vector_store %arg8[%swap3A_684, %swap3A_685], %swap3A_688 {strides = array<i32>} : memref<4x112xi32, #tpu.memory_space<vmem>>, vector<1x16xi32>,
      %get3A_689 = arith.constant 1 : i32
      %get3A_690 = arith.index_cast %get3A_689 : i32 to index
      %get3A_691 = arith.constant 48 : index
      %get3A_692 = tpu.vector_load %arg9[%get3A_690, %get3A_691] {strides = array<i32>} : memref<4x112xi32, #tpu.memory_space<vmem>>, vector<1x16xi32>,
      %get3A_693 = vector.shape_cast %get3A_692 : vector<1x16xi32> to vector<16xi32>
      %sub3A_694 = vector.broadcast %mul3A_0 : i32 to vector<16xi32>
      %sub3A_695 = arith.subi %get3A_693, %sub3A_694 : vector<16xi32>
      %ge3A_696 = arith.constant 0 : i32
      %ge3A_697 = vector.broadcast %ge3A_696 : i32 to vector<16xi32>
      %ge3A_698 = arith.cmpi sge, %sub3A_695, %ge3A_697 : vector<16xi32>
      %lt3A_699 = arith.constant 25000 : i32
      %lt3A_700 = vector.broadcast %lt3A_699 : i32 to vector<16xi32>
      %lt3A_701 = arith.cmpi slt, %sub3A_695, %lt3A_700 : vector<16xi32>
      %and3A_702 = arith.andi %ge3A_698, %lt3A_701 : vector<16xi1>
      %and3A_703 = arith.constant 15 : i32
      %and3A_704 = vector.broadcast %and3A_703 : i32 to vector<16xi32>
      %and3A_705 = arith.andi %get3A_693, %and3A_704 : vector<16xi32>
      %add3A_706 = arith.constant 25000 : i32
      %add3A_707 = vector.broadcast %add3A_706 : i32 to vector<16xi32>
      %add3A_708 = arith.addi %add3A_707, %and3A_705 : vector<16xi32>
      %select_n3A_709 = arith.select %and3A_702, %sub3A_695, %add3A_708 : vector<16xi1>, vector<16xi32>
      %swap3A_710 = arith.constant 1 : i32
      %swap3A_711 = arith.index_cast %swap3A_710 : i32 to index
      %swap3A_712 = arith.constant 48 : index
      %swap3A_713 = tpu.vector_load %arg10[%swap3A_711, %swap3A_712] {strides = array<i32>} : memref<4x112xi32, #tpu.memory_space<vmem>>, vector<1x16xi32>,
      %swap3A_714 = vector.shape_cast %swap3A_713 : vector<1x16xi32> to vector<16xi32>
      %swap3A_715 = vector.shape_cast %select_n3A_709 : vector<16xi32> to vector<1x16xi32>
      tpu.vector_store %arg10[%swap3A_711, %swap3A_712], %swap3A_715 {strides = array<i32>} : memref<4x112xi32, #tpu.memory_space<vmem>>, vector<1x16xi32>,
      %get3A_716 = arith.constant 1 : i32
      %get3A_717 = arith.index_cast %get3A_716 : i32 to index
      %get3A_718 = arith.constant 48 : index
      %get3A_719 = tpu.vector_load %arg8[%get3A_717, %get3A_718] {strides = array<i32>} : memref<4x112xi32, #tpu.memory_space<vmem>>, vector<1x16xi32>,
      %get3A_720 = vector.shape_cast %get3A_719 : vector<1x16xi32> to vector<16xi32>
      %get3A_721 = arith.constant 0 : i32
      %get3A_722 = arith.index_cast %get3A_721 : i32 to index
      %get3A_723 = arith.constant 48 : index
      %get3A_724 = tpu.vector_load %arg13[%get3A_722, %get3A_723] {strides = array<i32>} : memref<1x128xi32, #tpu.memory_space<vmem>>, vector<1x16xi32>,
      %get3A_725 = vector.shape_cast %get3A_724 : vector<1x16xi32> to vector<16xi32>
      %mul3A_726 = arith.constant 128 : i32
      %mul3A_727 = arith.muli %arg1, %mul3A_726 : i32
      %add3A_728 = vector.broadcast %mul3A_727 : i32 to vector<16xi32>
      %add3A_729 = arith.addi %get3A_725, %add3A_728 : vector<16xi32>
      %select_n3A_730 = arith.select %and3A_702, %get3A_720, %add3A_729 : vector<16xi1>, vector<16xi32>
      %swap3A_731 = arith.constant 1 : i32
      %swap3A_732 = arith.index_cast %swap3A_731 : i32 to index
      %swap3A_733 = arith.constant 48 : index
      %swap3A_734 = tpu.vector_load %arg8[%swap3A_732, %swap3A_733] {strides = array<i32>} : memref<4x112xi32, #tpu.memory_space<vmem>>, vector<1x16xi32>,
      %swap3A_735 = vector.shape_cast %swap3A_734 : vector<1x16xi32> to vector<16xi32>
      %swap3A_736 = vector.shape_cast %select_n3A_730 : vector<16xi32> to vector<1x16xi32>
      tpu.vector_store %arg8[%swap3A_732, %swap3A_733], %swap3A_736 {strides = array<i32>} : memref<4x112xi32, #tpu.memory_space<vmem>>, vector<1x16xi32>,
      %get3A_737 = arith.constant 1 : i32
      %get3A_738 = arith.index_cast %get3A_737 : i32 to index
      %get3A_739 = arith.constant 64 : index
      %get3A_740 = tpu.vector_load %arg9[%get3A_738, %get3A_739] {strides = array<i32>} : memref<4x112xi32, #tpu.memory_space<vmem>>, vector<1x16xi32>,
      %get3A_741 = vector.shape_cast %get3A_740 : vector<1x16xi32> to vector<16xi32>
      %sub3A_742 = vector.broadcast %mul3A_0 : i32 to vector<16xi32>
      %sub3A_743 = arith.subi %get3A_741, %sub3A_742 : vector<16xi32>
      %ge3A_744 = arith.constant 0 : i32
      %ge3A_745 = vector.broadcast %ge3A_744 : i32 to vector<16xi32>
      %ge3A_746 = arith.cmpi sge, %sub3A_743, %ge3A_745 : vector<16xi32>
      %lt3A_747 = arith.constant 25000 : i32
      %lt3A_748 = vector.broadcast %lt3A_747 : i32 to vector<16xi32>
      %lt3A_749 = arith.cmpi slt, %sub3A_743, %lt3A_748 : vector<16xi32>
      %and3A_750 = arith.andi %ge3A_746, %lt3A_749 : vector<16xi1>
      %and3A_751 = arith.constant 15 : i32
      %and3A_752 = vector.broadcast %and3A_751 : i32 to vector<16xi32>
      %and3A_753 = arith.andi %get3A_741, %and3A_752 : vector<16xi32>
      %add3A_754 = arith.constant 25000 : i32
      %add3A_755 = vector.broadcast %add3A_754 : i32 to vector<16xi32>
      %add3A_756 = arith.addi %add3A_755, %and3A_753 : vector<16xi32>
      %select_n3A_757 = arith.select %and3A_750, %sub3A_743, %add3A_756 : vector<16xi1>, vector<16xi32>
      %swap3A_758 = arith.constant 1 : i32
      %swap3A_759 = arith.index_cast %swap3A_758 : i32 to index
      %swap3A_760 = arith.constant 64 : index
      %swap3A_761 = tpu.vector_load %arg10[%swap3A_759, %swap3A_760] {strides = array<i32>} : memref<4x112xi32, #tpu.memory_space<vmem>>, vector<1x16xi32>,
      %swap3A_762 = vector.shape_cast %swap3A_761 : vector<1x16xi32> to vector<16xi32>
      %swap3A_763 = vector.shape_cast %select_n3A_757 : vector<16xi32> to vector<1x16xi32>
      tpu.vector_store %arg10[%swap3A_759, %swap3A_760], %swap3A_763 {strides = array<i32>} : memref<4x112xi32, #tpu.memory_space<vmem>>, vector<1x16xi32>,
      %get3A_764 = arith.constant 1 : i32
      %get3A_765 = arith.index_cast %get3A_764 : i32 to index
      %get3A_766 = arith.constant 64 : index
      %get3A_767 = tpu.vector_load %arg8[%get3A_765, %get3A_766] {strides = array<i32>} : memref<4x112xi32, #tpu.memory_space<vmem>>, vector<1x16xi32>,
      %get3A_768 = vector.shape_cast %get3A_767 : vector<1x16xi32> to vector<16xi32>
      %get3A_769 = arith.constant 0 : i32
      %get3A_770 = arith.index_cast %get3A_769 : i32 to index
      %get3A_771 = arith.constant 64 : index
      %get3A_772 = tpu.vector_load %arg13[%get3A_770, %get3A_771] {strides = array<i32>} : memref<1x128xi32, #tpu.memory_space<vmem>>, vector<1x16xi32>,
      %get3A_773 = vector.shape_cast %get3A_772 : vector<1x16xi32> to vector<16xi32>
      %mul3A_774 = arith.constant 128 : i32
      %mul3A_775 = arith.muli %arg1, %mul3A_774 : i32
      %add3A_776 = vector.broadcast %mul3A_775 : i32 to vector<16xi32>
      %add3A_777 = arith.addi %get3A_773, %add3A_776 : vector<16xi32>
      %select_n3A_778 = arith.select %and3A_750, %get3A_768, %add3A_777 : vector<16xi1>, vector<16xi32>
      %swap3A_779 = arith.constant 1 : i32
      %swap3A_780 = arith.index_cast %swap3A_779 : i32 to index
      %swap3A_781 = arith.constant 64 : index
      %swap3A_782 = tpu.vector_load %arg8[%swap3A_780, %swap3A_781] {strides = array<i32>} : memref<4x112xi32, #tpu.memory_space<vmem>>, vector<1x16xi32>,
      %swap3A_783 = vector.shape_cast %swap3A_782 : vector<1x16xi32> to vector<16xi32>
      %swap3A_784 = vector.shape_cast %select_n3A_778 : vector<16xi32> to vector<1x16xi32>
      tpu.vector_store %arg8[%swap3A_780, %swap3A_781], %swap3A_784 {strides = array<i32>} : memref<4x112xi32, #tpu.memory_space<vmem>>, vector<1x16xi32>,
      %get3A_785 = arith.constant 1 : i32
      %get3A_786 = arith.index_cast %get3A_785 : i32 to index
      %get3A_787 = arith.constant 80 : index
      %get3A_788 = tpu.vector_load %arg9[%get3A_786, %get3A_787] {strides = array<i32>} : memref<4x112xi32, #tpu.memory_space<vmem>>, vector<1x16xi32>,
      %get3A_789 = vector.shape_cast %get3A_788 : vector<1x16xi32> to vector<16xi32>
      %sub3A_790 = vector.broadcast %mul3A_0 : i32 to vector<16xi32>
      %sub3A_791 = arith.subi %get3A_789, %sub3A_790 : vector<16xi32>
      %ge3A_792 = arith.constant 0 : i32
      %ge3A_793 = vector.broadcast %ge3A_792 : i32 to vector<16xi32>
      %ge3A_794 = arith.cmpi sge, %sub3A_791, %ge3A_793 : vector<16xi32>
      %lt3A_795 = arith.constant 25000 : i32
      %lt3A_796 = vector.broadcast %lt3A_795 : i32 to vector<16xi32>
      %lt3A_797 = arith.cmpi slt, %sub3A_791, %lt3A_796 : vector<16xi32>
      %and3A_798 = arith.andi %ge3A_794, %lt3A_797 : vector<16xi1>
      %and3A_799 = arith.constant 15 : i32
      %and3A_800 = vector.broadcast %and3A_799 : i32 to vector<16xi32>
      %and3A_801 = arith.andi %get3A_789, %and3A_800 : vector<16xi32>
      %add3A_802 = arith.constant 25000 : i32
      %add3A_803 = vector.broadcast %add3A_802 : i32 to vector<16xi32>
      %add3A_804 = arith.addi %add3A_803, %and3A_801 : vector<16xi32>
      %select_n3A_805 = arith.select %and3A_798, %sub3A_791, %add3A_804 : vector<16xi1>, vector<16xi32>
      %swap3A_806 = arith.constant 1 : i32
      %swap3A_807 = arith.index_cast %swap3A_806 : i32 to index
      %swap3A_808 = arith.constant 80 : index
      %swap3A_809 = tpu.vector_load %arg10[%swap3A_807, %swap3A_808] {strides = array<i32>} : memref<4x112xi32, #tpu.memory_space<vmem>>, vector<1x16xi32>,
      %swap3A_810 = vector.shape_cast %swap3A_809 : vector<1x16xi32> to vector<16xi32>
      %swap3A_811 = vector.shape_cast %select_n3A_805 : vector<16xi32> to vector<1x16xi32>
      tpu.vector_store %arg10[%swap3A_807, %swap3A_808], %swap3A_811 {strides = array<i32>} : memref<4x112xi32, #tpu.memory_space<vmem>>, vector<1x16xi32>,
      %get3A_812 = arith.constant 1 : i32
      %get3A_813 = arith.index_cast %get3A_812 : i32 to index
      %get3A_814 = arith.constant 80 : index
      %get3A_815 = tpu.vector_load %arg8[%get3A_813, %get3A_814] {strides = array<i32>} : memref<4x112xi32, #tpu.memory_space<vmem>>, vector<1x16xi32>,
      %get3A_816 = vector.shape_cast %get3A_815 : vector<1x16xi32> to vector<16xi32>
      %get3A_817 = arith.constant 0 : i32
      %get3A_818 = arith.index_cast %get3A_817 : i32 to index
      %get3A_819 = arith.constant 80 : index
      %get3A_820 = tpu.vector_load %arg13[%get3A_818, %get3A_819] {strides = array<i32>} : memref<1x128xi32, #tpu.memory_space<vmem>>, vector<1x16xi32>,
      %get3A_821 = vector.shape_cast %get3A_820 : vector<1x16xi32> to vector<16xi32>
      %mul3A_822 = arith.constant 128 : i32
      %mul3A_823 = arith.muli %arg1, %mul3A_822 : i32
      %add3A_824 = vector.broadcast %mul3A_823 : i32 to vector<16xi32>
      %add3A_825 = arith.addi %get3A_821, %add3A_824 : vector<16xi32>
      %select_n3A_826 = arith.select %and3A_798, %get3A_816, %add3A_825 : vector<16xi1>, vector<16xi32>
      %swap3A_827 = arith.constant 1 : i32
      %swap3A_828 = arith.index_cast %swap3A_827 : i32 to index
      %swap3A_829 = arith.constant 80 : index
      %swap3A_830 = tpu.vector_load %arg8[%swap3A_828, %swap3A_829] {strides = array<i32>} : memref<4x112xi32, #tpu.memory_space<vmem>>, vector<1x16xi32>,
      %swap3A_831 = vector.shape_cast %swap3A_830 : vector<1x16xi32> to vector<16xi32>
      %swap3A_832 = vector.shape_cast %select_n3A_826 : vector<16xi32> to vector<1x16xi32>
      tpu.vector_store %arg8[%swap3A_828, %swap3A_829], %swap3A_832 {strides = array<i32>} : memref<4x112xi32, #tpu.memory_space<vmem>>, vector<1x16xi32>,
      %get3A_833 = arith.constant 1 : i32
      %get3A_834 = arith.index_cast %get3A_833 : i32 to index
      %get3A_835 = arith.constant 96 : index
      %get3A_836 = tpu.vector_load %arg9[%get3A_834, %get3A_835] {strides = array<i32>} : memref<4x112xi32, #tpu.memory_space<vmem>>, vector<1x16xi32>,
      %get3A_837 = vector.shape_cast %get3A_836 : vector<1x16xi32> to vector<16xi32>
      %sub3A_838 = vector.broadcast %mul3A_0 : i32 to vector<16xi32>
      %sub3A_839 = arith.subi %get3A_837, %sub3A_838 : vector<16xi32>
      %ge3A_840 = arith.constant 0 : i32
      %ge3A_841 = vector.broadcast %ge3A_840 : i32 to vector<16xi32>
      %ge3A_842 = arith.cmpi sge, %sub3A_839, %ge3A_841 : vector<16xi32>
      %lt3A_843 = arith.constant 25000 : i32
      %lt3A_844 = vector.broadcast %lt3A_843 : i32 to vector<16xi32>
      %lt3A_845 = arith.cmpi slt, %sub3A_839, %lt3A_844 : vector<16xi32>
      %and3A_846 = arith.andi %ge3A_842, %lt3A_845 : vector<16xi1>
      %and3A_847 = arith.constant 15 : i32
      %and3A_848 = vector.broadcast %and3A_847 : i32 to vector<16xi32>
      %and3A_849 = arith.andi %get3A_837, %and3A_848 : vector<16xi32>
      %add3A_850 = arith.constant 25000 : i32
      %add3A_851 = vector.broadcast %add3A_850 : i32 to vector<16xi32>
      %add3A_852 = arith.addi %add3A_851, %and3A_849 : vector<16xi32>
      %select_n3A_853 = arith.select %and3A_846, %sub3A_839, %add3A_852 : vector<16xi1>, vector<16xi32>
      %swap3A_854 = arith.constant 1 : i32
      %swap3A_855 = arith.index_cast %swap3A_854 : i32 to index
      %swap3A_856 = arith.constant 96 : index
      %swap3A_857 = tpu.vector_load %arg10[%swap3A_855, %swap3A_856] {strides = array<i32>} : memref<4x112xi32, #tpu.memory_space<vmem>>, vector<1x16xi32>,
      %swap3A_858 = vector.shape_cast %swap3A_857 : vector<1x16xi32> to vector<16xi32>
      %swap3A_859 = vector.shape_cast %select_n3A_853 : vector<16xi32> to vector<1x16xi32>
      tpu.vector_store %arg10[%swap3A_855, %swap3A_856], %swap3A_859 {strides = array<i32>} : memref<4x112xi32, #tpu.memory_space<vmem>>, vector<1x16xi32>,
      %get3A_860 = arith.constant 1 : i32
      %get3A_861 = arith.index_cast %get3A_860 : i32 to index
      %get3A_862 = arith.constant 96 : index
      %get3A_863 = tpu.vector_load %arg8[%get3A_861, %get3A_862] {strides = array<i32>} : memref<4x112xi32, #tpu.memory_space<vmem>>, vector<1x16xi32>,
      %get3A_864 = vector.shape_cast %get3A_863 : vector<1x16xi32> to vector<16xi32>
      %get3A_865 = arith.constant 0 : i32
      %get3A_866 = arith.index_cast %get3A_865 : i32 to index
      %get3A_867 = arith.constant 96 : index
      %get3A_868 = tpu.vector_load %arg13[%get3A_866, %get3A_867] {strides = array<i32>} : memref<1x128xi32, #tpu.memory_space<vmem>>, vector<1x16xi32>,
      %get3A_869 = vector.shape_cast %get3A_868 : vector<1x16xi32> to vector<16xi32>
      %mul3A_870 = arith.constant 128 : i32
      %mul3A_871 = arith.muli %arg1, %mul3A_870 : i32
      %add3A_872 = vector.broadcast %mul3A_871 : i32 to vector<16xi32>
      %add3A_873 = arith.addi %get3A_869, %add3A_872 : vector<16xi32>
      %select_n3A_874 = arith.select %and3A_846, %get3A_864, %add3A_873 : vector<16xi1>, vector<16xi32>
      %swap3A_875 = arith.constant 1 : i32
      %swap3A_876 = arith.index_cast %swap3A_875 : i32 to index
      %swap3A_877 = arith.constant 96 : index
      %swap3A_878 = tpu.vector_load %arg8[%swap3A_876, %swap3A_877] {strides = array<i32>} : memref<4x112xi32, #tpu.memory_space<vmem>>, vector<1x16xi32>,
      %swap3A_879 = vector.shape_cast %swap3A_878 : vector<1x16xi32> to vector<16xi32>
      %swap3A_880 = vector.shape_cast %select_n3A_874 : vector<16xi32> to vector<1x16xi32>
      tpu.vector_store %arg8[%swap3A_876, %swap3A_877], %swap3A_880 {strides = array<i32>} : memref<4x112xi32, #tpu.memory_space<vmem>>, vector<1x16xi32>,
      %dma_start3A_881 = arith.constant 1 : i32
      %dma_start3A_882 = arith.constant 1 : i32
      %dma_start3A_883 = arith.constant 0 : i32
      %dma_start3A_884 = arith.constant 0 : i32
      %dma_start3A_885 = tpu.memref_slice %arg11[%dma_start3A_882, %dma_start3A_883, %dma_start3A_884] : memref<4x112x64xf32, #tpu.memory_space<vmem>> -> memref<1x112x64xf32, #tpu.memory_space<vmem>>
      %dma_start3A_886 = tpu.memref_squeeze %dma_start3A_885 : memref<1x112x64xf32, #tpu.memory_space<vmem>> -> memref<112x64xf32, #tpu.memory_space<vmem>>
      %dma_start3A_887 = arith.constant 0 : i32
      %dma_start3A_888 = tpu.memref_slice %arg8[%dma_start3A_881, %dma_start3A_887] : memref<4x112xi32, #tpu.memory_space<vmem>> -> memref<1x112xi32, #tpu.memory_space<vmem>>
      %dma_start3A_889 = tpu.memref_squeeze %dma_start3A_888 : memref<1x112xi32, #tpu.memory_space<vmem>> -> memref<112xi32, #tpu.memory_space<vmem>>
      %dma_start3A_890 = arith.constant 0 : i32
      %dma_start3A_891 = arith.constant 0 : i32
      %dma_start3A_892 = tpu.memref_slice %arg4[%dma_start3A_890, %dma_start3A_891] : memref<10000x64xf32, #tpu.memory_space<hbm>> -> memref<10000x64xf32, #tpu.memory_space<hbm>>
      tpu.enqueue_indirect_dma source(%dma_start3A_892 : memref<10000x64xf32, #tpu.memory_space<hbm>>) target(%dma_start3A_886 : memref<112x64xf32, #tpu.memory_space<vmem>>) offsets(%dma_start3A_889 : memref<112xi32, #tpu.memory_space<vmem>>) semaphore(%arg15 : memref<!tpu.dma_semaphore, #tpu.memory_space<semaphore_mem>>)
      %add3A_893 = arith.constant 2 : i32
      %add3A_894 = arith.addi %add3A_515, %add3A_893 : i32
      %add3A_895 = arith.addi %mul3A_4, %add3A_894 : i32
      %min3A_896 = arith.constant 7167 : i32
      %min3A_897 = arith.minsi %add3A_895, %min3A_896 : i32
      %dma_start3A_898 = arith.constant 2 : i32
      %dma_start3A_899 = arith.constant 0 : i32
      %dma_start3A_900 = tpu.memref_slice %arg8[%dma_start3A_898, %dma_start3A_899] : memref<4x112xi32, #tpu.memory_space<vmem>> -> memref<1x112xi32, #tpu.memory_space<vmem>>
      %dma_start3A_901 = arith.constant 0 : i32
      %dma_start3A_902 = tpu.memref_slice %arg2[%min3A_897, %dma_start3A_901] : memref<7168x112xi32, #tpu.memory_space<hbm>> -> memref<1x112xi32, #tpu.memory_space<hbm>>
      %dma_start3A_903 = arith.constant 2 : i32
      %dma_start3A_904 = arith.constant 0 : i32
      %dma_start3A_905 = tpu.memref_slice %arg8[%dma_start3A_903, %dma_start3A_904] : memref<4x112xi32, #tpu.memory_space<vmem>> -> memref<1x112xi32, #tpu.memory_space<vmem>>
      %dma_start3A_906 = arith.constant 0 : i32
      %dma_start3A_907 = tpu.memref_slice %arg2[%min3A_897, %dma_start3A_906] : memref<7168x112xi32, #tpu.memory_space<hbm>> -> memref<1x112xi32, #tpu.memory_space<hbm>>
      tpu.enqueue_dma source(%dma_start3A_907 : memref<1x112xi32, #tpu.memory_space<hbm>>) target(%dma_start3A_905 : memref<1x112xi32, #tpu.memory_space<vmem>>) target_semaphore(%arg14 : memref<!tpu.dma_semaphore, #tpu.memory_space<semaphore_mem>>)
      %dma_start3A_908 = arith.constant 2 : i32
      %dma_start3A_909 = arith.constant 0 : i32
      %dma_start3A_910 = tpu.memref_slice %arg9[%dma_start3A_908, %dma_start3A_909] : memref<4x112xi32, #tpu.memory_space<vmem>> -> memref<1x112xi32, #tpu.memory_space<vmem>>
      %dma_start3A_911 = arith.constant 0 : i32
      %dma_start3A_912 = tpu.memref_slice %arg3[%min3A_897, %dma_start3A_911] : memref<7168x112xi32, #tpu.memory_space<hbm>> -> memref<1x112xi32, #tpu.memory_space<hbm>>
      %dma_start3A_913 = arith.constant 2 : i32
      %dma_start3A_914 = arith.constant 0 : i32
      %dma_start3A_915 = tpu.memref_slice %arg9[%dma_start3A_913, %dma_start3A_914] : memref<4x112xi32, #tpu.memory_space<vmem>> -> memref<1x112xi32, #tpu.memory_space<vmem>>
      %dma_start3A_916 = arith.constant 0 : i32
      %dma_start3A_917 = tpu.memref_slice %arg3[%min3A_897, %dma_start3A_916] : memref<7168x112xi32, #tpu.memory_space<hbm>> -> memref<1x112xi32, #tpu.memory_space<hbm>>
      tpu.enqueue_dma source(%dma_start3A_917 : memref<1x112xi32, #tpu.memory_space<hbm>>) target(%dma_start3A_915 : memref<1x112xi32, #tpu.memory_space<vmem>>) target_semaphore(%arg14 : memref<!tpu.dma_semaphore, #tpu.memory_space<semaphore_mem>>)
      %ge3A_918 = arith.constant 1 : i32
      %ge3A_919 = arith.cmpi sge, %scan3A_511, %ge3A_918 : i32
      %convert_element_type3A_920 = arith.extui %ge3A_919 : i1 to i32
      %cond3A_921 = arith.constant 0 : i32
      %cond3A_922 = arith.cmpi ne, %convert_element_type3A_920, %cond3A_921 : i32
      scf.if %cond3A_922 {
        %dma_wait3A_2223 = arith.constant 3 : i32
        %dma_wait3A_2224 = arith.constant 0 : i32
        %dma_wait3A_2225 = arith.constant 0 : i32
        %dma_wait3A_2226 = tpu.memref_slice %arg11[%dma_wait3A_2223, %dma_wait3A_2224, %dma_wait3A_2225] : memref<4x112x64xf32, #tpu.memory_space<vmem>> -> memref<1x112x64xf32, #tpu.memory_space<vmem>>
        %dma_wait3A_2227 = tpu.memref_squeeze %dma_wait3A_2226 : memref<1x112x64xf32, #tpu.memory_space<vmem>> -> memref<112x64xf32, #tpu.memory_space<vmem>>
        %dma_wait3A_2228 = arith.constant 0 : i32
        %dma_wait3A_2229 = arith.constant 0 : i32
        %dma_wait3A_2230 = tpu.memref_slice %arg4[%dma_wait3A_2228, %dma_wait3A_2229] : memref<10000x64xf32, #tpu.memory_space<hbm>> -> memref<112x64xf32, #tpu.memory_space<hbm>>
        %dma_wait3A_2231 = arith.constant 0 : i32
        %dma_wait3A_2232 = arith.constant 0 : i32
        %dma_wait3A_2233 = tpu.memref_slice %arg11[%dma_wait3A_2223, %dma_wait3A_2231, %dma_wait3A_2232] : memref<4x112x64xf32, #tpu.memory_space<vmem>> -> memref<1x112x64xf32, #tpu.memory_space<vmem>>
        %dma_wait3A_2234 = tpu.memref_squeeze %dma_wait3A_2233 : memref<1x112x64xf32, #tpu.memory_space<vmem>> -> memref<112x64xf32, #tpu.memory_space<vmem>>
        %dma_wait3A_2235 = arith.constant 0 : i32
        %dma_wait3A_2236 = arith.constant 0 : i32
        %dma_wait3A_2237 = tpu.memref_slice %arg4[%dma_wait3A_2235, %dma_wait3A_2236] : memref<10000x64xf32, #tpu.memory_space<hbm>> -> memref<112x64xf32, #tpu.memory_space<hbm>>
        tpu.wait_dma2 semaphore(%arg15 : memref<!tpu.dma_semaphore, #tpu.memory_space<semaphore_mem>>) src(%dma_wait3A_2237 : memref<112x64xf32, #tpu.memory_space<hbm>>) dst(%dma_wait3A_2234 : memref<112x64xf32, #tpu.memory_space<vmem>>)
        %dma_start3A_2238 = arith.constant 3 : i32
        %dma_start3A_2239 = arith.constant 3 : i32
        %dma_start3A_2240 = arith.constant 0 : i32
        %dma_start3A_2241 = arith.constant 0 : i32
        %dma_start3A_2242 = tpu.memref_slice %arg11[%dma_start3A_2238, %dma_start3A_2240, %dma_start3A_2241] : memref<4x112x64xf32, #tpu.memory_space<vmem>> -> memref<1x112x64xf32, #tpu.memory_space<vmem>>
        %dma_start3A_2243 = tpu.memref_squeeze %dma_start3A_2242 : memref<1x112x64xf32, #tpu.memory_space<vmem>> -> memref<112x64xf32, #tpu.memory_space<vmem>>
        %dma_start3A_2244 = arith.constant 0 : i32
        %dma_start3A_2245 = tpu.memref_slice %arg10[%dma_start3A_2239, %dma_start3A_2244] : memref<4x112xi32, #tpu.memory_space<vmem>> -> memref<1x112xi32, #tpu.memory_space<vmem>>
        %dma_start3A_2246 = tpu.memref_squeeze %dma_start3A_2245 : memref<1x112xi32, #tpu.memory_space<vmem>> -> memref<112xi32, #tpu.memory_space<vmem>>
        %dma_start3A_2247 = arith.constant 0 : i32
        %dma_start3A_2248 = arith.constant 0 : i32
        %dma_start3A_2249 = tpu.memref_slice %arg12[%dma_start3A_2247, %dma_start3A_2248] : memref<25024x64xf32, #tpu.memory_space<vmem_shared>> -> memref<25024x64xf32, #tpu.memory_space<vmem_shared>>
        tpu.enqueue_indirect_dma source(%dma_start3A_2243 : memref<112x64xf32, #tpu.memory_space<vmem>>) target(%dma_start3A_2249 : memref<25024x64xf32, #tpu.memory_space<vmem_shared>>) offsets(%dma_start3A_2246 : memref<112xi32, #tpu.memory_space<vmem>>) semaphore(%arg16 : memref<!tpu.dma_semaphore, #tpu.memory_space<semaphore_mem>>) {add = true}
      } else {
      }
      %mul3A_923 = arith.constant 4 : i32
      %mul3A_924 = arith.muli %scan3A_511, %mul3A_923 : i32
      %add3A_925 = arith.constant 1 : i32
      %add3A_926 = arith.addi %mul3A_924, %add3A_925 : i32
      %ge3A_927 = arith.constant 1 : i32
      %ge3A_928 = arith.cmpi sge, %scan3A_511, %ge3A_927 : i32
      %convert_element_type3A_929 = arith.extui %ge3A_928 : i1 to i32
      %cond3A_930 = arith.constant 0 : i32
      %cond3A_931 = arith.cmpi ne, %convert_element_type3A_929, %cond3A_930 : i32
      scf.if %cond3A_931 {
        %dma_wait3A_2223 = arith.constant 0 : i32
        %dma_wait3A_2224 = arith.constant 0 : i32
        %dma_wait3A_2225 = tpu.memref_slice %arg12[%dma_wait3A_2223, %dma_wait3A_2224] : memref<25024x64xf32, #tpu.memory_space<vmem_shared>> -> memref<112x64xf32, #tpu.memory_space<vmem_shared>>
        %dma_wait3A_2226 = arith.constant 0 : i32
        %dma_wait3A_2227 = arith.constant 0 : i32
        %dma_wait3A_2228 = tpu.memref_slice %arg4[%dma_wait3A_2226, %dma_wait3A_2227] : memref<10000x64xf32, #tpu.memory_space<hbm>> -> memref<112x64xf32, #tpu.memory_space<hbm>>
        tpu.wait_dma2 semaphore(%arg16 : memref<!tpu.dma_semaphore, #tpu.memory_space<semaphore_mem>>) src(%dma_wait3A_2228 : memref<112x64xf32, #tpu.memory_space<hbm>>) dst(%dma_wait3A_2225 : memref<112x64xf32, #tpu.memory_space<vmem_shared>>)
      } else {
      }
      %dma_wait3A_932 = arith.constant 2 : i32
      %dma_wait3A_933 = arith.constant 0 : i32
      %dma_wait3A_934 = tpu.memref_slice %arg8[%dma_wait3A_932, %dma_wait3A_933] : memref<4x112xi32, #tpu.memory_space<vmem>> -> memref<1x112xi32, #tpu.memory_space<vmem>>
      %dma_wait3A_935 = arith.constant 0 : i32
      %dma_wait3A_936 = arith.constant 0 : i32
      %dma_wait3A_937 = tpu.memref_slice %arg2[%dma_wait3A_935, %dma_wait3A_936] : memref<7168x112xi32, #tpu.memory_space<hbm>> -> memref<1x112xi32, #tpu.memory_space<hbm>>
      %dma_wait3A_938 = arith.constant 2 : i32
      %dma_wait3A_939 = arith.constant 0 : i32
      %dma_wait3A_940 = tpu.memref_slice %arg8[%dma_wait3A_938, %dma_wait3A_939] : memref<4x112xi32, #tpu.memory_space<vmem>> -> memref<1x112xi32, #tpu.memory_space<vmem>>
      %dma_wait3A_941 = arith.constant 0 : i32
      %dma_wait3A_942 = arith.constant 0 : i32
      %dma_wait3A_943 = tpu.memref_slice %arg2[%dma_wait3A_941, %dma_wait3A_942] : memref<7168x112xi32, #tpu.memory_space<hbm>> -> memref<1x112xi32, #tpu.memory_space<hbm>>
      tpu.wait_dma2 semaphore(%arg14 : memref<!tpu.dma_semaphore, #tpu.memory_space<semaphore_mem>>) src(%dma_wait3A_943 : memref<1x112xi32, #tpu.memory_space<hbm>>) dst(%dma_wait3A_940 : memref<1x112xi32, #tpu.memory_space<vmem>>)
      %dma_wait3A_944 = arith.constant 2 : i32
      %dma_wait3A_945 = arith.constant 0 : i32
      %dma_wait3A_946 = tpu.memref_slice %arg9[%dma_wait3A_944, %dma_wait3A_945] : memref<4x112xi32, #tpu.memory_space<vmem>> -> memref<1x112xi32, #tpu.memory_space<vmem>>
      %dma_wait3A_947 = arith.constant 0 : i32
      %dma_wait3A_948 = arith.constant 0 : i32
      %dma_wait3A_949 = tpu.memref_slice %arg3[%dma_wait3A_947, %dma_wait3A_948] : memref<7168x112xi32, #tpu.memory_space<hbm>> -> memref<1x112xi32, #tpu.memory_space<hbm>>
      %dma_wait3A_950 = arith.constant 2 : i32
      %dma_wait3A_951 = arith.constant 0 : i32
      %dma_wait3A_952 = tpu.memref_slice %arg9[%dma_wait3A_950, %dma_wait3A_951] : memref<4x112xi32, #tpu.memory_space<vmem>> -> memref<1x112xi32, #tpu.memory_space<vmem>>
      %dma_wait3A_953 = arith.constant 0 : i32
      %dma_wait3A_954 = arith.constant 0 : i32
      %dma_wait3A_955 = tpu.memref_slice %arg3[%dma_wait3A_953, %dma_wait3A_954] : memref<7168x112xi32, #tpu.memory_space<hbm>> -> memref<1x112xi32, #tpu.memory_space<hbm>>
      tpu.wait_dma2 semaphore(%arg14 : memref<!tpu.dma_semaphore, #tpu.memory_space<semaphore_mem>>) src(%dma_wait3A_955 : memref<1x112xi32, #tpu.memory_space<hbm>>) dst(%dma_wait3A_952 : memref<1x112xi32, #tpu.memory_space<vmem>>)
      %get3A_956 = arith.constant 2 : i32
      %get3A_957 = arith.index_cast %get3A_956 : i32 to index
      %get3A_958 = arith.constant 0 : index
      %get3A_959 = tpu.vector_load %arg9[%get3A_957, %get3A_958] {strides = array<i32>} : memref<4x112xi32, #tpu.memory_space<vmem>>, vector<1x16xi32>,
      %get3A_960 = vector.shape_cast %get3A_959 : vector<1x16xi32> to vector<16xi32>
      %sub3A_961 = vector.broadcast %mul3A_0 : i32 to vector<16xi32>
      %sub3A_962 = arith.subi %get3A_960, %sub3A_961 : vector<16xi32>
      %ge3A_963 = arith.constant 0 : i32
      %ge3A_964 = vector.broadcast %ge3A_963 : i32 to vector<16xi32>
      %ge3A_965 = arith.cmpi sge, %sub3A_962, %ge3A_964 : vector<16xi32>
      %lt3A_966 = arith.constant 25000 : i32
      %lt3A_967 = vector.broadcast %lt3A_966 : i32 to vector<16xi32>
      %lt3A_968 = arith.cmpi slt, %sub3A_962, %lt3A_967 : vector<16xi32>
      %and3A_969 = arith.andi %ge3A_965, %lt3A_968 : vector<16xi1>
      %and3A_970 = arith.constant 15 : i32
      %and3A_971 = vector.broadcast %and3A_970 : i32 to vector<16xi32>
      %and3A_972 = arith.andi %get3A_960, %and3A_971 : vector<16xi32>
      %add3A_973 = arith.constant 25000 : i32
      %add3A_974 = vector.broadcast %add3A_973 : i32 to vector<16xi32>
      %add3A_975 = arith.addi %add3A_974, %and3A_972 : vector<16xi32>
      %select_n3A_976 = arith.select %and3A_969, %sub3A_962, %add3A_975 : vector<16xi1>, vector<16xi32>
      %swap3A_977 = arith.constant 2 : i32
      %swap3A_978 = arith.index_cast %swap3A_977 : i32 to index
      %swap3A_979 = arith.constant 0 : index
      %swap3A_980 = tpu.vector_load %arg10[%swap3A_978, %swap3A_979] {strides = array<i32>} : memref<4x112xi32, #tpu.memory_space<vmem>>, vector<1x16xi32>,
      %swap3A_981 = vector.shape_cast %swap3A_980 : vector<1x16xi32> to vector<16xi32>
      %swap3A_982 = vector.shape_cast %select_n3A_976 : vector<16xi32> to vector<1x16xi32>
      tpu.vector_store %arg10[%swap3A_978, %swap3A_979], %swap3A_982 {strides = array<i32>} : memref<4x112xi32, #tpu.memory_space<vmem>>, vector<1x16xi32>,
      %get3A_983 = arith.constant 2 : i32
      %get3A_984 = arith.index_cast %get3A_983 : i32 to index
      %get3A_985 = arith.constant 0 : index
      %get3A_986 = tpu.vector_load %arg8[%get3A_984, %get3A_985] {strides = array<i32>} : memref<4x112xi32, #tpu.memory_space<vmem>>, vector<1x16xi32>,
      %get3A_987 = vector.shape_cast %get3A_986 : vector<1x16xi32> to vector<16xi32>
      %get3A_988 = arith.constant 0 : i32
      %get3A_989 = arith.index_cast %get3A_988 : i32 to index
      %get3A_990 = arith.constant 0 : index
      %get3A_991 = tpu.vector_load %arg13[%get3A_989, %get3A_990] {strides = array<i32>} : memref<1x128xi32, #tpu.memory_space<vmem>>, vector<1x16xi32>,
      %get3A_992 = vector.shape_cast %get3A_991 : vector<1x16xi32> to vector<16xi32>
      %mul3A_993 = arith.constant 128 : i32
      %mul3A_994 = arith.muli %arg1, %mul3A_993 : i32
      %add3A_995 = vector.broadcast %mul3A_994 : i32 to vector<16xi32>
      %add3A_996 = arith.addi %get3A_992, %add3A_995 : vector<16xi32>
      %select_n3A_997 = arith.select %and3A_969, %get3A_987, %add3A_996 : vector<16xi1>, vector<16xi32>
      %swap3A_998 = arith.constant 2 : i32
      %swap3A_999 = arith.index_cast %swap3A_998 : i32 to index
      %swap3A_1000 = arith.constant 0 : index
      %swap3A_1001 = tpu.vector_load %arg8[%swap3A_999, %swap3A_1000] {strides = array<i32>} : memref<4x112xi32, #tpu.memory_space<vmem>>, vector<1x16xi32>,
      %swap3A_1002 = vector.shape_cast %swap3A_1001 : vector<1x16xi32> to vector<16xi32>
      %swap3A_1003 = vector.shape_cast %select_n3A_997 : vector<16xi32> to vector<1x16xi32>
      tpu.vector_store %arg8[%swap3A_999, %swap3A_1000], %swap3A_1003 {strides = array<i32>} : memref<4x112xi32, #tpu.memory_space<vmem>>, vector<1x16xi32>,
      %get3A_1004 = arith.constant 2 : i32
      %get3A_1005 = arith.index_cast %get3A_1004 : i32 to index
      %get3A_1006 = arith.constant 16 : index
      %get3A_1007 = tpu.vector_load %arg9[%get3A_1005, %get3A_1006] {strides = array<i32>} : memref<4x112xi32, #tpu.memory_space<vmem>>, vector<1x16xi32>,
      %get3A_1008 = vector.shape_cast %get3A_1007 : vector<1x16xi32> to vector<16xi32>
      %sub3A_1009 = vector.broadcast %mul3A_0 : i32 to vector<16xi32>
      %sub3A_1010 = arith.subi %get3A_1008, %sub3A_1009 : vector<16xi32>
      %ge3A_1011 = arith.constant 0 : i32
      %ge3A_1012 = vector.broadcast %ge3A_1011 : i32 to vector<16xi32>
      %ge3A_1013 = arith.cmpi sge, %sub3A_1010, %ge3A_1012 : vector<16xi32>
      %lt3A_1014 = arith.constant 25000 : i32
      %lt3A_1015 = vector.broadcast %lt3A_1014 : i32 to vector<16xi32>
      %lt3A_1016 = arith.cmpi slt, %sub3A_1010, %lt3A_1015 : vector<16xi32>
      %and3A_1017 = arith.andi %ge3A_1013, %lt3A_1016 : vector<16xi1>
      %and3A_1018 = arith.constant 15 : i32
      %and3A_1019 = vector.broadcast %and3A_1018 : i32 to vector<16xi32>
      %and3A_1020 = arith.andi %get3A_1008, %and3A_1019 : vector<16xi32>
      %add3A_1021 = arith.constant 25000 : i32
      %add3A_1022 = vector.broadcast %add3A_1021 : i32 to vector<16xi32>
      %add3A_1023 = arith.addi %add3A_1022, %and3A_1020 : vector<16xi32>
      %select_n3A_1024 = arith.select %and3A_1017, %sub3A_1010, %add3A_1023 : vector<16xi1>, vector<16xi32>
      %swap3A_1025 = arith.constant 2 : i32
      %swap3A_1026 = arith.index_cast %swap3A_1025 : i32 to index
      %swap3A_1027 = arith.constant 16 : index
      %swap3A_1028 = tpu.vector_load %arg10[%swap3A_1026, %swap3A_1027] {strides = array<i32>} : memref<4x112xi32, #tpu.memory_space<vmem>>, vector<1x16xi32>,
      %swap3A_1029 = vector.shape_cast %swap3A_1028 : vector<1x16xi32> to vector<16xi32>
      %swap3A_1030 = vector.shape_cast %select_n3A_1024 : vector<16xi32> to vector<1x16xi32>
      tpu.vector_store %arg10[%swap3A_1026, %swap3A_1027], %swap3A_1030 {strides = array<i32>} : memref<4x112xi32, #tpu.memory_space<vmem>>, vector<1x16xi32>,
      %get3A_1031 = arith.constant 2 : i32
      %get3A_1032 = arith.index_cast %get3A_1031 : i32 to index
      %get3A_1033 = arith.constant 16 : index
      %get3A_1034 = tpu.vector_load %arg8[%get3A_1032, %get3A_1033] {strides = array<i32>} : memref<4x112xi32, #tpu.memory_space<vmem>>, vector<1x16xi32>,
      %get3A_1035 = vector.shape_cast %get3A_1034 : vector<1x16xi32> to vector<16xi32>
      %get3A_1036 = arith.constant 0 : i32
      %get3A_1037 = arith.index_cast %get3A_1036 : i32 to index
      %get3A_1038 = arith.constant 16 : index
      %get3A_1039 = tpu.vector_load %arg13[%get3A_1037, %get3A_1038] {strides = array<i32>} : memref<1x128xi32, #tpu.memory_space<vmem>>, vector<1x16xi32>,
      %get3A_1040 = vector.shape_cast %get3A_1039 : vector<1x16xi32> to vector<16xi32>
      %mul3A_1041 = arith.constant 128 : i32
      %mul3A_1042 = arith.muli %arg1, %mul3A_1041 : i32
      %add3A_1043 = vector.broadcast %mul3A_1042 : i32 to vector<16xi32>
      %add3A_1044 = arith.addi %get3A_1040, %add3A_1043 : vector<16xi32>
      %select_n3A_1045 = arith.select %and3A_1017, %get3A_1035, %add3A_1044 : vector<16xi1>, vector<16xi32>
      %swap3A_1046 = arith.constant 2 : i32
      %swap3A_1047 = arith.index_cast %swap3A_1046 : i32 to index
      %swap3A_1048 = arith.constant 16 : index
      %swap3A_1049 = tpu.vector_load %arg8[%swap3A_1047, %swap3A_1048] {strides = array<i32>} : memref<4x112xi32, #tpu.memory_space<vmem>>, vector<1x16xi32>,
      %swap3A_1050 = vector.shape_cast %swap3A_1049 : vector<1x16xi32> to vector<16xi32>
      %swap3A_1051 = vector.shape_cast %select_n3A_1045 : vector<16xi32> to vector<1x16xi32>
      tpu.vector_store %arg8[%swap3A_1047, %swap3A_1048], %swap3A_1051 {strides = array<i32>} : memref<4x112xi32, #tpu.memory_space<vmem>>, vector<1x16xi32>,
      %get3A_1052 = arith.constant 2 : i32
      %get3A_1053 = arith.index_cast %get3A_1052 : i32 to index
      %get3A_1054 = arith.constant 32 : index
      %get3A_1055 = tpu.vector_load %arg9[%get3A_1053, %get3A_1054] {strides = array<i32>} : memref<4x112xi32, #tpu.memory_space<vmem>>, vector<1x16xi32>,
      %get3A_1056 = vector.shape_cast %get3A_1055 : vector<1x16xi32> to vector<16xi32>
      %sub3A_1057 = vector.broadcast %mul3A_0 : i32 to vector<16xi32>
      %sub3A_1058 = arith.subi %get3A_1056, %sub3A_1057 : vector<16xi32>
      %ge3A_1059 = arith.constant 0 : i32
      %ge3A_1060 = vector.broadcast %ge3A_1059 : i32 to vector<16xi32>
      %ge3A_1061 = arith.cmpi sge, %sub3A_1058, %ge3A_1060 : vector<16xi32>
      %lt3A_1062 = arith.constant 25000 : i32
      %lt3A_1063 = vector.broadcast %lt3A_1062 : i32 to vector<16xi32>
      %lt3A_1064 = arith.cmpi slt, %sub3A_1058, %lt3A_1063 : vector<16xi32>
      %and3A_1065 = arith.andi %ge3A_1061, %lt3A_1064 : vector<16xi1>
      %and3A_1066 = arith.constant 15 : i32
      %and3A_1067 = vector.broadcast %and3A_1066 : i32 to vector<16xi32>
      %and3A_1068 = arith.andi %get3A_1056, %and3A_1067 : vector<16xi32>
      %add3A_1069 = arith.constant 25000 : i32
      %add3A_1070 = vector.broadcast %add3A_1069 : i32 to vector<16xi32>
      %add3A_1071 = arith.addi %add3A_1070, %and3A_1068 : vector<16xi32>
      %select_n3A_1072 = arith.select %and3A_1065, %sub3A_1058, %add3A_1071 : vector<16xi1>, vector<16xi32>
      %swap3A_1073 = arith.constant 2 : i32
      %swap3A_1074 = arith.index_cast %swap3A_1073 : i32 to index
      %swap3A_1075 = arith.constant 32 : index
      %swap3A_1076 = tpu.vector_load %arg10[%swap3A_1074, %swap3A_1075] {strides = array<i32>} : memref<4x112xi32, #tpu.memory_space<vmem>>, vector<1x16xi32>,
      %swap3A_1077 = vector.shape_cast %swap3A_1076 : vector<1x16xi32> to vector<16xi32>
      %swap3A_1078 = vector.shape_cast %select_n3A_1072 : vector<16xi32> to vector<1x16xi32>
      tpu.vector_store %arg10[%swap3A_1074, %swap3A_1075], %swap3A_1078 {strides = array<i32>} : memref<4x112xi32, #tpu.memory_space<vmem>>, vector<1x16xi32>,
      %get3A_1079 = arith.constant 2 : i32
      %get3A_1080 = arith.index_cast %get3A_1079 : i32 to index
      %get3A_1081 = arith.constant 32 : index
      %get3A_1082 = tpu.vector_load %arg8[%get3A_1080, %get3A_1081] {strides = array<i32>} : memref<4x112xi32, #tpu.memory_space<vmem>>, vector<1x16xi32>,
      %get3A_1083 = vector.shape_cast %get3A_1082 : vector<1x16xi32> to vector<16xi32>
      %get3A_1084 = arith.constant 0 : i32
      %get3A_1085 = arith.index_cast %get3A_1084 : i32 to index
      %get3A_1086 = arith.constant 32 : index
      %get3A_1087 = tpu.vector_load %arg13[%get3A_1085, %get3A_1086] {strides = array<i32>} : memref<1x128xi32, #tpu.memory_space<vmem>>, vector<1x16xi32>,
      %get3A_1088 = vector.shape_cast %get3A_1087 : vector<1x16xi32> to vector<16xi32>
      %mul3A_1089 = arith.constant 128 : i32
      %mul3A_1090 = arith.muli %arg1, %mul3A_1089 : i32
      %add3A_1091 = vector.broadcast %mul3A_1090 : i32 to vector<16xi32>
      %add3A_1092 = arith.addi %get3A_1088, %add3A_1091 : vector<16xi32>
      %select_n3A_1093 = arith.select %and3A_1065, %get3A_1083, %add3A_1092 : vector<16xi1>, vector<16xi32>
      %swap3A_1094 = arith.constant 2 : i32
      %swap3A_1095 = arith.index_cast %swap3A_1094 : i32 to index
      %swap3A_1096 = arith.constant 32 : index
      %swap3A_1097 = tpu.vector_load %arg8[%swap3A_1095, %swap3A_1096] {strides = array<i32>} : memref<4x112xi32, #tpu.memory_space<vmem>>, vector<1x16xi32>,
      %swap3A_1098 = vector.shape_cast %swap3A_1097 : vector<1x16xi32> to vector<16xi32>
      %swap3A_1099 = vector.shape_cast %select_n3A_1093 : vector<16xi32> to vector<1x16xi32>
      tpu.vector_store %arg8[%swap3A_1095, %swap3A_1096], %swap3A_1099 {strides = array<i32>} : memref<4x112xi32, #tpu.memory_space<vmem>>, vector<1x16xi32>,
      %get3A_1100 = arith.constant 2 : i32
      %get3A_1101 = arith.index_cast %get3A_1100 : i32 to index
      %get3A_1102 = arith.constant 48 : index
      %get3A_1103 = tpu.vector_load %arg9[%get3A_1101, %get3A_1102] {strides = array<i32>} : memref<4x112xi32, #tpu.memory_space<vmem>>, vector<1x16xi32>,
      %get3A_1104 = vector.shape_cast %get3A_1103 : vector<1x16xi32> to vector<16xi32>
      %sub3A_1105 = vector.broadcast %mul3A_0 : i32 to vector<16xi32>
      %sub3A_1106 = arith.subi %get3A_1104, %sub3A_1105 : vector<16xi32>
      %ge3A_1107 = arith.constant 0 : i32
      %ge3A_1108 = vector.broadcast %ge3A_1107 : i32 to vector<16xi32>
      %ge3A_1109 = arith.cmpi sge, %sub3A_1106, %ge3A_1108 : vector<16xi32>
      %lt3A_1110 = arith.constant 25000 : i32
      %lt3A_1111 = vector.broadcast %lt3A_1110 : i32 to vector<16xi32>
      %lt3A_1112 = arith.cmpi slt, %sub3A_1106, %lt3A_1111 : vector<16xi32>
      %and3A_1113 = arith.andi %ge3A_1109, %lt3A_1112 : vector<16xi1>
      %and3A_1114 = arith.constant 15 : i32
      %and3A_1115 = vector.broadcast %and3A_1114 : i32 to vector<16xi32>
      %and3A_1116 = arith.andi %get3A_1104, %and3A_1115 : vector<16xi32>
      %add3A_1117 = arith.constant 25000 : i32
      %add3A_1118 = vector.broadcast %add3A_1117 : i32 to vector<16xi32>
      %add3A_1119 = arith.addi %add3A_1118, %and3A_1116 : vector<16xi32>
      %select_n3A_1120 = arith.select %and3A_1113, %sub3A_1106, %add3A_1119 : vector<16xi1>, vector<16xi32>
      %swap3A_1121 = arith.constant 2 : i32
      %swap3A_1122 = arith.index_cast %swap3A_1121 : i32 to index
      %swap3A_1123 = arith.constant 48 : index
      %swap3A_1124 = tpu.vector_load %arg10[%swap3A_1122, %swap3A_1123] {strides = array<i32>} : memref<4x112xi32, #tpu.memory_space<vmem>>, vector<1x16xi32>,
      %swap3A_1125 = vector.shape_cast %swap3A_1124 : vector<1x16xi32> to vector<16xi32>
      %swap3A_1126 = vector.shape_cast %select_n3A_1120 : vector<16xi32> to vector<1x16xi32>
      tpu.vector_store %arg10[%swap3A_1122, %swap3A_1123], %swap3A_1126 {strides = array<i32>} : memref<4x112xi32, #tpu.memory_space<vmem>>, vector<1x16xi32>,
      %get3A_1127 = arith.constant 2 : i32
      %get3A_1128 = arith.index_cast %get3A_1127 : i32 to index
      %get3A_1129 = arith.constant 48 : index
      %get3A_1130 = tpu.vector_load %arg8[%get3A_1128, %get3A_1129] {strides = array<i32>} : memref<4x112xi32, #tpu.memory_space<vmem>>, vector<1x16xi32>,
      %get3A_1131 = vector.shape_cast %get3A_1130 : vector<1x16xi32> to vector<16xi32>
      %get3A_1132 = arith.constant 0 : i32
      %get3A_1133 = arith.index_cast %get3A_1132 : i32 to index
      %get3A_1134 = arith.constant 48 : index
      %get3A_1135 = tpu.vector_load %arg13[%get3A_1133, %get3A_1134] {strides = array<i32>} : memref<1x128xi32, #tpu.memory_space<vmem>>, vector<1x16xi32>,
      %get3A_1136 = vector.shape_cast %get3A_1135 : vector<1x16xi32> to vector<16xi32>
      %mul3A_1137 = arith.constant 128 : i32
      %mul3A_1138 = arith.muli %arg1, %mul3A_1137 : i32
      %add3A_1139 = vector.broadcast %mul3A_1138 : i32 to vector<16xi32>
      %add3A_1140 = arith.addi %get3A_1136, %add3A_1139 : vector<16xi32>
      %select_n3A_1141 = arith.select %and3A_1113, %get3A_1131, %add3A_1140 : vector<16xi1>, vector<16xi32>
      %swap3A_1142 = arith.constant 2 : i32
      %swap3A_1143 = arith.index_cast %swap3A_1142 : i32 to index
      %swap3A_1144 = arith.constant 48 : index
      %swap3A_1145 = tpu.vector_load %arg8[%swap3A_1143, %swap3A_1144] {strides = array<i32>} : memref<4x112xi32, #tpu.memory_space<vmem>>, vector<1x16xi32>,
      %swap3A_1146 = vector.shape_cast %swap3A_1145 : vector<1x16xi32> to vector<16xi32>
      %swap3A_1147 = vector.shape_cast %select_n3A_1141 : vector<16xi32> to vector<1x16xi32>
      tpu.vector_store %arg8[%swap3A_1143, %swap3A_1144], %swap3A_1147 {strides = array<i32>} : memref<4x112xi32, #tpu.memory_space<vmem>>, vector<1x16xi32>,
      %get3A_1148 = arith.constant 2 : i32
      %get3A_1149 = arith.index_cast %get3A_1148 : i32 to index
      %get3A_1150 = arith.constant 64 : index
      %get3A_1151 = tpu.vector_load %arg9[%get3A_1149, %get3A_1150] {strides = array<i32>} : memref<4x112xi32, #tpu.memory_space<vmem>>, vector<1x16xi32>,
      %get3A_1152 = vector.shape_cast %get3A_1151 : vector<1x16xi32> to vector<16xi32>
      %sub3A_1153 = vector.broadcast %mul3A_0 : i32 to vector<16xi32>
      %sub3A_1154 = arith.subi %get3A_1152, %sub3A_1153 : vector<16xi32>
      %ge3A_1155 = arith.constant 0 : i32
      %ge3A_1156 = vector.broadcast %ge3A_1155 : i32 to vector<16xi32>
      %ge3A_1157 = arith.cmpi sge, %sub3A_1154, %ge3A_1156 : vector<16xi32>
      %lt3A_1158 = arith.constant 25000 : i32
      %lt3A_1159 = vector.broadcast %lt3A_1158 : i32 to vector<16xi32>
      %lt3A_1160 = arith.cmpi slt, %sub3A_1154, %lt3A_1159 : vector<16xi32>
      %and3A_1161 = arith.andi %ge3A_1157, %lt3A_1160 : vector<16xi1>
      %and3A_1162 = arith.constant 15 : i32
      %and3A_1163 = vector.broadcast %and3A_1162 : i32 to vector<16xi32>
      %and3A_1164 = arith.andi %get3A_1152, %and3A_1163 : vector<16xi32>
      %add3A_1165 = arith.constant 25000 : i32
      %add3A_1166 = vector.broadcast %add3A_1165 : i32 to vector<16xi32>
      %add3A_1167 = arith.addi %add3A_1166, %and3A_1164 : vector<16xi32>
      %select_n3A_1168 = arith.select %and3A_1161, %sub3A_1154, %add3A_1167 : vector<16xi1>, vector<16xi32>
      %swap3A_1169 = arith.constant 2 : i32
      %swap3A_1170 = arith.index_cast %swap3A_1169 : i32 to index
      %swap3A_1171 = arith.constant 64 : index
      %swap3A_1172 = tpu.vector_load %arg10[%swap3A_1170, %swap3A_1171] {strides = array<i32>} : memref<4x112xi32, #tpu.memory_space<vmem>>, vector<1x16xi32>,
      %swap3A_1173 = vector.shape_cast %swap3A_1172 : vector<1x16xi32> to vector<16xi32>
      %swap3A_1174 = vector.shape_cast %select_n3A_1168 : vector<16xi32> to vector<1x16xi32>
      tpu.vector_store %arg10[%swap3A_1170, %swap3A_1171], %swap3A_1174 {strides = array<i32>} : memref<4x112xi32, #tpu.memory_space<vmem>>, vector<1x16xi32>,
      %get3A_1175 = arith.constant 2 : i32
      %get3A_1176 = arith.index_cast %get3A_1175 : i32 to index
      %get3A_1177 = arith.constant 64 : index
      %get3A_1178 = tpu.vector_load %arg8[%get3A_1176, %get3A_1177] {strides = array<i32>} : memref<4x112xi32, #tpu.memory_space<vmem>>, vector<1x16xi32>,
      %get3A_1179 = vector.shape_cast %get3A_1178 : vector<1x16xi32> to vector<16xi32>
      %get3A_1180 = arith.constant 0 : i32
      %get3A_1181 = arith.index_cast %get3A_1180 : i32 to index
      %get3A_1182 = arith.constant 64 : index
      %get3A_1183 = tpu.vector_load %arg13[%get3A_1181, %get3A_1182] {strides = array<i32>} : memref<1x128xi32, #tpu.memory_space<vmem>>, vector<1x16xi32>,
      %get3A_1184 = vector.shape_cast %get3A_1183 : vector<1x16xi32> to vector<16xi32>
      %mul3A_1185 = arith.constant 128 : i32
      %mul3A_1186 = arith.muli %arg1, %mul3A_1185 : i32
      %add3A_1187 = vector.broadcast %mul3A_1186 : i32 to vector<16xi32>
      %add3A_1188 = arith.addi %get3A_1184, %add3A_1187 : vector<16xi32>
      %select_n3A_1189 = arith.select %and3A_1161, %get3A_1179, %add3A_1188 : vector<16xi1>, vector<16xi32>
      %swap3A_1190 = arith.constant 2 : i32
      %swap3A_1191 = arith.index_cast %swap3A_1190 : i32 to index
      %swap3A_1192 = arith.constant 64 : index
      %swap3A_1193 = tpu.vector_load %arg8[%swap3A_1191, %swap3A_1192] {strides = array<i32>} : memref<4x112xi32, #tpu.memory_space<vmem>>, vector<1x16xi32>,
      %swap3A_1194 = vector.shape_cast %swap3A_1193 : vector<1x16xi32> to vector<16xi32>
      %swap3A_1195 = vector.shape_cast %select_n3A_1189 : vector<16xi32> to vector<1x16xi32>
      tpu.vector_store %arg8[%swap3A_1191, %swap3A_1192], %swap3A_1195 {strides = array<i32>} : memref<4x112xi32, #tpu.memory_space<vmem>>, vector<1x16xi32>,
      %get3A_1196 = arith.constant 2 : i32
      %get3A_1197 = arith.index_cast %get3A_1196 : i32 to index
      %get3A_1198 = arith.constant 80 : index
      %get3A_1199 = tpu.vector_load %arg9[%get3A_1197, %get3A_1198] {strides = array<i32>} : memref<4x112xi32, #tpu.memory_space<vmem>>, vector<1x16xi32>,
      %get3A_1200 = vector.shape_cast %get3A_1199 : vector<1x16xi32> to vector<16xi32>
      %sub3A_1201 = vector.broadcast %mul3A_0 : i32 to vector<16xi32>
      %sub3A_1202 = arith.subi %get3A_1200, %sub3A_1201 : vector<16xi32>
      %ge3A_1203 = arith.constant 0 : i32
      %ge3A_1204 = vector.broadcast %ge3A_1203 : i32 to vector<16xi32>
      %ge3A_1205 = arith.cmpi sge, %sub3A_1202, %ge3A_1204 : vector<16xi32>
      %lt3A_1206 = arith.constant 25000 : i32
      %lt3A_1207 = vector.broadcast %lt3A_1206 : i32 to vector<16xi32>
      %lt3A_1208 = arith.cmpi slt, %sub3A_1202, %lt3A_1207 : vector<16xi32>
      %and3A_1209 = arith.andi %ge3A_1205, %lt3A_1208 : vector<16xi1>
      %and3A_1210 = arith.constant 15 : i32
      %and3A_1211 = vector.broadcast %and3A_1210 : i32 to vector<16xi32>
      %and3A_1212 = arith.andi %get3A_1200, %and3A_1211 : vector<16xi32>
      %add3A_1213 = arith.constant 25000 : i32
      %add3A_1214 = vector.broadcast %add3A_1213 : i32 to vector<16xi32>
      %add3A_1215 = arith.addi %add3A_1214, %and3A_1212 : vector<16xi32>
      %select_n3A_1216 = arith.select %and3A_1209, %sub3A_1202, %add3A_1215 : vector<16xi1>, vector<16xi32>
      %swap3A_1217 = arith.constant 2 : i32
      %swap3A_1218 = arith.index_cast %swap3A_1217 : i32 to index
      %swap3A_1219 = arith.constant 80 : index
      %swap3A_1220 = tpu.vector_load %arg10[%swap3A_1218, %swap3A_1219] {strides = array<i32>} : memref<4x112xi32, #tpu.memory_space<vmem>>, vector<1x16xi32>,
      %swap3A_1221 = vector.shape_cast %swap3A_1220 : vector<1x16xi32> to vector<16xi32>
      %swap3A_1222 = vector.shape_cast %select_n3A_1216 : vector<16xi32> to vector<1x16xi32>
      tpu.vector_store %arg10[%swap3A_1218, %swap3A_1219], %swap3A_1222 {strides = array<i32>} : memref<4x112xi32, #tpu.memory_space<vmem>>, vector<1x16xi32>,
      %get3A_1223 = arith.constant 2 : i32
      %get3A_1224 = arith.index_cast %get3A_1223 : i32 to index
      %get3A_1225 = arith.constant 80 : index
      %get3A_1226 = tpu.vector_load %arg8[%get3A_1224, %get3A_1225] {strides = array<i32>} : memref<4x112xi32, #tpu.memory_space<vmem>>, vector<1x16xi32>,
      %get3A_1227 = vector.shape_cast %get3A_1226 : vector<1x16xi32> to vector<16xi32>
      %get3A_1228 = arith.constant 0 : i32
      %get3A_1229 = arith.index_cast %get3A_1228 : i32 to index
      %get3A_1230 = arith.constant 80 : index
      %get3A_1231 = tpu.vector_load %arg13[%get3A_1229, %get3A_1230] {strides = array<i32>} : memref<1x128xi32, #tpu.memory_space<vmem>>, vector<1x16xi32>,
      %get3A_1232 = vector.shape_cast %get3A_1231 : vector<1x16xi32> to vector<16xi32>
      %mul3A_1233 = arith.constant 128 : i32
      %mul3A_1234 = arith.muli %arg1, %mul3A_1233 : i32
      %add3A_1235 = vector.broadcast %mul3A_1234 : i32 to vector<16xi32>
      %add3A_1236 = arith.addi %get3A_1232, %add3A_1235 : vector<16xi32>
      %select_n3A_1237 = arith.select %and3A_1209, %get3A_1227, %add3A_1236 : vector<16xi1>, vector<16xi32>
      %swap3A_1238 = arith.constant 2 : i32
      %swap3A_1239 = arith.index_cast %swap3A_1238 : i32 to index
      %swap3A_1240 = arith.constant 80 : index
      %swap3A_1241 = tpu.vector_load %arg8[%swap3A_1239, %swap3A_1240] {strides = array<i32>} : memref<4x112xi32, #tpu.memory_space<vmem>>, vector<1x16xi32>,
      %swap3A_1242 = vector.shape_cast %swap3A_1241 : vector<1x16xi32> to vector<16xi32>
      %swap3A_1243 = vector.shape_cast %select_n3A_1237 : vector<16xi32> to vector<1x16xi32>
      tpu.vector_store %arg8[%swap3A_1239, %swap3A_1240], %swap3A_1243 {strides = array<i32>} : memref<4x112xi32, #tpu.memory_space<vmem>>, vector<1x16xi32>,
      %get3A_1244 = arith.constant 2 : i32
      %get3A_1245 = arith.index_cast %get3A_1244 : i32 to index
      %get3A_1246 = arith.constant 96 : index
      %get3A_1247 = tpu.vector_load %arg9[%get3A_1245, %get3A_1246] {strides = array<i32>} : memref<4x112xi32, #tpu.memory_space<vmem>>, vector<1x16xi32>,
      %get3A_1248 = vector.shape_cast %get3A_1247 : vector<1x16xi32> to vector<16xi32>
      %sub3A_1249 = vector.broadcast %mul3A_0 : i32 to vector<16xi32>
      %sub3A_1250 = arith.subi %get3A_1248, %sub3A_1249 : vector<16xi32>
      %ge3A_1251 = arith.constant 0 : i32
      %ge3A_1252 = vector.broadcast %ge3A_1251 : i32 to vector<16xi32>
      %ge3A_1253 = arith.cmpi sge, %sub3A_1250, %ge3A_1252 : vector<16xi32>
      %lt3A_1254 = arith.constant 25000 : i32
      %lt3A_1255 = vector.broadcast %lt3A_1254 : i32 to vector<16xi32>
      %lt3A_1256 = arith.cmpi slt, %sub3A_1250, %lt3A_1255 : vector<16xi32>
      %and3A_1257 = arith.andi %ge3A_1253, %lt3A_1256 : vector<16xi1>
      %and3A_1258 = arith.constant 15 : i32
      %and3A_1259 = vector.broadcast %and3A_1258 : i32 to vector<16xi32>
      %and3A_1260 = arith.andi %get3A_1248, %and3A_1259 : vector<16xi32>
      %add3A_1261 = arith.constant 25000 : i32
      %add3A_1262 = vector.broadcast %add3A_1261 : i32 to vector<16xi32>
      %add3A_1263 = arith.addi %add3A_1262, %and3A_1260 : vector<16xi32>
      %select_n3A_1264 = arith.select %and3A_1257, %sub3A_1250, %add3A_1263 : vector<16xi1>, vector<16xi32>
      %swap3A_1265 = arith.constant 2 : i32
      %swap3A_1266 = arith.index_cast %swap3A_1265 : i32 to index
      %swap3A_1267 = arith.constant 96 : index
      %swap3A_1268 = tpu.vector_load %arg10[%swap3A_1266, %swap3A_1267] {strides = array<i32>} : memref<4x112xi32, #tpu.memory_space<vmem>>, vector<1x16xi32>,
      %swap3A_1269 = vector.shape_cast %swap3A_1268 : vector<1x16xi32> to vector<16xi32>
      %swap3A_1270 = vector.shape_cast %select_n3A_1264 : vector<16xi32> to vector<1x16xi32>
      tpu.vector_store %arg10[%swap3A_1266, %swap3A_1267], %swap3A_1270 {strides = array<i32>} : memref<4x112xi32, #tpu.memory_space<vmem>>, vector<1x16xi32>,
      %get3A_1271 = arith.constant 2 : i32
      %get3A_1272 = arith.index_cast %get3A_1271 : i32 to index
      %get3A_1273 = arith.constant 96 : index
      %get3A_1274 = tpu.vector_load %arg8[%get3A_1272, %get3A_1273] {strides = array<i32>} : memref<4x112xi32, #tpu.memory_space<vmem>>, vector<1x16xi32>,
      %get3A_1275 = vector.shape_cast %get3A_1274 : vector<1x16xi32> to vector<16xi32>
      %get3A_1276 = arith.constant 0 : i32
      %get3A_1277 = arith.index_cast %get3A_1276 : i32 to index
      %get3A_1278 = arith.constant 96 : index
      %get3A_1279 = tpu.vector_load %arg13[%get3A_1277, %get3A_1278] {strides = array<i32>} : memref<1x128xi32, #tpu.memory_space<vmem>>, vector<1x16xi32>,
      %get3A_1280 = vector.shape_cast %get3A_1279 : vector<1x16xi32> to vector<16xi32>
      %mul3A_1281 = arith.constant 128 : i32
      %mul3A_1282 = arith.muli %arg1, %mul3A_1281 : i32
      %add3A_1283 = vector.broadcast %mul3A_1282 : i32 to vector<16xi32>
      %add3A_1284 = arith.addi %get3A_1280, %add3A_1283 : vector<16xi32>
      %select_n3A_1285 = arith.select %and3A_1257, %get3A_1275, %add3A_1284 : vector<16xi1>, vector<16xi32>
      %swap3A_1286 = arith.constant 2 : i32
      %swap3A_1287 = arith.index_cast %swap3A_1286 : i32 to index
      %swap3A_1288 = arith.constant 96 : index
      %swap3A_1289 = tpu.vector_load %arg8[%swap3A_1287, %swap3A_1288] {strides = array<i32>} : memref<4x112xi32, #tpu.memory_space<vmem>>, vector<1x16xi32>,
      %swap3A_1290 = vector.shape_cast %swap3A_1289 : vector<1x16xi32> to vector<16xi32>
      %swap3A_1291 = vector.shape_cast %select_n3A_1285 : vector<16xi32> to vector<1x16xi32>
      tpu.vector_store %arg8[%swap3A_1287, %swap3A_1288], %swap3A_1291 {strides = array<i32>} : memref<4x112xi32, #tpu.memory_space<vmem>>, vector<1x16xi32>,
      %dma_start3A_1292 = arith.constant 2 : i32
      %dma_start3A_1293 = arith.constant 2 : i32
      %dma_start3A_1294 = arith.constant 0 : i32
      %dma_start3A_1295 = arith.constant 0 : i32
      %dma_start3A_1296 = tpu.memref_slice %arg11[%dma_start3A_1293, %dma_start3A_1294, %dma_start3A_1295] : memref<4x112x64xf32, #tpu.memory_space<vmem>> -> memref<1x112x64xf32, #tpu.memory_space<vmem>>
      %dma_start3A_1297 = tpu.memref_squeeze %dma_start3A_1296 : memref<1x112x64xf32, #tpu.memory_space<vmem>> -> memref<112x64xf32, #tpu.memory_space<vmem>>
      %dma_start3A_1298 = arith.constant 0 : i32
      %dma_start3A_1299 = tpu.memref_slice %arg8[%dma_start3A_1292, %dma_start3A_1298] : memref<4x112xi32, #tpu.memory_space<vmem>> -> memref<1x112xi32, #tpu.memory_space<vmem>>
      %dma_start3A_1300 = tpu.memref_squeeze %dma_start3A_1299 : memref<1x112xi32, #tpu.memory_space<vmem>> -> memref<112xi32, #tpu.memory_space<vmem>>
      %dma_start3A_1301 = arith.constant 0 : i32
      %dma_start3A_1302 = arith.constant 0 : i32
      %dma_start3A_1303 = tpu.memref_slice %arg4[%dma_start3A_1301, %dma_start3A_1302] : memref<10000x64xf32, #tpu.memory_space<hbm>> -> memref<10000x64xf32, #tpu.memory_space<hbm>>
      tpu.enqueue_indirect_dma source(%dma_start3A_1303 : memref<10000x64xf32, #tpu.memory_space<hbm>>) target(%dma_start3A_1297 : memref<112x64xf32, #tpu.memory_space<vmem>>) offsets(%dma_start3A_1300 : memref<112xi32, #tpu.memory_space<vmem>>) semaphore(%arg15 : memref<!tpu.dma_semaphore, #tpu.memory_space<semaphore_mem>>)
      %add3A_1304 = arith.constant 2 : i32
      %add3A_1305 = arith.addi %add3A_926, %add3A_1304 : i32
      %add3A_1306 = arith.addi %mul3A_4, %add3A_1305 : i32
      %min3A_1307 = arith.constant 7167 : i32
      %min3A_1308 = arith.minsi %add3A_1306, %min3A_1307 : i32
      %dma_start3A_1309 = arith.constant 3 : i32
      %dma_start3A_1310 = arith.constant 0 : i32
      %dma_start3A_1311 = tpu.memref_slice %arg8[%dma_start3A_1309, %dma_start3A_1310] : memref<4x112xi32, #tpu.memory_space<vmem>> -> memref<1x112xi32, #tpu.memory_space<vmem>>
      %dma_start3A_1312 = arith.constant 0 : i32
      %dma_start3A_1313 = tpu.memref_slice %arg2[%min3A_1308, %dma_start3A_1312] : memref<7168x112xi32, #tpu.memory_space<hbm>> -> memref<1x112xi32, #tpu.memory_space<hbm>>
      %dma_start3A_1314 = arith.constant 3 : i32
      %dma_start3A_1315 = arith.constant 0 : i32
      %dma_start3A_1316 = tpu.memref_slice %arg8[%dma_start3A_1314, %dma_start3A_1315] : memref<4x112xi32, #tpu.memory_space<vmem>> -> memref<1x112xi32, #tpu.memory_space<vmem>>
      %dma_start3A_1317 = arith.constant 0 : i32
      %dma_start3A_1318 = tpu.memref_slice %arg2[%min3A_1308, %dma_start3A_1317] : memref<7168x112xi32, #tpu.memory_space<hbm>> -> memref<1x112xi32, #tpu.memory_space<hbm>>
      tpu.enqueue_dma source(%dma_start3A_1318 : memref<1x112xi32, #tpu.memory_space<hbm>>) target(%dma_start3A_1316 : memref<1x112xi32, #tpu.memory_space<vmem>>) target_semaphore(%arg14 : memref<!tpu.dma_semaphore, #tpu.memory_space<semaphore_mem>>)
      %dma_start3A_1319 = arith.constant 3 : i32
      %dma_start3A_1320 = arith.constant 0 : i32
      %dma_start3A_1321 = tpu.memref_slice %arg9[%dma_start3A_1319, %dma_start3A_1320] : memref<4x112xi32, #tpu.memory_space<vmem>> -> memref<1x112xi32, #tpu.memory_space<vmem>>
      %dma_start3A_1322 = arith.constant 0 : i32
      %dma_start3A_1323 = tpu.memref_slice %arg3[%min3A_1308, %dma_start3A_1322] : memref<7168x112xi32, #tpu.memory_space<hbm>> -> memref<1x112xi32, #tpu.memory_space<hbm>>
      %dma_start3A_1324 = arith.constant 3 : i32
      %dma_start3A_1325 = arith.constant 0 : i32
      %dma_start3A_1326 = tpu.memref_slice %arg9[%dma_start3A_1324, %dma_start3A_1325] : memref<4x112xi32, #tpu.memory_space<vmem>> -> memref<1x112xi32, #tpu.memory_space<vmem>>
      %dma_start3A_1327 = arith.constant 0 : i32
      %dma_start3A_1328 = tpu.memref_slice %arg3[%min3A_1308, %dma_start3A_1327] : memref<7168x112xi32, #tpu.memory_space<hbm>> -> memref<1x112xi32, #tpu.memory_space<hbm>>
      tpu.enqueue_dma source(%dma_start3A_1328 : memref<1x112xi32, #tpu.memory_space<hbm>>) target(%dma_start3A_1326 : memref<1x112xi32, #tpu.memory_space<vmem>>) target_semaphore(%arg14 : memref<!tpu.dma_semaphore, #tpu.memory_space<semaphore_mem>>)
      %dma_wait3A_1329 = arith.constant 0 : i32
      %dma_wait3A_1330 = arith.constant 0 : i32
      %dma_wait3A_1331 = arith.constant 0 : i32
      %dma_wait3A_1332 = tpu.memref_slice %arg11[%dma_wait3A_1329, %dma_wait3A_1330, %dma_wait3A_1331] : memref<4x112x64xf32, #tpu.memory_space<vmem>> -> memref<1x112x64xf32, #tpu.memory_space<vmem>>
      %dma_wait3A_1333 = tpu.memref_squeeze %dma_wait3A_1332 : memref<1x112x64xf32, #tpu.memory_space<vmem>> -> memref<112x64xf32, #tpu.memory_space<vmem>>
      %dma_wait3A_1334 = arith.constant 0 : i32
      %dma_wait3A_1335 = arith.constant 0 : i32
      %dma_wait3A_1336 = tpu.memref_slice %arg4[%dma_wait3A_1334, %dma_wait3A_1335] : memref<10000x64xf32, #tpu.memory_space<hbm>> -> memref<112x64xf32, #tpu.memory_space<hbm>>
      %dma_wait3A_1337 = arith.constant 0 : i32
      %dma_wait3A_1338 = arith.constant 0 : i32
      %dma_wait3A_1339 = tpu.memref_slice %arg11[%dma_wait3A_1329, %dma_wait3A_1337, %dma_wait3A_1338] : memref<4x112x64xf32, #tpu.memory_space<vmem>> -> memref<1x112x64xf32, #tpu.memory_space<vmem>>
      %dma_wait3A_1340 = tpu.memref_squeeze %dma_wait3A_1339 : memref<1x112x64xf32, #tpu.memory_space<vmem>> -> memref<112x64xf32, #tpu.memory_space<vmem>>
      %dma_wait3A_1341 = arith.constant 0 : i32
      %dma_wait3A_1342 = arith.constant 0 : i32
      %dma_wait3A_1343 = tpu.memref_slice %arg4[%dma_wait3A_1341, %dma_wait3A_1342] : memref<10000x64xf32, #tpu.memory_space<hbm>> -> memref<112x64xf32, #tpu.memory_space<hbm>>
      tpu.wait_dma2 semaphore(%arg15 : memref<!tpu.dma_semaphore, #tpu.memory_space<semaphore_mem>>) src(%dma_wait3A_1343 : memref<112x64xf32, #tpu.memory_space<hbm>>) dst(%dma_wait3A_1340 : memref<112x64xf32, #tpu.memory_space<vmem>>)
      %dma_start3A_1344 = arith.constant 0 : i32
      %dma_start3A_1345 = arith.constant 0 : i32
      %dma_start3A_1346 = arith.constant 0 : i32
      %dma_start3A_1347 = arith.constant 0 : i32
      %dma_start3A_1348 = tpu.memref_slice %arg11[%dma_start3A_1344, %dma_start3A_1346, %dma_start3A_1347] : memref<4x112x64xf32, #tpu.memory_space<vmem>> -> memref<1x112x64xf32, #tpu.memory_space<vmem>>
      %dma_start3A_1349 = tpu.memref_squeeze %dma_start3A_1348 : memref<1x112x64xf32, #tpu.memory_space<vmem>> -> memref<112x64xf32, #tpu.memory_space<vmem>>
      %dma_start3A_1350 = arith.constant 0 : i32
      %dma_start3A_1351 = tpu.memref_slice %arg10[%dma_start3A_1345, %dma_start3A_1350] : memref<4x112xi32, #tpu.memory_space<vmem>> -> memref<1x112xi32, #tpu.memory_space<vmem>>
      %dma_start3A_1352 = tpu.memref_squeeze %dma_start3A_1351 : memref<1x112xi32, #tpu.memory_space<vmem>> -> memref<112xi32, #tpu.memory_space<vmem>>
      %dma_start3A_1353 = arith.constant 0 : i32
      %dma_start3A_1354 = arith.constant 0 : i32
      %dma_start3A_1355 = tpu.memref_slice %arg12[%dma_start3A_1353, %dma_start3A_1354] : memref<25024x64xf32, #tpu.memory_space<vmem_shared>> -> memref<25024x64xf32, #tpu.memory_space<vmem_shared>>
      tpu.enqueue_indirect_dma source(%dma_start3A_1349 : memref<112x64xf32, #tpu.memory_space<vmem>>) target(%dma_start3A_1355 : memref<25024x64xf32, #tpu.memory_space<vmem_shared>>) offsets(%dma_start3A_1352 : memref<112xi32, #tpu.memory_space<vmem>>) semaphore(%arg16 : memref<!tpu.dma_semaphore, #tpu.memory_space<semaphore_mem>>) {add = true}
      %mul3A_1356 = arith.constant 4 : i32
      %mul3A_1357 = arith.muli %scan3A_511, %mul3A_1356 : i32
      %add3A_1358 = arith.constant 2 : i32
      %add3A_1359 = arith.addi %mul3A_1357, %add3A_1358 : i32
      %ge3A_1360 = arith.constant 1 : i32
      %ge3A_1361 = arith.cmpi sge, %scan3A_511, %ge3A_1360 : i32
      %convert_element_type3A_1362 = arith.extui %ge3A_1361 : i1 to i32
      %cond3A_1363 = arith.constant 0 : i32
      %cond3A_1364 = arith.cmpi ne, %convert_element_type3A_1362, %cond3A_1363 : i32
      scf.if %cond3A_1364 {
        %dma_wait3A_2223 = arith.constant 0 : i32
        %dma_wait3A_2224 = arith.constant 0 : i32
        %dma_wait3A_2225 = tpu.memref_slice %arg12[%dma_wait3A_2223, %dma_wait3A_2224] : memref<25024x64xf32, #tpu.memory_space<vmem_shared>> -> memref<112x64xf32, #tpu.memory_space<vmem_shared>>
        %dma_wait3A_2226 = arith.constant 0 : i32
        %dma_wait3A_2227 = arith.constant 0 : i32
        %dma_wait3A_2228 = tpu.memref_slice %arg4[%dma_wait3A_2226, %dma_wait3A_2227] : memref<10000x64xf32, #tpu.memory_space<hbm>> -> memref<112x64xf32, #tpu.memory_space<hbm>>
        tpu.wait_dma2 semaphore(%arg16 : memref<!tpu.dma_semaphore, #tpu.memory_space<semaphore_mem>>) src(%dma_wait3A_2228 : memref<112x64xf32, #tpu.memory_space<hbm>>) dst(%dma_wait3A_2225 : memref<112x64xf32, #tpu.memory_space<vmem_shared>>)
      } else {
      }
      %dma_wait3A_1365 = arith.constant 3 : i32
      %dma_wait3A_1366 = arith.constant 0 : i32
      %dma_wait3A_1367 = tpu.memref_slice %arg8[%dma_wait3A_1365, %dma_wait3A_1366] : memref<4x112xi32, #tpu.memory_space<vmem>> -> memref<1x112xi32, #tpu.memory_space<vmem>>
      %dma_wait3A_1368 = arith.constant 0 : i32
      %dma_wait3A_1369 = arith.constant 0 : i32
      %dma_wait3A_1370 = tpu.memref_slice %arg2[%dma_wait3A_1368, %dma_wait3A_1369] : memref<7168x112xi32, #tpu.memory_space<hbm>> -> memref<1x112xi32, #tpu.memory_space<hbm>>
      %dma_wait3A_1371 = arith.constant 3 : i32
      %dma_wait3A_1372 = arith.constant 0 : i32
      %dma_wait3A_1373 = tpu.memref_slice %arg8[%dma_wait3A_1371, %dma_wait3A_1372] : memref<4x112xi32, #tpu.memory_space<vmem>> -> memref<1x112xi32, #tpu.memory_space<vmem>>
      %dma_wait3A_1374 = arith.constant 0 : i32
      %dma_wait3A_1375 = arith.constant 0 : i32
      %dma_wait3A_1376 = tpu.memref_slice %arg2[%dma_wait3A_1374, %dma_wait3A_1375] : memref<7168x112xi32, #tpu.memory_space<hbm>> -> memref<1x112xi32, #tpu.memory_space<hbm>>
      tpu.wait_dma2 semaphore(%arg14 : memref<!tpu.dma_semaphore, #tpu.memory_space<semaphore_mem>>) src(%dma_wait3A_1376 : memref<1x112xi32, #tpu.memory_space<hbm>>) dst(%dma_wait3A_1373 : memref<1x112xi32, #tpu.memory_space<vmem>>)
      %dma_wait3A_1377 = arith.constant 3 : i32
      %dma_wait3A_1378 = arith.constant 0 : i32
      %dma_wait3A_1379 = tpu.memref_slice %arg9[%dma_wait3A_1377, %dma_wait3A_1378] : memref<4x112xi32, #tpu.memory_space<vmem>> -> memref<1x112xi32, #tpu.memory_space<vmem>>
      %dma_wait3A_1380 = arith.constant 0 : i32
      %dma_wait3A_1381 = arith.constant 0 : i32
      %dma_wait3A_1382 = tpu.memref_slice %arg3[%dma_wait3A_1380, %dma_wait3A_1381] : memref<7168x112xi32, #tpu.memory_space<hbm>> -> memref<1x112xi32, #tpu.memory_space<hbm>>
      %dma_wait3A_1383 = arith.constant 3 : i32
      %dma_wait3A_1384 = arith.constant 0 : i32
      %dma_wait3A_1385 = tpu.memref_slice %arg9[%dma_wait3A_1383, %dma_wait3A_1384] : memref<4x112xi32, #tpu.memory_space<vmem>> -> memref<1x112xi32, #tpu.memory_space<vmem>>
      %dma_wait3A_1386 = arith.constant 0 : i32
      %dma_wait3A_1387 = arith.constant 0 : i32
      %dma_wait3A_1388 = tpu.memref_slice %arg3[%dma_wait3A_1386, %dma_wait3A_1387] : memref<7168x112xi32, #tpu.memory_space<hbm>> -> memref<1x112xi32, #tpu.memory_space<hbm>>
      tpu.wait_dma2 semaphore(%arg14 : memref<!tpu.dma_semaphore, #tpu.memory_space<semaphore_mem>>) src(%dma_wait3A_1388 : memref<1x112xi32, #tpu.memory_space<hbm>>) dst(%dma_wait3A_1385 : memref<1x112xi32, #tpu.memory_space<vmem>>)
      %get3A_1389 = arith.constant 3 : i32
      %get3A_1390 = arith.index_cast %get3A_1389 : i32 to index
      %get3A_1391 = arith.constant 0 : index
      %get3A_1392 = tpu.vector_load %arg9[%get3A_1390, %get3A_1391] {strides = array<i32>} : memref<4x112xi32, #tpu.memory_space<vmem>>, vector<1x16xi32>,
      %get3A_1393 = vector.shape_cast %get3A_1392 : vector<1x16xi32> to vector<16xi32>
      %sub3A_1394 = vector.broadcast %mul3A_0 : i32 to vector<16xi32>
      %sub3A_1395 = arith.subi %get3A_1393, %sub3A_1394 : vector<16xi32>
      %ge3A_1396 = arith.constant 0 : i32
      %ge3A_1397 = vector.broadcast %ge3A_1396 : i32 to vector<16xi32>
      %ge3A_1398 = arith.cmpi sge, %sub3A_1395, %ge3A_1397 : vector<16xi32>
      %lt3A_1399 = arith.constant 25000 : i32
      %lt3A_1400 = vector.broadcast %lt3A_1399 : i32 to vector<16xi32>
      %lt3A_1401 = arith.cmpi slt, %sub3A_1395, %lt3A_1400 : vector<16xi32>
      %and3A_1402 = arith.andi %ge3A_1398, %lt3A_1401 : vector<16xi1>
      %and3A_1403 = arith.constant 15 : i32
      %and3A_1404 = vector.broadcast %and3A_1403 : i32 to vector<16xi32>
      %and3A_1405 = arith.andi %get3A_1393, %and3A_1404 : vector<16xi32>
      %add3A_1406 = arith.constant 25000 : i32
      %add3A_1407 = vector.broadcast %add3A_1406 : i32 to vector<16xi32>
      %add3A_1408 = arith.addi %add3A_1407, %and3A_1405 : vector<16xi32>
      %select_n3A_1409 = arith.select %and3A_1402, %sub3A_1395, %add3A_1408 : vector<16xi1>, vector<16xi32>
      %swap3A_1410 = arith.constant 3 : i32
      %swap3A_1411 = arith.index_cast %swap3A_1410 : i32 to index
      %swap3A_1412 = arith.constant 0 : index
      %swap3A_1413 = tpu.vector_load %arg10[%swap3A_1411, %swap3A_1412] {strides = array<i32>} : memref<4x112xi32, #tpu.memory_space<vmem>>, vector<1x16xi32>,
      %swap3A_1414 = vector.shape_cast %swap3A_1413 : vector<1x16xi32> to vector<16xi32>
      %swap3A_1415 = vector.shape_cast %select_n3A_1409 : vector<16xi32> to vector<1x16xi32>
      tpu.vector_store %arg10[%swap3A_1411, %swap3A_1412], %swap3A_1415 {strides = array<i32>} : memref<4x112xi32, #tpu.memory_space<vmem>>, vector<1x16xi32>,
      %get3A_1416 = arith.constant 3 : i32
      %get3A_1417 = arith.index_cast %get3A_1416 : i32 to index
      %get3A_1418 = arith.constant 0 : index
      %get3A_1419 = tpu.vector_load %arg8[%get3A_1417, %get3A_1418] {strides = array<i32>} : memref<4x112xi32, #tpu.memory_space<vmem>>, vector<1x16xi32>,
      %get3A_1420 = vector.shape_cast %get3A_1419 : vector<1x16xi32> to vector<16xi32>
      %get3A_1421 = arith.constant 0 : i32
      %get3A_1422 = arith.index_cast %get3A_1421 : i32 to index
      %get3A_1423 = arith.constant 0 : index
      %get3A_1424 = tpu.vector_load %arg13[%get3A_1422, %get3A_1423] {strides = array<i32>} : memref<1x128xi32, #tpu.memory_space<vmem>>, vector<1x16xi32>,
      %get3A_1425 = vector.shape_cast %get3A_1424 : vector<1x16xi32> to vector<16xi32>
      %mul3A_1426 = arith.constant 128 : i32
      %mul3A_1427 = arith.muli %arg1, %mul3A_1426 : i32
      %add3A_1428 = vector.broadcast %mul3A_1427 : i32 to vector<16xi32>
      %add3A_1429 = arith.addi %get3A_1425, %add3A_1428 : vector<16xi32>
      %select_n3A_1430 = arith.select %and3A_1402, %get3A_1420, %add3A_1429 : vector<16xi1>, vector<16xi32>
      %swap3A_1431 = arith.constant 3 : i32
      %swap3A_1432 = arith.index_cast %swap3A_1431 : i32 to index
      %swap3A_1433 = arith.constant 0 : index
      %swap3A_1434 = tpu.vector_load %arg8[%swap3A_1432, %swap3A_1433] {strides = array<i32>} : memref<4x112xi32, #tpu.memory_space<vmem>>, vector<1x16xi32>,
      %swap3A_1435 = vector.shape_cast %swap3A_1434 : vector<1x16xi32> to vector<16xi32>
      %swap3A_1436 = vector.shape_cast %select_n3A_1430 : vector<16xi32> to vector<1x16xi32>
      tpu.vector_store %arg8[%swap3A_1432, %swap3A_1433], %swap3A_1436 {strides = array<i32>} : memref<4x112xi32, #tpu.memory_space<vmem>>, vector<1x16xi32>,
      %get3A_1437 = arith.constant 3 : i32
      %get3A_1438 = arith.index_cast %get3A_1437 : i32 to index
      %get3A_1439 = arith.constant 16 : index
      %get3A_1440 = tpu.vector_load %arg9[%get3A_1438, %get3A_1439] {strides = array<i32>} : memref<4x112xi32, #tpu.memory_space<vmem>>, vector<1x16xi32>,
      %get3A_1441 = vector.shape_cast %get3A_1440 : vector<1x16xi32> to vector<16xi32>
      %sub3A_1442 = vector.broadcast %mul3A_0 : i32 to vector<16xi32>
      %sub3A_1443 = arith.subi %get3A_1441, %sub3A_1442 : vector<16xi32>
      %ge3A_1444 = arith.constant 0 : i32
      %ge3A_1445 = vector.broadcast %ge3A_1444 : i32 to vector<16xi32>
      %ge3A_1446 = arith.cmpi sge, %sub3A_1443, %ge3A_1445 : vector<16xi32>
      %lt3A_1447 = arith.constant 25000 : i32
      %lt3A_1448 = vector.broadcast %lt3A_1447 : i32 to vector<16xi32>
      %lt3A_1449 = arith.cmpi slt, %sub3A_1443, %lt3A_1448 : vector<16xi32>
      %and3A_1450 = arith.andi %ge3A_1446, %lt3A_1449 : vector<16xi1>
      %and3A_1451 = arith.constant 15 : i32
      %and3A_1452 = vector.broadcast %and3A_1451 : i32 to vector<16xi32>
      %and3A_1453 = arith.andi %get3A_1441, %and3A_1452 : vector<16xi32>
      %add3A_1454 = arith.constant 25000 : i32
      %add3A_1455 = vector.broadcast %add3A_1454 : i32 to vector<16xi32>
      %add3A_1456 = arith.addi %add3A_1455, %and3A_1453 : vector<16xi32>
      %select_n3A_1457 = arith.select %and3A_1450, %sub3A_1443, %add3A_1456 : vector<16xi1>, vector<16xi32>
      %swap3A_1458 = arith.constant 3 : i32
      %swap3A_1459 = arith.index_cast %swap3A_1458 : i32 to index
      %swap3A_1460 = arith.constant 16 : index
      %swap3A_1461 = tpu.vector_load %arg10[%swap3A_1459, %swap3A_1460] {strides = array<i32>} : memref<4x112xi32, #tpu.memory_space<vmem>>, vector<1x16xi32>,
      %swap3A_1462 = vector.shape_cast %swap3A_1461 : vector<1x16xi32> to vector<16xi32>
      %swap3A_1463 = vector.shape_cast %select_n3A_1457 : vector<16xi32> to vector<1x16xi32>
      tpu.vector_store %arg10[%swap3A_1459, %swap3A_1460], %swap3A_1463 {strides = array<i32>} : memref<4x112xi32, #tpu.memory_space<vmem>>, vector<1x16xi32>,
      %get3A_1464 = arith.constant 3 : i32
      %get3A_1465 = arith.index_cast %get3A_1464 : i32 to index
      %get3A_1466 = arith.constant 16 : index
      %get3A_1467 = tpu.vector_load %arg8[%get3A_1465, %get3A_1466] {strides = array<i32>} : memref<4x112xi32, #tpu.memory_space<vmem>>, vector<1x16xi32>,
      %get3A_1468 = vector.shape_cast %get3A_1467 : vector<1x16xi32> to vector<16xi32>
      %get3A_1469 = arith.constant 0 : i32
      %get3A_1470 = arith.index_cast %get3A_1469 : i32 to index
      %get3A_1471 = arith.constant 16 : index
      %get3A_1472 = tpu.vector_load %arg13[%get3A_1470, %get3A_1471] {strides = array<i32>} : memref<1x128xi32, #tpu.memory_space<vmem>>, vector<1x16xi32>,
      %get3A_1473 = vector.shape_cast %get3A_1472 : vector<1x16xi32> to vector<16xi32>
      %mul3A_1474 = arith.constant 128 : i32
      %mul3A_1475 = arith.muli %arg1, %mul3A_1474 : i32
      %add3A_1476 = vector.broadcast %mul3A_1475 : i32 to vector<16xi32>
      %add3A_1477 = arith.addi %get3A_1473, %add3A_1476 : vector<16xi32>
      %select_n3A_1478 = arith.select %and3A_1450, %get3A_1468, %add3A_1477 : vector<16xi1>, vector<16xi32>
      %swap3A_1479 = arith.constant 3 : i32
      %swap3A_1480 = arith.index_cast %swap3A_1479 : i32 to index
      %swap3A_1481 = arith.constant 16 : index
      %swap3A_1482 = tpu.vector_load %arg8[%swap3A_1480, %swap3A_1481] {strides = array<i32>} : memref<4x112xi32, #tpu.memory_space<vmem>>, vector<1x16xi32>,
      %swap3A_1483 = vector.shape_cast %swap3A_1482 : vector<1x16xi32> to vector<16xi32>
      %swap3A_1484 = vector.shape_cast %select_n3A_1478 : vector<16xi32> to vector<1x16xi32>
      tpu.vector_store %arg8[%swap3A_1480, %swap3A_1481], %swap3A_1484 {strides = array<i32>} : memref<4x112xi32, #tpu.memory_space<vmem>>, vector<1x16xi32>,
      %get3A_1485 = arith.constant 3 : i32
      %get3A_1486 = arith.index_cast %get3A_1485 : i32 to index
      %get3A_1487 = arith.constant 32 : index
      %get3A_1488 = tpu.vector_load %arg9[%get3A_1486, %get3A_1487] {strides = array<i32>} : memref<4x112xi32, #tpu.memory_space<vmem>>, vector<1x16xi32>,
      %get3A_1489 = vector.shape_cast %get3A_1488 : vector<1x16xi32> to vector<16xi32>
      %sub3A_1490 = vector.broadcast %mul3A_0 : i32 to vector<16xi32>
      %sub3A_1491 = arith.subi %get3A_1489, %sub3A_1490 : vector<16xi32>
      %ge3A_1492 = arith.constant 0 : i32
      %ge3A_1493 = vector.broadcast %ge3A_1492 : i32 to vector<16xi32>
      %ge3A_1494 = arith.cmpi sge, %sub3A_1491, %ge3A_1493 : vector<16xi32>
      %lt3A_1495 = arith.constant 25000 : i32
      %lt3A_1496 = vector.broadcast %lt3A_1495 : i32 to vector<16xi32>
      %lt3A_1497 = arith.cmpi slt, %sub3A_1491, %lt3A_1496 : vector<16xi32>
      %and3A_1498 = arith.andi %ge3A_1494, %lt3A_1497 : vector<16xi1>
      %and3A_1499 = arith.constant 15 : i32
      %and3A_1500 = vector.broadcast %and3A_1499 : i32 to vector<16xi32>
      %and3A_1501 = arith.andi %get3A_1489, %and3A_1500 : vector<16xi32>
      %add3A_1502 = arith.constant 25000 : i32
      %add3A_1503 = vector.broadcast %add3A_1502 : i32 to vector<16xi32>
      %add3A_1504 = arith.addi %add3A_1503, %and3A_1501 : vector<16xi32>
      %select_n3A_1505 = arith.select %and3A_1498, %sub3A_1491, %add3A_1504 : vector<16xi1>, vector<16xi32>
      %swap3A_1506 = arith.constant 3 : i32
      %swap3A_1507 = arith.index_cast %swap3A_1506 : i32 to index
      %swap3A_1508 = arith.constant 32 : index
      %swap3A_1509 = tpu.vector_load %arg10[%swap3A_1507, %swap3A_1508] {strides = array<i32>} : memref<4x112xi32, #tpu.memory_space<vmem>>, vector<1x16xi32>,
      %swap3A_1510 = vector.shape_cast %swap3A_1509 : vector<1x16xi32> to vector<16xi32>
      %swap3A_1511 = vector.shape_cast %select_n3A_1505 : vector<16xi32> to vector<1x16xi32>
      tpu.vector_store %arg10[%swap3A_1507, %swap3A_1508], %swap3A_1511 {strides = array<i32>} : memref<4x112xi32, #tpu.memory_space<vmem>>, vector<1x16xi32>,
      %get3A_1512 = arith.constant 3 : i32
      %get3A_1513 = arith.index_cast %get3A_1512 : i32 to index
      %get3A_1514 = arith.constant 32 : index
      %get3A_1515 = tpu.vector_load %arg8[%get3A_1513, %get3A_1514] {strides = array<i32>} : memref<4x112xi32, #tpu.memory_space<vmem>>, vector<1x16xi32>,
      %get3A_1516 = vector.shape_cast %get3A_1515 : vector<1x16xi32> to vector<16xi32>
      %get3A_1517 = arith.constant 0 : i32
      %get3A_1518 = arith.index_cast %get3A_1517 : i32 to index
      %get3A_1519 = arith.constant 32 : index
      %get3A_1520 = tpu.vector_load %arg13[%get3A_1518, %get3A_1519] {strides = array<i32>} : memref<1x128xi32, #tpu.memory_space<vmem>>, vector<1x16xi32>,
      %get3A_1521 = vector.shape_cast %get3A_1520 : vector<1x16xi32> to vector<16xi32>
      %mul3A_1522 = arith.constant 128 : i32
      %mul3A_1523 = arith.muli %arg1, %mul3A_1522 : i32
      %add3A_1524 = vector.broadcast %mul3A_1523 : i32 to vector<16xi32>
      %add3A_1525 = arith.addi %get3A_1521, %add3A_1524 : vector<16xi32>
      %select_n3A_1526 = arith.select %and3A_1498, %get3A_1516, %add3A_1525 : vector<16xi1>, vector<16xi32>
      %swap3A_1527 = arith.constant 3 : i32
      %swap3A_1528 = arith.index_cast %swap3A_1527 : i32 to index
      %swap3A_1529 = arith.constant 32 : index
      %swap3A_1530 = tpu.vector_load %arg8[%swap3A_1528, %swap3A_1529] {strides = array<i32>} : memref<4x112xi32, #tpu.memory_space<vmem>>, vector<1x16xi32>,
      %swap3A_1531 = vector.shape_cast %swap3A_1530 : vector<1x16xi32> to vector<16xi32>
      %swap3A_1532 = vector.shape_cast %select_n3A_1526 : vector<16xi32> to vector<1x16xi32>
      tpu.vector_store %arg8[%swap3A_1528, %swap3A_1529], %swap3A_1532 {strides = array<i32>} : memref<4x112xi32, #tpu.memory_space<vmem>>, vector<1x16xi32>,
      %get3A_1533 = arith.constant 3 : i32
      %get3A_1534 = arith.index_cast %get3A_1533 : i32 to index
      %get3A_1535 = arith.constant 48 : index
      %get3A_1536 = tpu.vector_load %arg9[%get3A_1534, %get3A_1535] {strides = array<i32>} : memref<4x112xi32, #tpu.memory_space<vmem>>, vector<1x16xi32>,
      %get3A_1537 = vector.shape_cast %get3A_1536 : vector<1x16xi32> to vector<16xi32>
      %sub3A_1538 = vector.broadcast %mul3A_0 : i32 to vector<16xi32>
      %sub3A_1539 = arith.subi %get3A_1537, %sub3A_1538 : vector<16xi32>
      %ge3A_1540 = arith.constant 0 : i32
      %ge3A_1541 = vector.broadcast %ge3A_1540 : i32 to vector<16xi32>
      %ge3A_1542 = arith.cmpi sge, %sub3A_1539, %ge3A_1541 : vector<16xi32>
      %lt3A_1543 = arith.constant 25000 : i32
      %lt3A_1544 = vector.broadcast %lt3A_1543 : i32 to vector<16xi32>
      %lt3A_1545 = arith.cmpi slt, %sub3A_1539, %lt3A_1544 : vector<16xi32>
      %and3A_1546 = arith.andi %ge3A_1542, %lt3A_1545 : vector<16xi1>
      %and3A_1547 = arith.constant 15 : i32
      %and3A_1548 = vector.broadcast %and3A_1547 : i32 to vector<16xi32>
      %and3A_1549 = arith.andi %get3A_1537, %and3A_1548 : vector<16xi32>
      %add3A_1550 = arith.constant 25000 : i32
      %add3A_1551 = vector.broadcast %add3A_1550 : i32 to vector<16xi32>
      %add3A_1552 = arith.addi %add3A_1551, %and3A_1549 : vector<16xi32>
      %select_n3A_1553 = arith.select %and3A_1546, %sub3A_1539, %add3A_1552 : vector<16xi1>, vector<16xi32>
      %swap3A_1554 = arith.constant 3 : i32
      %swap3A_1555 = arith.index_cast %swap3A_1554 : i32 to index
      %swap3A_1556 = arith.constant 48 : index
      %swap3A_1557 = tpu.vector_load %arg10[%swap3A_1555, %swap3A_1556] {strides = array<i32>} : memref<4x112xi32, #tpu.memory_space<vmem>>, vector<1x16xi32>,
      %swap3A_1558 = vector.shape_cast %swap3A_1557 : vector<1x16xi32> to vector<16xi32>
      %swap3A_1559 = vector.shape_cast %select_n3A_1553 : vector<16xi32> to vector<1x16xi32>
      tpu.vector_store %arg10[%swap3A_1555, %swap3A_1556], %swap3A_1559 {strides = array<i32>} : memref<4x112xi32, #tpu.memory_space<vmem>>, vector<1x16xi32>,
      %get3A_1560 = arith.constant 3 : i32
      %get3A_1561 = arith.index_cast %get3A_1560 : i32 to index
      %get3A_1562 = arith.constant 48 : index
      %get3A_1563 = tpu.vector_load %arg8[%get3A_1561, %get3A_1562] {strides = array<i32>} : memref<4x112xi32, #tpu.memory_space<vmem>>, vector<1x16xi32>,
      %get3A_1564 = vector.shape_cast %get3A_1563 : vector<1x16xi32> to vector<16xi32>
      %get3A_1565 = arith.constant 0 : i32
      %get3A_1566 = arith.index_cast %get3A_1565 : i32 to index
      %get3A_1567 = arith.constant 48 : index
      %get3A_1568 = tpu.vector_load %arg13[%get3A_1566, %get3A_1567] {strides = array<i32>} : memref<1x128xi32, #tpu.memory_space<vmem>>, vector<1x16xi32>,
      %get3A_1569 = vector.shape_cast %get3A_1568 : vector<1x16xi32> to vector<16xi32>
      %mul3A_1570 = arith.constant 128 : i32
      %mul3A_1571 = arith.muli %arg1, %mul3A_1570 : i32
      %add3A_1572 = vector.broadcast %mul3A_1571 : i32 to vector<16xi32>
      %add3A_1573 = arith.addi %get3A_1569, %add3A_1572 : vector<16xi32>
      %select_n3A_1574 = arith.select %and3A_1546, %get3A_1564, %add3A_1573 : vector<16xi1>, vector<16xi32>
      %swap3A_1575 = arith.constant 3 : i32
      %swap3A_1576 = arith.index_cast %swap3A_1575 : i32 to index
      %swap3A_1577 = arith.constant 48 : index
      %swap3A_1578 = tpu.vector_load %arg8[%swap3A_1576, %swap3A_1577] {strides = array<i32>} : memref<4x112xi32, #tpu.memory_space<vmem>>, vector<1x16xi32>,
      %swap3A_1579 = vector.shape_cast %swap3A_1578 : vector<1x16xi32> to vector<16xi32>
      %swap3A_1580 = vector.shape_cast %select_n3A_1574 : vector<16xi32> to vector<1x16xi32>
      tpu.vector_store %arg8[%swap3A_1576, %swap3A_1577], %swap3A_1580 {strides = array<i32>} : memref<4x112xi32, #tpu.memory_space<vmem>>, vector<1x16xi32>,
      %get3A_1581 = arith.constant 3 : i32
      %get3A_1582 = arith.index_cast %get3A_1581 : i32 to index
      %get3A_1583 = arith.constant 64 : index
      %get3A_1584 = tpu.vector_load %arg9[%get3A_1582, %get3A_1583] {strides = array<i32>} : memref<4x112xi32, #tpu.memory_space<vmem>>, vector<1x16xi32>,
      %get3A_1585 = vector.shape_cast %get3A_1584 : vector<1x16xi32> to vector<16xi32>
      %sub3A_1586 = vector.broadcast %mul3A_0 : i32 to vector<16xi32>
      %sub3A_1587 = arith.subi %get3A_1585, %sub3A_1586 : vector<16xi32>
      %ge3A_1588 = arith.constant 0 : i32
      %ge3A_1589 = vector.broadcast %ge3A_1588 : i32 to vector<16xi32>
      %ge3A_1590 = arith.cmpi sge, %sub3A_1587, %ge3A_1589 : vector<16xi32>
      %lt3A_1591 = arith.constant 25000 : i32
      %lt3A_1592 = vector.broadcast %lt3A_1591 : i32 to vector<16xi32>
      %lt3A_1593 = arith.cmpi slt, %sub3A_1587, %lt3A_1592 : vector<16xi32>
      %and3A_1594 = arith.andi %ge3A_1590, %lt3A_1593 : vector<16xi1>
      %and3A_1595 = arith.constant 15 : i32
      %and3A_1596 = vector.broadcast %and3A_1595 : i32 to vector<16xi32>
      %and3A_1597 = arith.andi %get3A_1585, %and3A_1596 : vector<16xi32>
      %add3A_1598 = arith.constant 25000 : i32
      %add3A_1599 = vector.broadcast %add3A_1598 : i32 to vector<16xi32>
      %add3A_1600 = arith.addi %add3A_1599, %and3A_1597 : vector<16xi32>
      %select_n3A_1601 = arith.select %and3A_1594, %sub3A_1587, %add3A_1600 : vector<16xi1>, vector<16xi32>
      %swap3A_1602 = arith.constant 3 : i32
      %swap3A_1603 = arith.index_cast %swap3A_1602 : i32 to index
      %swap3A_1604 = arith.constant 64 : index
      %swap3A_1605 = tpu.vector_load %arg10[%swap3A_1603, %swap3A_1604] {strides = array<i32>} : memref<4x112xi32, #tpu.memory_space<vmem>>, vector<1x16xi32>,
      %swap3A_1606 = vector.shape_cast %swap3A_1605 : vector<1x16xi32> to vector<16xi32>
      %swap3A_1607 = vector.shape_cast %select_n3A_1601 : vector<16xi32> to vector<1x16xi32>
      tpu.vector_store %arg10[%swap3A_1603, %swap3A_1604], %swap3A_1607 {strides = array<i32>} : memref<4x112xi32, #tpu.memory_space<vmem>>, vector<1x16xi32>,
      %get3A_1608 = arith.constant 3 : i32
      %get3A_1609 = arith.index_cast %get3A_1608 : i32 to index
      %get3A_1610 = arith.constant 64 : index
      %get3A_1611 = tpu.vector_load %arg8[%get3A_1609, %get3A_1610] {strides = array<i32>} : memref<4x112xi32, #tpu.memory_space<vmem>>, vector<1x16xi32>,
      %get3A_1612 = vector.shape_cast %get3A_1611 : vector<1x16xi32> to vector<16xi32>
      %get3A_1613 = arith.constant 0 : i32
      %get3A_1614 = arith.index_cast %get3A_1613 : i32 to index
      %get3A_1615 = arith.constant 64 : index
      %get3A_1616 = tpu.vector_load %arg13[%get3A_1614, %get3A_1615] {strides = array<i32>} : memref<1x128xi32, #tpu.memory_space<vmem>>, vector<1x16xi32>,
      %get3A_1617 = vector.shape_cast %get3A_1616 : vector<1x16xi32> to vector<16xi32>
      %mul3A_1618 = arith.constant 128 : i32
      %mul3A_1619 = arith.muli %arg1, %mul3A_1618 : i32
      %add3A_1620 = vector.broadcast %mul3A_1619 : i32 to vector<16xi32>
      %add3A_1621 = arith.addi %get3A_1617, %add3A_1620 : vector<16xi32>
      %select_n3A_1622 = arith.select %and3A_1594, %get3A_1612, %add3A_1621 : vector<16xi1>, vector<16xi32>
      %swap3A_1623 = arith.constant 3 : i32
      %swap3A_1624 = arith.index_cast %swap3A_1623 : i32 to index
      %swap3A_1625 = arith.constant 64 : index
      %swap3A_1626 = tpu.vector_load %arg8[%swap3A_1624, %swap3A_1625] {strides = array<i32>} : memref<4x112xi32, #tpu.memory_space<vmem>>, vector<1x16xi32>,
      %swap3A_1627 = vector.shape_cast %swap3A_1626 : vector<1x16xi32> to vector<16xi32>
      %swap3A_1628 = vector.shape_cast %select_n3A_1622 : vector<16xi32> to vector<1x16xi32>
      tpu.vector_store %arg8[%swap3A_1624, %swap3A_1625], %swap3A_1628 {strides = array<i32>} : memref<4x112xi32, #tpu.memory_space<vmem>>, vector<1x16xi32>,
      %get3A_1629 = arith.constant 3 : i32
      %get3A_1630 = arith.index_cast %get3A_1629 : i32 to index
      %get3A_1631 = arith.constant 80 : index
      %get3A_1632 = tpu.vector_load %arg9[%get3A_1630, %get3A_1631] {strides = array<i32>} : memref<4x112xi32, #tpu.memory_space<vmem>>, vector<1x16xi32>,
      %get3A_1633 = vector.shape_cast %get3A_1632 : vector<1x16xi32> to vector<16xi32>
      %sub3A_1634 = vector.broadcast %mul3A_0 : i32 to vector<16xi32>
      %sub3A_1635 = arith.subi %get3A_1633, %sub3A_1634 : vector<16xi32>
      %ge3A_1636 = arith.constant 0 : i32
      %ge3A_1637 = vector.broadcast %ge3A_1636 : i32 to vector<16xi32>
      %ge3A_1638 = arith.cmpi sge, %sub3A_1635, %ge3A_1637 : vector<16xi32>
      %lt3A_1639 = arith.constant 25000 : i32
      %lt3A_1640 = vector.broadcast %lt3A_1639 : i32 to vector<16xi32>
      %lt3A_1641 = arith.cmpi slt, %sub3A_1635, %lt3A_1640 : vector<16xi32>
      %and3A_1642 = arith.andi %ge3A_1638, %lt3A_1641 : vector<16xi1>
      %and3A_1643 = arith.constant 15 : i32
      %and3A_1644 = vector.broadcast %and3A_1643 : i32 to vector<16xi32>
      %and3A_1645 = arith.andi %get3A_1633, %and3A_1644 : vector<16xi32>
      %add3A_1646 = arith.constant 25000 : i32
      %add3A_1647 = vector.broadcast %add3A_1646 : i32 to vector<16xi32>
      %add3A_1648 = arith.addi %add3A_1647, %and3A_1645 : vector<16xi32>
      %select_n3A_1649 = arith.select %and3A_1642, %sub3A_1635, %add3A_1648 : vector<16xi1>, vector<16xi32>
      %swap3A_1650 = arith.constant 3 : i32
      %swap3A_1651 = arith.index_cast %swap3A_1650 : i32 to index
      %swap3A_1652 = arith.constant 80 : index
      %swap3A_1653 = tpu.vector_load %arg10[%swap3A_1651, %swap3A_1652] {strides = array<i32>} : memref<4x112xi32, #tpu.memory_space<vmem>>, vector<1x16xi32>,
      %swap3A_1654 = vector.shape_cast %swap3A_1653 : vector<1x16xi32> to vector<16xi32>
      %swap3A_1655 = vector.shape_cast %select_n3A_1649 : vector<16xi32> to vector<1x16xi32>
      tpu.vector_store %arg10[%swap3A_1651, %swap3A_1652], %swap3A_1655 {strides = array<i32>} : memref<4x112xi32, #tpu.memory_space<vmem>>, vector<1x16xi32>,
      %get3A_1656 = arith.constant 3 : i32
      %get3A_1657 = arith.index_cast %get3A_1656 : i32 to index
      %get3A_1658 = arith.constant 80 : index
      %get3A_1659 = tpu.vector_load %arg8[%get3A_1657, %get3A_1658] {strides = array<i32>} : memref<4x112xi32, #tpu.memory_space<vmem>>, vector<1x16xi32>,
      %get3A_1660 = vector.shape_cast %get3A_1659 : vector<1x16xi32> to vector<16xi32>
      %get3A_1661 = arith.constant 0 : i32
      %get3A_1662 = arith.index_cast %get3A_1661 : i32 to index
      %get3A_1663 = arith.constant 80 : index
      %get3A_1664 = tpu.vector_load %arg13[%get3A_1662, %get3A_1663] {strides = array<i32>} : memref<1x128xi32, #tpu.memory_space<vmem>>, vector<1x16xi32>,
      %get3A_1665 = vector.shape_cast %get3A_1664 : vector<1x16xi32> to vector<16xi32>
      %mul3A_1666 = arith.constant 128 : i32
      %mul3A_1667 = arith.muli %arg1, %mul3A_1666 : i32
      %add3A_1668 = vector.broadcast %mul3A_1667 : i32 to vector<16xi32>
      %add3A_1669 = arith.addi %get3A_1665, %add3A_1668 : vector<16xi32>
      %select_n3A_1670 = arith.select %and3A_1642, %get3A_1660, %add3A_1669 : vector<16xi1>, vector<16xi32>
      %swap3A_1671 = arith.constant 3 : i32
      %swap3A_1672 = arith.index_cast %swap3A_1671 : i32 to index
      %swap3A_1673 = arith.constant 80 : index
      %swap3A_1674 = tpu.vector_load %arg8[%swap3A_1672, %swap3A_1673] {strides = array<i32>} : memref<4x112xi32, #tpu.memory_space<vmem>>, vector<1x16xi32>,
      %swap3A_1675 = vector.shape_cast %swap3A_1674 : vector<1x16xi32> to vector<16xi32>
      %swap3A_1676 = vector.shape_cast %select_n3A_1670 : vector<16xi32> to vector<1x16xi32>
      tpu.vector_store %arg8[%swap3A_1672, %swap3A_1673], %swap3A_1676 {strides = array<i32>} : memref<4x112xi32, #tpu.memory_space<vmem>>, vector<1x16xi32>,
      %get3A_1677 = arith.constant 3 : i32
      %get3A_1678 = arith.index_cast %get3A_1677 : i32 to index
      %get3A_1679 = arith.constant 96 : index
      %get3A_1680 = tpu.vector_load %arg9[%get3A_1678, %get3A_1679] {strides = array<i32>} : memref<4x112xi32, #tpu.memory_space<vmem>>, vector<1x16xi32>,
      %get3A_1681 = vector.shape_cast %get3A_1680 : vector<1x16xi32> to vector<16xi32>
      %sub3A_1682 = vector.broadcast %mul3A_0 : i32 to vector<16xi32>
      %sub3A_1683 = arith.subi %get3A_1681, %sub3A_1682 : vector<16xi32>
      %ge3A_1684 = arith.constant 0 : i32
      %ge3A_1685 = vector.broadcast %ge3A_1684 : i32 to vector<16xi32>
      %ge3A_1686 = arith.cmpi sge, %sub3A_1683, %ge3A_1685 : vector<16xi32>
      %lt3A_1687 = arith.constant 25000 : i32
      %lt3A_1688 = vector.broadcast %lt3A_1687 : i32 to vector<16xi32>
      %lt3A_1689 = arith.cmpi slt, %sub3A_1683, %lt3A_1688 : vector<16xi32>
      %and3A_1690 = arith.andi %ge3A_1686, %lt3A_1689 : vector<16xi1>
      %and3A_1691 = arith.constant 15 : i32
      %and3A_1692 = vector.broadcast %and3A_1691 : i32 to vector<16xi32>
      %and3A_1693 = arith.andi %get3A_1681, %and3A_1692 : vector<16xi32>
      %add3A_1694 = arith.constant 25000 : i32
      %add3A_1695 = vector.broadcast %add3A_1694 : i32 to vector<16xi32>
      %add3A_1696 = arith.addi %add3A_1695, %and3A_1693 : vector<16xi32>
      %select_n3A_1697 = arith.select %and3A_1690, %sub3A_1683, %add3A_1696 : vector<16xi1>, vector<16xi32>
      %swap3A_1698 = arith.constant 3 : i32
      %swap3A_1699 = arith.index_cast %swap3A_1698 : i32 to index
      %swap3A_1700 = arith.constant 96 : index
      %swap3A_1701 = tpu.vector_load %arg10[%swap3A_1699, %swap3A_1700] {strides = array<i32>} : memref<4x112xi32, #tpu.memory_space<vmem>>, vector<1x16xi32>,
      %swap3A_1702 = vector.shape_cast %swap3A_1701 : vector<1x16xi32> to vector<16xi32>
      %swap3A_1703 = vector.shape_cast %select_n3A_1697 : vector<16xi32> to vector<1x16xi32>
      tpu.vector_store %arg10[%swap3A_1699, %swap3A_1700], %swap3A_1703 {strides = array<i32>} : memref<4x112xi32, #tpu.memory_space<vmem>>, vector<1x16xi32>,
      %get3A_1704 = arith.constant 3 : i32
      %get3A_1705 = arith.index_cast %get3A_1704 : i32 to index
      %get3A_1706 = arith.constant 96 : index
      %get3A_1707 = tpu.vector_load %arg8[%get3A_1705, %get3A_1706] {strides = array<i32>} : memref<4x112xi32, #tpu.memory_space<vmem>>, vector<1x16xi32>,
      %get3A_1708 = vector.shape_cast %get3A_1707 : vector<1x16xi32> to vector<16xi32>
      %get3A_1709 = arith.constant 0 : i32
      %get3A_1710 = arith.index_cast %get3A_1709 : i32 to index
      %get3A_1711 = arith.constant 96 : index
      %get3A_1712 = tpu.vector_load %arg13[%get3A_1710, %get3A_1711] {strides = array<i32>} : memref<1x128xi32, #tpu.memory_space<vmem>>, vector<1x16xi32>,
      %get3A_1713 = vector.shape_cast %get3A_1712 : vector<1x16xi32> to vector<16xi32>
      %mul3A_1714 = arith.constant 128 : i32
      %mul3A_1715 = arith.muli %arg1, %mul3A_1714 : i32
      %add3A_1716 = vector.broadcast %mul3A_1715 : i32 to vector<16xi32>
      %add3A_1717 = arith.addi %get3A_1713, %add3A_1716 : vector<16xi32>
      %select_n3A_1718 = arith.select %and3A_1690, %get3A_1708, %add3A_1717 : vector<16xi1>, vector<16xi32>
      %swap3A_1719 = arith.constant 3 : i32
      %swap3A_1720 = arith.index_cast %swap3A_1719 : i32 to index
      %swap3A_1721 = arith.constant 96 : index
      %swap3A_1722 = tpu.vector_load %arg8[%swap3A_1720, %swap3A_1721] {strides = array<i32>} : memref<4x112xi32, #tpu.memory_space<vmem>>, vector<1x16xi32>,
      %swap3A_1723 = vector.shape_cast %swap3A_1722 : vector<1x16xi32> to vector<16xi32>
      %swap3A_1724 = vector.shape_cast %select_n3A_1718 : vector<16xi32> to vector<1x16xi32>
      tpu.vector_store %arg8[%swap3A_1720, %swap3A_1721], %swap3A_1724 {strides = array<i32>} : memref<4x112xi32, #tpu.memory_space<vmem>>, vector<1x16xi32>,
      %dma_start3A_1725 = arith.constant 3 : i32
      %dma_start3A_1726 = arith.constant 3 : i32
      %dma_start3A_1727 = arith.constant 0 : i32
      %dma_start3A_1728 = arith.constant 0 : i32
      %dma_start3A_1729 = tpu.memref_slice %arg11[%dma_start3A_1726, %dma_start3A_1727, %dma_start3A_1728] : memref<4x112x64xf32, #tpu.memory_space<vmem>> -> memref<1x112x64xf32, #tpu.memory_space<vmem>>
      %dma_start3A_1730 = tpu.memref_squeeze %dma_start3A_1729 : memref<1x112x64xf32, #tpu.memory_space<vmem>> -> memref<112x64xf32, #tpu.memory_space<vmem>>
      %dma_start3A_1731 = arith.constant 0 : i32
      %dma_start3A_1732 = tpu.memref_slice %arg8[%dma_start3A_1725, %dma_start3A_1731] : memref<4x112xi32, #tpu.memory_space<vmem>> -> memref<1x112xi32, #tpu.memory_space<vmem>>
      %dma_start3A_1733 = tpu.memref_squeeze %dma_start3A_1732 : memref<1x112xi32, #tpu.memory_space<vmem>> -> memref<112xi32, #tpu.memory_space<vmem>>
      %dma_start3A_1734 = arith.constant 0 : i32
      %dma_start3A_1735 = arith.constant 0 : i32
      %dma_start3A_1736 = tpu.memref_slice %arg4[%dma_start3A_1734, %dma_start3A_1735] : memref<10000x64xf32, #tpu.memory_space<hbm>> -> memref<10000x64xf32, #tpu.memory_space<hbm>>
      tpu.enqueue_indirect_dma source(%dma_start3A_1736 : memref<10000x64xf32, #tpu.memory_space<hbm>>) target(%dma_start3A_1730 : memref<112x64xf32, #tpu.memory_space<vmem>>) offsets(%dma_start3A_1733 : memref<112xi32, #tpu.memory_space<vmem>>) semaphore(%arg15 : memref<!tpu.dma_semaphore, #tpu.memory_space<semaphore_mem>>)
      %add3A_1737 = arith.constant 2 : i32
      %add3A_1738 = arith.addi %add3A_1359, %add3A_1737 : i32
      %add3A_1739 = arith.addi %mul3A_4, %add3A_1738 : i32
      %min3A_1740 = arith.constant 7167 : i32
      %min3A_1741 = arith.minsi %add3A_1739, %min3A_1740 : i32
      %dma_start3A_1742 = arith.constant 0 : i32
      %dma_start3A_1743 = arith.constant 0 : i32
      %dma_start3A_1744 = tpu.memref_slice %arg8[%dma_start3A_1742, %dma_start3A_1743] : memref<4x112xi32, #tpu.memory_space<vmem>> -> memref<1x112xi32, #tpu.memory_space<vmem>>
      %dma_start3A_1745 = arith.constant 0 : i32
      %dma_start3A_1746 = tpu.memref_slice %arg2[%min3A_1741, %dma_start3A_1745] : memref<7168x112xi32, #tpu.memory_space<hbm>> -> memref<1x112xi32, #tpu.memory_space<hbm>>
      %dma_start3A_1747 = arith.constant 0 : i32
      %dma_start3A_1748 = arith.constant 0 : i32
      %dma_start3A_1749 = tpu.memref_slice %arg8[%dma_start3A_1747, %dma_start3A_1748] : memref<4x112xi32, #tpu.memory_space<vmem>> -> memref<1x112xi32, #tpu.memory_space<vmem>>
      %dma_start3A_1750 = arith.constant 0 : i32
      %dma_start3A_1751 = tpu.memref_slice %arg2[%min3A_1741, %dma_start3A_1750] : memref<7168x112xi32, #tpu.memory_space<hbm>> -> memref<1x112xi32, #tpu.memory_space<hbm>>
      tpu.enqueue_dma source(%dma_start3A_1751 : memref<1x112xi32, #tpu.memory_space<hbm>>) target(%dma_start3A_1749 : memref<1x112xi32, #tpu.memory_space<vmem>>) target_semaphore(%arg14 : memref<!tpu.dma_semaphore, #tpu.memory_space<semaphore_mem>>)
      %dma_start3A_1752 = arith.constant 0 : i32
      %dma_start3A_1753 = arith.constant 0 : i32
      %dma_start3A_1754 = tpu.memref_slice %arg9[%dma_start3A_1752, %dma_start3A_1753] : memref<4x112xi32, #tpu.memory_space<vmem>> -> memref<1x112xi32, #tpu.memory_space<vmem>>
      %dma_start3A_1755 = arith.constant 0 : i32
      %dma_start3A_1756 = tpu.memref_slice %arg3[%min3A_1741, %dma_start3A_1755] : memref<7168x112xi32, #tpu.memory_space<hbm>> -> memref<1x112xi32, #tpu.memory_space<hbm>>
      %dma_start3A_1757 = arith.constant 0 : i32
      %dma_start3A_1758 = arith.constant 0 : i32
      %dma_start3A_1759 = tpu.memref_slice %arg9[%dma_start3A_1757, %dma_start3A_1758] : memref<4x112xi32, #tpu.memory_space<vmem>> -> memref<1x112xi32, #tpu.memory_space<vmem>>
      %dma_start3A_1760 = arith.constant 0 : i32
      %dma_start3A_1761 = tpu.memref_slice %arg3[%min3A_1741, %dma_start3A_1760] : memref<7168x112xi32, #tpu.memory_space<hbm>> -> memref<1x112xi32, #tpu.memory_space<hbm>>
      tpu.enqueue_dma source(%dma_start3A_1761 : memref<1x112xi32, #tpu.memory_space<hbm>>) target(%dma_start3A_1759 : memref<1x112xi32, #tpu.memory_space<vmem>>) target_semaphore(%arg14 : memref<!tpu.dma_semaphore, #tpu.memory_space<semaphore_mem>>)
      %dma_wait3A_1762 = arith.constant 1 : i32
      %dma_wait3A_1763 = arith.constant 0 : i32
      %dma_wait3A_1764 = arith.constant 0 : i32
      %dma_wait3A_1765 = tpu.memref_slice %arg11[%dma_wait3A_1762, %dma_wait3A_1763, %dma_wait3A_1764] : memref<4x112x64xf32, #tpu.memory_space<vmem>> -> memref<1x112x64xf32, #tpu.memory_space<vmem>>
      %dma_wait3A_1766 = tpu.memref_squeeze %dma_wait3A_1765 : memref<1x112x64xf32, #tpu.memory_space<vmem>> -> memref<112x64xf32, #tpu.memory_space<vmem>>
      %dma_wait3A_1767 = arith.constant 0 : i32
      %dma_wait3A_1768 = arith.constant 0 : i32
      %dma_wait3A_1769 = tpu.memref_slice %arg4[%dma_wait3A_1767, %dma_wait3A_1768] : memref<10000x64xf32, #tpu.memory_space<hbm>> -> memref<112x64xf32, #tpu.memory_space<hbm>>
      %dma_wait3A_1770 = arith.constant 0 : i32
      %dma_wait3A_1771 = arith.constant 0 : i32
      %dma_wait3A_1772 = tpu.memref_slice %arg11[%dma_wait3A_1762, %dma_wait3A_1770, %dma_wait3A_1771] : memref<4x112x64xf32, #tpu.memory_space<vmem>> -> memref<1x112x64xf32, #tpu.memory_space<vmem>>
      %dma_wait3A_1773 = tpu.memref_squeeze %dma_wait3A_1772 : memref<1x112x64xf32, #tpu.memory_space<vmem>> -> memref<112x64xf32, #tpu.memory_space<vmem>>
      %dma_wait3A_1774 = arith.constant 0 : i32
      %dma_wait3A_1775 = arith.constant 0 : i32
      %dma_wait3A_1776 = tpu.memref_slice %arg4[%dma_wait3A_1774, %dma_wait3A_1775] : memref<10000x64xf32, #tpu.memory_space<hbm>> -> memref<112x64xf32, #tpu.memory_space<hbm>>
      tpu.wait_dma2 semaphore(%arg15 : memref<!tpu.dma_semaphore, #tpu.memory_space<semaphore_mem>>) src(%dma_wait3A_1776 : memref<112x64xf32, #tpu.memory_space<hbm>>) dst(%dma_wait3A_1773 : memref<112x64xf32, #tpu.memory_space<vmem>>)
      %dma_start3A_1777 = arith.constant 1 : i32
      %dma_start3A_1778 = arith.constant 1 : i32
      %dma_start3A_1779 = arith.constant 0 : i32
      %dma_start3A_1780 = arith.constant 0 : i32
      %dma_start3A_1781 = tpu.memref_slice %arg11[%dma_start3A_1777, %dma_start3A_1779, %dma_start3A_1780] : memref<4x112x64xf32, #tpu.memory_space<vmem>> -> memref<1x112x64xf32, #tpu.memory_space<vmem>>
      %dma_start3A_1782 = tpu.memref_squeeze %dma_start3A_1781 : memref<1x112x64xf32, #tpu.memory_space<vmem>> -> memref<112x64xf32, #tpu.memory_space<vmem>>
      %dma_start3A_1783 = arith.constant 0 : i32
      %dma_start3A_1784 = tpu.memref_slice %arg10[%dma_start3A_1778, %dma_start3A_1783] : memref<4x112xi32, #tpu.memory_space<vmem>> -> memref<1x112xi32, #tpu.memory_space<vmem>>
      %dma_start3A_1785 = tpu.memref_squeeze %dma_start3A_1784 : memref<1x112xi32, #tpu.memory_space<vmem>> -> memref<112xi32, #tpu.memory_space<vmem>>
      %dma_start3A_1786 = arith.constant 0 : i32
      %dma_start3A_1787 = arith.constant 0 : i32
      %dma_start3A_1788 = tpu.memref_slice %arg12[%dma_start3A_1786, %dma_start3A_1787] : memref<25024x64xf32, #tpu.memory_space<vmem_shared>> -> memref<25024x64xf32, #tpu.memory_space<vmem_shared>>
      tpu.enqueue_indirect_dma source(%dma_start3A_1782 : memref<112x64xf32, #tpu.memory_space<vmem>>) target(%dma_start3A_1788 : memref<25024x64xf32, #tpu.memory_space<vmem_shared>>) offsets(%dma_start3A_1785 : memref<112xi32, #tpu.memory_space<vmem>>) semaphore(%arg16 : memref<!tpu.dma_semaphore, #tpu.memory_space<semaphore_mem>>) {add = true}
      %mul3A_1789 = arith.constant 4 : i32
      %mul3A_1790 = arith.muli %scan3A_511, %mul3A_1789 : i32
      %add3A_1791 = arith.constant 3 : i32
      %add3A_1792 = arith.addi %mul3A_1790, %add3A_1791 : i32
      %dma_wait3A_1793 = arith.constant 0 : i32
      %dma_wait3A_1794 = arith.constant 0 : i32
      %dma_wait3A_1795 = tpu.memref_slice %arg12[%dma_wait3A_1793, %dma_wait3A_1794] : memref<25024x64xf32, #tpu.memory_space<vmem_shared>> -> memref<112x64xf32, #tpu.memory_space<vmem_shared>>
      %dma_wait3A_1796 = arith.constant 0 : i32
      %dma_wait3A_1797 = arith.constant 0 : i32
      %dma_wait3A_1798 = tpu.memref_slice %arg4[%dma_wait3A_1796, %dma_wait3A_1797] : memref<10000x64xf32, #tpu.memory_space<hbm>> -> memref<112x64xf32, #tpu.memory_space<hbm>>
      tpu.wait_dma2 semaphore(%arg16 : memref<!tpu.dma_semaphore, #tpu.memory_space<semaphore_mem>>) src(%dma_wait3A_1798 : memref<112x64xf32, #tpu.memory_space<hbm>>) dst(%dma_wait3A_1795 : memref<112x64xf32, #tpu.memory_space<vmem_shared>>)
      %dma_wait3A_1799 = arith.constant 0 : i32
      %dma_wait3A_1800 = arith.constant 0 : i32
      %dma_wait3A_1801 = tpu.memref_slice %arg8[%dma_wait3A_1799, %dma_wait3A_1800] : memref<4x112xi32, #tpu.memory_space<vmem>> -> memref<1x112xi32, #tpu.memory_space<vmem>>
      %dma_wait3A_1802 = arith.constant 0 : i32
      %dma_wait3A_1803 = arith.constant 0 : i32
      %dma_wait3A_1804 = tpu.memref_slice %arg2[%dma_wait3A_1802, %dma_wait3A_1803] : memref<7168x112xi32, #tpu.memory_space<hbm>> -> memref<1x112xi32, #tpu.memory_space<hbm>>
      %dma_wait3A_1805 = arith.constant 0 : i32
      %dma_wait3A_1806 = arith.constant 0 : i32
      %dma_wait3A_1807 = tpu.memref_slice %arg8[%dma_wait3A_1805, %dma_wait3A_1806] : memref<4x112xi32, #tpu.memory_space<vmem>> -> memref<1x112xi32, #tpu.memory_space<vmem>>
      %dma_wait3A_1808 = arith.constant 0 : i32
      %dma_wait3A_1809 = arith.constant 0 : i32
      %dma_wait3A_1810 = tpu.memref_slice %arg2[%dma_wait3A_1808, %dma_wait3A_1809] : memref<7168x112xi32, #tpu.memory_space<hbm>> -> memref<1x112xi32, #tpu.memory_space<hbm>>
      tpu.wait_dma2 semaphore(%arg14 : memref<!tpu.dma_semaphore, #tpu.memory_space<semaphore_mem>>) src(%dma_wait3A_1810 : memref<1x112xi32, #tpu.memory_space<hbm>>) dst(%dma_wait3A_1807 : memref<1x112xi32, #tpu.memory_space<vmem>>)
      %dma_wait3A_1811 = arith.constant 0 : i32
      %dma_wait3A_1812 = arith.constant 0 : i32
      %dma_wait3A_1813 = tpu.memref_slice %arg9[%dma_wait3A_1811, %dma_wait3A_1812] : memref<4x112xi32, #tpu.memory_space<vmem>> -> memref<1x112xi32, #tpu.memory_space<vmem>>
      %dma_wait3A_1814 = arith.constant 0 : i32
      %dma_wait3A_1815 = arith.constant 0 : i32
      %dma_wait3A_1816 = tpu.memref_slice %arg3[%dma_wait3A_1814, %dma_wait3A_1815] : memref<7168x112xi32, #tpu.memory_space<hbm>> -> memref<1x112xi32, #tpu.memory_space<hbm>>
      %dma_wait3A_1817 = arith.constant 0 : i32
      %dma_wait3A_1818 = arith.constant 0 : i32
      %dma_wait3A_1819 = tpu.memref_slice %arg9[%dma_wait3A_1817, %dma_wait3A_1818] : memref<4x112xi32, #tpu.memory_space<vmem>> -> memref<1x112xi32, #tpu.memory_space<vmem>>
      %dma_wait3A_1820 = arith.constant 0 : i32
      %dma_wait3A_1821 = arith.constant 0 : i32
      %dma_wait3A_1822 = tpu.memref_slice %arg3[%dma_wait3A_1820, %dma_wait3A_1821] : memref<7168x112xi32, #tpu.memory_space<hbm>> -> memref<1x112xi32, #tpu.memory_space<hbm>>
      tpu.wait_dma2 semaphore(%arg14 : memref<!tpu.dma_semaphore, #tpu.memory_space<semaphore_mem>>) src(%dma_wait3A_1822 : memref<1x112xi32, #tpu.memory_space<hbm>>) dst(%dma_wait3A_1819 : memref<1x112xi32, #tpu.memory_space<vmem>>)
      %get3A_1823 = arith.constant 0 : i32
      %get3A_1824 = arith.index_cast %get3A_1823 : i32 to index
      %get3A_1825 = arith.constant 0 : index
      %get3A_1826 = tpu.vector_load %arg9[%get3A_1824, %get3A_1825] {strides = array<i32>} : memref<4x112xi32, #tpu.memory_space<vmem>>, vector<1x16xi32>,
      %get3A_1827 = vector.shape_cast %get3A_1826 : vector<1x16xi32> to vector<16xi32>
      %sub3A_1828 = vector.broadcast %mul3A_0 : i32 to vector<16xi32>
      %sub3A_1829 = arith.subi %get3A_1827, %sub3A_1828 : vector<16xi32>
      %ge3A_1830 = arith.constant 0 : i32
      %ge3A_1831 = vector.broadcast %ge3A_1830 : i32 to vector<16xi32>
      %ge3A_1832 = arith.cmpi sge, %sub3A_1829, %ge3A_1831 : vector<16xi32>
      %lt3A_1833 = arith.constant 25000 : i32
      %lt3A_1834 = vector.broadcast %lt3A_1833 : i32 to vector<16xi32>
      %lt3A_1835 = arith.cmpi slt, %sub3A_1829, %lt3A_1834 : vector<16xi32>
      %and3A_1836 = arith.andi %ge3A_1832, %lt3A_1835 : vector<16xi1>
      %and3A_1837 = arith.constant 15 : i32
      %and3A_1838 = vector.broadcast %and3A_1837 : i32 to vector<16xi32>
      %and3A_1839 = arith.andi %get3A_1827, %and3A_1838 : vector<16xi32>
      %add3A_1840 = arith.constant 25000 : i32
      %add3A_1841 = vector.broadcast %add3A_1840 : i32 to vector<16xi32>
      %add3A_1842 = arith.addi %add3A_1841, %and3A_1839 : vector<16xi32>
      %select_n3A_1843 = arith.select %and3A_1836, %sub3A_1829, %add3A_1842 : vector<16xi1>, vector<16xi32>
      %swap3A_1844 = arith.constant 0 : i32
      %swap3A_1845 = arith.index_cast %swap3A_1844 : i32 to index
      %swap3A_1846 = arith.constant 0 : index
      %swap3A_1847 = tpu.vector_load %arg10[%swap3A_1845, %swap3A_1846] {strides = array<i32>} : memref<4x112xi32, #tpu.memory_space<vmem>>, vector<1x16xi32>,
      %swap3A_1848 = vector.shape_cast %swap3A_1847 : vector<1x16xi32> to vector<16xi32>
      %swap3A_1849 = vector.shape_cast %select_n3A_1843 : vector<16xi32> to vector<1x16xi32>
      tpu.vector_store %arg10[%swap3A_1845, %swap3A_1846], %swap3A_1849 {strides = array<i32>} : memref<4x112xi32, #tpu.memory_space<vmem>>, vector<1x16xi32>,
      %get3A_1850 = arith.constant 0 : i32
      %get3A_1851 = arith.index_cast %get3A_1850 : i32 to index
      %get3A_1852 = arith.constant 0 : index
      %get3A_1853 = tpu.vector_load %arg8[%get3A_1851, %get3A_1852] {strides = array<i32>} : memref<4x112xi32, #tpu.memory_space<vmem>>, vector<1x16xi32>,
      %get3A_1854 = vector.shape_cast %get3A_1853 : vector<1x16xi32> to vector<16xi32>
      %get3A_1855 = arith.constant 0 : i32
      %get3A_1856 = arith.index_cast %get3A_1855 : i32 to index
      %get3A_1857 = arith.constant 0 : index
      %get3A_1858 = tpu.vector_load %arg13[%get3A_1856, %get3A_1857] {strides = array<i32>} : memref<1x128xi32, #tpu.memory_space<vmem>>, vector<1x16xi32>,
      %get3A_1859 = vector.shape_cast %get3A_1858 : vector<1x16xi32> to vector<16xi32>
      %mul3A_1860 = arith.constant 128 : i32
      %mul3A_1861 = arith.muli %arg1, %mul3A_1860 : i32
      %add3A_1862 = vector.broadcast %mul3A_1861 : i32 to vector<16xi32>
      %add3A_1863 = arith.addi %get3A_1859, %add3A_1862 : vector<16xi32>
      %select_n3A_1864 = arith.select %and3A_1836, %get3A_1854, %add3A_1863 : vector<16xi1>, vector<16xi32>
      %swap3A_1865 = arith.constant 0 : i32
      %swap3A_1866 = arith.index_cast %swap3A_1865 : i32 to index
      %swap3A_1867 = arith.constant 0 : index
      %swap3A_1868 = tpu.vector_load %arg8[%swap3A_1866, %swap3A_1867] {strides = array<i32>} : memref<4x112xi32, #tpu.memory_space<vmem>>, vector<1x16xi32>,
      %swap3A_1869 = vector.shape_cast %swap3A_1868 : vector<1x16xi32> to vector<16xi32>
      %swap3A_1870 = vector.shape_cast %select_n3A_1864 : vector<16xi32> to vector<1x16xi32>
      tpu.vector_store %arg8[%swap3A_1866, %swap3A_1867], %swap3A_1870 {strides = array<i32>} : memref<4x112xi32, #tpu.memory_space<vmem>>, vector<1x16xi32>,
      %get3A_1871 = arith.constant 0 : i32
      %get3A_1872 = arith.index_cast %get3A_1871 : i32 to index
      %get3A_1873 = arith.constant 16 : index
      %get3A_1874 = tpu.vector_load %arg9[%get3A_1872, %get3A_1873] {strides = array<i32>} : memref<4x112xi32, #tpu.memory_space<vmem>>, vector<1x16xi32>,
      %get3A_1875 = vector.shape_cast %get3A_1874 : vector<1x16xi32> to vector<16xi32>
      %sub3A_1876 = vector.broadcast %mul3A_0 : i32 to vector<16xi32>
      %sub3A_1877 = arith.subi %get3A_1875, %sub3A_1876 : vector<16xi32>
      %ge3A_1878 = arith.constant 0 : i32
      %ge3A_1879 = vector.broadcast %ge3A_1878 : i32 to vector<16xi32>
      %ge3A_1880 = arith.cmpi sge, %sub3A_1877, %ge3A_1879 : vector<16xi32>
      %lt3A_1881 = arith.constant 25000 : i32
      %lt3A_1882 = vector.broadcast %lt3A_1881 : i32 to vector<16xi32>
      %lt3A_1883 = arith.cmpi slt, %sub3A_1877, %lt3A_1882 : vector<16xi32>
      %and3A_1884 = arith.andi %ge3A_1880, %lt3A_1883 : vector<16xi1>
      %and3A_1885 = arith.constant 15 : i32
      %and3A_1886 = vector.broadcast %and3A_1885 : i32 to vector<16xi32>
      %and3A_1887 = arith.andi %get3A_1875, %and3A_1886 : vector<16xi32>
      %add3A_1888 = arith.constant 25000 : i32
      %add3A_1889 = vector.broadcast %add3A_1888 : i32 to vector<16xi32>
      %add3A_1890 = arith.addi %add3A_1889, %and3A_1887 : vector<16xi32>
      %select_n3A_1891 = arith.select %and3A_1884, %sub3A_1877, %add3A_1890 : vector<16xi1>, vector<16xi32>
      %swap3A_1892 = arith.constant 0 : i32
      %swap3A_1893 = arith.index_cast %swap3A_1892 : i32 to index
      %swap3A_1894 = arith.constant 16 : index
      %swap3A_1895 = tpu.vector_load %arg10[%swap3A_1893, %swap3A_1894] {strides = array<i32>} : memref<4x112xi32, #tpu.memory_space<vmem>>, vector<1x16xi32>,
      %swap3A_1896 = vector.shape_cast %swap3A_1895 : vector<1x16xi32> to vector<16xi32>
      %swap3A_1897 = vector.shape_cast %select_n3A_1891 : vector<16xi32> to vector<1x16xi32>
      tpu.vector_store %arg10[%swap3A_1893, %swap3A_1894], %swap3A_1897 {strides = array<i32>} : memref<4x112xi32, #tpu.memory_space<vmem>>, vector<1x16xi32>,
      %get3A_1898 = arith.constant 0 : i32
      %get3A_1899 = arith.index_cast %get3A_1898 : i32 to index
      %get3A_1900 = arith.constant 16 : index
      %get3A_1901 = tpu.vector_load %arg8[%get3A_1899, %get3A_1900] {strides = array<i32>} : memref<4x112xi32, #tpu.memory_space<vmem>>, vector<1x16xi32>,
      %get3A_1902 = vector.shape_cast %get3A_1901 : vector<1x16xi32> to vector<16xi32>
      %get3A_1903 = arith.constant 0 : i32
      %get3A_1904 = arith.index_cast %get3A_1903 : i32 to index
      %get3A_1905 = arith.constant 16 : index
      %get3A_1906 = tpu.vector_load %arg13[%get3A_1904, %get3A_1905] {strides = array<i32>} : memref<1x128xi32, #tpu.memory_space<vmem>>, vector<1x16xi32>,
      %get3A_1907 = vector.shape_cast %get3A_1906 : vector<1x16xi32> to vector<16xi32>
      %mul3A_1908 = arith.constant 128 : i32
      %mul3A_1909 = arith.muli %arg1, %mul3A_1908 : i32
      %add3A_1910 = vector.broadcast %mul3A_1909 : i32 to vector<16xi32>
      %add3A_1911 = arith.addi %get3A_1907, %add3A_1910 : vector<16xi32>
      %select_n3A_1912 = arith.select %and3A_1884, %get3A_1902, %add3A_1911 : vector<16xi1>, vector<16xi32>
      %swap3A_1913 = arith.constant 0 : i32
      %swap3A_1914 = arith.index_cast %swap3A_1913 : i32 to index
      %swap3A_1915 = arith.constant 16 : index
      %swap3A_1916 = tpu.vector_load %arg8[%swap3A_1914, %swap3A_1915] {strides = array<i32>} : memref<4x112xi32, #tpu.memory_space<vmem>>, vector<1x16xi32>,
      %swap3A_1917 = vector.shape_cast %swap3A_1916 : vector<1x16xi32> to vector<16xi32>
      %swap3A_1918 = vector.shape_cast %select_n3A_1912 : vector<16xi32> to vector<1x16xi32>
      tpu.vector_store %arg8[%swap3A_1914, %swap3A_1915], %swap3A_1918 {strides = array<i32>} : memref<4x112xi32, #tpu.memory_space<vmem>>, vector<1x16xi32>,
      %get3A_1919 = arith.constant 0 : i32
      %get3A_1920 = arith.index_cast %get3A_1919 : i32 to index
      %get3A_1921 = arith.constant 32 : index
      %get3A_1922 = tpu.vector_load %arg9[%get3A_1920, %get3A_1921] {strides = array<i32>} : memref<4x112xi32, #tpu.memory_space<vmem>>, vector<1x16xi32>,
      %get3A_1923 = vector.shape_cast %get3A_1922 : vector<1x16xi32> to vector<16xi32>
      %sub3A_1924 = vector.broadcast %mul3A_0 : i32 to vector<16xi32>
      %sub3A_1925 = arith.subi %get3A_1923, %sub3A_1924 : vector<16xi32>
      %ge3A_1926 = arith.constant 0 : i32
      %ge3A_1927 = vector.broadcast %ge3A_1926 : i32 to vector<16xi32>
      %ge3A_1928 = arith.cmpi sge, %sub3A_1925, %ge3A_1927 : vector<16xi32>
      %lt3A_1929 = arith.constant 25000 : i32
      %lt3A_1930 = vector.broadcast %lt3A_1929 : i32 to vector<16xi32>
      %lt3A_1931 = arith.cmpi slt, %sub3A_1925, %lt3A_1930 : vector<16xi32>
      %and3A_1932 = arith.andi %ge3A_1928, %lt3A_1931 : vector<16xi1>
      %and3A_1933 = arith.constant 15 : i32
      %and3A_1934 = vector.broadcast %and3A_1933 : i32 to vector<16xi32>
      %and3A_1935 = arith.andi %get3A_1923, %and3A_1934 : vector<16xi32>
      %add3A_1936 = arith.constant 25000 : i32
      %add3A_1937 = vector.broadcast %add3A_1936 : i32 to vector<16xi32>
      %add3A_1938 = arith.addi %add3A_1937, %and3A_1935 : vector<16xi32>
      %select_n3A_1939 = arith.select %and3A_1932, %sub3A_1925, %add3A_1938 : vector<16xi1>, vector<16xi32>
      %swap3A_1940 = arith.constant 0 : i32
      %swap3A_1941 = arith.index_cast %swap3A_1940 : i32 to index
      %swap3A_1942 = arith.constant 32 : index
      %swap3A_1943 = tpu.vector_load %arg10[%swap3A_1941, %swap3A_1942] {strides = array<i32>} : memref<4x112xi32, #tpu.memory_space<vmem>>, vector<1x16xi32>,
      %swap3A_1944 = vector.shape_cast %swap3A_1943 : vector<1x16xi32> to vector<16xi32>
      %swap3A_1945 = vector.shape_cast %select_n3A_1939 : vector<16xi32> to vector<1x16xi32>
      tpu.vector_store %arg10[%swap3A_1941, %swap3A_1942], %swap3A_1945 {strides = array<i32>} : memref<4x112xi32, #tpu.memory_space<vmem>>, vector<1x16xi32>,
      %get3A_1946 = arith.constant 0 : i32
      %get3A_1947 = arith.index_cast %get3A_1946 : i32 to index
      %get3A_1948 = arith.constant 32 : index
      %get3A_1949 = tpu.vector_load %arg8[%get3A_1947, %get3A_1948] {strides = array<i32>} : memref<4x112xi32, #tpu.memory_space<vmem>>, vector<1x16xi32>,
      %get3A_1950 = vector.shape_cast %get3A_1949 : vector<1x16xi32> to vector<16xi32>
      %get3A_1951 = arith.constant 0 : i32
      %get3A_1952 = arith.index_cast %get3A_1951 : i32 to index
      %get3A_1953 = arith.constant 32 : index
      %get3A_1954 = tpu.vector_load %arg13[%get3A_1952, %get3A_1953] {strides = array<i32>} : memref<1x128xi32, #tpu.memory_space<vmem>>, vector<1x16xi32>,
      %get3A_1955 = vector.shape_cast %get3A_1954 : vector<1x16xi32> to vector<16xi32>
      %mul3A_1956 = arith.constant 128 : i32
      %mul3A_1957 = arith.muli %arg1, %mul3A_1956 : i32
      %add3A_1958 = vector.broadcast %mul3A_1957 : i32 to vector<16xi32>
      %add3A_1959 = arith.addi %get3A_1955, %add3A_1958 : vector<16xi32>
      %select_n3A_1960 = arith.select %and3A_1932, %get3A_1950, %add3A_1959 : vector<16xi1>, vector<16xi32>
      %swap3A_1961 = arith.constant 0 : i32
      %swap3A_1962 = arith.index_cast %swap3A_1961 : i32 to index
      %swap3A_1963 = arith.constant 32 : index
      %swap3A_1964 = tpu.vector_load %arg8[%swap3A_1962, %swap3A_1963] {strides = array<i32>} : memref<4x112xi32, #tpu.memory_space<vmem>>, vector<1x16xi32>,
      %swap3A_1965 = vector.shape_cast %swap3A_1964 : vector<1x16xi32> to vector<16xi32>
      %swap3A_1966 = vector.shape_cast %select_n3A_1960 : vector<16xi32> to vector<1x16xi32>
      tpu.vector_store %arg8[%swap3A_1962, %swap3A_1963], %swap3A_1966 {strides = array<i32>} : memref<4x112xi32, #tpu.memory_space<vmem>>, vector<1x16xi32>,
      %get3A_1967 = arith.constant 0 : i32
      %get3A_1968 = arith.index_cast %get3A_1967 : i32 to index
      %get3A_1969 = arith.constant 48 : index
      %get3A_1970 = tpu.vector_load %arg9[%get3A_1968, %get3A_1969] {strides = array<i32>} : memref<4x112xi32, #tpu.memory_space<vmem>>, vector<1x16xi32>,
      %get3A_1971 = vector.shape_cast %get3A_1970 : vector<1x16xi32> to vector<16xi32>
      %sub3A_1972 = vector.broadcast %mul3A_0 : i32 to vector<16xi32>
      %sub3A_1973 = arith.subi %get3A_1971, %sub3A_1972 : vector<16xi32>
      %ge3A_1974 = arith.constant 0 : i32
      %ge3A_1975 = vector.broadcast %ge3A_1974 : i32 to vector<16xi32>
      %ge3A_1976 = arith.cmpi sge, %sub3A_1973, %ge3A_1975 : vector<16xi32>
      %lt3A_1977 = arith.constant 25000 : i32
      %lt3A_1978 = vector.broadcast %lt3A_1977 : i32 to vector<16xi32>
      %lt3A_1979 = arith.cmpi slt, %sub3A_1973, %lt3A_1978 : vector<16xi32>
      %and3A_1980 = arith.andi %ge3A_1976, %lt3A_1979 : vector<16xi1>
      %and3A_1981 = arith.constant 15 : i32
      %and3A_1982 = vector.broadcast %and3A_1981 : i32 to vector<16xi32>
      %and3A_1983 = arith.andi %get3A_1971, %and3A_1982 : vector<16xi32>
      %add3A_1984 = arith.constant 25000 : i32
      %add3A_1985 = vector.broadcast %add3A_1984 : i32 to vector<16xi32>
      %add3A_1986 = arith.addi %add3A_1985, %and3A_1983 : vector<16xi32>
      %select_n3A_1987 = arith.select %and3A_1980, %sub3A_1973, %add3A_1986 : vector<16xi1>, vector<16xi32>
      %swap3A_1988 = arith.constant 0 : i32
      %swap3A_1989 = arith.index_cast %swap3A_1988 : i32 to index
      %swap3A_1990 = arith.constant 48 : index
      %swap3A_1991 = tpu.vector_load %arg10[%swap3A_1989, %swap3A_1990] {strides = array<i32>} : memref<4x112xi32, #tpu.memory_space<vmem>>, vector<1x16xi32>,
      %swap3A_1992 = vector.shape_cast %swap3A_1991 : vector<1x16xi32> to vector<16xi32>
      %swap3A_1993 = vector.shape_cast %select_n3A_1987 : vector<16xi32> to vector<1x16xi32>
      tpu.vector_store %arg10[%swap3A_1989, %swap3A_1990], %swap3A_1993 {strides = array<i32>} : memref<4x112xi32, #tpu.memory_space<vmem>>, vector<1x16xi32>,
      %get3A_1994 = arith.constant 0 : i32
      %get3A_1995 = arith.index_cast %get3A_1994 : i32 to index
      %get3A_1996 = arith.constant 48 : index
      %get3A_1997 = tpu.vector_load %arg8[%get3A_1995, %get3A_1996] {strides = array<i32>} : memref<4x112xi32, #tpu.memory_space<vmem>>, vector<1x16xi32>,
      %get3A_1998 = vector.shape_cast %get3A_1997 : vector<1x16xi32> to vector<16xi32>
      %get3A_1999 = arith.constant 0 : i32
      %get3A_2000 = arith.index_cast %get3A_1999 : i32 to index
      %get3A_2001 = arith.constant 48 : index
      %get3A_2002 = tpu.vector_load %arg13[%get3A_2000, %get3A_2001] {strides = array<i32>} : memref<1x128xi32, #tpu.memory_space<vmem>>, vector<1x16xi32>,
      %get3A_2003 = vector.shape_cast %get3A_2002 : vector<1x16xi32> to vector<16xi32>
      %mul3A_2004 = arith.constant 128 : i32
      %mul3A_2005 = arith.muli %arg1, %mul3A_2004 : i32
      %add3A_2006 = vector.broadcast %mul3A_2005 : i32 to vector<16xi32>
      %add3A_2007 = arith.addi %get3A_2003, %add3A_2006 : vector<16xi32>
      %select_n3A_2008 = arith.select %and3A_1980, %get3A_1998, %add3A_2007 : vector<16xi1>, vector<16xi32>
      %swap3A_2009 = arith.constant 0 : i32
      %swap3A_2010 = arith.index_cast %swap3A_2009 : i32 to index
      %swap3A_2011 = arith.constant 48 : index
      %swap3A_2012 = tpu.vector_load %arg8[%swap3A_2010, %swap3A_2011] {strides = array<i32>} : memref<4x112xi32, #tpu.memory_space<vmem>>, vector<1x16xi32>,
      %swap3A_2013 = vector.shape_cast %swap3A_2012 : vector<1x16xi32> to vector<16xi32>
      %swap3A_2014 = vector.shape_cast %select_n3A_2008 : vector<16xi32> to vector<1x16xi32>
      tpu.vector_store %arg8[%swap3A_2010, %swap3A_2011], %swap3A_2014 {strides = array<i32>} : memref<4x112xi32, #tpu.memory_space<vmem>>, vector<1x16xi32>,
      %get3A_2015 = arith.constant 0 : i32
      %get3A_2016 = arith.index_cast %get3A_2015 : i32 to index
      %get3A_2017 = arith.constant 64 : index
      %get3A_2018 = tpu.vector_load %arg9[%get3A_2016, %get3A_2017] {strides = array<i32>} : memref<4x112xi32, #tpu.memory_space<vmem>>, vector<1x16xi32>,
      %get3A_2019 = vector.shape_cast %get3A_2018 : vector<1x16xi32> to vector<16xi32>
      %sub3A_2020 = vector.broadcast %mul3A_0 : i32 to vector<16xi32>
      %sub3A_2021 = arith.subi %get3A_2019, %sub3A_2020 : vector<16xi32>
      %ge3A_2022 = arith.constant 0 : i32
      %ge3A_2023 = vector.broadcast %ge3A_2022 : i32 to vector<16xi32>
      %ge3A_2024 = arith.cmpi sge, %sub3A_2021, %ge3A_2023 : vector<16xi32>
      %lt3A_2025 = arith.constant 25000 : i32
      %lt3A_2026 = vector.broadcast %lt3A_2025 : i32 to vector<16xi32>
      %lt3A_2027 = arith.cmpi slt, %sub3A_2021, %lt3A_2026 : vector<16xi32>
      %and3A_2028 = arith.andi %ge3A_2024, %lt3A_2027 : vector<16xi1>
      %and3A_2029 = arith.constant 15 : i32
      %and3A_2030 = vector.broadcast %and3A_2029 : i32 to vector<16xi32>
      %and3A_2031 = arith.andi %get3A_2019, %and3A_2030 : vector<16xi32>
      %add3A_2032 = arith.constant 25000 : i32
      %add3A_2033 = vector.broadcast %add3A_2032 : i32 to vector<16xi32>
      %add3A_2034 = arith.addi %add3A_2033, %and3A_2031 : vector<16xi32>
      %select_n3A_2035 = arith.select %and3A_2028, %sub3A_2021, %add3A_2034 : vector<16xi1>, vector<16xi32>
      %swap3A_2036 = arith.constant 0 : i32
      %swap3A_2037 = arith.index_cast %swap3A_2036 : i32 to index
      %swap3A_2038 = arith.constant 64 : index
      %swap3A_2039 = tpu.vector_load %arg10[%swap3A_2037, %swap3A_2038] {strides = array<i32>} : memref<4x112xi32, #tpu.memory_space<vmem>>, vector<1x16xi32>,
      %swap3A_2040 = vector.shape_cast %swap3A_2039 : vector<1x16xi32> to vector<16xi32>
      %swap3A_2041 = vector.shape_cast %select_n3A_2035 : vector<16xi32> to vector<1x16xi32>
      tpu.vector_store %arg10[%swap3A_2037, %swap3A_2038], %swap3A_2041 {strides = array<i32>} : memref<4x112xi32, #tpu.memory_space<vmem>>, vector<1x16xi32>,
      %get3A_2042 = arith.constant 0 : i32
      %get3A_2043 = arith.index_cast %get3A_2042 : i32 to index
      %get3A_2044 = arith.constant 64 : index
      %get3A_2045 = tpu.vector_load %arg8[%get3A_2043, %get3A_2044] {strides = array<i32>} : memref<4x112xi32, #tpu.memory_space<vmem>>, vector<1x16xi32>,
      %get3A_2046 = vector.shape_cast %get3A_2045 : vector<1x16xi32> to vector<16xi32>
      %get3A_2047 = arith.constant 0 : i32
      %get3A_2048 = arith.index_cast %get3A_2047 : i32 to index
      %get3A_2049 = arith.constant 64 : index
      %get3A_2050 = tpu.vector_load %arg13[%get3A_2048, %get3A_2049] {strides = array<i32>} : memref<1x128xi32, #tpu.memory_space<vmem>>, vector<1x16xi32>,
      %get3A_2051 = vector.shape_cast %get3A_2050 : vector<1x16xi32> to vector<16xi32>
      %mul3A_2052 = arith.constant 128 : i32
      %mul3A_2053 = arith.muli %arg1, %mul3A_2052 : i32
      %add3A_2054 = vector.broadcast %mul3A_2053 : i32 to vector<16xi32>
      %add3A_2055 = arith.addi %get3A_2051, %add3A_2054 : vector<16xi32>
      %select_n3A_2056 = arith.select %and3A_2028, %get3A_2046, %add3A_2055 : vector<16xi1>, vector<16xi32>
      %swap3A_2057 = arith.constant 0 : i32
      %swap3A_2058 = arith.index_cast %swap3A_2057 : i32 to index
      %swap3A_2059 = arith.constant 64 : index
      %swap3A_2060 = tpu.vector_load %arg8[%swap3A_2058, %swap3A_2059] {strides = array<i32>} : memref<4x112xi32, #tpu.memory_space<vmem>>, vector<1x16xi32>,
      %swap3A_2061 = vector.shape_cast %swap3A_2060 : vector<1x16xi32> to vector<16xi32>
      %swap3A_2062 = vector.shape_cast %select_n3A_2056 : vector<16xi32> to vector<1x16xi32>
      tpu.vector_store %arg8[%swap3A_2058, %swap3A_2059], %swap3A_2062 {strides = array<i32>} : memref<4x112xi32, #tpu.memory_space<vmem>>, vector<1x16xi32>,
      %get3A_2063 = arith.constant 0 : i32
      %get3A_2064 = arith.index_cast %get3A_2063 : i32 to index
      %get3A_2065 = arith.constant 80 : index
      %get3A_2066 = tpu.vector_load %arg9[%get3A_2064, %get3A_2065] {strides = array<i32>} : memref<4x112xi32, #tpu.memory_space<vmem>>, vector<1x16xi32>,
      %get3A_2067 = vector.shape_cast %get3A_2066 : vector<1x16xi32> to vector<16xi32>
      %sub3A_2068 = vector.broadcast %mul3A_0 : i32 to vector<16xi32>
      %sub3A_2069 = arith.subi %get3A_2067, %sub3A_2068 : vector<16xi32>
      %ge3A_2070 = arith.constant 0 : i32
      %ge3A_2071 = vector.broadcast %ge3A_2070 : i32 to vector<16xi32>
      %ge3A_2072 = arith.cmpi sge, %sub3A_2069, %ge3A_2071 : vector<16xi32>
      %lt3A_2073 = arith.constant 25000 : i32
      %lt3A_2074 = vector.broadcast %lt3A_2073 : i32 to vector<16xi32>
      %lt3A_2075 = arith.cmpi slt, %sub3A_2069, %lt3A_2074 : vector<16xi32>
      %and3A_2076 = arith.andi %ge3A_2072, %lt3A_2075 : vector<16xi1>
      %and3A_2077 = arith.constant 15 : i32
      %and3A_2078 = vector.broadcast %and3A_2077 : i32 to vector<16xi32>
      %and3A_2079 = arith.andi %get3A_2067, %and3A_2078 : vector<16xi32>
      %add3A_2080 = arith.constant 25000 : i32
      %add3A_2081 = vector.broadcast %add3A_2080 : i32 to vector<16xi32>
      %add3A_2082 = arith.addi %add3A_2081, %and3A_2079 : vector<16xi32>
      %select_n3A_2083 = arith.select %and3A_2076, %sub3A_2069, %add3A_2082 : vector<16xi1>, vector<16xi32>
      %swap3A_2084 = arith.constant 0 : i32
      %swap3A_2085 = arith.index_cast %swap3A_2084 : i32 to index
      %swap3A_2086 = arith.constant 80 : index
      %swap3A_2087 = tpu.vector_load %arg10[%swap3A_2085, %swap3A_2086] {strides = array<i32>} : memref<4x112xi32, #tpu.memory_space<vmem>>, vector<1x16xi32>,
      %swap3A_2088 = vector.shape_cast %swap3A_2087 : vector<1x16xi32> to vector<16xi32>
      %swap3A_2089 = vector.shape_cast %select_n3A_2083 : vector<16xi32> to vector<1x16xi32>
      tpu.vector_store %arg10[%swap3A_2085, %swap3A_2086], %swap3A_2089 {strides = array<i32>} : memref<4x112xi32, #tpu.memory_space<vmem>>, vector<1x16xi32>,
      %get3A_2090 = arith.constant 0 : i32
      %get3A_2091 = arith.index_cast %get3A_2090 : i32 to index
      %get3A_2092 = arith.constant 80 : index
      %get3A_2093 = tpu.vector_load %arg8[%get3A_2091, %get3A_2092] {strides = array<i32>} : memref<4x112xi32, #tpu.memory_space<vmem>>, vector<1x16xi32>,
      %get3A_2094 = vector.shape_cast %get3A_2093 : vector<1x16xi32> to vector<16xi32>
      %get3A_2095 = arith.constant 0 : i32
      %get3A_2096 = arith.index_cast %get3A_2095 : i32 to index
      %get3A_2097 = arith.constant 80 : index
      %get3A_2098 = tpu.vector_load %arg13[%get3A_2096, %get3A_2097] {strides = array<i32>} : memref<1x128xi32, #tpu.memory_space<vmem>>, vector<1x16xi32>,
      %get3A_2099 = vector.shape_cast %get3A_2098 : vector<1x16xi32> to vector<16xi32>
      %mul3A_2100 = arith.constant 128 : i32
      %mul3A_2101 = arith.muli %arg1, %mul3A_2100 : i32
      %add3A_2102 = vector.broadcast %mul3A_2101 : i32 to vector<16xi32>
      %add3A_2103 = arith.addi %get3A_2099, %add3A_2102 : vector<16xi32>
      %select_n3A_2104 = arith.select %and3A_2076, %get3A_2094, %add3A_2103 : vector<16xi1>, vector<16xi32>
      %swap3A_2105 = arith.constant 0 : i32
      %swap3A_2106 = arith.index_cast %swap3A_2105 : i32 to index
      %swap3A_2107 = arith.constant 80 : index
      %swap3A_2108 = tpu.vector_load %arg8[%swap3A_2106, %swap3A_2107] {strides = array<i32>} : memref<4x112xi32, #tpu.memory_space<vmem>>, vector<1x16xi32>,
      %swap3A_2109 = vector.shape_cast %swap3A_2108 : vector<1x16xi32> to vector<16xi32>
      %swap3A_2110 = vector.shape_cast %select_n3A_2104 : vector<16xi32> to vector<1x16xi32>
      tpu.vector_store %arg8[%swap3A_2106, %swap3A_2107], %swap3A_2110 {strides = array<i32>} : memref<4x112xi32, #tpu.memory_space<vmem>>, vector<1x16xi32>,
      %get3A_2111 = arith.constant 0 : i32
      %get3A_2112 = arith.index_cast %get3A_2111 : i32 to index
      %get3A_2113 = arith.constant 96 : index
      %get3A_2114 = tpu.vector_load %arg9[%get3A_2112, %get3A_2113] {strides = array<i32>} : memref<4x112xi32, #tpu.memory_space<vmem>>, vector<1x16xi32>,
      %get3A_2115 = vector.shape_cast %get3A_2114 : vector<1x16xi32> to vector<16xi32>
      %sub3A_2116 = vector.broadcast %mul3A_0 : i32 to vector<16xi32>
      %sub3A_2117 = arith.subi %get3A_2115, %sub3A_2116 : vector<16xi32>
      %ge3A_2118 = arith.constant 0 : i32
      %ge3A_2119 = vector.broadcast %ge3A_2118 : i32 to vector<16xi32>
      %ge3A_2120 = arith.cmpi sge, %sub3A_2117, %ge3A_2119 : vector<16xi32>
      %lt3A_2121 = arith.constant 25000 : i32
      %lt3A_2122 = vector.broadcast %lt3A_2121 : i32 to vector<16xi32>
      %lt3A_2123 = arith.cmpi slt, %sub3A_2117, %lt3A_2122 : vector<16xi32>
      %and3A_2124 = arith.andi %ge3A_2120, %lt3A_2123 : vector<16xi1>
      %and3A_2125 = arith.constant 15 : i32
      %and3A_2126 = vector.broadcast %and3A_2125 : i32 to vector<16xi32>
      %and3A_2127 = arith.andi %get3A_2115, %and3A_2126 : vector<16xi32>
      %add3A_2128 = arith.constant 25000 : i32
      %add3A_2129 = vector.broadcast %add3A_2128 : i32 to vector<16xi32>
      %add3A_2130 = arith.addi %add3A_2129, %and3A_2127 : vector<16xi32>
      %select_n3A_2131 = arith.select %and3A_2124, %sub3A_2117, %add3A_2130 : vector<16xi1>, vector<16xi32>
      %swap3A_2132 = arith.constant 0 : i32
      %swap3A_2133 = arith.index_cast %swap3A_2132 : i32 to index
      %swap3A_2134 = arith.constant 96 : index
      %swap3A_2135 = tpu.vector_load %arg10[%swap3A_2133, %swap3A_2134] {strides = array<i32>} : memref<4x112xi32, #tpu.memory_space<vmem>>, vector<1x16xi32>,
      %swap3A_2136 = vector.shape_cast %swap3A_2135 : vector<1x16xi32> to vector<16xi32>
      %swap3A_2137 = vector.shape_cast %select_n3A_2131 : vector<16xi32> to vector<1x16xi32>
      tpu.vector_store %arg10[%swap3A_2133, %swap3A_2134], %swap3A_2137 {strides = array<i32>} : memref<4x112xi32, #tpu.memory_space<vmem>>, vector<1x16xi32>,
      %get3A_2138 = arith.constant 0 : i32
      %get3A_2139 = arith.index_cast %get3A_2138 : i32 to index
      %get3A_2140 = arith.constant 96 : index
      %get3A_2141 = tpu.vector_load %arg8[%get3A_2139, %get3A_2140] {strides = array<i32>} : memref<4x112xi32, #tpu.memory_space<vmem>>, vector<1x16xi32>,
      %get3A_2142 = vector.shape_cast %get3A_2141 : vector<1x16xi32> to vector<16xi32>
      %get3A_2143 = arith.constant 0 : i32
      %get3A_2144 = arith.index_cast %get3A_2143 : i32 to index
      %get3A_2145 = arith.constant 96 : index
      %get3A_2146 = tpu.vector_load %arg13[%get3A_2144, %get3A_2145] {strides = array<i32>} : memref<1x128xi32, #tpu.memory_space<vmem>>, vector<1x16xi32>,
      %get3A_2147 = vector.shape_cast %get3A_2146 : vector<1x16xi32> to vector<16xi32>
      %mul3A_2148 = arith.constant 128 : i32
      %mul3A_2149 = arith.muli %arg1, %mul3A_2148 : i32
      %add3A_2150 = vector.broadcast %mul3A_2149 : i32 to vector<16xi32>
      %add3A_2151 = arith.addi %get3A_2147, %add3A_2150 : vector<16xi32>
      %select_n3A_2152 = arith.select %and3A_2124, %get3A_2142, %add3A_2151 : vector<16xi1>, vector<16xi32>
      %swap3A_2153 = arith.constant 0 : i32
      %swap3A_2154 = arith.index_cast %swap3A_2153 : i32 to index
      %swap3A_2155 = arith.constant 96 : index
      %swap3A_2156 = tpu.vector_load %arg8[%swap3A_2154, %swap3A_2155] {strides = array<i32>} : memref<4x112xi32, #tpu.memory_space<vmem>>, vector<1x16xi32>,
      %swap3A_2157 = vector.shape_cast %swap3A_2156 : vector<1x16xi32> to vector<16xi32>
      %swap3A_2158 = vector.shape_cast %select_n3A_2152 : vector<16xi32> to vector<1x16xi32>
      tpu.vector_store %arg8[%swap3A_2154, %swap3A_2155], %swap3A_2158 {strides = array<i32>} : memref<4x112xi32, #tpu.memory_space<vmem>>, vector<1x16xi32>,
      %dma_start3A_2159 = arith.constant 0 : i32
      %dma_start3A_2160 = arith.constant 0 : i32
      %dma_start3A_2161 = arith.constant 0 : i32
      %dma_start3A_2162 = arith.constant 0 : i32
      %dma_start3A_2163 = tpu.memref_slice %arg11[%dma_start3A_2160, %dma_start3A_2161, %dma_start3A_2162] : memref<4x112x64xf32, #tpu.memory_space<vmem>> -> memref<1x112x64xf32, #tpu.memory_space<vmem>>
      %dma_start3A_2164 = tpu.memref_squeeze %dma_start3A_2163 : memref<1x112x64xf32, #tpu.memory_space<vmem>> -> memref<112x64xf32, #tpu.memory_space<vmem>>
      %dma_start3A_2165 = arith.constant 0 : i32
      %dma_start3A_2166 = tpu.memref_slice %arg8[%dma_start3A_2159, %dma_start3A_2165] : memref<4x112xi32, #tpu.memory_space<vmem>> -> memref<1x112xi32, #tpu.memory_space<vmem>>
      %dma_start3A_2167 = tpu.memref_squeeze %dma_start3A_2166 : memref<1x112xi32, #tpu.memory_space<vmem>> -> memref<112xi32, #tpu.memory_space<vmem>>
      %dma_start3A_2168 = arith.constant 0 : i32
      %dma_start3A_2169 = arith.constant 0 : i32
      %dma_start3A_2170 = tpu.memref_slice %arg4[%dma_start3A_2168, %dma_start3A_2169] : memref<10000x64xf32, #tpu.memory_space<hbm>> -> memref<10000x64xf32, #tpu.memory_space<hbm>>
      tpu.enqueue_indirect_dma source(%dma_start3A_2170 : memref<10000x64xf32, #tpu.memory_space<hbm>>) target(%dma_start3A_2164 : memref<112x64xf32, #tpu.memory_space<vmem>>) offsets(%dma_start3A_2167 : memref<112xi32, #tpu.memory_space<vmem>>) semaphore(%arg15 : memref<!tpu.dma_semaphore, #tpu.memory_space<semaphore_mem>>)
      %add3A_2171 = arith.constant 2 : i32
      %add3A_2172 = arith.addi %add3A_1792, %add3A_2171 : i32
      %add3A_2173 = arith.addi %mul3A_4, %add3A_2172 : i32
      %min3A_2174 = arith.constant 7167 : i32
      %min3A_2175 = arith.minsi %add3A_2173, %min3A_2174 : i32
      %dma_start3A_2176 = arith.constant 1 : i32
      %dma_start3A_2177 = arith.constant 0 : i32
      %dma_start3A_2178 = tpu.memref_slice %arg8[%dma_start3A_2176, %dma_start3A_2177] : memref<4x112xi32, #tpu.memory_space<vmem>> -> memref<1x112xi32, #tpu.memory_space<vmem>>
      %dma_start3A_2179 = arith.constant 0 : i32
      %dma_start3A_2180 = tpu.memref_slice %arg2[%min3A_2175, %dma_start3A_2179] : memref<7168x112xi32, #tpu.memory_space<hbm>> -> memref<1x112xi32, #tpu.memory_space<hbm>>
      %dma_start3A_2181 = arith.constant 1 : i32
      %dma_start3A_2182 = arith.constant 0 : i32
      %dma_start3A_2183 = tpu.memref_slice %arg8[%dma_start3A_2181, %dma_start3A_2182] : memref<4x112xi32, #tpu.memory_space<vmem>> -> memref<1x112xi32, #tpu.memory_space<vmem>>
      %dma_start3A_2184 = arith.constant 0 : i32
      %dma_start3A_2185 = tpu.memref_slice %arg2[%min3A_2175, %dma_start3A_2184] : memref<7168x112xi32, #tpu.memory_space<hbm>> -> memref<1x112xi32, #tpu.memory_space<hbm>>
      tpu.enqueue_dma source(%dma_start3A_2185 : memref<1x112xi32, #tpu.memory_space<hbm>>) target(%dma_start3A_2183 : memref<1x112xi32, #tpu.memory_space<vmem>>) target_semaphore(%arg14 : memref<!tpu.dma_semaphore, #tpu.memory_space<semaphore_mem>>)
      %dma_start3A_2186 = arith.constant 1 : i32
      %dma_start3A_2187 = arith.constant 0 : i32
      %dma_start3A_2188 = tpu.memref_slice %arg9[%dma_start3A_2186, %dma_start3A_2187] : memref<4x112xi32, #tpu.memory_space<vmem>> -> memref<1x112xi32, #tpu.memory_space<vmem>>
      %dma_start3A_2189 = arith.constant 0 : i32
      %dma_start3A_2190 = tpu.memref_slice %arg3[%min3A_2175, %dma_start3A_2189] : memref<7168x112xi32, #tpu.memory_space<hbm>> -> memref<1x112xi32, #tpu.memory_space<hbm>>
      %dma_start3A_2191 = arith.constant 1 : i32
      %dma_start3A_2192 = arith.constant 0 : i32
      %dma_start3A_2193 = tpu.memref_slice %arg9[%dma_start3A_2191, %dma_start3A_2192] : memref<4x112xi32, #tpu.memory_space<vmem>> -> memref<1x112xi32, #tpu.memory_space<vmem>>
      %dma_start3A_2194 = arith.constant 0 : i32
      %dma_start3A_2195 = tpu.memref_slice %arg3[%min3A_2175, %dma_start3A_2194] : memref<7168x112xi32, #tpu.memory_space<hbm>> -> memref<1x112xi32, #tpu.memory_space<hbm>>
      tpu.enqueue_dma source(%dma_start3A_2195 : memref<1x112xi32, #tpu.memory_space<hbm>>) target(%dma_start3A_2193 : memref<1x112xi32, #tpu.memory_space<vmem>>) target_semaphore(%arg14 : memref<!tpu.dma_semaphore, #tpu.memory_space<semaphore_mem>>)
      %dma_wait3A_2196 = arith.constant 2 : i32
      %dma_wait3A_2197 = arith.constant 0 : i32
      %dma_wait3A_2198 = arith.constant 0 : i32
      %dma_wait3A_2199 = tpu.memref_slice %arg11[%dma_wait3A_2196, %dma_wait3A_2197, %dma_wait3A_2198] : memref<4x112x64xf32, #tpu.memory_space<vmem>> -> memref<1x112x64xf32, #tpu.memory_space<vmem>>
      %dma_wait3A_2200 = tpu.memref_squeeze %dma_wait3A_2199 : memref<1x112x64xf32, #tpu.memory_space<vmem>> -> memref<112x64xf32, #tpu.memory_space<vmem>>
      %dma_wait3A_2201 = arith.constant 0 : i32
      %dma_wait3A_2202 = arith.constant 0 : i32
      %dma_wait3A_2203 = tpu.memref_slice %arg4[%dma_wait3A_2201, %dma_wait3A_2202] : memref<10000x64xf32, #tpu.memory_space<hbm>> -> memref<112x64xf32, #tpu.memory_space<hbm>>
      %dma_wait3A_2204 = arith.constant 0 : i32
      %dma_wait3A_2205 = arith.constant 0 : i32
      %dma_wait3A_2206 = tpu.memref_slice %arg11[%dma_wait3A_2196, %dma_wait3A_2204, %dma_wait3A_2205] : memref<4x112x64xf32, #tpu.memory_space<vmem>> -> memref<1x112x64xf32, #tpu.memory_space<vmem>>
      %dma_wait3A_2207 = tpu.memref_squeeze %dma_wait3A_2206 : memref<1x112x64xf32, #tpu.memory_space<vmem>> -> memref<112x64xf32, #tpu.memory_space<vmem>>
      %dma_wait3A_2208 = arith.constant 0 : i32
      %dma_wait3A_2209 = arith.constant 0 : i32
      %dma_wait3A_2210 = tpu.memref_slice %arg4[%dma_wait3A_2208, %dma_wait3A_2209] : memref<10000x64xf32, #tpu.memory_space<hbm>> -> memref<112x64xf32, #tpu.memory_space<hbm>>
      tpu.wait_dma2 semaphore(%arg15 : memref<!tpu.dma_semaphore, #tpu.memory_space<semaphore_mem>>) src(%dma_wait3A_2210 : memref<112x64xf32, #tpu.memory_space<hbm>>) dst(%dma_wait3A_2207 : memref<112x64xf32, #tpu.memory_space<vmem>>)
      %dma_start3A_2211 = arith.constant 2 : i32
      %dma_start3A_2212 = arith.constant 2 : i32
      %dma_start3A_2213 = arith.constant 0 : i32
      %dma_start3A_2214 = arith.constant 0 : i32
      %dma_start3A_2215 = tpu.memref_slice %arg11[%dma_start3A_2211, %dma_start3A_2213, %dma_start3A_2214] : memref<4x112x64xf32, #tpu.memory_space<vmem>> -> memref<1x112x64xf32, #tpu.memory_space<vmem>>
      %dma_start3A_2216 = tpu.memref_squeeze %dma_start3A_2215 : memref<1x112x64xf32, #tpu.memory_space<vmem>> -> memref<112x64xf32, #tpu.memory_space<vmem>>
      %dma_start3A_2217 = arith.constant 0 : i32
      %dma_start3A_2218 = tpu.memref_slice %arg10[%dma_start3A_2212, %dma_start3A_2217] : memref<4x112xi32, #tpu.memory_space<vmem>> -> memref<1x112xi32, #tpu.memory_space<vmem>>
      %dma_start3A_2219 = tpu.memref_squeeze %dma_start3A_2218 : memref<1x112xi32, #tpu.memory_space<vmem>> -> memref<112xi32, #tpu.memory_space<vmem>>
      %dma_start3A_2220 = arith.constant 0 : i32
      %dma_start3A_2221 = arith.constant 0 : i32
      %dma_start3A_2222 = tpu.memref_slice %arg12[%dma_start3A_2220, %dma_start3A_2221] : memref<25024x64xf32, #tpu.memory_space<vmem_shared>> -> memref<25024x64xf32, #tpu.memory_space<vmem_shared>>
      tpu.enqueue_indirect_dma source(%dma_start3A_2216 : memref<112x64xf32, #tpu.memory_space<vmem>>) target(%dma_start3A_2222 : memref<25024x64xf32, #tpu.memory_space<vmem_shared>>) offsets(%dma_start3A_2219 : memref<112xi32, #tpu.memory_space<vmem>>) semaphore(%arg16 : memref<!tpu.dma_semaphore, #tpu.memory_space<semaphore_mem>>) {add = true}
    }
    %scan3A_418 = arith.constant 112 : i32
    %dma_wait3A_419 = arith.constant 3 : i32
    %dma_wait3A_420 = arith.constant 0 : i32
    %dma_wait3A_421 = arith.constant 0 : i32
    %dma_wait3A_422 = tpu.memref_slice %arg11[%dma_wait3A_419, %dma_wait3A_420, %dma_wait3A_421] : memref<4x112x64xf32, #tpu.memory_space<vmem>> -> memref<1x112x64xf32, #tpu.memory_space<vmem>>
    %dma_wait3A_423 = tpu.memref_squeeze %dma_wait3A_422 : memref<1x112x64xf32, #tpu.memory_space<vmem>> -> memref<112x64xf32, #tpu.memory_space<vmem>>
    %dma_wait3A_424 = arith.constant 0 : i32
    %dma_wait3A_425 = arith.constant 0 : i32
    %dma_wait3A_426 = tpu.memref_slice %arg4[%dma_wait3A_424, %dma_wait3A_425] : memref<10000x64xf32, #tpu.memory_space<hbm>> -> memref<112x64xf32, #tpu.memory_space<hbm>>
    %dma_wait3A_427 = arith.constant 0 : i32
    %dma_wait3A_428 = arith.constant 0 : i32
    %dma_wait3A_429 = tpu.memref_slice %arg11[%dma_wait3A_419, %dma_wait3A_427, %dma_wait3A_428] : memref<4x112x64xf32, #tpu.memory_space<vmem>> -> memref<1x112x64xf32, #tpu.memory_space<vmem>>
    %dma_wait3A_430 = tpu.memref_squeeze %dma_wait3A_429 : memref<1x112x64xf32, #tpu.memory_space<vmem>> -> memref<112x64xf32, #tpu.memory_space<vmem>>
    %dma_wait3A_431 = arith.constant 0 : i32
    %dma_wait3A_432 = arith.constant 0 : i32
    %dma_wait3A_433 = tpu.memref_slice %arg4[%dma_wait3A_431, %dma_wait3A_432] : memref<10000x64xf32, #tpu.memory_space<hbm>> -> memref<112x64xf32, #tpu.memory_space<hbm>>
    tpu.wait_dma2 semaphore(%arg15 : memref<!tpu.dma_semaphore, #tpu.memory_space<semaphore_mem>>) src(%dma_wait3A_433 : memref<112x64xf32, #tpu.memory_space<hbm>>) dst(%dma_wait3A_430 : memref<112x64xf32, #tpu.memory_space<vmem>>)
    %dma_start3A_434 = arith.constant 3 : i32
    %dma_start3A_435 = arith.constant 3 : i32
    %dma_start3A_436 = arith.constant 0 : i32
    %dma_start3A_437 = arith.constant 0 : i32
    %dma_start3A_438 = tpu.memref_slice %arg11[%dma_start3A_434, %dma_start3A_436, %dma_start3A_437] : memref<4x112x64xf32, #tpu.memory_space<vmem>> -> memref<1x112x64xf32, #tpu.memory_space<vmem>>
    %dma_start3A_439 = tpu.memref_squeeze %dma_start3A_438 : memref<1x112x64xf32, #tpu.memory_space<vmem>> -> memref<112x64xf32, #tpu.memory_space<vmem>>
    %dma_start3A_440 = arith.constant 0 : i32
    %dma_start3A_441 = tpu.memref_slice %arg10[%dma_start3A_435, %dma_start3A_440] : memref<4x112xi32, #tpu.memory_space<vmem>> -> memref<1x112xi32, #tpu.memory_space<vmem>>
    %dma_start3A_442 = tpu.memref_squeeze %dma_start3A_441 : memref<1x112xi32, #tpu.memory_space<vmem>> -> memref<112xi32, #tpu.memory_space<vmem>>
    %dma_start3A_443 = arith.constant 0 : i32
    %dma_start3A_444 = arith.constant 0 : i32
    %dma_start3A_445 = tpu.memref_slice %arg12[%dma_start3A_443, %dma_start3A_444] : memref<25024x64xf32, #tpu.memory_space<vmem_shared>> -> memref<25024x64xf32, #tpu.memory_space<vmem_shared>>
    tpu.enqueue_indirect_dma source(%dma_start3A_439 : memref<112x64xf32, #tpu.memory_space<vmem>>) target(%dma_start3A_445 : memref<25024x64xf32, #tpu.memory_space<vmem_shared>>) offsets(%dma_start3A_442 : memref<112xi32, #tpu.memory_space<vmem>>) semaphore(%arg16 : memref<!tpu.dma_semaphore, #tpu.memory_space<semaphore_mem>>) {add = true}
    %dma_wait3A_446 = arith.constant 0 : i32
    %dma_wait3A_447 = arith.constant 0 : i32
    %dma_wait3A_448 = arith.constant 0 : i32
    %dma_wait3A_449 = tpu.memref_slice %arg11[%dma_wait3A_446, %dma_wait3A_447, %dma_wait3A_448] : memref<4x112x64xf32, #tpu.memory_space<vmem>> -> memref<1x112x64xf32, #tpu.memory_space<vmem>>
    %dma_wait3A_450 = tpu.memref_squeeze %dma_wait3A_449 : memref<1x112x64xf32, #tpu.memory_space<vmem>> -> memref<112x64xf32, #tpu.memory_space<vmem>>
    %dma_wait3A_451 = arith.constant 0 : i32
    %dma_wait3A_452 = arith.constant 0 : i32
    %dma_wait3A_453 = tpu.memref_slice %arg4[%dma_wait3A_451, %dma_wait3A_452] : memref<10000x64xf32, #tpu.memory_space<hbm>> -> memref<112x64xf32, #tpu.memory_space<hbm>>
    %dma_wait3A_454 = arith.constant 0 : i32
    %dma_wait3A_455 = arith.constant 0 : i32
    %dma_wait3A_456 = tpu.memref_slice %arg11[%dma_wait3A_446, %dma_wait3A_454, %dma_wait3A_455] : memref<4x112x64xf32, #tpu.memory_space<vmem>> -> memref<1x112x64xf32, #tpu.memory_space<vmem>>
    %dma_wait3A_457 = tpu.memref_squeeze %dma_wait3A_456 : memref<1x112x64xf32, #tpu.memory_space<vmem>> -> memref<112x64xf32, #tpu.memory_space<vmem>>
    %dma_wait3A_458 = arith.constant 0 : i32
    %dma_wait3A_459 = arith.constant 0 : i32
    %dma_wait3A_460 = tpu.memref_slice %arg4[%dma_wait3A_458, %dma_wait3A_459] : memref<10000x64xf32, #tpu.memory_space<hbm>> -> memref<112x64xf32, #tpu.memory_space<hbm>>
    tpu.wait_dma2 semaphore(%arg15 : memref<!tpu.dma_semaphore, #tpu.memory_space<semaphore_mem>>) src(%dma_wait3A_460 : memref<112x64xf32, #tpu.memory_space<hbm>>) dst(%dma_wait3A_457 : memref<112x64xf32, #tpu.memory_space<vmem>>)
    %dma_wait3A_461 = arith.constant 0 : i32
    %dma_wait3A_462 = arith.constant 0 : i32
    %dma_wait3A_463 = tpu.memref_slice %arg12[%dma_wait3A_461, %dma_wait3A_462] : memref<25024x64xf32, #tpu.memory_space<vmem_shared>> -> memref<112x64xf32, #tpu.memory_space<vmem_shared>>
    %dma_wait3A_464 = arith.constant 0 : i32
    %dma_wait3A_465 = arith.constant 0 : i32
    %dma_wait3A_466 = tpu.memref_slice %arg4[%dma_wait3A_464, %dma_wait3A_465] : memref<10000x64xf32, #tpu.memory_space<hbm>> -> memref<112x64xf32, #tpu.memory_space<hbm>>
    tpu.wait_dma2 semaphore(%arg16 : memref<!tpu.dma_semaphore, #tpu.memory_space<semaphore_mem>>) src(%dma_wait3A_466 : memref<112x64xf32, #tpu.memory_space<hbm>>) dst(%dma_wait3A_463 : memref<112x64xf32, #tpu.memory_space<vmem_shared>>)
    %dma_wait3A_467 = arith.constant 0 : i32
    %dma_wait3A_468 = arith.constant 0 : i32
    %dma_wait3A_469 = tpu.memref_slice %arg12[%dma_wait3A_467, %dma_wait3A_468] : memref<25024x64xf32, #tpu.memory_space<vmem_shared>> -> memref<112x64xf32, #tpu.memory_space<vmem_shared>>
    %dma_wait3A_470 = arith.constant 0 : i32
    %dma_wait3A_471 = arith.constant 0 : i32
    %dma_wait3A_472 = tpu.memref_slice %arg4[%dma_wait3A_470, %dma_wait3A_471] : memref<10000x64xf32, #tpu.memory_space<hbm>> -> memref<112x64xf32, #tpu.memory_space<hbm>>
    tpu.wait_dma2 semaphore(%arg16 : memref<!tpu.dma_semaphore, #tpu.memory_space<semaphore_mem>>) src(%dma_wait3A_472 : memref<112x64xf32, #tpu.memory_space<hbm>>) dst(%dma_wait3A_469 : memref<112x64xf32, #tpu.memory_space<vmem_shared>>)
    %dma_wait3A_473 = arith.constant 0 : i32
    %dma_wait3A_474 = arith.constant 0 : i32
    %dma_wait3A_475 = tpu.memref_slice %arg12[%dma_wait3A_473, %dma_wait3A_474] : memref<25024x64xf32, #tpu.memory_space<vmem_shared>> -> memref<112x64xf32, #tpu.memory_space<vmem_shared>>
    %dma_wait3A_476 = arith.constant 0 : i32
    %dma_wait3A_477 = arith.constant 0 : i32
    %dma_wait3A_478 = tpu.memref_slice %arg4[%dma_wait3A_476, %dma_wait3A_477] : memref<10000x64xf32, #tpu.memory_space<hbm>> -> memref<112x64xf32, #tpu.memory_space<hbm>>
    tpu.wait_dma2 semaphore(%arg16 : memref<!tpu.dma_semaphore, #tpu.memory_space<semaphore_mem>>) src(%dma_wait3A_478 : memref<112x64xf32, #tpu.memory_space<hbm>>) dst(%dma_wait3A_475 : memref<112x64xf32, #tpu.memory_space<vmem_shared>>)
    %dma_wait3A_479 = arith.constant 1 : i32
    %dma_wait3A_480 = arith.constant 0 : i32
    %dma_wait3A_481 = tpu.memref_slice %arg8[%dma_wait3A_479, %dma_wait3A_480] : memref<4x112xi32, #tpu.memory_space<vmem>> -> memref<1x112xi32, #tpu.memory_space<vmem>>
    %dma_wait3A_482 = arith.constant 0 : i32
    %dma_wait3A_483 = arith.constant 0 : i32
    %dma_wait3A_484 = tpu.memref_slice %arg2[%dma_wait3A_482, %dma_wait3A_483] : memref<7168x112xi32, #tpu.memory_space<hbm>> -> memref<1x112xi32, #tpu.memory_space<hbm>>
    %dma_wait3A_485 = arith.constant 1 : i32
    %dma_wait3A_486 = arith.constant 0 : i32
    %dma_wait3A_487 = tpu.memref_slice %arg8[%dma_wait3A_485, %dma_wait3A_486] : memref<4x112xi32, #tpu.memory_space<vmem>> -> memref<1x112xi32, #tpu.memory_space<vmem>>
    %dma_wait3A_488 = arith.constant 0 : i32
    %dma_wait3A_489 = arith.constant 0 : i32
    %dma_wait3A_490 = tpu.memref_slice %arg2[%dma_wait3A_488, %dma_wait3A_489] : memref<7168x112xi32, #tpu.memory_space<hbm>> -> memref<1x112xi32, #tpu.memory_space<hbm>>
    tpu.wait_dma2 semaphore(%arg14 : memref<!tpu.dma_semaphore, #tpu.memory_space<semaphore_mem>>) src(%dma_wait3A_490 : memref<1x112xi32, #tpu.memory_space<hbm>>) dst(%dma_wait3A_487 : memref<1x112xi32, #tpu.memory_space<vmem>>)
    %dma_wait3A_491 = arith.constant 1 : i32
    %dma_wait3A_492 = arith.constant 0 : i32
    %dma_wait3A_493 = tpu.memref_slice %arg9[%dma_wait3A_491, %dma_wait3A_492] : memref<4x112xi32, #tpu.memory_space<vmem>> -> memref<1x112xi32, #tpu.memory_space<vmem>>
    %dma_wait3A_494 = arith.constant 0 : i32
    %dma_wait3A_495 = arith.constant 0 : i32
    %dma_wait3A_496 = tpu.memref_slice %arg3[%dma_wait3A_494, %dma_wait3A_495] : memref<7168x112xi32, #tpu.memory_space<hbm>> -> memref<1x112xi32, #tpu.memory_space<hbm>>
    %dma_wait3A_497 = arith.constant 1 : i32
    %dma_wait3A_498 = arith.constant 0 : i32
    %dma_wait3A_499 = tpu.memref_slice %arg9[%dma_wait3A_497, %dma_wait3A_498] : memref<4x112xi32, #tpu.memory_space<vmem>> -> memref<1x112xi32, #tpu.memory_space<vmem>>
    %dma_wait3A_500 = arith.constant 0 : i32
    %dma_wait3A_501 = arith.constant 0 : i32
    %dma_wait3A_502 = tpu.memref_slice %arg3[%dma_wait3A_500, %dma_wait3A_501] : memref<7168x112xi32, #tpu.memory_space<hbm>> -> memref<1x112xi32, #tpu.memory_space<hbm>>
    tpu.wait_dma2 semaphore(%arg14 : memref<!tpu.dma_semaphore, #tpu.memory_space<semaphore_mem>>) src(%dma_wait3A_502 : memref<1x112xi32, #tpu.memory_space<hbm>>) dst(%dma_wait3A_499 : memref<1x112xi32, #tpu.memory_space<vmem>>)
    %barrier3A_503 = arith.constant 0 : index
    tpu.barrier barrier_id(%barrier3A_503)
    %lt3A_504 = arith.constant 15 : i32
    %lt3A_505 = arith.cmpi slt, %arg1, %lt3A_504 : i32
    %convert_element_type3A = arith.extui %lt3A_505 : i1 to i32
    %cond3A = arith.constant 0 : i32
    %cond3A_506 = arith.cmpi ne, %convert_element_type3A, %cond3A : i32
    scf.if %cond3A_506 {
      %mul3A_511 = arith.constant 1568 : i32
      %mul3A_512 = arith.muli %arg1, %mul3A_511 : i32
      %mul3A_513 = arith.constant 1568 : i32
      %mul3A_514 = arith.muli %arg1, %mul3A_513 : i32
      %add3A_515 = arith.addi %mul3A_0, %mul3A_514 : i32
      "tpu.region"() ({
        %run_scoped3A = tpu.sem_alloc : memref<!tpu.dma_semaphore, #tpu.memory_space<semaphore_mem>>
        %dma_start3A_516 = arith.constant 0 : i32
        %dma_start3A_517 = tpu.memref_slice %arg7[%add3A_515, %dma_start3A_516] : memref<50000x64xf32, #tpu.memory_space<hbm>> -> memref<1568x64xf32, #tpu.memory_space<hbm>>
        %dma_start3A_518 = arith.constant 0 : i32
        %dma_start3A_519 = tpu.memref_slice %arg12[%mul3A_512, %dma_start3A_518] : memref<25024x64xf32, #tpu.memory_space<vmem_shared>> -> memref<1568x64xf32, #tpu.memory_space<vmem_shared>>
        tpu.enqueue_dma source(%dma_start3A_519 : memref<1568x64xf32, #tpu.memory_space<vmem_shared>>) target(%dma_start3A_517 : memref<1568x64xf32, #tpu.memory_space<hbm>>) target_semaphore(%run_scoped3A : memref<!tpu.dma_semaphore, #tpu.memory_space<semaphore_mem>>)
        %dma_wait3A_520 = arith.constant 0 : i32
        %dma_wait3A_521 = tpu.memref_slice %arg7[%add3A_515, %dma_wait3A_520] : memref<50000x64xf32, #tpu.memory_space<hbm>> -> memref<1568x64xf32, #tpu.memory_space<hbm>>
        %dma_wait3A_522 = arith.constant 0 : i32
        %dma_wait3A_523 = tpu.memref_slice %arg12[%mul3A_512, %dma_wait3A_522] : memref<25024x64xf32, #tpu.memory_space<vmem_shared>> -> memref<1568x64xf32, #tpu.memory_space<vmem_shared>>
        tpu.wait_dma2 semaphore(%run_scoped3A : memref<!tpu.dma_semaphore, #tpu.memory_space<semaphore_mem>>) src(%dma_wait3A_523 : memref<1568x64xf32, #tpu.memory_space<vmem_shared>>) dst(%dma_wait3A_521 : memref<1568x64xf32, #tpu.memory_space<hbm>>)
        tpu.yield
      }) : () -> ()
    } else {
    }
    %eq3A = arith.constant 15 : i32
    %eq3A_507 = arith.cmpi eq, %arg1, %eq3A : i32
    %convert_element_type3A_508 = arith.extui %eq3A_507 : i1 to i32
    %cond3A_509 = arith.constant 0 : i32
    %cond3A_510 = arith.cmpi ne, %convert_element_type3A_508, %cond3A_509 : i32
    scf.if %cond3A_510 {
      %add3A_511 = arith.constant 23520 : i32
      %add3A_512 = arith.addi %mul3A_0, %add3A_511 : i32
      "tpu.region"() ({
        %run_scoped3A = tpu.sem_alloc : memref<!tpu.dma_semaphore, #tpu.memory_space<semaphore_mem>>
        %dma_start3A_513 = arith.constant 0 : i32
        %dma_start3A_514 = tpu.memref_slice %arg7[%add3A_512, %dma_start3A_513] : memref<50000x64xf32, #tpu.memory_space<hbm>> -> memref<1480x64xf32, #tpu.memory_space<hbm>>
        %dma_start3A_515 = arith.constant 23520 : i32
        %dma_start3A_516 = arith.constant 0 : i32
        %dma_start3A_517 = tpu.memref_slice %arg12[%dma_start3A_515, %dma_start3A_516] : memref<25024x64xf32, #tpu.memory_space<vmem_shared>> -> memref<1480x64xf32, #tpu.memory_space<vmem_shared>>
        tpu.enqueue_dma source(%dma_start3A_517 : memref<1480x64xf32, #tpu.memory_space<vmem_shared>>) target(%dma_start3A_514 : memref<1480x64xf32, #tpu.memory_space<hbm>>) target_semaphore(%run_scoped3A : memref<!tpu.dma_semaphore, #tpu.memory_space<semaphore_mem>>)
        %dma_wait3A_518 = arith.constant 0 : i32
        %dma_wait3A_519 = tpu.memref_slice %arg7[%add3A_512, %dma_wait3A_518] : memref<50000x64xf32, #tpu.memory_space<hbm>> -> memref<1480x64xf32, #tpu.memory_space<hbm>>
        %dma_wait3A_520 = arith.constant 23520 : i32
        %dma_wait3A_521 = arith.constant 0 : i32
        %dma_wait3A_522 = tpu.memref_slice %arg12[%dma_wait3A_520, %dma_wait3A_521] : memref<25024x64xf32, #tpu.memory_space<vmem_shared>> -> memref<1480x64xf32, #tpu.memory_space<vmem_shared>>
        tpu.wait_dma2 semaphore(%run_scoped3A : memref<!tpu.dma_semaphore, #tpu.memory_space<semaphore_mem>>) src(%dma_wait3A_522 : memref<1480x64xf32, #tpu.memory_space<vmem_shared>>) dst(%dma_wait3A_519 : memref<1480x64xf32, #tpu.memory_space<hbm>>)
        tpu.yield
      }) : () -> ()
    } else {
    }
    return
  }
}

module attributes {stable_mosaic.version = 14 : i64} {
  func.func @_update_block(%arg0: i32, %arg1: memref<5000x64xf32, #tpu.memory_space<vmem>>, %arg2: memref<5000x64xf32, #tpu.memory_space<vmem>>, %arg3: memref<64x64xf32, #tpu.memory_space<vmem>>, %arg4: memref<1x64xf32, #tpu.memory_space<vmem>>, %arg5: memref<64x64xf32, #tpu.memory_space<vmem>>, %arg6: memref<64x64xf32, #tpu.memory_space<vmem>>, %arg7: memref<1x64xf32, #tpu.memory_space<vmem>>, %arg8: memref<5000x64xf32, #tpu.memory_space<vmem>>) attributes {dimension_semantics = [#tpu.dimension_semantics<arbitrary>], iteration_bounds = array<i64: 10>, scalar_prefetch = 0 : i64, scratch_operands = 0 : i64, tpu.core_type = #tpu.core_type<tc>, window_params = [{transform_indices = @transform_0, window_bounds = array<i64: 5000, 64>}, {transform_indices = @transform_1, window_bounds = array<i64: 5000, 64>}, {pipeline_mode = #tpu.pipeline_mode<synchronous>, transform_indices = @transform_2, window_bounds = array<i64: 64, 64>}, {pipeline_mode = #tpu.pipeline_mode<synchronous>, transform_indices = @transform_3, window_bounds = array<i64: 1, 64>}, {pipeline_mode = #tpu.pipeline_mode<synchronous>, transform_indices = @transform_4, window_bounds = array<i64: 64, 64>}, {pipeline_mode = #tpu.pipeline_mode<synchronous>, transform_indices = @transform_5, window_bounds = array<i64: 64, 64>}, {pipeline_mode = #tpu.pipeline_mode<synchronous>, transform_indices = @transform_6, window_bounds = array<i64: 1, 64>}, {transform_indices = @transform_7, window_bounds = array<i64: 5000, 64>}]} {
    %get3A = arith.constant 0 : index
    %get3A_0 = arith.constant 0 : index
    %get3A_1 = vector.load %arg2[%get3A, %get3A_0] : memref<5000x64xf32, #tpu.memory_space<vmem>>, vector<5000x64xf32>
    %get3A_2 = arith.constant 0 : index
    %get3A_3 = arith.constant 0 : index
    %get3A_4 = vector.load %arg3[%get3A_2, %get3A_3] : memref<64x64xf32, #tpu.memory_space<vmem>>, vector<64x64xf32>
    %dot_general3A = arith.constant dense<0.000000e+00> : vector<5000x64xf32>
    %dot_general3A_5 = tpu.matmul %get3A_1, %get3A_4, %dot_general3A {dimension_numbers = #tpu.dot_dimension_numbers<[1], [0], [0], [1], [0, 0, 1, 1], [], []>, transpose_lhs_hint = false} : vector<5000x64xf32>, vector<64x64xf32>, vector<5000x64xf32> -> vector<5000x64xf32>
    %get3A_6 = arith.constant 0 : index
    %get3A_7 = arith.constant 0 : index
    %get3A_8 = vector.load %arg4[%get3A_6, %get3A_7] : memref<1x64xf32, #tpu.memory_space<vmem>>, vector<1x64xf32>
    %add3A = vector.broadcast %get3A_8 : vector<1x64xf32> to vector<5000x64xf32>
    %add3A_9 = arith.addf %dot_general3A_5, %add3A : vector<5000x64xf32>
    %max3A = arith.constant 0.000000e+00 : f32
    %max3A_10 = vector.broadcast %max3A : f32 to vector<5000x64xf32>
    %max3A_11 = arith.maximumf %add3A_9, %max3A_10 : vector<5000x64xf32>
    %get3A_12 = arith.constant 0 : index
    %get3A_13 = arith.constant 0 : index
    %get3A_14 = vector.load %arg1[%get3A_12, %get3A_13] : memref<5000x64xf32, #tpu.memory_space<vmem>>, vector<5000x64xf32>
    %get3A_15 = arith.constant 0 : index
    %get3A_16 = arith.constant 0 : index
    %get3A_17 = vector.load %arg5[%get3A_15, %get3A_16] : memref<64x64xf32, #tpu.memory_space<vmem>>, vector<64x64xf32>
    %dot_general3A_18 = arith.constant dense<0.000000e+00> : vector<5000x64xf32>
    %dot_general3A_19 = tpu.matmul %get3A_14, %get3A_17, %dot_general3A_18 {dimension_numbers = #tpu.dot_dimension_numbers<[1], [0], [0], [1], [0, 0, 1, 1], [], []>, transpose_lhs_hint = false} : vector<5000x64xf32>, vector<64x64xf32>, vector<5000x64xf32> -> vector<5000x64xf32>
    %get3A_20 = arith.constant 0 : index
    %get3A_21 = arith.constant 0 : index
    %get3A_22 = vector.load %arg6[%get3A_20, %get3A_21] : memref<64x64xf32, #tpu.memory_space<vmem>>, vector<64x64xf32>
    %dot_general3A_23 = arith.constant dense<0.000000e+00> : vector<5000x64xf32>
    %dot_general3A_24 = tpu.matmul %max3A_11, %get3A_22, %dot_general3A_23 {dimension_numbers = #tpu.dot_dimension_numbers<[1], [0], [0], [1], [0, 0, 1, 1], [], []>, transpose_lhs_hint = false} : vector<5000x64xf32>, vector<64x64xf32>, vector<5000x64xf32> -> vector<5000x64xf32>
    %add3A_25 = arith.addf %dot_general3A_19, %dot_general3A_24 : vector<5000x64xf32>
    %get3A_26 = arith.constant 0 : index
    %get3A_27 = arith.constant 0 : index
    %get3A_28 = vector.load %arg7[%get3A_26, %get3A_27] : memref<1x64xf32, #tpu.memory_space<vmem>>, vector<1x64xf32>
    %add3A_29 = vector.broadcast %get3A_28 : vector<1x64xf32> to vector<5000x64xf32>
    %add3A_30 = arith.addf %add3A_25, %add3A_29 : vector<5000x64xf32>
    %mul3A = arith.mulf %add3A_30, %add3A_30 : vector<5000x64xf32>
    %reduce_sum3A = arith.constant dense<0.000000e+00> : vector<5000xf32>
    %reduce_sum3A_31 = vector.multi_reduction <add>, %mul3A, %reduce_sum3A [1] : vector<5000x64xf32> to vector<5000xf32>
    %broadcast_in_dim3A = vector.shape_cast %reduce_sum3A_31 : vector<5000xf32> to vector<5000x1xf32>
    %sqrt3A = math.sqrt %broadcast_in_dim3A : vector<5000x1xf32>
    %max3A_32 = arith.constant 9.99999996E-13 : f32
    %max3A_33 = vector.broadcast %max3A_32 : f32 to vector<5000x1xf32>
    %max3A_34 = arith.maximumf %sqrt3A, %max3A_33 : vector<5000x1xf32>
    %div3A = vector.broadcast %max3A_34 : vector<5000x1xf32> to vector<5000x64xf32>
    %div3A_35 = arith.divf %add3A_30, %div3A : vector<5000x64xf32>
    %swap3A = arith.constant 0 : index
    %swap3A_36 = arith.constant 0 : index
    %swap3A_37 = vector.load %arg8[%swap3A, %swap3A_36] : memref<5000x64xf32, #tpu.memory_space<vmem>>, vector<5000x64xf32>
    tpu.vector_store %arg8[%swap3A, %swap3A_36], %div3A_35 {strides = array<i32>} : memref<5000x64xf32, #tpu.memory_space<vmem>>, vector<5000x64xf32>,
    return
  }
  func.func @transform_0(%arg0: i32) -> (i32, i32) {
    %c0_i32 = arith.constant 0 : i32
    %c0_i32_0 = arith.constant 0 : i32
    return %arg0, %c0_i32 : i32, i32
  }
  func.func @transform_1(%arg0: i32) -> (i32, i32) {
    %c0_i32 = arith.constant 0 : i32
    %c0_i32_0 = arith.constant 0 : i32
    return %arg0, %c0_i32 : i32, i32
  }
  func.func @transform_2(%arg0: i32) -> (i32, i32) {
    %c0_i32 = arith.constant 0 : i32
    %c0_i32_0 = arith.constant 0 : i32
    %c0_i32_1 = arith.constant 0 : i32
    return %c0_i32, %c0_i32_0 : i32, i32
  }
  func.func @transform_3(%arg0: i32) -> (i32, i32) {
    %c0_i32 = arith.constant 0 : i32
    %c0_i32_0 = arith.constant 0 : i32
    %c0_i32_1 = arith.constant 0 : i32
    return %c0_i32, %c0_i32_0 : i32, i32
  }
  func.func @transform_4(%arg0: i32) -> (i32, i32) {
    %c0_i32 = arith.constant 0 : i32
    %c0_i32_0 = arith.constant 0 : i32
    %c0_i32_1 = arith.constant 0 : i32
    return %c0_i32, %c0_i32_0 : i32, i32
  }
  func.func @transform_5(%arg0: i32) -> (i32, i32) {
    %c0_i32 = arith.constant 0 : i32
    %c0_i32_0 = arith.constant 0 : i32
    %c0_i32_1 = arith.constant 0 : i32
    return %c0_i32, %c0_i32_0 : i32, i32
  }
  func.func @transform_6(%arg0: i32) -> (i32, i32) {
    %c0_i32 = arith.constant 0 : i32
    %c0_i32_0 = arith.constant 0 : i32
    %c0_i32_1 = arith.constant 0 : i32
    return %c0_i32, %c0_i32_0 : i32, i32
  }
  func.func @transform_7(%arg0: i32) -> (i32, i32) {
    %c0_i32 = arith.constant 0 : i32
    %c0_i32_0 = arith.constant 0 : i32
    return %arg0, %c0_i32 : i32, i32
  }
}

</mosaic_0001>

<sc_bundles>
// kernel: kernel.6.cloned.1.call-start
scs
__scs_entry_jumppad:
0x0: {  	(pc) =	sbr.rel $0x88, $3  }
0x1: {  	(tag) =	ssettag $0x0;
	lr =	simm.s32 $0x1  }
0x2: {  	[smem:$0x3F94] =	sst lr;
	_ =	strace $0xD0000000  }
0x3: {  	_ = 	snop  }
0x4: {  	_ = 	snop  }
0x5: {  	_ = 	snop  }
0x6: {  	_ = 	snop  }
0x7: {  	_ = 	snop  }
__scs_overlays_trampoline_lowered:
0x8: {  	[smem:$0x3FA3] =	sst s0  }
0x9: {  	[smem:$0x3FA4] =	sst s1  }
0xa: {  	[smem:$0x3FA5] =	sst s2  }
0xb: {  	[smem:$0x3FA6] =	sst s3  }
0xc: {  	[smem:$0x3FA7] =	sst s4  }
0xd: {  	[smem:$0x3FA8] =	sst s5  }
0xe: {  	[smem:$0x3FA9] =	sst s6  }
0xf: {  	[smem:$0x3FAA] =	sst s7  }
0x10: {  	[smem:$0x3FAB] =	sst s8  }
0x11: {  	[smem:$0x3FAC] =	sst s9;
	s0 =	simm.s32 @!p0 $0x0  }
0x12: {  	s1 =	sld [smem:$0x3F92];
	s0 =	simm.s32 @p0 $0x1  }
0x13: {  	[smem:$0x3FAD] =	sst s0;
	s0 =	simm.s32 @!p1 $0x0  }
0x14: {  	s2 =	sld [smem:$0x3F91];
	s0 =	simm.s32 @p1 $0x1  }
0x15: {  	[smem:$0x3FAE] =	sst s0;
	s0 =	simm.s32 @!p2 $0x0  }
0x16: {  	s3 =	sld [smem:$0x3FDB];
	s0 =	simm.s32 @p2 $0x1  }
0x17: {  	s4 =	simm.s32 $0x1BF5;
	[smem:$0x3FB0] =	sst s0  }
0x18: {  	s0 =	sld [smem:$0x3F93];
	_ =	swait.ge [sflag:s4], $0x0  }
0x19: {  	s7 =	sld [smem:$0x3F94]  }
0x1a: {  	s8 =	sadd.s32 $0xFFFFE003, lr  }
0x1b: {  	s9 =	sadd.s32 $0xFFFFFEF7, lr;
	s5 =	simm.s32 $0xFFFFFFFF;
	p2 =	slt.u32 s8, $0xFFFFF086  }
0x1c: {  	p1 =	slt.u32 s9, $0xF7A;
	s5 =	simm.s32 @!p2 $0x0  }
0x1d: {  	s5 =	simm.s32 @p1 $0x1;
	p0 =	seq.s32 s7, s2  }
0x1e: {  	s7 =	smul.u32 @!p0 $0xF7A, s2;
	p2 =	seq.s32 @!p0 s5, $0x0  }
0x1f: {  	s9 =	smul.u32 $0xF7A, s1;
	s8 =	simm.s32 @!p0 $0x1BF5;
	p2 =	por !p2, p0  }
0x20: {  	[sflag:s8] =	ssyncset.s32 @!p0 $0xFFFFF086;
	s6 =	sadd.s32 @!p0 s3, s7;
	s7 =	simm.s32 @!p0 $0x108  }
0x21: {  	s3 =	sadd.s32 s3, s9;
	s6 =	sadd.s32 @!p0 $0x88, s6;
	s7 =	simm.s32 @p2 $0x1082  }
0x22: {  	[simem:s7], [sflag:s8] =	dma.local @!p0 [hbm:s6], $0xF7A  }
0x23: {  	s9 =	sor.u32 $0xD0000000, s2;
	s6 =	simm.s32 $0x108;
	_ =	swait.ge @!p0 [sflag:s8], $0x0  }
0x24: {  	s3 =	sadd.s32 $0x88, s3;
	s6 =	simm.s32 @!p1 $0x1082;
	[sflag:s4] =	ssyncset.s32 $0xFFFFF086  }
0x25: {  	[simem:s6], [sflag:s4] =	dma.local [hbm:s3], $0xF7A  }
0x26: {  	[smem:$0x3F94] =	sst s1;
	(tag) =	ssettag s2;
	_ =	strace s9  }
0x27: {  	s1 =	sld [smem:$0x3FA4]  }
0x28: {  	s2 =	sld [smem:$0x3FA5]  }
0x29: {  	s4 =	sld [smem:$0x3FA7]  }
0x2a: {  	p0 =	seq.s32 s5, $0x0;
	s5 =	sld [smem:$0x3FA8]  }
0x2b: {  	s6 =	sld [smem:$0x3FA9]  }
0x2c: {  	s7 =	sld [smem:$0x3FAA]  }
0x2d: {  	s3 =	simm.s32 $0x108;
	s8 =	sld [smem:$0x3FAB]  }
0x2e: {  	s3 =	simm.s32 @!p0 $0x1082;
	s9 =	sld [smem:$0x3FAC]  }
0x2f: {  	lr =	sadd.s32 s0, s3;
	s0 =	sld [smem:$0x3FA3]  }
0x30: {  	s3 =	sld [smem:$0x3FA6]  }
0x31: {  	[smem:$0x3FAF] =	sst s10  }
0x32: {  	s10 =	sld [smem:$0x3FAD];
	_ =	sdelay $0x3  }
0x33: {  	p0 =	seq.s32 s10, $0x1;
	s10 =	sld [smem:$0x3FAF];
	_ =	sdelay $0x3  }
0x34: {  	[smem:$0x3FAF] =	sst s10  }
0x35: {  	s10 =	sld [smem:$0x3FAE];
	_ =	sdelay $0x3  }
0x36: {  	p1 =	seq.s32 s10, $0x1;
	s10 =	sld [smem:$0x3FAF];
	_ =	sdelay $0x3  }
0x37: {  	[smem:$0x3FAF] =	sst s10  }
0x38: {  	s10 =	sld [smem:$0x3FB0]  }
0x39: {  	_ = 	snop;
	(pc) =	sbr.ind lr, $3  }
0x3a: {  	_ = 	snop  }
0x3b: {  	_ = 	snop  }
0x3c: {  	p2 =	seq.s32 s10, $0x1;
	s10 =	sld [smem:$0x3FAF]  }
0x3d: {  	_ =	shalt  }
0x3e: {  	_ =	shalt  }
0x3f: {  	_ =	shalt  }
0x40: {  	_ =	shalt  }
0x41: {  	_ =	shalt  }
0x42: {  	_ =	shalt  }
0x43: {  	_ =	shalt  }
0x44: {  	_ =	shalt  }
0x45: {  	_ =	shalt  }
0x46: {  	_ =	shalt  }
0x47: {  	_ =	shalt  }
0x48: {  	_ =	shalt  }
0x49: {  	_ =	shalt  }
0x4a: {  	_ =	shalt  }
0x4b: {  	_ =	shalt  }
0x4c: {  	_ =	shalt  }
0x4d: {  	_ =	shalt  }
0x4e: {  	_ =	shalt  }
0x4f: {  	_ =	shalt  }
0x50: {  	_ =	shalt  }
0x51: {  	_ =	shalt  }
0x52: {  	_ =	shalt  }
0x53: {  	_ =	shalt  }
0x54: {  	_ =	shalt  }
0x55: {  	_ =	shalt  }
0x56: {  	_ =	shalt  }
0x57: {  	_ =	shalt  }
0x58: {  	_ =	shalt  }
0x59: {  	_ =	shalt  }
0x5a: {  	_ =	shalt  }
0x5b: {  	_ =	shalt  }
0x5c: {  	_ =	shalt  }
0x5d: {  	_ =	shalt  }
0x5e: {  	_ =	shalt  }
0x5f: {  	_ =	shalt  }
0x60: {  	_ =	shalt  }
0x61: {  	_ =	shalt  }
0x62: {  	_ =	shalt  }
0x63: {  	_ =	shalt  }
0x64: {  	_ =	shalt  }
0x65: {  	_ =	shalt  }
0x66: {  	_ =	shalt  }
0x67: {  	_ =	shalt  }
0x68: {  	_ =	shalt  }
0x69: {  	_ =	shalt  }
0x6a: {  	_ =	shalt  }
0x6b: {  	_ =	shalt  }
0x6c: {  	_ =	shalt  }
0x6d: {  	_ =	shalt  }
0x6e: {  	_ =	shalt  }
0x6f: {  	_ =	shalt  }
0x70: {  	_ =	shalt  }
0x71: {  	_ =	shalt  }
0x72: {  	_ =	shalt  }
0x73: {  	_ =	shalt  }
0x74: {  	_ =	shalt  }
0x75: {  	_ =	shalt  }
0x76: {  	_ =	shalt  }
0x77: {  	_ =	shalt  }
0x78: {  	_ =	shalt  }
0x79: {  	_ =	shalt  }
0x7a: {  	_ =	shalt  }
0x7b: {  	_ =	shalt  }
0x7c: {  	_ =	shalt  }
0x7d: {  	_ =	shalt  }
0x7e: {  	_ =	shalt  }
0x7f: {  	_ =	shalt  }
0x80: {  	_ =	shalt  }
0x81: {  	_ =	shalt  }
0x82: {  	_ =	shalt  }
0x83: {  	_ =	shalt  }
0x84: {  	_ =	shalt  }
0x85: {  	_ =	shalt  }
0x86: {  	_ =	shalt  }
0x87: {  	_ =	shalt  }
.Lfunc_end0:
.L_simem_size_0:
called_computation_lowered:
.L_overlay_start_0:
0x88: {  	s2 =	sld [smem:$0x3FD9]  }
0x89: {  	s3 =	sld [smem:$0x3FFE];
	_ =	sdelay $0x1  }
0x8a: {  	s1 =	srdreg.scid  }
0x8b: {  	s0 =	sand.u32 $0x1, s1  }
0x8c: {  	s14 =	sshll.u32 s0, $0xA;
	s2 =	sadd.s32 s3, s2  }
0x8d: {  	s2 =	sadd.s32 s2, s14  }
0x8e: {  	[smem:$0x3FBB] =	sst s2  }
0x8f: {  	_ = 	snop  }
0x90: {  	s2 =	sld [smem:$0x3FD0];
	_ =	sdelay $0x2  }
0x91: {  	s15 =	simm.s32 $0xA;
	s4 =	simm.s32 $0x10  }
0x92: {  	[smem:s4], [sflag:s15] =	dma.local [hbm:s2], $0x1  }
0x93: {  	_ =	swait.eq [sflag:s15], $0x1  }
0x94: {  	[sflag:s15] =	ssyncset.done $0x0  }
0x95: {  	s16 =	sld [smem:$0x10];
	[sflag:s15] =	ssyncadd.s32 $0xFFFFFFFF  }
0x96: {  	s17 =	sld [smem:$0x11];
	(tm) =	ssettm $0x1  }
0x97: {  	s18 =	sld [smem:$0x3FFB];
	_ =	sdelay $0x3  }
0x98: {  	_ =	strace s18  }
0x99: {  	s4 =	sld [smem:$0x3FFC];
	_ =	sdelay $0x3  }
0x9a: {  	_ =	strace s4  }
0x9b: {  	s4 =	sld [smem:$0x3FFD];
	_ =	sdelay $0x3  }
0x9c: {  	_ =	strace s4  }
0x9d: {  	_ =	strace $0x8FFFFFFF  }
0x9e: {  	s19 =	sld [smem:$0x3FDB];
	_ =	sdelay $0x1  }
0x9f: {  	s5 =	simm.s32 $_scs_section_size  }
0xa0: {  	s6 =	simm.s32 $_size__tile_overlayer_lowered;
	s7 =	simm.s32 $_tile_overlayer_lowered  }
0xa1: {  	s22 =	simm.s32 $0x1BFF;
	s21 =	sshll.u32 s7, $0x1;
	s4 =	sadd.s32 s5, s19  }
0xa2: {  	s8 =	simm.s32 $0x0;
	s20 =	sshll.u32 s6, $0x1;
	s6 =	sadd.s32 s21, s4  }
0xa3: {  	[timem:s8], [sflag:s22] =	dma.local [hbm:s6], s20  }
0xa4: {  	_ =	swait.ge [sflag:s22], s20  }
0xa5: {  	s5 =	ssub.s32 $0x0, s20;
	[sflag:s22] =	ssyncset.done $0x0  }
0xa6: {  	[sflag:s22] =	ssyncadd.s32 s5;
	_ =	sdelay $0x1  }
0xa7: {  	s23 =	simm.s32 $0x1B8B  }
0xa8: {  	_ =	swait.ge [sflag:s23], $0x1  }
0xa9: {  	[sflag:s23] =	ssyncset.done $0x0  }
0xaa: {  	s25 =	simm.s32 $0x1B8E;
	s24 =	sld [smem:$0x3FFE];
	[sflag:s23] =	ssyncadd.s32 $0xFFFFFFFF  }
0xab: {  	s26 =	simm.s32 $execute0_lowered;
	[smem:$0x3FD2] =	sst s25  }
0xac: {  	s6 =	sshll.u32 s26, $0x1;
	_ =	strace $0x80000046;
	[dreg:$0x1] =	wrdreg $0xFFFFFFFF  }
0xad: {  	s28 =	simm.s32 $_size_execute0_lowered;
	s4 =	sadd.s32 s4, s6;
	[dreg:$0x0] =	wrdreg $0x0  }
0xae: {  	s6 =	sshll.u32 s28, $0x1;
	[dreg:$0x2] =	wrdreg s4  }
0xaf: {  	[dreg:$0x3] =	wrdreg s6  }
0xb0: {  	[dreg:$0x4] =	wrdreg $0xC0  }
0xb1: {  	_ =	task [dreg:s8], $0x5FFFF  }
0xb2: {  	[dreg:$0x1] =	wrdreg $0xFFFFFFFF  }
0xb3: {  	[dreg:$0x0] =	wrdreg $0x60  }
0xb4: {  	[dreg:$0x2] =	wrdreg s16  }
0xb5: {  	[dreg:$0x3] =	wrdreg s24  }
0xb6: {  	[dreg:$0x4] =	wrdreg s17  }
0xb7: {  	[dreg:$0x5] =	wrdreg $0x75400  }
0xb8: {  	[dreg:$0x6] =	wrdreg $0x9  }
0xb9: {  	_ =	task.clear_ibuf [dreg:s8], $0x7FFFF;
	_ =	strace $0x90000046  }
0xba: {  	s29 =	simm.s32 $0x9;
	_ =	strace $0x80000048  }
0xbb: {  	_ =	swait.ge [sflag:s29], $0x1  }
0xbc: {  	[sflag:s29] =	ssyncadd.s32 $0xFFFFFFFF  }
0xbd: {  	_ =	strace $0x90000048  }
0xbe: {  	_ =	sfence  }
0xbf: {  	s30 =	sld [smem:$0x0];
	_ =	sdelay $0x2  }
0xc0: {  	s31 =	sshll.u32 s1, $0xD;
	s1 =	sshrl.u32 s1, $0x2  }
0xc1: {  	s3 =	sand.u32 $0x4000, s31;
	s1 =	sadd.s32 s1, s30  }
0xc2: {  	s0 =	sor.u32 s3, s0;
	s1 =	sshll.u32 s1, $0x11  }
0xc3: {  	s0 =	sor.u32 s1, s0  }
0xc4: {  	s0 =	sadd.s32 $0x8F2B, s0  }
0xc5: {  	[sflag:s0] =	ssyncadd.remote.s32 $0x1  }
0xc6: {  	_ =	sfence.sel $0xFFFF  }
0xc7: {  	[dreg:$0x0] =	wrdreg $0xFFFFFFFF;
	(pc) =	sbr.abs _section_cstart, $3  }
0xc8: {  	[dreg:$0x1] =	wrdreg $0xFFFFFFFF  }
0xc9: {  	_ =	task.clear_ibuf [dreg:s8], $0x2FFFF;
	_ =	strace $0x9FFFFFFF  }
0xca: {  	(tm) =	ssettm $0x7FFFFFFF  }
0xcb: {  	_ =	shalt  }
tec
execute0_lowered:
.L_overlay_start_1:
0x0: {  	(tag) =	ssettag $0x1  }
0x1: {  	s1 =	rddreg [dreg:$0x0]  }
0x2: {  	s0 =	rddreg [dreg:$0x1]  }
0x3: {  	s4 =	rddreg [dreg:$0x2]  }
0x4: {  	s2 =	rddreg [dreg:$0x3];
	s3 =	simm.s32 $0x0  }
0x5: {  	s7 =	srdreg.scid;
	s18 =	stileid.u32;
	s21 =	simm.s32 $0x2A0  }
0x6: {  	s28 =	simm.s32 $0x230;
	s29 =	simm.s32 $0x2140;
	s30 =	simm.s32 $0xE0  }
0x7: {  	s31 =	simm.s32 $0x3D40;
	[smem:$0x7FF] =	sst s3;
	s9 =	smul.u32 $0x61C00, s18  }
0x8: {  	s5 =	sadd.s32 $0x17A00, s0;
	s6 =	sadd.s32 $0x4000, s0;
	s12 =	smul.u32 $0x1880, s18  }
0x9: {  	s7 =	sand.u32 $0x1, s7;
	s8 =	sadd.s32 $0x30200, s0;
	s14 =	smul.u32 $0x1C0, s18  }
0xa: {  	s0 =	sadd.s32 $0x33400, s0;
	s25 =	sshll.u32 s18, $0x6;
	s15 =	smul.u32 $0x620, s18  }
0xb: {  	s16 =	sshll.u32 s18, $0x7;
	s26 =	smul.u32 $0x62000, s18;
	p0 =	seq.s32 s18, $0xF  }
0xc: {  	_ =	strace $0x80000047;
	[dreg:$0xa] =	wrdreg s8;
	s13 =	smul.u32 $0x61A8, s7  }
0xd: {  	s22 =	ssub.s32 $0x2, s7;
	[dreg:$0xb] =	wrdreg s0;
	s7 =	smul.u32 $0x186A00, s7  }
0xe: {  	[dreg:$0x5] =	wrdreg s21;
	s21 =	simm.s32 $0x1C0;
	s23 =	sshrl.u32 s22, $0x1  }
0xf: {  	s24 =	sshrl.u32 s9, $0x2;
	s9 =	sor.u32 $0x1C04, s25;
	s10 =	sadd.s32 s1, s12  }
0x10: {  	s11 =	sadd.s32 s5, s12;
	s12 =	sor.u32 $0xE, s12;
	s20 =	sshrl.u32 s26, $0x2  }
0x11: {  	s25 =	simm.s32 $0x3F0;
	s26 =	simm.s32 $0x460;
	s0 =	ssub.s32 s22, s23  }
0x12: {  	s8 =	sadd.s32 s24, s2;
	s17 =	sadd.s32 s1, s12;
	[dreg:$0x8] =	wrdreg s25  }
0x13: {  	s12 =	sadd.s32 s5, s12;
	s19 =	sadd.s32 s15, s13;
	[dreg:$0x9] =	wrdreg s26  }
0x14: {  	s7 =	sshrl.u32 s7, $0x3;
	s22 =	sor.u32 $0x5, s14;
	[dreg:$0xc] =	wrdreg s17  }
0x15: {  	s23 =	simm.s32 $0x310;
	s24 =	simm.s32 $0x380;
	[dreg:$0xd] =	wrdreg s12  }
0x16: {  	s25 =	simm.s32 $0x70;
	s26 =	simm.s32 $0x540;
	[dreg:$0x11] =	wrdreg s22  }
0x17: {  	s12 =	sshll.u32 s19, $0x3;
	s7 =	sadd.s32 s4, s7;
	[dreg:$0x6] =	wrdreg s23  }
0x18: {  	s0 =	smax.u32 s0, $0x1;
	s8 =	sshrl.u32 s8, $0x3;
	[dreg:$0x7] =	wrdreg s24  }
0x19: {  	s19 =	simm.s32 $0x4;
	s24 =	simm.s32 $0x1;
	[dreg:$0x10] =	wrdreg s0  }
0x1a: {  	s4 =	sadd.s32 s4, s12;
	s7 =	sadd.s32 $0x2DF00, s7;
	[dreg:$0x12] =	wrdreg s8  }
0x1b: {  	s8 =	simm.s32 $0x0;
	[dreg:$0xe] =	wrdreg s4;
	s4 =	sadd.s32 s20, s2  }
0x1c: {  	[dreg:$0xf] =	wrdreg s7;
	s7 =	sadd.s32 $0x16F800, s2;
	s20 =	simm.s32 $0x5940  }
0x1d: {  	s0 =	sshrl.u32 @p0 s7, $0x3;
	s23 =	sshrl.u32 @!p0 s4, $0x3;
	s4 =	simm.s32 $0x2  }
0x1e: {  	v1 =	vmov s16;
	v0 =	vmov s13;
	s7 =	simm.s32 $0x3;
	[dreg:$0x13] =	wrdreg s0;
	s0 =	simm.s32 $0x150  }
.LBB2_1:
0x1f: {  	s12 =	rddreg [dreg:$0xa]  }
0x20: {  	s13 =	rddreg [dreg:$0x12]  }
0x21: {  	[spmem:s13], [sflag:s9] =	dma.local [hbm:s12], $0x30E0  }
0x22: {  	_ =	swait.ge [sflag:s19], $0x30E0  }
0x23: {  	[sflag:s19] =	ssyncset.done $0x0  }
0x24: {  	s17 =	simm.s32 $0x1FC40;
	s16 =	rddreg [dreg:$0xb];
	[sflag:s19] =	ssyncadd.s32 $0xFFFFCF20  }
0x25: {  	[tilespmem:s17], [sflag:$0x4] =	stream.linear.gather [hbm4b:s16+s3], $0x80, $0x38;
	[tilespmem:$0x1FCC0] =	vst v63  }
0x26: {  	_ =	swait.ge [sflag:s19], $0x80  }
0x27: {  	[sflag:s19] =	ssyncset.done $0x0  }
0x28: {  	[sflag:s19] =	ssyncadd.s32 $0xFFFFFF80  }
0x29: {  	[bflag:$0x0] =	sbarrier.arrive $0xFFFF  }
0x2a: {  	[tilespmem:s3], [sflag:$0x1] =	stream.linear.gather [hbm4b:s10+s3], $0x70, $0x38;
	[tilespmem:$0x1FCC0] =	vst v63  }
0x2b: {  	_ = 	snop  }
0x2c: {  	[tilespmem:s21], [sflag:$0x1] =	stream.linear.gather [hbm4b:s11+s3], $0x70, $0x38;
	[tilespmem:$0x1FCC0] =	vst v63  }
0x2d: {  	_ =	swait.ge [sflag:s24], $0x70  }
0x2e: {  	[sflag:s24] =	ssyncset.done $0x0  }
0x2f: {  	[sflag:s24] =	ssyncadd.s32 $0xFFFFFF90  }
0x30: {  	_ =	swait.ge [sflag:s24], $0x70  }
0x31: {  	[sflag:s24] =	ssyncset.done $0x0  }
0x32: {  	[sflag:s24] =	ssyncadd.s32 $0xFFFFFF90  }
0x33: {  	v2 =	vld [tilespmem:$0x1C0]  }
0x34: {  	v3 =	vld [tilespmem:$0x0]  }
0x35: {  	v4 =	vld [tilespmem:$0x1FC40]  }
0x36: {  	v5 =	vld [tilespmem:$0x1D0]  }
0x37: {  	v7 =	vld [tilespmem:$0x1FC50]  }
0x38: {  	v8 =	vld [tilespmem:$0x1E0]  }
0x39: {  	v6 =	vld [tilespmem:$0x10]  }
0x3a: {  	v41 =	vld [tilespmem:$0x1F0]  }
0x3b: {  	v11 =	vld [tilespmem:$0x1FC60];
	v9 =	vsub.s32 v2, v0  }
0x3c: {  	v14 =	vld [tilespmem:$0x200];
	v2 =	vand.u32 $0xF, v2;
	v4 =	vadd.s32 v1, v4;
	v12 =	vsub.s32 v5, v0  }
0x3d: {  	v10 =	vld [tilespmem:$0x20];
	v5 =	vand.u32 $0xF, v5;
	v7 =	vadd.s32 v1, v7;
	v44 =	vsub.s32 v8, v0  }
0x3e: {  	v49 =	vld [tilespmem:$0x210];
	v45 =	vand.u32 $0xF, v8;
	vm0 =	vlt.u32 v9, $0x61A8;
	v2 =	vadd.s32 $0x61A8, v2  }
0x3f: {  	v13 =	vld [tilespmem:$0x30];
	v47 =	vsub.s32 v41, v0;
	v48 =	vand.u32 $0xF, v41;
	v2 =	vsel vm0, v9, v2  }
0x40: {  	v43 =	vld [tilespmem:$0x1FC70];
	vm11 =	vlt.u32 v12, $0x61A8;
	v42 =	vadd.s32 $0x61A8, v5;
	v3 =	vsel vm0, v3, v4;
	[tilespmem:$0x380] =	vst v2  }
0x41: {  	v51 =	vld [tilespmem:$0x1FC80];
	v50 =	vadd.s32 v1, v11;
	v53 =	vsub.s32 v14, v0;
	v4 =	vsel vm11, v12, v42;
	[tilespmem:$0x0] =	vst v3  }
0x42: {  	v55 =	vld [tilespmem:$0x220];
	v54 =	vand.u32 $0xF, v14;
	vm12 =	vlt.u32 v44, $0x61A8;
	v2 =	vsel vm11, v6, v7;
	[tilespmem:$0x390] =	vst v4  }
0x43: {  	v46 =	vld [tilespmem:$0x40];
	v58 =	vsub.s32 v49, v0;
	v3 =	vadd.s32 $0x61A8, v45;
	v4 =	vsel vm12, v10, v50;
	[tilespmem:$0x10] =	vst v2  }
0x44: {  	v52 =	vld [tilespmem:$0x1FC90];
	vm1 =	vlt.u32 v47, $0x61A8;
	v8 =	vadd.s32 $0x61A8, v48;
	v3 =	vsel vm12, v44, v3;
	[tilespmem:$0x20] =	vst v4  }
0x45: {  	v57 =	vld [tilespmem:$0x50];
	v59 =	vand.u32 $0xF, v49;
	v2 =	vsel vm1, v47, v8;
	[tilespmem:$0x3A0] =	vst v3;
	v3 =	vadd.s32 v1, v43  }
0x46: {  	v60 =	vld [tilespmem:$0x1FCA0];
	vm13 =	vlt.u32 v53, $0x61A8;
	v56 =	vadd.s32 $0x61A8, v54;
	[tilespmem:$0x3B0] =	vst v2;
	v3 =	vsel vm1, v13, v3  }
0x47: {  	v61 =	vld [tilespmem:$0x60];
	v62 =	vsub.s32 v55, v0;
	v2 =	vsel vm13, v53, v56;
	[tilespmem:$0x30] =	vst v3;
	v3 =	vadd.s32 v1, v51  }
0x48: {  	vm14 =	vlt.u32 v58, $0x61A8;
	v5 =	vadd.s32 $0x61A8, v59;
	[tilespmem:$0x3C0] =	vst v2;
	v3 =	vsel vm13, v46, v3  }
0x49: {  	v63 =	vand.u32 $0xF, v55;
	v2 =	vsel vm14, v58, v5;
	[tilespmem:$0x40] =	vst v3;
	v3 =	vadd.s32 v1, v52  }
0x4a: {  	vm15 =	vlt.u32 v62, $0x61A8;
	[tilespmem:$0x3D0] =	vst v2;
	v2 =	vsel vm14, v57, v3;
	v3 =	vadd.s32 $0x61A8, v63  }
0x4b: {  	[tilespmem:$0x50] =	vst v2;
	v2 =	vsel vm15, v62, v3;
	v3 =	vadd.s32 v1, v60  }
0x4c: {  	[tilespmem:$0x3E0] =	vst v2;
	v2 =	vsel vm15, v61, v3  }
0x4d: {  	s18 =	rddreg [dreg:$0xc];
	[tilespmem:$0x60] =	vst v2  }
0x4e: {  	[tilespmem:s26], [sflag:$0x2] =	stream.indirect.gather [hbm4b:s6+s25], $0x40, s3, s25, $0xb8;
	[tilespmem:$0x1FCC0] =	vst v63  }
0x4f: {  	s22 =	rddreg [dreg:$0xd]  }
0x50: {  	[tilespmem:s25], [sflag:$0x1] =	stream.linear.gather [hbm4b:s18+s3], $0x70, $0x38;
	[tilespmem:$0x1FCC0] =	vst v63  }
0x51: {  	s13 =	simm.s32 $0x0;
	s17 =	rddreg [dreg:$0x11]  }
0x52: {  	[tilespmem:s28], [sflag:$0x1] =	stream.linear.gather [hbm4b:s22+s3], $0x70, $0x38;
	[tilespmem:$0x1FCC0] =	vst v63  }
.LBB2_2:
0x53: {  	p1 =	seq.s32 s13, $0x0  }
0x54: {  	s14 =	simm.s32 @!p1 $0x3  }
0x55: {  	_ =	swait.ge @!p1 [sflag:s14], $0x380  }
0x56: {  	[sflag:s14] =	ssyncset.done @!p1 $0x0  }
0x57: {  	[sflag:s14] =	ssyncadd.s32 @!p1 $0xFFFFFC80  }
0x58: {  	_ =	swait.ge [sflag:s24], $0x70  }
0x59: {  	[sflag:s24] =	ssyncset.done $0x0  }
0x5a: {  	[sflag:s24] =	ssyncadd.s32 $0xFFFFFF90  }
0x5b: {  	_ =	swait.ge [sflag:s24], $0x70  }
0x5c: {  	[sflag:s24] =	ssyncset.done $0x0  }
0x5d: {  	[sflag:s24] =	ssyncadd.s32 $0xFFFFFF90  }
0x5e: {  	v2 =	vld [tilespmem:$0x230]  }
0x5f: {  	v3 =	vld [tilespmem:$0x70]  }
0x60: {  	v4 =	vld [tilespmem:$0x1FC40]  }
0x61: {  	v5 =	vld [tilespmem:$0x240]  }
0x62: {  	v7 =	vld [tilespmem:$0x1FC50]  }
0x63: {  	v8 =	vld [tilespmem:$0x250]  }
0x64: {  	v6 =	vld [tilespmem:$0x80]  }
0x65: {  	v36 =	vld [tilespmem:$0x260]  }
0x66: {  	v10 =	vld [tilespmem:$0x90];
	v9 =	vsub.s32 v2, v0  }
0x67: {  	v11 =	vld [tilespmem:$0x1FC60];
	v2 =	vand.u32 $0xF, v2;
	v4 =	vadd.s32 v1, v4;
	v12 =	vsub.s32 v5, v0  }
0x68: {  	v14 =	vld [tilespmem:$0x270];
	v5 =	vand.u32 $0xF, v5;
	v7 =	vadd.s32 v1, v7;
	v39 =	vsub.s32 v8, v0  }
0x69: {  	v13 =	vld [tilespmem:$0xA0];
	v40 =	vand.u32 $0xF, v8;
	vm0 =	vlt.u32 v9, $0x61A8;
	v2 =	vadd.s32 $0x61A8, v2  }
0x6a: {  	v44 =	vld [tilespmem:$0x280];
	v42 =	vsub.s32 v36, v0;
	v43 =	vand.u32 $0xF, v36;
	v2 =	vsel vm0, v9, v2  }
0x6b: {  	v38 =	vld [tilespmem:$0x1FC70];
	vm14 =	vlt.u32 v12, $0x61A8;
	v37 =	vadd.s32 $0x61A8, v5;
	v3 =	vsel vm0, v3, v4;
	[tilespmem:$0x3F0] =	vst v2  }
0x6c: {  	v46 =	vld [tilespmem:$0x1FC80];
	vm1 =	vlt.u32 v42, $0x61A8;
	v8 =	vadd.s32 $0x61A8, v43;
	v4 =	vsel vm14, v12, v37;
	[tilespmem:$0x70] =	vst v3  }
0x6d: {  	v51 =	vld [tilespmem:$0x290];
	v45 =	vadd.s32 v1, v11;
	v49 =	vsub.s32 v14, v0;
	v47 =	vsel vm1, v42, v8;
	[tilespmem:$0x400] =	vst v4  }
0x6e: {  	v41 =	vld [tilespmem:$0xB0];
	vm15 =	vlt.u32 v39, $0x61A8;
	v2 =	vsel vm14, v6, v7;
	v3 =	vadd.s32 $0x61A8, v40;
	[tilespmem:$0x420] =	vst v47  }
0x6f: {  	v48 =	vld [tilespmem:$0x1FC90];
	v50 =	vand.u32 $0xF, v14;
	v53 =	vsub.s32 v44, v0;
	[tilespmem:$0x80] =	vst v2;
	v2 =	vsel vm15, v39, v3  }
0x70: {  	v52 =	vld [tilespmem:$0xC0];
	v54 =	vand.u32 $0xF, v44;
	v3 =	vsel vm15, v10, v45;
	[tilespmem:$0x410] =	vst v2;
	v2 =	vadd.s32 v1, v38  }
0x71: {  	v55 =	vld [tilespmem:$0x1FCA0];
	vm4 =	vlt.u32 v49, $0x61A8;
	[tilespmem:$0x90] =	vst v3;
	v3 =	vadd.s32 $0x61A8, v50;
	v2 =	vsel vm1, v13, v2  }
0x72: {  	v56 =	vld [tilespmem:$0xD0];
	v57 =	vsub.s32 v51, v0;
	v3 =	vsel vm4, v49, v3;
	[tilespmem:$0xA0] =	vst v2;
	v2 =	vadd.s32 v1, v46  }
0x73: {  	vm5 =	vlt.u32 v53, $0x61A8;
	v5 =	vadd.s32 $0x61A8, v54;
	[tilespmem:$0x430] =	vst v3;
	v2 =	vsel vm4, v41, v2  }
0x74: {  	v58 =	vand.u32 $0xF, v51;
	v3 =	vsel vm5, v53, v5;
	[tilespmem:$0xB0] =	vst v2;
	v2 =	vadd.s32 v1, v48  }
0x75: {  	vm6 =	vlt.u32 v57, $0x61A8;
	[tilespmem:$0x440] =	vst v3;
	v3 =	vadd.s32 $0x61A8, v58;
	v2 =	vsel vm5, v52, v2  }
0x76: {  	[tilespmem:$0xC0] =	vst v2;
	v2 =	vsel vm6, v57, v3;
	v3 =	vadd.s32 v1, v55  }
0x77: {  	[tilespmem:$0x450] =	vst v2;
	v2 =	vsel vm6, v56, v3  }
0x78: {  	s15 =	sadd.s32 s13, s10;
	[tilespmem:$0xD0] =	vst v2  }
0x79: {  	[tilespmem:s29], [sflag:$0x2] =	stream.indirect.gather [hbm4b:s6+s25], $0x40, s25, s25, $0xb8;
	[tilespmem:$0x1FCC0] =	vst v63  }
0x7a: {  	s16 =	sadd.s32 $0x1C, s15  }
0x7b: {  	[tilespmem:s30], [sflag:$0x1] =	stream.linear.gather [hbm4b:s16+s3], $0x70, $0x38;
	[tilespmem:$0x1FCC0] =	vst v63  }
0x7c: {  	s16 =	sadd.s32 s13, s11  }
0x7d: {  	s18 =	rddreg [dreg:$0x5];
	s12 =	sadd.s32 $0x1C, s16  }
0x7e: {  	[tilespmem:s18], [sflag:$0x1] =	stream.linear.gather [hbm4b:s12+s3], $0x70, $0x38;
	[tilespmem:$0x1FCC0] =	vst v63  }
0x7f: {  	s12 =	simm.s32 @!p1 $0x2  }
0x80: {  	_ =	swait.ge @!p1 [sflag:s12], $0x1C00  }
0x81: {  	s22 =	simm.s32 @!p1 $0x5940;
	[sflag:s12] =	ssyncset.done @!p1 $0x0  }
0x82: {  	s18 =	simm.s32 @!p1 $0x4D0;
	[sflag:s12] =	ssyncadd.s32 @!p1 $0xFFFFE400;
	s12 =	simm.s32 @!p1 $0x70  }
0x83: {  	[spmem:s2] =	stream.indirect.scatter.add.f32 @!p1 [tilespmem:s22], [sflag:$0x3], $0x40, s18, s12, $0xb8;
	[tilespmem:$0x1FCC0] =	vst v63  }
0x84: {  	_ =	swait.ge @!p1 [sflag:s14], $0x380  }
0x85: {  	[sflag:s14] =	ssyncset.done @!p1 $0x0  }
0x86: {  	[sflag:s14] =	ssyncadd.s32 @!p1 $0xFFFFFC80  }
0x87: {  	_ =	swait.ge [sflag:s24], $0x70  }
0x88: {  	[sflag:s24] =	ssyncset.done $0x0  }
0x89: {  	[sflag:s24] =	ssyncadd.s32 $0xFFFFFF90  }
0x8a: {  	_ =	swait.ge [sflag:s24], $0x70  }
0x8b: {  	[sflag:s24] =	ssyncset.done $0x0  }
0x8c: {  	[sflag:s24] =	ssyncadd.s32 $0xFFFFFF90  }
0x8d: {  	v2 =	vld [tilespmem:$0x2A0]  }
0x8e: {  	v3 =	vld [tilespmem:$0xE0]  }
0x8f: {  	v59 =	vld [tilespmem:$0x1FC40]  }
0x90: {  	v60 =	vld [tilespmem:$0x2B0]  }
0x91: {  	v62 =	vld [tilespmem:$0x1FC50]  }
0x92: {  	v63 =	vld [tilespmem:$0x2C0]  }
0x93: {  	v61 =	vld [tilespmem:$0xF0]  }
0x94: {  	v19 =	vld [tilespmem:$0x2D0]  }
0x95: {  	v17 =	vld [tilespmem:$0x100];
	v16 =	vsub.s32 v2, v0  }
0x96: {  	v18 =	vld [tilespmem:$0x1FC60];
	v2 =	vand.u32 $0xF, v2;
	v4 =	vadd.s32 v1, v59;
	v20 =	vsub.s32 v60, v0  }
0x97: {  	v25 =	vld [tilespmem:$0x2E0];
	v5 =	vand.u32 $0xF, v60;
	v7 =	vadd.s32 v1, v62;
	v24 =	vsub.s32 v63, v0  }
0x98: {  	v21 =	vld [tilespmem:$0x110];
	v26 =	vand.u32 $0xF, v63;
	vm7 =	vlt.u32 v16, $0x61A8;
	v2 =	vadd.s32 $0x61A8, v2  }
0x99: {  	v30 =	vld [tilespmem:$0x2F0];
	v28 =	vsub.s32 v19, v0;
	v29 =	vand.u32 $0xF, v19;
	v2 =	vsel vm7, v16, v2  }
0x9a: {  	v23 =	vld [tilespmem:$0x1FC70];
	vm8 =	vlt.u32 v20, $0x61A8;
	v22 =	vadd.s32 $0x61A8, v5;
	v3 =	vsel vm7, v3, v4;
	[tilespmem:$0x460] =	vst v2  }
0x9b: {  	v32 =	vld [tilespmem:$0x1FC80];
	vm10 =	vlt.u32 v28, $0x61A8;
	v8 =	vadd.s32 $0x61A8, v29;
	v4 =	vsel vm8, v20, v22;
	[tilespmem:$0xE0] =	vst v3  }
0x9c: {  	v37 =	vld [tilespmem:$0x300];
	v31 =	vadd.s32 v1, v18;
	v35 =	vsub.s32 v25, v0;
	v33 =	vsel vm10, v28, v8;
	[tilespmem:$0x470] =	vst v4  }
0x9d: {  	v27 =	vld [tilespmem:$0x120];
	vm9 =	vlt.u32 v24, $0x61A8;
	v2 =	vsel vm8, v61, v7;
	v3 =	vadd.s32 $0x61A8, v26;
	[tilespmem:$0x490] =	vst v33  }
0x9e: {  	v34 =	vld [tilespmem:$0x1FC90];
	v36 =	vand.u32 $0xF, v25;
	v39 =	vsub.s32 v30, v0;
	[tilespmem:$0xF0] =	vst v2;
	v2 =	vsel vm9, v24, v3  }
0x9f: {  	v38 =	vld [tilespmem:$0x130];
	v40 =	vand.u32 $0xF, v30;
	v3 =	vsel vm9, v17, v31;
	[tilespmem:$0x480] =	vst v2;
	v2 =	vadd.s32 v1, v23  }
0xa0: {  	v41 =	vld [tilespmem:$0x1FCA0];
	vm11 =	vlt.u32 v35, $0x61A8;
	[tilespmem:$0x100] =	vst v3;
	v3 =	vadd.s32 $0x61A8, v36;
	v2 =	vsel vm10, v21, v2  }
0xa1: {  	v42 =	vld [tilespmem:$0x140];
	v43 =	vsub.s32 v37, v0;
	v3 =	vsel vm11, v35, v3;
	[tilespmem:$0x110] =	vst v2;
	v2 =	vadd.s32 v1, v32  }
0xa2: {  	vm12 =	vlt.u32 v39, $0x61A8;
	v5 =	vadd.s32 $0x61A8, v40;
	[tilespmem:$0x4A0] =	vst v3;
	v2 =	vsel vm11, v27, v2  }
0xa3: {  	v44 =	vand.u32 $0xF, v37;
	v3 =	vsel vm12, v39, v5;
	[tilespmem:$0x120] =	vst v2;
	v2 =	vadd.s32 v1, v34  }
0xa4: {  	vm13 =	vlt.u32 v43, $0x61A8;
	[tilespmem:$0x4B0] =	vst v3;
	v3 =	vadd.s32 $0x61A8, v44;
	v2 =	vsel vm12, v38, v2  }
0xa5: {  	[tilespmem:$0x130] =	vst v2;
	v2 =	vsel vm13, v43, v3;
	v3 =	vadd.s32 v1, v41  }
0xa6: {  	[tilespmem:$0x4C0] =	vst v2;
	v2 =	vsel vm13, v42, v3  }
0xa7: {  	[tilespmem:$0x140] =	vst v2  }
0xa8: {  	[tilespmem:s31], [sflag:$0x2] =	stream.indirect.gather [hbm4b:s6+s25], $0x40, s30, s25, $0xb8;
	[tilespmem:$0x1FCC0] =	vst v63  }
0xa9: {  	s18 =	sadd.s32 $0x2A, s15  }
0xaa: {  	[tilespmem:s0], [sflag:$0x1] =	stream.linear.gather [hbm4b:s18+s3], $0x70, $0x38;
	[tilespmem:$0x1FCC0] =	vst v63  }
0xab: {  	s22 =	rddreg [dreg:$0x6];
	s18 =	sadd.s32 $0x2A, s16  }
0xac: {  	[tilespmem:s22], [sflag:$0x1] =	stream.linear.gather [hbm4b:s18+s3], $0x70, $0x38;
	[tilespmem:$0x1FCC0] =	vst v63  }
0xad: {  	_ =	swait.ge [sflag:s4], $0x1C00  }
0xae: {  	[sflag:s4] =	ssyncset.done $0x0  }
0xaf: {  	s22 =	rddreg [dreg:$0x7];
	[sflag:s4] =	ssyncadd.s32 $0xFFFFE400  }
0xb0: {  	[spmem:s2] =	stream.indirect.scatter.add.f32 [tilespmem:s26], [sflag:$0x3], $0x40, s22, s25, $0xb8;
	[tilespmem:$0x1FCC0] =	vst v63  }
0xb1: {  	_ =	swait.ge @!p1 [sflag:s14], $0x380  }
0xb2: {  	[sflag:s14] =	ssyncset.done @!p1 $0x0  }
0xb3: {  	[sflag:s14] =	ssyncadd.s32 @!p1 $0xFFFFFC80  }
0xb4: {  	_ =	swait.ge [sflag:s24], $0x70  }
0xb5: {  	[sflag:s24] =	ssyncset.done $0x0  }
0xb6: {  	[sflag:s24] =	ssyncadd.s32 $0xFFFFFF90  }
0xb7: {  	_ =	swait.ge [sflag:s24], $0x70  }
0xb8: {  	[sflag:s24] =	ssyncset.done $0x0  }
0xb9: {  	[sflag:s24] =	ssyncadd.s32 $0xFFFFFF90  }
0xba: {  	v2 =	vld [tilespmem:$0x310]  }
0xbb: {  	v3 =	vld [tilespmem:$0x150]  }
0xbc: {  	v45 =	vld [tilespmem:$0x1FC40]  }
0xbd: {  	v46 =	vld [tilespmem:$0x320]  }
0xbe: {  	v48 =	vld [tilespmem:$0x1FC50]  }
0xbf: {  	v49 =	vld [tilespmem:$0x330]  }
0xc0: {  	v47 =	vld [tilespmem:$0x160]  }
0xc1: {  	v53 =	vld [tilespmem:$0x340]  }
0xc2: {  	v51 =	vld [tilespmem:$0x170];
	v50 =	vsub.s32 v2, v0  }
0xc3: {  	v52 =	vld [tilespmem:$0x1FC60];
	v2 =	vand.u32 $0xF, v2;
	v4 =	vadd.s32 v1, v45;
	v54 =	vsub.s32 v46, v0  }
0xc4: {  	v59 =	vld [tilespmem:$0x350];
	v5 =	vand.u32 $0xF, v46;
	v7 =	vadd.s32 v1, v48;
	v58 =	vsub.s32 v49, v0  }
0xc5: {  	v55 =	vld [tilespmem:$0x180];
	v60 =	vand.u32 $0xF, v49;
	vm14 =	vlt.u32 v50, $0x61A8;
	v2 =	vadd.s32 $0x61A8, v2  }
0xc6: {  	v15 =	vld [tilespmem:$0x360];
	v62 =	vsub.s32 v53, v0;
	v63 =	vand.u32 $0xF, v53;
	v2 =	vsel vm14, v50, v2  }
0xc7: {  	v57 =	vld [tilespmem:$0x1FC70];
	vm15 =	vlt.u32 v54, $0x61A8;
	v56 =	vadd.s32 $0x61A8, v5;
	v3 =	vsel vm14, v3, v4;
	[tilespmem:$0x4D0] =	vst v2  }
0xc8: {  	v17 =	vld [tilespmem:$0x1FC80];
	vm5 =	vlt.u32 v62, $0x61A8;
	v8 =	vadd.s32 $0x61A8, v63;
	v4 =	vsel vm15, v54, v56;
	[tilespmem:$0x150] =	vst v3  }
0xc9: {  	v22 =	vld [tilespmem:$0x370];
	v16 =	vadd.s32 v1, v52;
	v20 =	vsub.s32 v59, v0;
	v18 =	vsel vm5, v62, v8;
	[tilespmem:$0x4E0] =	vst v4  }
0xca: {  	v61 =	vld [tilespmem:$0x190];
	vm4 =	vlt.u32 v58, $0x61A8;
	v2 =	vsel vm15, v47, v7;
	v3 =	vadd.s32 $0x61A8, v60;
	[tilespmem:$0x500] =	vst v18  }
0xcb: {  	v19 =	vld [tilespmem:$0x1FC90];
	v21 =	vand.u32 $0xF, v59;
	v24 =	vsub.s32 v15, v0;
	[tilespmem:$0x160] =	vst v2;
	v2 =	vsel vm4, v58, v3  }
0xcc: {  	v23 =	vld [tilespmem:$0x1A0];
	v25 =	vand.u32 $0xF, v15;
	v3 =	vsel vm4, v51, v16;
	[tilespmem:$0x4F0] =	vst v2;
	v2 =	vadd.s32 v1, v57  }
0xcd: {  	v26 =	vld [tilespmem:$0x1FCA0];
	vm6 =	vlt.u32 v20, $0x61A8;
	[tilespmem:$0x170] =	vst v3;
	v3 =	vadd.s32 $0x61A8, v21;
	v2 =	vsel vm5, v55, v2  }
0xce: {  	v27 =	vld [tilespmem:$0x1B0];
	v28 =	vsub.s32 v22, v0;
	v3 =	vsel vm6, v20, v3;
	[tilespmem:$0x180] =	vst v2;
	v2 =	vadd.s32 v1, v17  }
0xcf: {  	vm7 =	vlt.u32 v24, $0x61A8;
	v5 =	vadd.s32 $0x61A8, v25;
	[tilespmem:$0x510] =	vst v3;
	v2 =	vsel vm6, v61, v2  }
0xd0: {  	v29 =	vand.u32 $0xF, v22;
	v3 =	vsel vm7, v24, v5;
	[tilespmem:$0x190] =	vst v2;
	v2 =	vadd.s32 v1, v19  }
0xd1: {  	s12 =	sadd.s32 $0xFFFFFFFF, s17;
	vm8 =	vlt.u32 v28, $0x61A8;
	[tilespmem:$0x520] =	vst v3;
	v3 =	vadd.s32 $0x61A8, v29;
	v2 =	vsel vm7, v23, v2  }
0xd2: {  	p1 =	slt.s32 s12, $0x1BFF;
	[tilespmem:$0x1A0] =	vst v2;
	v2 =	vsel vm8, v28, v3;
	v3 =	vadd.s32 v1, v26  }
0xd3: {  	s12 =	simm.s32 @!p1 $0x1BFF;
	[tilespmem:$0x530] =	vst v2;
	v2 =	vsel vm8, v27, v3  }
0xd4: {  	s12 =	smul.u32 $0xE, s12;
	[tilespmem:$0x1B0] =	vst v2  }
0xd5: {  	[tilespmem:s20], [sflag:$0x2] =	stream.indirect.gather [hbm4b:s6+s25], $0x40, s0, s25, $0xb8;
	[tilespmem:$0x1FCC0] =	vst v63  }
0xd6: {  	s15 =	sadd.s32 s1, s12  }
0xd7: {  	[tilespmem:s3], [sflag:$0x1] =	stream.linear.gather [hbm4b:s15+s3], $0x70, $0x38;
	[tilespmem:$0x1FCC0] =	vst v63  }
0xd8: {  	s12 =	sadd.s32 s5, s12  }
0xd9: {  	[tilespmem:s21], [sflag:$0x1] =	stream.linear.gather [hbm4b:s12+s3], $0x70, $0x38;
	[tilespmem:$0x1FCC0] =	vst v63  }
0xda: {  	_ =	swait.ge [sflag:s4], $0x1C00  }
0xdb: {  	[sflag:s4] =	ssyncset.done $0x0  }
0xdc: {  	s16 =	rddreg [dreg:$0x8];
	[sflag:s4] =	ssyncadd.s32 $0xFFFFE400  }
0xdd: {  	[spmem:s2] =	stream.indirect.scatter.add.f32 [tilespmem:s29], [sflag:$0x3], $0x40, s16, s25, $0xb8;
	[tilespmem:$0x1FCC0] =	vst v63  }
0xde: {  	_ =	swait.ge [sflag:s7], $0x380  }
0xdf: {  	[sflag:s7] =	ssyncset.done $0x0  }
0xe0: {  	[sflag:s7] =	ssyncadd.s32 $0xFFFFFC80  }
0xe1: {  	_ =	swait.ge [sflag:s24], $0x70  }
0xe2: {  	[sflag:s24] =	ssyncset.done $0x0  }
0xe3: {  	[sflag:s24] =	ssyncadd.s32 $0xFFFFFF90  }
0xe4: {  	_ =	swait.ge [sflag:s24], $0x70  }
0xe5: {  	[sflag:s24] =	ssyncset.done $0x0  }
0xe6: {  	[sflag:s24] =	ssyncadd.s32 $0xFFFFFF90  }
0xe7: {  	v2 =	vld [tilespmem:$0x1C0]  }
0xe8: {  	v3 =	vld [tilespmem:$0x0]  }
0xe9: {  	v30 =	vld [tilespmem:$0x1FC40]  }
0xea: {  	v31 =	vld [tilespmem:$0x1D0]  }
0xeb: {  	v33 =	vld [tilespmem:$0x1FC50]  }
0xec: {  	v34 =	vld [tilespmem:$0x1E0]  }
0xed: {  	v32 =	vld [tilespmem:$0x10]  }
0xee: {  	v38 =	vld [tilespmem:$0x1F0]  }
0xef: {  	v37 =	vld [tilespmem:$0x1FC60];
	v35 =	vsub.s32 v2, v0  }
0xf0: {  	v44 =	vld [tilespmem:$0x200];
	v2 =	vand.u32 $0xF, v2;
	v4 =	vadd.s32 v1, v30;
	v39 =	vsub.s32 v31, v0  }
0xf1: {  	v36 =	vld [tilespmem:$0x20];
	v5 =	vand.u32 $0xF, v31;
	v7 =	vadd.s32 v1, v33;
	v43 =	vsub.s32 v34, v0  }
0xf2: {  	v49 =	vld [tilespmem:$0x210];
	v45 =	vand.u32 $0xF, v34;
	vm9 =	vlt.u32 v35, $0x61A8;
	v2 =	vadd.s32 $0x61A8, v2  }
0xf3: {  	v40 =	vld [tilespmem:$0x30];
	v47 =	vsub.s32 v38, v0;
	v48 =	vand.u32 $0xF, v38;
	v2 =	vsel vm9, v35, v2  }
0xf4: {  	v42 =	vld [tilespmem:$0x1FC70];
	vm10 =	vlt.u32 v39, $0x61A8;
	v41 =	vadd.s32 $0x61A8, v5;
	v3 =	vsel vm9, v3, v4;
	[tilespmem:$0x380] =	vst v2  }
0xf5: {  	v51 =	vld [tilespmem:$0x1FC80];
	v50 =	vadd.s32 v1, v37;
	v53 =	vsub.s32 v44, v0;
	v4 =	vsel vm10, v39, v41;
	[tilespmem:$0x0] =	vst v3  }
0xf6: {  	v55 =	vld [tilespmem:$0x220];
	v54 =	vand.u32 $0xF, v44;
	vm11 =	vlt.u32 v43, $0x61A8;
	v2 =	vsel vm10, v32, v7;
	[tilespmem:$0x390] =	vst v4  }
0xf7: {  	v46 =	vld [tilespmem:$0x40];
	v58 =	vsub.s32 v49, v0;
	v3 =	vadd.s32 $0x61A8, v45;
	v4 =	vsel vm11, v36, v50;
	[tilespmem:$0x10] =	vst v2  }
0xf8: {  	v52 =	vld [tilespmem:$0x1FC90];
	vm12 =	vlt.u32 v47, $0x61A8;
	v8 =	vadd.s32 $0x61A8, v48;
	v3 =	vsel vm11, v43, v3;
	[tilespmem:$0x20] =	vst v4  }
0xf9: {  	v57 =	vld [tilespmem:$0x50];
	v59 =	vand.u32 $0xF, v49;
	v2 =	vsel vm12, v47, v8;
	[tilespmem:$0x3A0] =	vst v3;
	v3 =	vadd.s32 v1, v42  }
0xfa: {  	v60 =	vld [tilespmem:$0x1FCA0];
	vm13 =	vlt.u32 v53, $0x61A8;
	v56 =	vadd.s32 $0x61A8, v54;
	[tilespmem:$0x3B0] =	vst v2;
	v3 =	vsel vm12, v40, v3  }
0xfb: {  	v61 =	vld [tilespmem:$0x60];
	v62 =	vsub.s32 v55, v0;
	v2 =	vsel vm13, v53, v56;
	[tilespmem:$0x30] =	vst v3;
	v3 =	vadd.s32 v1, v51  }
0xfc: {  	vm14 =	vlt.u32 v58, $0x61A8;
	v5 =	vadd.s32 $0x61A8, v59;
	[tilespmem:$0x3C0] =	vst v2;
	v3 =	vsel vm13, v46, v3  }
0xfd: {  	v63 =	vand.u32 $0xF, v55;
	v2 =	vsel vm14, v58, v5;
	[tilespmem:$0x40] =	vst v3;
	v3 =	vadd.s32 v1, v52  }
0xfe: {  	vm15 =	vlt.u32 v62, $0x61A8;
	[tilespmem:$0x3D0] =	vst v2;
	v2 =	vsel vm14, v57, v3;
	v3 =	vadd.s32 $0x61A8, v63  }
0xff: {  	p1 =	slt.s32 s17, $0x1BFF;
	s12 =	smov.u32 s17;
	[tilespmem:$0x50] =	vst v2;
	v2 =	vsel vm15, v62, v3;
	v3 =	vadd.s32 v1, v60  }
0x100: {  	s12 =	simm.s32 @!p1 $0x1BFF;
	[tilespmem:$0x3E0] =	vst v2;
	v2 =	vsel vm15, v61, v3  }
0x101: {  	s12 =	smul.u32 $0xE, s12;
	[tilespmem:$0x60] =	vst v2  }
0x102: {  	[tilespmem:s26], [sflag:$0x2] =	stream.indirect.gather [hbm4b:s6+s25], $0x40, s3, s25, $0xb8;
	[tilespmem:$0x1FCC0] =	vst v63  }
0x103: {  	s13 =	sadd.s32 $0x38, s13;
	s18 =	sadd.s32 s1, s12  }
0x104: {  	[tilespmem:s25], [sflag:$0x1] =	stream.linear.gather [hbm4b:s18+s3], $0x70, $0x38;
	[tilespmem:$0x1FCC0] =	vst v63  }
0x105: {  	p1 =	sne.s32 s13, $0x1880;
	s12 =	sadd.s32 s5, s12  }
0x106: {  	[tilespmem:s28], [sflag:$0x1] =	stream.linear.gather [hbm4b:s12+s3], $0x70, $0x38;
	[tilespmem:$0x1FCC0] =	vst v63  }
.Ltmp0:
0x107: {  	_ = 	snop;
	(pc) =	sbr.rel @p1 .LBB2_2-.Ltmp0, $4  }
0x108: {  	_ =	swait.ge [sflag:s4], $0x1C00  }
0x109: {  	[sflag:s4] =	ssyncset.done $0x0  }
0x10a: {  	s17 =	sadd.s32 $0x4, s17;
	s22 =	rddreg [dreg:$0x9];
	[sflag:s4] =	ssyncadd.s32 $0xFFFFE400  }
0x10b: {  	[spmem:s2] =	stream.indirect.scatter.add.f32 [tilespmem:s31], [sflag:$0x3], $0x40, s22, s25, $0xb8;
	[tilespmem:$0x1FCC0] =	vst v63  }
0x10c: {  	_ =	swait.ge [sflag:s4], $0x1C00  }
0x10d: {  	[sflag:s4] =	ssyncset.done $0x0  }
0x10e: {  	s12 =	simm.s32 $0x4D0;
	[sflag:s4] =	ssyncadd.s32 $0xFFFFE400  }
0x10f: {  	[spmem:s2] =	stream.indirect.scatter.add.f32 [tilespmem:s20], [sflag:$0x3], $0x40, s12, s25, $0xb8;
	[tilespmem:$0x1FCC0] =	vst v63  }
0x110: {  	_ =	swait.ge [sflag:s4], $0x1C00  }
0x111: {  	[sflag:s4] =	ssyncset.done $0x0  }
0x112: {  	[sflag:s4] =	ssyncadd.s32 $0xFFFFE400  }
0x113: {  	_ =	swait.ge [sflag:s7], $0x380  }
0x114: {  	[sflag:s7] =	ssyncset.done $0x0  }
0x115: {  	[sflag:s7] =	ssyncadd.s32 $0xFFFFFC80  }
0x116: {  	_ =	swait.ge [sflag:s7], $0x380  }
0x117: {  	[sflag:s7] =	ssyncset.done $0x0  }
0x118: {  	[sflag:s7] =	ssyncadd.s32 $0xFFFFFC80  }
0x119: {  	_ =	swait.ge [sflag:s7], $0x380  }
0x11a: {  	[sflag:s7] =	ssyncset.done $0x0  }
0x11b: {  	[sflag:s7] =	ssyncadd.s32 $0xFFFFFC80  }
0x11c: {  	_ =	swait.ge [sflag:s24], $0x70  }
0x11d: {  	[sflag:s24] =	ssyncset.done $0x0  }
0x11e: {  	[sflag:s24] =	ssyncadd.s32 $0xFFFFFF90  }
0x11f: {  	_ =	swait.ge [sflag:s24], $0x70  }
0x120: {  	[sflag:s24] =	ssyncset.done $0x0  }
0x121: {  	[sflag:s24] =	ssyncadd.s32 $0xFFFFFF90  }
0x122: {  	[bflag:$0x0] =	sbarrier.arrive $0xFFFF  }
0x123: {  	s12 =	rddreg [dreg:$0xf]  }
0x124: {  	s13 =	rddreg [dreg:$0x13]  }
0x125: {  	[hbm:s12], [sflag:s9] =	dma.local @p0 [spmem:s13], $0x2E40  }
0x126: {  	s12 =	simm.s32 @p0 $0x4  }
0x127: {  	_ =	swait.ge @p0 [sflag:s12], $0x2E40  }
0x128: {  	[sflag:s12] =	ssyncset.done @p0 $0x0  }
0x129: {  	[sflag:s12] =	ssyncadd.s32 @p0 $0xFFFFD1C0;
	s12 =	rddreg [dreg:$0xe]  }
0x12a: {  	[hbm:s12], [sflag:s9] =	dma.local @!p0 [spmem:s23], $0x3100  }
0x12b: {  	s12 =	simm.s32 @!p0 $0x4  }
0x12c: {  	_ =	swait.ge @!p0 [sflag:s12], $0x3100  }
0x12d: {  	s8 =	sadd.s32 $0x1, s8;
	s22 =	rddreg [dreg:$0x10]  }
0x12e: {  	p1 =	sne.s32 s8, s22  }
.Ltmp1:
0x12f: {  	_ = 	snop;
	(pc) =	sbr.rel @p1 .LBB2_1-.Ltmp1, $3  }
0x130: {  	_ =	sdelay $0x1  }
0x131: {  	[sflag:s12] =	ssyncset.done @!p0 $0x0  }
0x132: {  	[sflag:s12] =	ssyncadd.s32 @!p0 $0xFFFFCF00  }
0x133: {  	_ =	sfence.sel $0x180000  }
0x134: {  	[bflag:$0x0] =	sbarrier.arrive $0xFFFF  }
0x135: {  	_ =	strace $0x90000047  }
0x136: {  	s0 =	stileid.u32;
	[bflag:$0x2] =	sbarrier.arrive $0xFFFF  }
0x137: {  	p0 =	sne.s32 s0, $0x0;
	s0 =	rddreg [dreg:$0x4]  }
0x138: {  	s0 =	sadd.s32 @!p0 $0x100000, s0  }
0x139: {  	[sflag:s0] =	ssyncadd.tile.s32 @!p0 $0x1;
	_ =	shalt  }
.Lfunc_end2:
_tile_overlayer_lowered:
.L_overlay_start_2:
0x13a: {  	(tag) =	ssettag $0x2  }
0x13b: {  	s0 =	rddreg [dreg:$0x0];
	s2 =	stileid.u32  }
0x13c: {  	s1 =	rddreg [dreg:$0x1];
	p0 =	sne.s32 s2, $0x0  }
0x13d: {  	s3 =	rddreg [dreg:$0x2];
	[bflag:$0x3] =	sbarrier.arrive $0xFFFF;
	s2 =	simm.s32 @!p0 $0x1C04  }
0x13e: {  	[timem:s3], [sflag:s2] =	dma.local @!p0 [hbm:s0], s1  }
0x13f: {  	s0 =	simm.s32 @!p0 $0x4  }
0x140: {  	_ =	swait.ge @!p0 [sflag:s0], s1  }
0x141: {  	s1 =	ssub.s32 @!p0 $0x0, s1;
	[sflag:s0] =	ssyncset.done @!p0 $0x0  }
0x142: {  	[sflag:s0] =	ssyncadd.s32 @!p0 s1  }
0x143: {  	[bflag:$0x3] =	sbarrier.arrive $0xFFFF  }
0x144: {  	_ =	shalt  }

// kernel: kernel.9.cloned.1.call-start
scs
__scs_entry_jumppad:
0x0: {  	(pc) =	sbr.rel $0x88, $3  }
0x1: {  	(tag) =	ssettag $0x0;
	lr =	simm.s32 $0x1  }
0x2: {  	[smem:$0x3F94] =	sst lr;
	_ =	strace $0xD0000000  }
0x3: {  	_ = 	snop  }
0x4: {  	_ = 	snop  }
0x5: {  	_ = 	snop  }
0x6: {  	_ = 	snop  }
0x7: {  	_ = 	snop  }
__scs_overlays_trampoline_lowered:
0x8: {  	[smem:$0x3FA3] =	sst s0  }
0x9: {  	[smem:$0x3FA4] =	sst s1  }
0xa: {  	[smem:$0x3FA5] =	sst s2  }
0xb: {  	[smem:$0x3FA6] =	sst s3  }
0xc: {  	[smem:$0x3FA7] =	sst s4  }
0xd: {  	[smem:$0x3FA8] =	sst s5  }
0xe: {  	[smem:$0x3FA9] =	sst s6  }
0xf: {  	[smem:$0x3FAA] =	sst s7  }
0x10: {  	[smem:$0x3FAB] =	sst s8  }
0x11: {  	[smem:$0x3FAC] =	sst s9;
	s0 =	simm.s32 @!p0 $0x0  }
0x12: {  	s1 =	sld [smem:$0x3F92];
	s0 =	simm.s32 @p0 $0x1  }
0x13: {  	[smem:$0x3FAD] =	sst s0;
	s0 =	simm.s32 @!p1 $0x0  }
0x14: {  	s2 =	sld [smem:$0x3F91];
	s0 =	simm.s32 @p1 $0x1  }
0x15: {  	[smem:$0x3FAE] =	sst s0;
	s0 =	simm.s32 @!p2 $0x0  }
0x16: {  	s3 =	sld [smem:$0x3FDB];
	s0 =	simm.s32 @p2 $0x1  }
0x17: {  	s4 =	simm.s32 $0x1BF5;
	[smem:$0x3FB0] =	sst s0  }
0x18: {  	s0 =	sld [smem:$0x3F93];
	_ =	swait.ge [sflag:s4], $0x0  }
0x19: {  	s7 =	sld [smem:$0x3F94]  }
0x1a: {  	s8 =	sadd.s32 $0xFFFFE003, lr  }
0x1b: {  	s9 =	sadd.s32 $0xFFFFFEF7, lr;
	s5 =	simm.s32 $0xFFFFFFFF;
	p2 =	slt.u32 s8, $0xFFFFF086  }
0x1c: {  	p1 =	slt.u32 s9, $0xF7A;
	s5 =	simm.s32 @!p2 $0x0  }
0x1d: {  	s5 =	simm.s32 @p1 $0x1;
	p0 =	seq.s32 s7, s2  }
0x1e: {  	s7 =	smul.u32 @!p0 $0xF7A, s2;
	p2 =	seq.s32 @!p0 s5, $0x0  }
0x1f: {  	s9 =	smul.u32 $0xF7A, s1;
	s8 =	simm.s32 @!p0 $0x1BF5;
	p2 =	por !p2, p0  }
0x20: {  	[sflag:s8] =	ssyncset.s32 @!p0 $0xFFFFF086;
	s6 =	sadd.s32 @!p0 s3, s7;
	s7 =	simm.s32 @!p0 $0x108  }
0x21: {  	s3 =	sadd.s32 s3, s9;
	s6 =	sadd.s32 @!p0 $0x88, s6;
	s7 =	simm.s32 @p2 $0x1082  }
0x22: {  	[simem:s7], [sflag:s8] =	dma.local @!p0 [hbm:s6], $0xF7A  }
0x23: {  	s9 =	sor.u32 $0xD0000000, s2;
	s6 =	simm.s32 $0x108;
	_ =	swait.ge @!p0 [sflag:s8], $0x0  }
0x24: {  	s3 =	sadd.s32 $0x88, s3;
	s6 =	simm.s32 @!p1 $0x1082;
	[sflag:s4] =	ssyncset.s32 $0xFFFFF086  }
0x25: {  	[simem:s6], [sflag:s4] =	dma.local [hbm:s3], $0xF7A  }
0x26: {  	[smem:$0x3F94] =	sst s1;
	(tag) =	ssettag s2;
	_ =	strace s9  }
0x27: {  	s1 =	sld [smem:$0x3FA4]  }
0x28: {  	s2 =	sld [smem:$0x3FA5]  }
0x29: {  	s4 =	sld [smem:$0x3FA7]  }
0x2a: {  	p0 =	seq.s32 s5, $0x0;
	s5 =	sld [smem:$0x3FA8]  }
0x2b: {  	s6 =	sld [smem:$0x3FA9]  }
0x2c: {  	s7 =	sld [smem:$0x3FAA]  }
0x2d: {  	s3 =	simm.s32 $0x108;
	s8 =	sld [smem:$0x3FAB]  }
0x2e: {  	s3 =	simm.s32 @!p0 $0x1082;
	s9 =	sld [smem:$0x3FAC]  }
0x2f: {  	lr =	sadd.s32 s0, s3;
	s0 =	sld [smem:$0x3FA3]  }
0x30: {  	s3 =	sld [smem:$0x3FA6]  }
0x31: {  	[smem:$0x3FAF] =	sst s10  }
0x32: {  	s10 =	sld [smem:$0x3FAD];
	_ =	sdelay $0x3  }
0x33: {  	p0 =	seq.s32 s10, $0x1;
	s10 =	sld [smem:$0x3FAF];
	_ =	sdelay $0x3  }
0x34: {  	[smem:$0x3FAF] =	sst s10  }
0x35: {  	s10 =	sld [smem:$0x3FAE];
	_ =	sdelay $0x3  }
0x36: {  	p1 =	seq.s32 s10, $0x1;
	s10 =	sld [smem:$0x3FAF];
	_ =	sdelay $0x3  }
0x37: {  	[smem:$0x3FAF] =	sst s10  }
0x38: {  	s10 =	sld [smem:$0x3FB0]  }
0x39: {  	_ = 	snop;
	(pc) =	sbr.ind lr, $3  }
0x3a: {  	_ = 	snop  }
0x3b: {  	_ = 	snop  }
0x3c: {  	p2 =	seq.s32 s10, $0x1;
	s10 =	sld [smem:$0x3FAF]  }
0x3d: {  	_ =	shalt  }
0x3e: {  	_ =	shalt  }
0x3f: {  	_ =	shalt  }
0x40: {  	_ =	shalt  }
0x41: {  	_ =	shalt  }
0x42: {  	_ =	shalt  }
0x43: {  	_ =	shalt  }
0x44: {  	_ =	shalt  }
0x45: {  	_ =	shalt  }
0x46: {  	_ =	shalt  }
0x47: {  	_ =	shalt  }
0x48: {  	_ =	shalt  }
0x49: {  	_ =	shalt  }
0x4a: {  	_ =	shalt  }
0x4b: {  	_ =	shalt  }
0x4c: {  	_ =	shalt  }
0x4d: {  	_ =	shalt  }
0x4e: {  	_ =	shalt  }
0x4f: {  	_ =	shalt  }
0x50: {  	_ =	shalt  }
0x51: {  	_ =	shalt  }
0x52: {  	_ =	shalt  }
0x53: {  	_ =	shalt  }
0x54: {  	_ =	shalt  }
0x55: {  	_ =	shalt  }
0x56: {  	_ =	shalt  }
0x57: {  	_ =	shalt  }
0x58: {  	_ =	shalt  }
0x59: {  	_ =	shalt  }
0x5a: {  	_ =	shalt  }
0x5b: {  	_ =	shalt  }
0x5c: {  	_ =	shalt  }
0x5d: {  	_ =	shalt  }
0x5e: {  	_ =	shalt  }
0x5f: {  	_ =	shalt  }
0x60: {  	_ =	shalt  }
0x61: {  	_ =	shalt  }
0x62: {  	_ =	shalt  }
0x63: {  	_ =	shalt  }
0x64: {  	_ =	shalt  }
0x65: {  	_ =	shalt  }
0x66: {  	_ =	shalt  }
0x67: {  	_ =	shalt  }
0x68: {  	_ =	shalt  }
0x69: {  	_ =	shalt  }
0x6a: {  	_ =	shalt  }
0x6b: {  	_ =	shalt  }
0x6c: {  	_ =	shalt  }
0x6d: {  	_ =	shalt  }
0x6e: {  	_ =	shalt  }
0x6f: {  	_ =	shalt  }
0x70: {  	_ =	shalt  }
0x71: {  	_ =	shalt  }
0x72: {  	_ =	shalt  }
0x73: {  	_ =	shalt  }
0x74: {  	_ =	shalt  }
0x75: {  	_ =	shalt  }
0x76: {  	_ =	shalt  }
0x77: {  	_ =	shalt  }
0x78: {  	_ =	shalt  }
0x79: {  	_ =	shalt  }
0x7a: {  	_ =	shalt  }
0x7b: {  	_ =	shalt  }
0x7c: {  	_ =	shalt  }
0x7d: {  	_ =	shalt  }
0x7e: {  	_ =	shalt  }
0x7f: {  	_ =	shalt  }
0x80: {  	_ =	shalt  }
0x81: {  	_ =	shalt  }
0x82: {  	_ =	shalt  }
0x83: {  	_ =	shalt  }
0x84: {  	_ =	shalt  }
0x85: {  	_ =	shalt  }
0x86: {  	_ =	shalt  }
0x87: {  	_ =	shalt  }
.Lfunc_end0:
.L_simem_size_0:
called_computation.1_lowered:
.L_overlay_start_0:
0x88: {  	s2 =	sld [smem:$0x3FD9]  }
0x89: {  	s3 =	sld [smem:$0x3FFE];
	_ =	sdelay $0x1  }
0x8a: {  	s1 =	srdreg.scid  }
0x8b: {  	s0 =	sand.u32 $0x1, s1  }
0x8c: {  	s14 =	sshll.u32 s0, $0xA;
	s2 =	sadd.s32 s3, s2  }
0x8d: {  	s2 =	sadd.s32 s2, s14  }
0x8e: {  	[smem:$0x3FBB] =	sst s2  }
0x8f: {  	_ = 	snop  }
0x90: {  	s2 =	sld [smem:$0x3FD0];
	_ =	sdelay $0x2  }
0x91: {  	s15 =	simm.s32 $0xA;
	s4 =	simm.s32 $0x10  }
0x92: {  	[smem:s4], [sflag:s15] =	dma.local [hbm:s2], $0x1  }
0x93: {  	_ =	swait.eq [sflag:s15], $0x1  }
0x94: {  	[sflag:s15] =	ssyncset.done $0x0  }
0x95: {  	[sflag:s15] =	ssyncadd.s32 $0xFFFFFFFF  }
0x96: {  	s16 =	sld [smem:$0x10];
	(tm) =	ssettm $0x1  }
0x97: {  	s17 =	sld [smem:$0x3FFB];
	_ =	sdelay $0x3  }
0x98: {  	_ =	strace s17  }
0x99: {  	s3 =	sld [smem:$0x3FFC];
	_ =	sdelay $0x3  }
0x9a: {  	_ =	strace s3  }
0x9b: {  	s3 =	sld [smem:$0x3FFD];
	_ =	sdelay $0x3  }
0x9c: {  	_ =	strace s3  }
0x9d: {  	_ =	strace $0x8FFFFFFF  }
0x9e: {  	s18 =	sld [smem:$0x3FDB];
	_ =	sdelay $0x1  }
0x9f: {  	s19 =	simm.s32 $_scs_section_size  }
0xa0: {  	s5 =	simm.s32 $_size__tile_overlayer_lowered;
	s6 =	simm.s32 $_tile_overlayer_lowered  }
0xa1: {  	s22 =	simm.s32 $0x1BFF;
	s21 =	sshll.u32 s6, $0x1;
	s3 =	sadd.s32 s19, s18  }
0xa2: {  	s7 =	simm.s32 $0x0;
	s20 =	sshll.u32 s5, $0x1;
	s5 =	sadd.s32 s21, s3  }
0xa3: {  	[timem:s7], [sflag:s22] =	dma.local [hbm:s5], s20  }
0xa4: {  	_ =	swait.ge [sflag:s22], s20  }
0xa5: {  	s4 =	ssub.s32 $0x0, s20;
	[sflag:s22] =	ssyncset.done $0x0  }
0xa6: {  	[sflag:s22] =	ssyncadd.s32 s4;
	_ =	sdelay $0x1  }
0xa7: {  	s23 =	simm.s32 $0x1B8B  }
0xa8: {  	_ =	swait.ge [sflag:s23], $0x1  }
0xa9: {  	[sflag:s23] =	ssyncset.done $0x0  }
0xaa: {  	s25 =	simm.s32 $0x1B8E;
	s24 =	sld [smem:$0x3FFE];
	[sflag:s23] =	ssyncadd.s32 $0xFFFFFFFF  }
0xab: {  	s26 =	simm.s32 $execute0_lowered;
	[smem:$0x3FD2] =	sst s25  }
0xac: {  	s5 =	sshll.u32 s26, $0x1;
	_ =	strace $0x80000049;
	[dreg:$0x1] =	wrdreg $0xFFFFFFFF  }
0xad: {  	s28 =	simm.s32 $_size_execute0_lowered;
	s3 =	sadd.s32 s3, s5;
	[dreg:$0x0] =	wrdreg $0x0  }
0xae: {  	s5 =	sshll.u32 s28, $0x1;
	[dreg:$0x2] =	wrdreg s3  }
0xaf: {  	[dreg:$0x3] =	wrdreg s5  }
0xb0: {  	[dreg:$0x4] =	wrdreg $0xC0  }
0xb1: {  	_ =	task [dreg:s7], $0x5FFFF  }
0xb2: {  	[dreg:$0x1] =	wrdreg $0xFFFFFFFF  }
0xb3: {  	[dreg:$0x0] =	wrdreg $0x60  }
0xb4: {  	[dreg:$0x2] =	wrdreg s24  }
0xb5: {  	[dreg:$0x3] =	wrdreg s16  }
0xb6: {  	[dreg:$0x4] =	wrdreg $0x75400  }
0xb7: {  	[dreg:$0x5] =	wrdreg $0x9  }
0xb8: {  	_ =	task.clear_ibuf [dreg:s7], $0x6FFFF;
	_ =	strace $0x90000049  }
0xb9: {  	s29 =	simm.s32 $0x9;
	_ =	strace $0x8000004B  }
0xba: {  	_ =	swait.ge [sflag:s29], $0x1  }
0xbb: {  	[sflag:s29] =	ssyncadd.s32 $0xFFFFFFFF  }
0xbc: {  	_ =	strace $0x9000004B  }
0xbd: {  	_ =	sfence  }
0xbe: {  	s30 =	sld [smem:$0x0];
	_ =	sdelay $0x2  }
0xbf: {  	s31 =	sshll.u32 s1, $0xD;
	s1 =	sshrl.u32 s1, $0x2  }
0xc0: {  	s3 =	sand.u32 $0x4000, s31;
	s1 =	sadd.s32 s1, s30  }
0xc1: {  	s0 =	sor.u32 s3, s0;
	s1 =	sshll.u32 s1, $0x11  }
0xc2: {  	s0 =	sor.u32 s1, s0  }
0xc3: {  	s0 =	sadd.s32 $0x8F2B, s0  }
0xc4: {  	[sflag:s0] =	ssyncadd.remote.s32 $0x1  }
0xc5: {  	_ =	sfence.sel $0xFFFF  }
0xc6: {  	[dreg:$0x0] =	wrdreg $0xFFFFFFFF;
	(pc) =	sbr.abs _section_cstart, $3  }
0xc7: {  	[dreg:$0x1] =	wrdreg $0xFFFFFFFF  }
0xc8: {  	_ =	task.clear_ibuf [dreg:s7], $0x2FFFF;
	_ =	strace $0x9FFFFFFF  }
0xc9: {  	(tm) =	ssettm $0x7FFFFFFF  }
tec
execute0_lowered:
.L_overlay_start_1:
0x0: {  	(tag) =	ssettag $0x1  }
0x1: {  	s0 =	rddreg [dreg:$0x0]  }
0x2: {  	s1 =	rddreg [dreg:$0x1]  }
0x3: {  	s2 =	rddreg [dreg:$0x2];
	s3 =	simm.s32 $0x0;
	s4 =	srdreg.scid  }
0x4: {  	s18 =	stileid.u32;
	s21 =	simm.s32 $0x2A0;
	s28 =	simm.s32 $0x230  }
0x5: {  	s29 =	simm.s32 $0x2140;
	s30 =	simm.s32 $0xE0;
	s31 =	simm.s32 $0x3D40  }
0x6: {  	[smem:$0x7FF] =	sst s3;
	s5 =	sadd.s32 $0x10F400, s0;
	s8 =	smul.u32 $0x61C00, s18  }
0x7: {  	s6 =	sadd.s32 $0xF6C00, s0;
	s7 =	sadd.s32 $0x30200, s0;
	s12 =	smul.u32 $0x1880, s18  }
0x8: {  	s4 =	sand.u32 $0x1, s4;
	s23 =	sadd.s32 $0x33400, s0;
	s14 =	smul.u32 $0x1C0, s18  }
0x9: {  	s0 =	sadd.s32 $0x33600, s0;
	s25 =	sshll.u32 s18, $0x6;
	s15 =	smul.u32 $0x620, s18  }
0xa: {  	s16 =	sshll.u32 s18, $0x7;
	s26 =	smul.u32 $0x62000, s18;
	p0 =	seq.s32 s18, $0xF  }
0xb: {  	_ =	strace $0x8000004A;
	[dreg:$0x9] =	wrdreg s7;
	s13 =	smul.u32 $0x61A8, s4  }
0xc: {  	[dreg:$0xa] =	wrdreg s23;
	s24 =	ssub.s32 $0x2, s4;
	s4 =	smul.u32 $0x186A00, s4  }
0xd: {  	[dreg:$0x4] =	wrdreg s21;
	s23 =	simm.s32 $0x310;
	s21 =	simm.s32 $0x1C0  }
0xe: {  	s9 =	sshrl.u32 s24, $0x1;
	s8 =	sshrl.u32 s8, $0x2;
	s10 =	sadd.s32 s5, s12  }
0xf: {  	s11 =	sadd.s32 s6, s12;
	s12 =	sor.u32 $0xE, s12;
	s20 =	sshrl.u32 s26, $0x2  }
0x10: {  	s22 =	sor.u32 $0x5, s14;
	[dreg:$0x5] =	wrdreg s23;
	s26 =	simm.s32 $0x460  }
0x11: {  	s7 =	ssub.s32 s24, s9;
	s8 =	sadd.s32 s8, s2;
	s9 =	sor.u32 $0x1C04, s25  }
0x12: {  	s17 =	sadd.s32 s5, s12;
	s12 =	sadd.s32 s6, s12;
	[dreg:$0x10] =	wrdreg s22  }
0x13: {  	s19 =	sadd.s32 s15, s13;
	s4 =	sshrl.u32 s4, $0x3;
	[dreg:$0x8] =	wrdreg s26  }
0x14: {  	s24 =	simm.s32 $0x380;
	s25 =	simm.s32 $0x3F0;
	[dreg:$0xb] =	wrdreg s17  }
0x15: {  	s26 =	simm.s32 $0x540;
	[dreg:$0xc] =	wrdreg s12;
	s12 =	sshll.u32 s19, $0x3  }
0x16: {  	s4 =	sadd.s32 s0, s4;
	s7 =	smax.u32 s7, $0x1;
	[dreg:$0x6] =	wrdreg s24  }
0x17: {  	s8 =	sshrl.u32 s8, $0x3;
	s19 =	simm.s32 $0x4;
	[dreg:$0x7] =	wrdreg s25  }
0x18: {  	s24 =	simm.s32 $0x1;
	s25 =	simm.s32 $0x70;
	[dreg:$0xf] =	wrdreg s7  }
0x19: {  	s0 =	sadd.s32 s0, s12;
	s4 =	sadd.s32 $0x2DF00, s4;
	[dreg:$0x11] =	wrdreg s8  }
0x1a: {  	s7 =	simm.s32 $0x3;
	s8 =	simm.s32 $0x0;
	[dreg:$0xd] =	wrdreg s0  }
0x1b: {  	s0 =	sadd.s32 s20, s2;
	[dreg:$0xe] =	wrdreg s4;
	s4 =	sadd.s32 $0x16F800, s2  }
0x1c: {  	s20 =	simm.s32 $0x5940;
	s4 =	sshrl.u32 @p0 s4, $0x3;
	s23 =	sshrl.u32 @!p0 s0, $0x3  }
0x1d: {  	v1 =	vmov s16;
	v0 =	vmov s13;
	s0 =	simm.s32 $0x150;
	[dreg:$0x12] =	wrdreg s4;
	s4 =	simm.s32 $0x2  }
.LBB2_1:
0x1e: {  	s12 =	rddreg [dreg:$0x9]  }
0x1f: {  	s13 =	rddreg [dreg:$0x11]  }
0x20: {  	[spmem:s13], [sflag:s9] =	dma.local [hbm:s12], $0x30E0  }
0x21: {  	_ =	swait.ge [sflag:s19], $0x30E0  }
0x22: {  	[sflag:s19] =	ssyncset.done $0x0  }
0x23: {  	s17 =	simm.s32 $0x1FC40;
	s16 =	rddreg [dreg:$0xa];
	[sflag:s19] =	ssyncadd.s32 $0xFFFFCF20  }
0x24: {  	[tilespmem:s17], [sflag:$0x4] =	stream.linear.gather [hbm4b:s16+s3], $0x80, $0x38;
	[tilespmem:$0x1FCC0] =	vst v63  }
0x25: {  	_ =	swait.ge [sflag:s19], $0x80  }
0x26: {  	[sflag:s19] =	ssyncset.done $0x0  }
0x27: {  	[sflag:s19] =	ssyncadd.s32 $0xFFFFFF80  }
0x28: {  	[bflag:$0x0] =	sbarrier.arrive $0xFFFF  }
0x29: {  	[tilespmem:s3], [sflag:$0x1] =	stream.linear.gather [hbm4b:s10+s3], $0x70, $0x38;
	[tilespmem:$0x1FCC0] =	vst v63  }
0x2a: {  	_ = 	snop  }
0x2b: {  	[tilespmem:s21], [sflag:$0x1] =	stream.linear.gather [hbm4b:s11+s3], $0x70, $0x38;
	[tilespmem:$0x1FCC0] =	vst v63  }
0x2c: {  	_ =	swait.ge [sflag:s24], $0x70  }
0x2d: {  	[sflag:s24] =	ssyncset.done $0x0  }
0x2e: {  	[sflag:s24] =	ssyncadd.s32 $0xFFFFFF90  }
0x2f: {  	_ =	swait.ge [sflag:s24], $0x70  }
0x30: {  	[sflag:s24] =	ssyncset.done $0x0  }
0x31: {  	[sflag:s24] =	ssyncadd.s32 $0xFFFFFF90  }
0x32: {  	v2 =	vld [tilespmem:$0x1C0]  }
0x33: {  	v3 =	vld [tilespmem:$0x0]  }
0x34: {  	v4 =	vld [tilespmem:$0x1FC40]  }
0x35: {  	v5 =	vld [tilespmem:$0x1D0]  }
0x36: {  	v7 =	vld [tilespmem:$0x1FC50]  }
0x37: {  	v8 =	vld [tilespmem:$0x1E0]  }
0x38: {  	v6 =	vld [tilespmem:$0x10]  }
0x39: {  	v41 =	vld [tilespmem:$0x1F0]  }
0x3a: {  	v11 =	vld [tilespmem:$0x1FC60];
	v9 =	vsub.s32 v2, v0  }
0x3b: {  	v14 =	vld [tilespmem:$0x200];
	v2 =	vand.u32 $0xF, v2;
	v4 =	vadd.s32 v1, v4;
	v12 =	vsub.s32 v5, v0  }
0x3c: {  	v10 =	vld [tilespmem:$0x20];
	v5 =	vand.u32 $0xF, v5;
	v7 =	vadd.s32 v1, v7;
	v44 =	vsub.s32 v8, v0  }
0x3d: {  	v49 =	vld [tilespmem:$0x210];
	v45 =	vand.u32 $0xF, v8;
	vm0 =	vlt.u32 v9, $0x61A8;
	v2 =	vadd.s32 $0x61A8, v2  }
0x3e: {  	v13 =	vld [tilespmem:$0x30];
	v47 =	vsub.s32 v41, v0;
	v48 =	vand.u32 $0xF, v41;
	v2 =	vsel vm0, v9, v2  }
0x3f: {  	v43 =	vld [tilespmem:$0x1FC70];
	vm11 =	vlt.u32 v12, $0x61A8;
	v42 =	vadd.s32 $0x61A8, v5;
	v3 =	vsel vm0, v3, v4;
	[tilespmem:$0x380] =	vst v2  }
0x40: {  	v51 =	vld [tilespmem:$0x1FC80];
	v50 =	vadd.s32 v1, v11;
	v53 =	vsub.s32 v14, v0;
	v4 =	vsel vm11, v12, v42;
	[tilespmem:$0x0] =	vst v3  }
0x41: {  	v55 =	vld [tilespmem:$0x220];
	v54 =	vand.u32 $0xF, v14;
	vm12 =	vlt.u32 v44, $0x61A8;
	v2 =	vsel vm11, v6, v7;
	[tilespmem:$0x390] =	vst v4  }
0x42: {  	v46 =	vld [tilespmem:$0x40];
	v58 =	vsub.s32 v49, v0;
	v3 =	vadd.s32 $0x61A8, v45;
	v4 =	vsel vm12, v10, v50;
	[tilespmem:$0x10] =	vst v2  }
0x43: {  	v52 =	vld [tilespmem:$0x1FC90];
	vm1 =	vlt.u32 v47, $0x61A8;
	v8 =	vadd.s32 $0x61A8, v48;
	v3 =	vsel vm12, v44, v3;
	[tilespmem:$0x20] =	vst v4  }
0x44: {  	v57 =	vld [tilespmem:$0x50];
	v59 =	vand.u32 $0xF, v49;
	v2 =	vsel vm1, v47, v8;
	[tilespmem:$0x3A0] =	vst v3;
	v3 =	vadd.s32 v1, v43  }
0x45: {  	v60 =	vld [tilespmem:$0x1FCA0];
	vm13 =	vlt.u32 v53, $0x61A8;
	v56 =	vadd.s32 $0x61A8, v54;
	[tilespmem:$0x3B0] =	vst v2;
	v3 =	vsel vm1, v13, v3  }
0x46: {  	v61 =	vld [tilespmem:$0x60];
	v62 =	vsub.s32 v55, v0;
	v2 =	vsel vm13, v53, v56;
	[tilespmem:$0x30] =	vst v3;
	v3 =	vadd.s32 v1, v51  }
0x47: {  	vm14 =	vlt.u32 v58, $0x61A8;
	v5 =	vadd.s32 $0x61A8, v59;
	[tilespmem:$0x3C0] =	vst v2;
	v3 =	vsel vm13, v46, v3  }
0x48: {  	v63 =	vand.u32 $0xF, v55;
	v2 =	vsel vm14, v58, v5;
	[tilespmem:$0x40] =	vst v3;
	v3 =	vadd.s32 v1, v52  }
0x49: {  	vm15 =	vlt.u32 v62, $0x61A8;
	[tilespmem:$0x3D0] =	vst v2;
	v2 =	vsel vm14, v57, v3;
	v3 =	vadd.s32 $0x61A8, v63  }
0x4a: {  	[tilespmem:$0x50] =	vst v2;
	v2 =	vsel vm15, v62, v3;
	v3 =	vadd.s32 v1, v60  }
0x4b: {  	[tilespmem:$0x3E0] =	vst v2;
	v2 =	vsel vm15, v61, v3  }
0x4c: {  	s18 =	rddreg [dreg:$0xb];
	[tilespmem:$0x60] =	vst v2  }
0x4d: {  	[tilespmem:s26], [sflag:$0x2] =	stream.indirect.gather [hbm4b:s1+s25], $0x40, s3, s25, $0xb8;
	[tilespmem:$0x1FCC0] =	vst v63  }
0x4e: {  	s22 =	rddreg [dreg:$0xc]  }
0x4f: {  	[tilespmem:s25], [sflag:$0x1] =	stream.linear.gather [hbm4b:s18+s3], $0x70, $0x38;
	[tilespmem:$0x1FCC0] =	vst v63  }
0x50: {  	s13 =	simm.s32 $0x0;
	s17 =	rddreg [dreg:$0x10]  }
0x51: {  	[tilespmem:s28], [sflag:$0x1] =	stream.linear.gather [hbm4b:s22+s3], $0x70, $0x38;
	[tilespmem:$0x1FCC0] =	vst v63  }
.LBB2_2:
0x52: {  	p1 =	seq.s32 s13, $0x0  }
0x53: {  	s14 =	simm.s32 @!p1 $0x3  }
0x54: {  	_ =	swait.ge @!p1 [sflag:s14], $0x380  }
0x55: {  	[sflag:s14] =	ssyncset.done @!p1 $0x0  }
0x56: {  	[sflag:s14] =	ssyncadd.s32 @!p1 $0xFFFFFC80  }
0x57: {  	_ =	swait.ge [sflag:s24], $0x70  }
0x58: {  	[sflag:s24] =	ssyncset.done $0x0  }
0x59: {  	[sflag:s24] =	ssyncadd.s32 $0xFFFFFF90  }
0x5a: {  	_ =	swait.ge [sflag:s24], $0x70  }
0x5b: {  	[sflag:s24] =	ssyncset.done $0x0  }
0x5c: {  	[sflag:s24] =	ssyncadd.s32 $0xFFFFFF90  }
0x5d: {  	v2 =	vld [tilespmem:$0x230]  }
0x5e: {  	v3 =	vld [tilespmem:$0x70]  }
0x5f: {  	v4 =	vld [tilespmem:$0x1FC40]  }
0x60: {  	v5 =	vld [tilespmem:$0x240]  }
0x61: {  	v7 =	vld [tilespmem:$0x1FC50]  }
0x62: {  	v8 =	vld [tilespmem:$0x250]  }
0x63: {  	v6 =	vld [tilespmem:$0x80]  }
0x64: {  	v36 =	vld [tilespmem:$0x260]  }
0x65: {  	v10 =	vld [tilespmem:$0x90];
	v9 =	vsub.s32 v2, v0  }
0x66: {  	v11 =	vld [tilespmem:$0x1FC60];
	v2 =	vand.u32 $0xF, v2;
	v4 =	vadd.s32 v1, v4;
	v12 =	vsub.s32 v5, v0  }
0x67: {  	v14 =	vld [tilespmem:$0x270];
	v5 =	vand.u32 $0xF, v5;
	v7 =	vadd.s32 v1, v7;
	v39 =	vsub.s32 v8, v0  }
0x68: {  	v13 =	vld [tilespmem:$0xA0];
	v40 =	vand.u32 $0xF, v8;
	vm0 =	vlt.u32 v9, $0x61A8;
	v2 =	vadd.s32 $0x61A8, v2  }
0x69: {  	v44 =	vld [tilespmem:$0x280];
	v42 =	vsub.s32 v36, v0;
	v43 =	vand.u32 $0xF, v36;
	v2 =	vsel vm0, v9, v2  }
0x6a: {  	v38 =	vld [tilespmem:$0x1FC70];
	vm14 =	vlt.u32 v12, $0x61A8;
	v37 =	vadd.s32 $0x61A8, v5;
	v3 =	vsel vm0, v3, v4;
	[tilespmem:$0x3F0] =	vst v2  }
0x6b: {  	v46 =	vld [tilespmem:$0x1FC80];
	vm1 =	vlt.u32 v42, $0x61A8;
	v8 =	vadd.s32 $0x61A8, v43;
	v4 =	vsel vm14, v12, v37;
	[tilespmem:$0x70] =	vst v3  }
0x6c: {  	v51 =	vld [tilespmem:$0x290];
	v45 =	vadd.s32 v1, v11;
	v49 =	vsub.s32 v14, v0;
	v47 =	vsel vm1, v42, v8;
	[tilespmem:$0x400] =	vst v4  }
0x6d: {  	v41 =	vld [tilespmem:$0xB0];
	vm15 =	vlt.u32 v39, $0x61A8;
	v2 =	vsel vm14, v6, v7;
	v3 =	vadd.s32 $0x61A8, v40;
	[tilespmem:$0x420] =	vst v47  }
0x6e: {  	v48 =	vld [tilespmem:$0x1FC90];
	v50 =	vand.u32 $0xF, v14;
	v53 =	vsub.s32 v44, v0;
	[tilespmem:$0x80] =	vst v2;
	v2 =	vsel vm15, v39, v3  }
0x6f: {  	v52 =	vld [tilespmem:$0xC0];
	v54 =	vand.u32 $0xF, v44;
	v3 =	vsel vm15, v10, v45;
	[tilespmem:$0x410] =	vst v2;
	v2 =	vadd.s32 v1, v38  }
0x70: {  	v55 =	vld [tilespmem:$0x1FCA0];
	vm4 =	vlt.u32 v49, $0x61A8;
	[tilespmem:$0x90] =	vst v3;
	v3 =	vadd.s32 $0x61A8, v50;
	v2 =	vsel vm1, v13, v2  }
0x71: {  	v56 =	vld [tilespmem:$0xD0];
	v57 =	vsub.s32 v51, v0;
	v3 =	vsel vm4, v49, v3;
	[tilespmem:$0xA0] =	vst v2;
	v2 =	vadd.s32 v1, v46  }
0x72: {  	vm5 =	vlt.u32 v53, $0x61A8;
	v5 =	vadd.s32 $0x61A8, v54;
	[tilespmem:$0x430] =	vst v3;
	v2 =	vsel vm4, v41, v2  }
0x73: {  	v58 =	vand.u32 $0xF, v51;
	v3 =	vsel vm5, v53, v5;
	[tilespmem:$0xB0] =	vst v2;
	v2 =	vadd.s32 v1, v48  }
0x74: {  	vm6 =	vlt.u32 v57, $0x61A8;
	[tilespmem:$0x440] =	vst v3;
	v3 =	vadd.s32 $0x61A8, v58;
	v2 =	vsel vm5, v52, v2  }
0x75: {  	[tilespmem:$0xC0] =	vst v2;
	v2 =	vsel vm6, v57, v3;
	v3 =	vadd.s32 v1, v55  }
0x76: {  	[tilespmem:$0x450] =	vst v2;
	v2 =	vsel vm6, v56, v3  }
0x77: {  	s15 =	sadd.s32 s13, s10;
	[tilespmem:$0xD0] =	vst v2  }
0x78: {  	[tilespmem:s29], [sflag:$0x2] =	stream.indirect.gather [hbm4b:s1+s25], $0x40, s25, s25, $0xb8;
	[tilespmem:$0x1FCC0] =	vst v63  }
0x79: {  	s16 =	sadd.s32 $0x1C, s15  }
0x7a: {  	[tilespmem:s30], [sflag:$0x1] =	stream.linear.gather [hbm4b:s16+s3], $0x70, $0x38;
	[tilespmem:$0x1FCC0] =	vst v63  }
0x7b: {  	s16 =	sadd.s32 s13, s11  }
0x7c: {  	s18 =	rddreg [dreg:$0x4];
	s12 =	sadd.s32 $0x1C, s16  }
0x7d: {  	[tilespmem:s18], [sflag:$0x1] =	stream.linear.gather [hbm4b:s12+s3], $0x70, $0x38;
	[tilespmem:$0x1FCC0] =	vst v63  }
0x7e: {  	s12 =	simm.s32 @!p1 $0x2  }
0x7f: {  	_ =	swait.ge @!p1 [sflag:s12], $0x1C00  }
0x80: {  	s22 =	simm.s32 @!p1 $0x5940;
	[sflag:s12] =	ssyncset.done @!p1 $0x0  }
0x81: {  	s18 =	simm.s32 @!p1 $0x4D0;
	[sflag:s12] =	ssyncadd.s32 @!p1 $0xFFFFE400;
	s12 =	simm.s32 @!p1 $0x70  }
0x82: {  	[spmem:s2] =	stream.indirect.scatter.add.f32 @!p1 [tilespmem:s22], [sflag:$0x3], $0x40, s18, s12, $0xb8;
	[tilespmem:$0x1FCC0] =	vst v63  }
0x83: {  	_ =	swait.ge @!p1 [sflag:s14], $0x380  }
0x84: {  	[sflag:s14] =	ssyncset.done @!p1 $0x0  }
0x85: {  	[sflag:s14] =	ssyncadd.s32 @!p1 $0xFFFFFC80  }
0x86: {  	_ =	swait.ge [sflag:s24], $0x70  }
0x87: {  	[sflag:s24] =	ssyncset.done $0x0  }
0x88: {  	[sflag:s24] =	ssyncadd.s32 $0xFFFFFF90  }
0x89: {  	_ =	swait.ge [sflag:s24], $0x70  }
0x8a: {  	[sflag:s24] =	ssyncset.done $0x0  }
0x8b: {  	[sflag:s24] =	ssyncadd.s32 $0xFFFFFF90  }
0x8c: {  	v2 =	vld [tilespmem:$0x2A0]  }
0x8d: {  	v3 =	vld [tilespmem:$0xE0]  }
0x8e: {  	v59 =	vld [tilespmem:$0x1FC40]  }
0x8f: {  	v60 =	vld [tilespmem:$0x2B0]  }
0x90: {  	v62 =	vld [tilespmem:$0x1FC50]  }
0x91: {  	v63 =	vld [tilespmem:$0x2C0]  }
0x92: {  	v61 =	vld [tilespmem:$0xF0]  }
0x93: {  	v19 =	vld [tilespmem:$0x2D0]  }
0x94: {  	v17 =	vld [tilespmem:$0x100];
	v16 =	vsub.s32 v2, v0  }
0x95: {  	v18 =	vld [tilespmem:$0x1FC60];
	v2 =	vand.u32 $0xF, v2;
	v4 =	vadd.s32 v1, v59;
	v20 =	vsub.s32 v60, v0  }
0x96: {  	v25 =	vld [tilespmem:$0x2E0];
	v5 =	vand.u32 $0xF, v60;
	v7 =	vadd.s32 v1, v62;
	v24 =	vsub.s32 v63, v0  }
0x97: {  	v21 =	vld [tilespmem:$0x110];
	v26 =	vand.u32 $0xF, v63;
	vm7 =	vlt.u32 v16, $0x61A8;
	v2 =	vadd.s32 $0x61A8, v2  }
0x98: {  	v30 =	vld [tilespmem:$0x2F0];
	v28 =	vsub.s32 v19, v0;
	v29 =	vand.u32 $0xF, v19;
	v2 =	vsel vm7, v16, v2  }
0x99: {  	v23 =	vld [tilespmem:$0x1FC70];
	vm8 =	vlt.u32 v20, $0x61A8;
	v22 =	vadd.s32 $0x61A8, v5;
	v3 =	vsel vm7, v3, v4;
	[tilespmem:$0x460] =	vst v2  }
0x9a: {  	v32 =	vld [tilespmem:$0x1FC80];
	vm10 =	vlt.u32 v28, $0x61A8;
	v8 =	vadd.s32 $0x61A8, v29;
	v4 =	vsel vm8, v20, v22;
	[tilespmem:$0xE0] =	vst v3  }
0x9b: {  	v37 =	vld [tilespmem:$0x300];
	v31 =	vadd.s32 v1, v18;
	v35 =	vsub.s32 v25, v0;
	v33 =	vsel vm10, v28, v8;
	[tilespmem:$0x470] =	vst v4  }
0x9c: {  	v27 =	vld [tilespmem:$0x120];
	vm9 =	vlt.u32 v24, $0x61A8;
	v2 =	vsel vm8, v61, v7;
	v3 =	vadd.s32 $0x61A8, v26;
	[tilespmem:$0x490] =	vst v33  }
0x9d: {  	v34 =	vld [tilespmem:$0x1FC90];
	v36 =	vand.u32 $0xF, v25;
	v39 =	vsub.s32 v30, v0;
	[tilespmem:$0xF0] =	vst v2;
	v2 =	vsel vm9, v24, v3  }
0x9e: {  	v38 =	vld [tilespmem:$0x130];
	v40 =	vand.u32 $0xF, v30;
	v3 =	vsel vm9, v17, v31;
	[tilespmem:$0x480] =	vst v2;
	v2 =	vadd.s32 v1, v23  }
0x9f: {  	v41 =	vld [tilespmem:$0x1FCA0];
	vm11 =	vlt.u32 v35, $0x61A8;
	[tilespmem:$0x100] =	vst v3;
	v3 =	vadd.s32 $0x61A8, v36;
	v2 =	vsel vm10, v21, v2  }
0xa0: {  	v42 =	vld [tilespmem:$0x140];
	v43 =	vsub.s32 v37, v0;
	v3 =	vsel vm11, v35, v3;
	[tilespmem:$0x110] =	vst v2;
	v2 =	vadd.s32 v1, v32  }
0xa1: {  	vm12 =	vlt.u32 v39, $0x61A8;
	v5 =	vadd.s32 $0x61A8, v40;
	[tilespmem:$0x4A0] =	vst v3;
	v2 =	vsel vm11, v27, v2  }
0xa2: {  	v44 =	vand.u32 $0xF, v37;
	v3 =	vsel vm12, v39, v5;
	[tilespmem:$0x120] =	vst v2;
	v2 =	vadd.s32 v1, v34  }
0xa3: {  	vm13 =	vlt.u32 v43, $0x61A8;
	[tilespmem:$0x4B0] =	vst v3;
	v3 =	vadd.s32 $0x61A8, v44;
	v2 =	vsel vm12, v38, v2  }
0xa4: {  	[tilespmem:$0x130] =	vst v2;
	v2 =	vsel vm13, v43, v3;
	v3 =	vadd.s32 v1, v41  }
0xa5: {  	[tilespmem:$0x4C0] =	vst v2;
	v2 =	vsel vm13, v42, v3  }
0xa6: {  	[tilespmem:$0x140] =	vst v2  }
0xa7: {  	[tilespmem:s31], [sflag:$0x2] =	stream.indirect.gather [hbm4b:s1+s25], $0x40, s30, s25, $0xb8;
	[tilespmem:$0x1FCC0] =	vst v63  }
0xa8: {  	s18 =	sadd.s32 $0x2A, s15  }
0xa9: {  	[tilespmem:s0], [sflag:$0x1] =	stream.linear.gather [hbm4b:s18+s3], $0x70, $0x38;
	[tilespmem:$0x1FCC0] =	vst v63  }
0xaa: {  	s22 =	rddreg [dreg:$0x5];
	s18 =	sadd.s32 $0x2A, s16  }
0xab: {  	[tilespmem:s22], [sflag:$0x1] =	stream.linear.gather [hbm4b:s18+s3], $0x70, $0x38;
	[tilespmem:$0x1FCC0] =	vst v63  }
0xac: {  	_ =	swait.ge [sflag:s4], $0x1C00  }
0xad: {  	[sflag:s4] =	ssyncset.done $0x0  }
0xae: {  	s22 =	rddreg [dreg:$0x6];
	[sflag:s4] =	ssyncadd.s32 $0xFFFFE400  }
0xaf: {  	[spmem:s2] =	stream.indirect.scatter.add.f32 [tilespmem:s26], [sflag:$0x3], $0x40, s22, s25, $0xb8;
	[tilespmem:$0x1FCC0] =	vst v63  }
0xb0: {  	_ =	swait.ge @!p1 [sflag:s14], $0x380  }
0xb1: {  	[sflag:s14] =	ssyncset.done @!p1 $0x0  }
0xb2: {  	[sflag:s14] =	ssyncadd.s32 @!p1 $0xFFFFFC80  }
0xb3: {  	_ =	swait.ge [sflag:s24], $0x70  }
0xb4: {  	[sflag:s24] =	ssyncset.done $0x0  }
0xb5: {  	[sflag:s24] =	ssyncadd.s32 $0xFFFFFF90  }
0xb6: {  	_ =	swait.ge [sflag:s24], $0x70  }
0xb7: {  	[sflag:s24] =	ssyncset.done $0x0  }
0xb8: {  	[sflag:s24] =	ssyncadd.s32 $0xFFFFFF90  }
0xb9: {  	v2 =	vld [tilespmem:$0x310]  }
0xba: {  	v3 =	vld [tilespmem:$0x150]  }
0xbb: {  	v45 =	vld [tilespmem:$0x1FC40]  }
0xbc: {  	v46 =	vld [tilespmem:$0x320]  }
0xbd: {  	v48 =	vld [tilespmem:$0x1FC50]  }
0xbe: {  	v49 =	vld [tilespmem:$0x330]  }
0xbf: {  	v47 =	vld [tilespmem:$0x160]  }
0xc0: {  	v53 =	vld [tilespmem:$0x340]  }
0xc1: {  	v51 =	vld [tilespmem:$0x170];
	v50 =	vsub.s32 v2, v0  }
0xc2: {  	v52 =	vld [tilespmem:$0x1FC60];
	v2 =	vand.u32 $0xF, v2;
	v4 =	vadd.s32 v1, v45;
	v54 =	vsub.s32 v46, v0  }
0xc3: {  	v59 =	vld [tilespmem:$0x350];
	v5 =	vand.u32 $0xF, v46;
	v7 =	vadd.s32 v1, v48;
	v58 =	vsub.s32 v49, v0  }
0xc4: {  	v55 =	vld [tilespmem:$0x180];
	v60 =	vand.u32 $0xF, v49;
	vm14 =	vlt.u32 v50, $0x61A8;
	v2 =	vadd.s32 $0x61A8, v2  }
0xc5: {  	v15 =	vld [tilespmem:$0x360];
	v62 =	vsub.s32 v53, v0;
	v63 =	vand.u32 $0xF, v53;
	v2 =	vsel vm14, v50, v2  }
0xc6: {  	v57 =	vld [tilespmem:$0x1FC70];
	vm15 =	vlt.u32 v54, $0x61A8;
	v56 =	vadd.s32 $0x61A8, v5;
	v3 =	vsel vm14, v3, v4;
	[tilespmem:$0x4D0] =	vst v2  }
0xc7: {  	v17 =	vld [tilespmem:$0x1FC80];
	vm5 =	vlt.u32 v62, $0x61A8;
	v8 =	vadd.s32 $0x61A8, v63;
	v4 =	vsel vm15, v54, v56;
	[tilespmem:$0x150] =	vst v3  }
0xc8: {  	v22 =	vld [tilespmem:$0x370];
	v16 =	vadd.s32 v1, v52;
	v20 =	vsub.s32 v59, v0;
	v18 =	vsel vm5, v62, v8;
	[tilespmem:$0x4E0] =	vst v4  }
0xc9: {  	v61 =	vld [tilespmem:$0x190];
	vm4 =	vlt.u32 v58, $0x61A8;
	v2 =	vsel vm15, v47, v7;
	v3 =	vadd.s32 $0x61A8, v60;
	[tilespmem:$0x500] =	vst v18  }
0xca: {  	v19 =	vld [tilespmem:$0x1FC90];
	v21 =	vand.u32 $0xF, v59;
	v24 =	vsub.s32 v15, v0;
	[tilespmem:$0x160] =	vst v2;
	v2 =	vsel vm4, v58, v3  }
0xcb: {  	v23 =	vld [tilespmem:$0x1A0];
	v25 =	vand.u32 $0xF, v15;
	v3 =	vsel vm4, v51, v16;
	[tilespmem:$0x4F0] =	vst v2;
	v2 =	vadd.s32 v1, v57  }
0xcc: {  	v26 =	vld [tilespmem:$0x1FCA0];
	vm6 =	vlt.u32 v20, $0x61A8;
	[tilespmem:$0x170] =	vst v3;
	v3 =	vadd.s32 $0x61A8, v21;
	v2 =	vsel vm5, v55, v2  }
0xcd: {  	v27 =	vld [tilespmem:$0x1B0];
	v28 =	vsub.s32 v22, v0;
	v3 =	vsel vm6, v20, v3;
	[tilespmem:$0x180] =	vst v2;
	v2 =	vadd.s32 v1, v17  }
0xce: {  	vm7 =	vlt.u32 v24, $0x61A8;
	v5 =	vadd.s32 $0x61A8, v25;
	[tilespmem:$0x510] =	vst v3;
	v2 =	vsel vm6, v61, v2  }
0xcf: {  	v29 =	vand.u32 $0xF, v22;
	v3 =	vsel vm7, v24, v5;
	[tilespmem:$0x190] =	vst v2;
	v2 =	vadd.s32 v1, v19  }
0xd0: {  	s12 =	sadd.s32 $0xFFFFFFFF, s17;
	vm8 =	vlt.u32 v28, $0x61A8;
	[tilespmem:$0x520] =	vst v3;
	v3 =	vadd.s32 $0x61A8, v29;
	v2 =	vsel vm7, v23, v2  }
0xd1: {  	p1 =	slt.s32 s12, $0x1BFF;
	[tilespmem:$0x1A0] =	vst v2;
	v2 =	vsel vm8, v28, v3;
	v3 =	vadd.s32 v1, v26  }
0xd2: {  	s12 =	simm.s32 @!p1 $0x1BFF;
	[tilespmem:$0x530] =	vst v2;
	v2 =	vsel vm8, v27, v3  }
0xd3: {  	s12 =	smul.u32 $0xE, s12;
	[tilespmem:$0x1B0] =	vst v2  }
0xd4: {  	[tilespmem:s20], [sflag:$0x2] =	stream.indirect.gather [hbm4b:s1+s25], $0x40, s0, s25, $0xb8;
	[tilespmem:$0x1FCC0] =	vst v63  }
0xd5: {  	s15 =	sadd.s32 s5, s12  }
0xd6: {  	[tilespmem:s3], [sflag:$0x1] =	stream.linear.gather [hbm4b:s15+s3], $0x70, $0x38;
	[tilespmem:$0x1FCC0] =	vst v63  }
0xd7: {  	s12 =	sadd.s32 s6, s12  }
0xd8: {  	[tilespmem:s21], [sflag:$0x1] =	stream.linear.gather [hbm4b:s12+s3], $0x70, $0x38;
	[tilespmem:$0x1FCC0] =	vst v63  }
0xd9: {  	_ =	swait.ge [sflag:s4], $0x1C00  }
0xda: {  	[sflag:s4] =	ssyncset.done $0x0  }
0xdb: {  	s16 =	rddreg [dreg:$0x7];
	[sflag:s4] =	ssyncadd.s32 $0xFFFFE400  }
0xdc: {  	[spmem:s2] =	stream.indirect.scatter.add.f32 [tilespmem:s29], [sflag:$0x3], $0x40, s16, s25, $0xb8;
	[tilespmem:$0x1FCC0] =	vst v63  }
0xdd: {  	_ =	swait.ge [sflag:s7], $0x380  }
0xde: {  	[sflag:s7] =	ssyncset.done $0x0  }
0xdf: {  	[sflag:s7] =	ssyncadd.s32 $0xFFFFFC80  }
0xe0: {  	_ =	swait.ge [sflag:s24], $0x70  }
0xe1: {  	[sflag:s24] =	ssyncset.done $0x0  }
0xe2: {  	[sflag:s24] =	ssyncadd.s32 $0xFFFFFF90  }
0xe3: {  	_ =	swait.ge [sflag:s24], $0x70  }
0xe4: {  	[sflag:s24] =	ssyncset.done $0x0  }
0xe5: {  	[sflag:s24] =	ssyncadd.s32 $0xFFFFFF90  }
0xe6: {  	v2 =	vld [tilespmem:$0x1C0]  }
0xe7: {  	v3 =	vld [tilespmem:$0x0]  }
0xe8: {  	v30 =	vld [tilespmem:$0x1FC40]  }
0xe9: {  	v31 =	vld [tilespmem:$0x1D0]  }
0xea: {  	v33 =	vld [tilespmem:$0x1FC50]  }
0xeb: {  	v34 =	vld [tilespmem:$0x1E0]  }
0xec: {  	v32 =	vld [tilespmem:$0x10]  }
0xed: {  	v38 =	vld [tilespmem:$0x1F0]  }
0xee: {  	v37 =	vld [tilespmem:$0x1FC60];
	v35 =	vsub.s32 v2, v0  }
0xef: {  	v44 =	vld [tilespmem:$0x200];
	v2 =	vand.u32 $0xF, v2;
	v4 =	vadd.s32 v1, v30;
	v39 =	vsub.s32 v31, v0  }
0xf0: {  	v36 =	vld [tilespmem:$0x20];
	v5 =	vand.u32 $0xF, v31;
	v7 =	vadd.s32 v1, v33;
	v43 =	vsub.s32 v34, v0  }
0xf1: {  	v49 =	vld [tilespmem:$0x210];
	v45 =	vand.u32 $0xF, v34;
	vm9 =	vlt.u32 v35, $0x61A8;
	v2 =	vadd.s32 $0x61A8, v2  }
0xf2: {  	v40 =	vld [tilespmem:$0x30];
	v47 =	vsub.s32 v38, v0;
	v48 =	vand.u32 $0xF, v38;
	v2 =	vsel vm9, v35, v2  }
0xf3: {  	v42 =	vld [tilespmem:$0x1FC70];
	vm10 =	vlt.u32 v39, $0x61A8;
	v41 =	vadd.s32 $0x61A8, v5;
	v3 =	vsel vm9, v3, v4;
	[tilespmem:$0x380] =	vst v2  }
0xf4: {  	v51 =	vld [tilespmem:$0x1FC80];
	v50 =	vadd.s32 v1, v37;
	v53 =	vsub.s32 v44, v0;
	v4 =	vsel vm10, v39, v41;
	[tilespmem:$0x0] =	vst v3  }
0xf5: {  	v55 =	vld [tilespmem:$0x220];
	v54 =	vand.u32 $0xF, v44;
	vm11 =	vlt.u32 v43, $0x61A8;
	v2 =	vsel vm10, v32, v7;
	[tilespmem:$0x390] =	vst v4  }
0xf6: {  	v46 =	vld [tilespmem:$0x40];
	v58 =	vsub.s32 v49, v0;
	v3 =	vadd.s32 $0x61A8, v45;
	v4 =	vsel vm11, v36, v50;
	[tilespmem:$0x10] =	vst v2  }
0xf7: {  	v52 =	vld [tilespmem:$0x1FC90];
	vm12 =	vlt.u32 v47, $0x61A8;
	v8 =	vadd.s32 $0x61A8, v48;
	v3 =	vsel vm11, v43, v3;
	[tilespmem:$0x20] =	vst v4  }
0xf8: {  	v57 =	vld [tilespmem:$0x50];
	v59 =	vand.u32 $0xF, v49;
	v2 =	vsel vm12, v47, v8;
	[tilespmem:$0x3A0] =	vst v3;
	v3 =	vadd.s32 v1, v42  }
0xf9: {  	v60 =	vld [tilespmem:$0x1FCA0];
	vm13 =	vlt.u32 v53, $0x61A8;
	v56 =	vadd.s32 $0x61A8, v54;
	[tilespmem:$0x3B0] =	vst v2;
	v3 =	vsel vm12, v40, v3  }
0xfa: {  	v61 =	vld [tilespmem:$0x60];
	v62 =	vsub.s32 v55, v0;
	v2 =	vsel vm13, v53, v56;
	[tilespmem:$0x30] =	vst v3;
	v3 =	vadd.s32 v1, v51  }
0xfb: {  	vm14 =	vlt.u32 v58, $0x61A8;
	v5 =	vadd.s32 $0x61A8, v59;
	[tilespmem:$0x3C0] =	vst v2;
	v3 =	vsel vm13, v46, v3  }
0xfc: {  	v63 =	vand.u32 $0xF, v55;
	v2 =	vsel vm14, v58, v5;
	[tilespmem:$0x40] =	vst v3;
	v3 =	vadd.s32 v1, v52  }
0xfd: {  	vm15 =	vlt.u32 v62, $0x61A8;
	[tilespmem:$0x3D0] =	vst v2;
	v2 =	vsel vm14, v57, v3;
	v3 =	vadd.s32 $0x61A8, v63  }
0xfe: {  	p1 =	slt.s32 s17, $0x1BFF;
	s12 =	smov.u32 s17;
	[tilespmem:$0x50] =	vst v2;
	v2 =	vsel vm15, v62, v3;
	v3 =	vadd.s32 v1, v60  }
0xff: {  	s12 =	simm.s32 @!p1 $0x1BFF;
	[tilespmem:$0x3E0] =	vst v2;
	v2 =	vsel vm15, v61, v3  }
0x100: {  	s12 =	smul.u32 $0xE, s12;
	[tilespmem:$0x60] =	vst v2  }
0x101: {  	[tilespmem:s26], [sflag:$0x2] =	stream.indirect.gather [hbm4b:s1+s25], $0x40, s3, s25, $0xb8;
	[tilespmem:$0x1FCC0] =	vst v63  }
0x102: {  	s13 =	sadd.s32 $0x38, s13;
	s18 =	sadd.s32 s5, s12  }
0x103: {  	[tilespmem:s25], [sflag:$0x1] =	stream.linear.gather [hbm4b:s18+s3], $0x70, $0x38;
	[tilespmem:$0x1FCC0] =	vst v63  }
0x104: {  	p1 =	sne.s32 s13, $0x1880;
	s12 =	sadd.s32 s6, s12  }
0x105: {  	[tilespmem:s28], [sflag:$0x1] =	stream.linear.gather [hbm4b:s12+s3], $0x70, $0x38;
	[tilespmem:$0x1FCC0] =	vst v63  }
.Ltmp0:
0x106: {  	_ = 	snop;
	(pc) =	sbr.rel @p1 .LBB2_2-.Ltmp0, $4  }
0x107: {  	_ =	swait.ge [sflag:s4], $0x1C00  }
0x108: {  	[sflag:s4] =	ssyncset.done $0x0  }
0x109: {  	s17 =	sadd.s32 $0x4, s17;
	s22 =	rddreg [dreg:$0x8];
	[sflag:s4] =	ssyncadd.s32 $0xFFFFE400  }
0x10a: {  	[spmem:s2] =	stream.indirect.scatter.add.f32 [tilespmem:s31], [sflag:$0x3], $0x40, s22, s25, $0xb8;
	[tilespmem:$0x1FCC0] =	vst v63  }
0x10b: {  	_ =	swait.ge [sflag:s4], $0x1C00  }
0x10c: {  	[sflag:s4] =	ssyncset.done $0x0  }
0x10d: {  	s12 =	simm.s32 $0x4D0;
	[sflag:s4] =	ssyncadd.s32 $0xFFFFE400  }
0x10e: {  	[spmem:s2] =	stream.indirect.scatter.add.f32 [tilespmem:s20], [sflag:$0x3], $0x40, s12, s25, $0xb8;
	[tilespmem:$0x1FCC0] =	vst v63  }
0x10f: {  	_ =	swait.ge [sflag:s4], $0x1C00  }
0x110: {  	[sflag:s4] =	ssyncset.done $0x0  }
0x111: {  	[sflag:s4] =	ssyncadd.s32 $0xFFFFE400  }
0x112: {  	_ =	swait.ge [sflag:s7], $0x380  }
0x113: {  	[sflag:s7] =	ssyncset.done $0x0  }
0x114: {  	[sflag:s7] =	ssyncadd.s32 $0xFFFFFC80  }
0x115: {  	_ =	swait.ge [sflag:s7], $0x380  }
0x116: {  	[sflag:s7] =	ssyncset.done $0x0  }
0x117: {  	[sflag:s7] =	ssyncadd.s32 $0xFFFFFC80  }
0x118: {  	_ =	swait.ge [sflag:s7], $0x380  }
0x119: {  	[sflag:s7] =	ssyncset.done $0x0  }
0x11a: {  	[sflag:s7] =	ssyncadd.s32 $0xFFFFFC80  }
0x11b: {  	_ =	swait.ge [sflag:s24], $0x70  }
0x11c: {  	[sflag:s24] =	ssyncset.done $0x0  }
0x11d: {  	[sflag:s24] =	ssyncadd.s32 $0xFFFFFF90  }
0x11e: {  	_ =	swait.ge [sflag:s24], $0x70  }
0x11f: {  	[sflag:s24] =	ssyncset.done $0x0  }
0x120: {  	[sflag:s24] =	ssyncadd.s32 $0xFFFFFF90  }
0x121: {  	[bflag:$0x0] =	sbarrier.arrive $0xFFFF  }
0x122: {  	s12 =	rddreg [dreg:$0xe]  }
0x123: {  	s13 =	rddreg [dreg:$0x12]  }
0x124: {  	[hbm:s12], [sflag:s9] =	dma.local @p0 [spmem:s13], $0x2E40  }
0x125: {  	s12 =	simm.s32 @p0 $0x4  }
0x126: {  	_ =	swait.ge @p0 [sflag:s12], $0x2E40  }
0x127: {  	[sflag:s12] =	ssyncset.done @p0 $0x0  }
0x128: {  	[sflag:s12] =	ssyncadd.s32 @p0 $0xFFFFD1C0;
	s12 =	rddreg [dreg:$0xd]  }
0x129: {  	[hbm:s12], [sflag:s9] =	dma.local @!p0 [spmem:s23], $0x3100  }
0x12a: {  	s12 =	simm.s32 @!p0 $0x4  }
0x12b: {  	_ =	swait.ge @!p0 [sflag:s12], $0x3100  }
0x12c: {  	s8 =	sadd.s32 $0x1, s8;
	s22 =	rddreg [dreg:$0xf]  }
0x12d: {  	p1 =	sne.s32 s8, s22  }
.Ltmp1:
0x12e: {  	_ = 	snop;
	(pc) =	sbr.rel @p1 .LBB2_1-.Ltmp1, $3  }
0x12f: {  	_ =	sdelay $0x1  }
0x130: {  	[sflag:s12] =	ssyncset.done @!p0 $0x0  }
0x131: {  	[sflag:s12] =	ssyncadd.s32 @!p0 $0xFFFFCF00  }
0x132: {  	_ =	sfence.sel $0x180000  }
0x133: {  	[bflag:$0x0] =	sbarrier.arrive $0xFFFF  }
0x134: {  	_ =	strace $0x9000004A  }
0x135: {  	s0 =	stileid.u32;
	[bflag:$0x2] =	sbarrier.arrive $0xFFFF  }
0x136: {  	p0 =	sne.s32 s0, $0x0;
	s0 =	rddreg [dreg:$0x3]  }
0x137: {  	s0 =	sadd.s32 @!p0 $0x100000, s0  }
0x138: {  	[sflag:s0] =	ssyncadd.tile.s32 @!p0 $0x1;
	_ =	shalt  }
.Lfunc_end2:
_tile_overlayer_lowered:
.L_overlay_start_2:
0x139: {  	(tag) =	ssettag $0x2  }
0x13a: {  	s0 =	rddreg [dreg:$0x0];
	s2 =	stileid.u32  }
0x13b: {  	s1 =	rddreg [dreg:$0x1];
	p0 =	sne.s32 s2, $0x0  }
0x13c: {  	s3 =	rddreg [dreg:$0x2];
	[bflag:$0x3] =	sbarrier.arrive $0xFFFF;
	s2 =	simm.s32 @!p0 $0x1C04  }
0x13d: {  	[timem:s3], [sflag:s2] =	dma.local @!p0 [hbm:s0], s1  }
0x13e: {  	s0 =	simm.s32 @!p0 $0x4  }
0x13f: {  	_ =	swait.ge @!p0 [sflag:s0], s1  }
0x140: {  	s1 =	ssub.s32 @!p0 $0x0, s1;
	[sflag:s0] =	ssyncset.done @!p0 $0x0  }
0x141: {  	[sflag:s0] =	ssyncadd.s32 @!p0 s1  }
0x142: {  	[bflag:$0x3] =	sbarrier.arrive $0xFFFF  }
0x143: {  	_ =	shalt  }

</sc_bundles>
